<compile_context>
chip_gen: v7x
topology: tpu7x:2x2x1
jax: 0.10.2.dev20260603
libtpu: 0.0.44.dev20260713+nightly
codegen_flags: <defaults>
</compile_context>

<pallas_src>
import functools

import jax
import jax.numpy as jnp
from jax import lax
from jax.experimental import pallas as pl
from jax.experimental.pallas import tpu as pltpu
from jax.experimental.pallas import tpu_sc as plsc

BEAM_N = 32
VOCAB_N = 100000
EOS_TOK = 2
K = 32
LANES = 16
SEG = 400
VPS = SEG // LANES
NSEG = VOCAB_N // SEG
NSEG_PAD = 256
GRP = 16
NGRP = NSEG_PAD // GRP
NCHUNK = 5
CHUNK = VOCAB_N // NCHUNK
SEG_PER_CHUNK = CHUNK // SEG
NEG = -3.0e38
MASKVAL = -1.0e20
BIGI = 2**30


def _sc_body(probs_hbm, scores_hbm, prev_hbm, ovals_hbm, ocols_hbm,
             row_v, m1_v, m2_v, vals_v, cols_v, sc_v, pt_v, dsem):
    w = lax.axis_index("s") * 2 + lax.axis_index("c")
    rowcopy = pltpu.async_copy(probs_hbm.at[w], row_v, dsem.at[0])
    pltpu.sync_copy(scores_hbm, sc_v)
    pltpu.sync_copy(prev_hbm, pt_v)
    rowcopy.wait()

    def seg_body(s, carry):
        base = s * SEG
        acc = row_v[pl.ds(base, LANES)]
        for j in range(1, VPS):
            acc = jnp.maximum(acc, row_v[pl.ds(base + j * LANES, LANES)])
        m1_v[pl.ds(s * LANES, LANES)] = acc
        return carry

    lax.fori_loop(0, NSEG, seg_body, 0)

    neg_vec = jnp.full((LANES,), jnp.float32(NEG))
    for s in range(NSEG, NSEG_PAD):
        m1_v[pl.ds(s * LANES, LANES)] = neg_vec

    def grp_body(g, carry):
        gb = g * GRP
        acc = m1_v[pl.ds(gb * LANES, LANES)]
        for j in range(1, GRP):
            acc = jnp.maximum(acc, m1_v[pl.ds((gb + j) * LANES, LANES)])
        m2_v[pl.ds(g * LANES, LANES)] = acc
        return carry

    lax.fori_loop(0, NGRP, grp_body, 0)

    lane_iota = lax.iota(jnp.int32, LANES)

    lane0 = lane_iota == 0

    def ext_body(i, carry):
        v0, v1, c0, c1 = carry
        m3 = m2_v[pl.ds(0, LANES)]
        for g in range(1, NGRP):
            m3 = jnp.maximum(m3, m2_v[pl.ds(g * LANES, LANES)])
        m = jnp.max(m3)

        gsel = jnp.full((LANES,), BIGI, jnp.int32)
        for g in range(NGRP):
            gsel = jnp.minimum(gsel, jnp.where(
                m2_v[pl.ds(g * LANES, LANES)] == m, jnp.int32(g),
                jnp.int32(BIGI)))
        gstar = jnp.min(gsel)

        ssel = jnp.full((LANES,), BIGI, jnp.int32)
        gbase = gstar * GRP
        for j in range(GRP):
            ssel = jnp.minimum(
                ssel, jnp.where(m1_v[pl.ds((gbase + j) * LANES, LANES)] == m,
                                gbase + j, jnp.int32(BIGI)))
        sstar = jnp.min(ssel)

        sbase = sstar * SEG
        csel = jnp.full((LANES,), BIGI, jnp.int32)
        for j in range(VPS):
            off = sbase + j * LANES
            eq = row_v[pl.ds(off, LANES)] == m
            csel = jnp.minimum(csel, jnp.where(eq, off + lane_iota,
                                               jnp.int32(BIGI)))
        cstar = jnp.min(csel)

        sel0 = lane_iota == i
        sel1 = lane_iota == (i - LANES)
        v0 = jnp.where(sel0, m, v0)
        v1 = jnp.where(sel1, m, v1)
        c0 = jnp.where(sel0, cstar, c0)
        c1 = jnp.where(sel1, cstar, c1)
        plsc.store_scatter(
            row_v, [jnp.full((LANES,), 0, jnp.int32) + cstar],
            jnp.full((LANES,), jnp.float32(NEG)), mask=lane0)

        acc = row_v[pl.ds(sbase, LANES)]
        for j in range(1, VPS):
            acc = jnp.maximum(acc, row_v[pl.ds(sbase + j * LANES, LANES)])
        m1_v[pl.ds(sstar * LANES, LANES)] = acc

        acc2 = m1_v[pl.ds(gbase * LANES, LANES)]
        for j in range(1, GRP):
            acc2 = jnp.maximum(acc2, m1_v[pl.ds((gbase + j) * LANES, LANES)])
        m2_v[pl.ds(gstar * LANES, LANES)] = acc2
        return v0, v1, c0, c1

    zf = jnp.zeros((LANES,), jnp.float32)
    zi = jnp.zeros((LANES,), jnp.int32)
    v0, v1, c0, c1 = lax.fori_loop(0, K, ext_body, (zf, zf, zi, zi))

    widx = jnp.full((LANES,), 0, jnp.int32) + w
    score_w = plsc.load_gather(sc_v, [widx])
    is_eos = plsc.load_gather(pt_v, [widx]) == EOS_TOK
    for h, (v, c) in enumerate(((v0, c0), (v1, c1))):
        li = lane_iota + h * LANES
        vals_v[pl.ds(h * LANES, LANES)] = jnp.where(
            is_eos, jnp.float32(MASKVAL), v + score_w)
        cols_v[pl.ds(h * LANES, LANES)] = jnp.where(is_eos, li, c)

    pltpu.sync_copy(vals_v, ovals_hbm.at[0, pl.ds(w * K, K)])
    pltpu.sync_copy(cols_v, ocols_hbm.at[0, pl.ds(w * K, K)])


_sc_rows_topk = functools.partial(
    pl.kernel,
    mesh=plsc.VectorSubcoreMesh(core_axis_name="c", subcore_axis_name="s"),
    compiler_params=pltpu.CompilerParams(needs_layout_passes=False),
    out_type=[
        jax.ShapeDtypeStruct((1, BEAM_N * K), jnp.float32),
        jax.ShapeDtypeStruct((1, BEAM_N * K), jnp.int32),
    ],
    scratch_types=[
        pltpu.VMEM((VOCAB_N,), jnp.float32),
        pltpu.VMEM((NSEG_PAD * LANES,), jnp.float32),
        pltpu.VMEM((NGRP * LANES,), jnp.float32),
        pltpu.VMEM((K,), jnp.float32),
        pltpu.VMEM((K,), jnp.int32),
        pltpu.VMEM((BEAM_N,), jnp.float32),
        pltpu.VMEM((BEAM_N,), jnp.int32),
        pltpu.SemaphoreType.DMA((NCHUNK,)),
    ],
)(_sc_body)


NC = BEAM_N * K


def _merge_body(vr_ref, cr_ref, bs_ref, hy_ref, tk_ref):
    v1 = vr_ref[...]
    f1 = ((lax.broadcasted_iota(jnp.int32, (1, NC), 1) // K) * VOCAB_N
          + cr_ref[...])
    v = jnp.concatenate([v1[:, k * 128:(k + 1) * 128] for k in range(8)],
                        axis=0)
    fr = jnp.concatenate([f1[:, k * 128:(k + 1) * 128] for k in range(8)],
                         axis=0)
    big = jnp.int32(2**31 - 1)
    lane = lax.broadcasted_iota(jnp.int32, (1, K), 1)

    def body(i, carry):
        v, best, hyp, tok = carry
        m = jnp.max(v)
        fmin = jnp.min(jnp.where(v == m, fr, big))
        sel = lane == i
        best = jnp.where(sel, m, best)
        hyp = jnp.where(sel, fmin // VOCAB_N, hyp)
        tok = jnp.where(sel, fmin % VOCAB_N, tok)
        v = jnp.where(fr == fmin, jnp.float32(NEG), v)
        return v, best, hyp, tok

    carry = (v,
             jnp.zeros((1, K), jnp.float32),
             jnp.zeros((1, K), jnp.int32),
             jnp.zeros((1, K), jnp.int32))
    for i in range(K):
        carry = body(i, carry)
    _, best, hyp, tok = carry
    bs_ref[...] = best
    hy_ref[...] = hyp
    tk_ref[...] = tok


def kernel(softmax_probs, scores, prev_tokens):
    cand_vals, cand_cols = _sc_rows_topk(softmax_probs, scores, prev_tokens)
    best, hyp, tok = pl.pallas_call(
        _merge_body,
        out_shape=[
            jax.ShapeDtypeStruct((1, K), jnp.float32),
            jax.ShapeDtypeStruct((1, K), jnp.int32),
            jax.ShapeDtypeStruct((1, K), jnp.int32),
        ],
    )(cand_vals, cand_cols)
    return best.reshape(K), hyp.reshape(K), tok.reshape(K)

# --- scband reference (transcript-rebuilt; emitter-appended) ---
"""Pipeline reference for scband-seq2-seq-17875653886353 (READ-ONLY COPY).

The authoritative reference and input builder live on the scoring server;
editing this copy changes nothing except your own understanding.
"""

import jax, jax.numpy as jnp
import numpy as np

BEAM = 32
VOCAB = 100000
EOS = 2

def setup_inputs(seed: int = 0) -> dict:
    key = jax.random.key(seed)
    k1, k2, k3 = jax.random.split(key, 3)
    softmax_probs = jax.random.normal(k1, (BEAM, VOCAB), dtype=jnp.float32)
    scores = jax.random.normal(k2, (BEAM,), dtype=jnp.float32)
    prev_tokens = jax.random.randint(k3, (BEAM,), 0, VOCAB, dtype=jnp.int32)
    return {"softmax_probs": softmax_probs, "scores": scores, "prev_tokens": prev_tokens}

def reference(softmax_probs, scores, prev_tokens):
    # Faithful jax translation of Beam.advance (general step, bookkeep non-empty):
    # beam_scores = softmax_probs + scores broadcast; rows whose previous token
    # was EOS get masked to -1e20; then flattened top-k of size beam_size.
    beam_scores = softmax_probs + scores[:, None]
    eos_mask = (prev_tokens == EOS)[:, None]
    beam_scores = jnp.where(eos_mask, jnp.float32(-1e20), beam_scores)
    flat = beam_scores.reshape(-1)
    best_scores, best_idxs = jax.lax.top_k(flat, BEAM)
    hyp_ids = best_idxs // VOCAB
    tok_ids = best_idxs % VOCAB
    return best_scores, hyp_ids, tok_ids

if __name__ == "__main__":
    import jax
    _d = setup_inputs()
    print(jax.jit(kernel)(*tuple(_d.values())))

</pallas_src>

<mosaic_0001>
#map = affine_map<(d0, d1) -> (0, 0)>
#map1 = affine_map<(d0, d1) -> (0)>
module attributes {stable_mosaic.version = 14 : i64} {
  func.func @_sc_body(%arg0: i32, %arg1: i32, %arg2: memref<32x100000xf32, #tpu.memory_space<hbm>>, %arg3: memref<32xf32, #tpu.memory_space<hbm>>, %arg4: memref<32xi32, #tpu.memory_space<hbm>>, %arg5: memref<1x1024xf32, #tpu.memory_space<hbm>>, %arg6: memref<1x1024xi32, #tpu.memory_space<hbm>>, %arg7: memref<100000xf32, #tpu.memory_space<vmem>>, %arg8: memref<4096xf32, #tpu.memory_space<vmem>>, %arg9: memref<256xf32, #tpu.memory_space<vmem>>, %arg10: memref<32xf32, #tpu.memory_space<vmem>>, %arg11: memref<32xi32, #tpu.memory_space<vmem>>, %arg12: memref<32xf32, #tpu.memory_space<vmem>>, %arg13: memref<32xi32, #tpu.memory_space<vmem>>, %arg14: memref<5x!tpu.dma_semaphore, #tpu.memory_space<semaphore_mem>>) attributes {dimension_semantics = [#tpu.dimension_semantics<core_parallel>, #tpu.dimension_semantics<subcore_parallel>], iteration_bounds = array<i64: 2, 16>, scalar_prefetch = 0 : i64, scratch_operands = 8 : i64, tpu.core_type = #tpu.core_type<sc_vector_subcore>, window_params = [{transform_indices = #map}, {transform_indices = #map1}, {transform_indices = #map1}, {transform_indices = #map}, {transform_indices = #map}]} {
    %mul3A = arith.constant 2 : i32
    %mul3A_0 = arith.muli %arg1, %mul3A : i32
    %add3A = arith.addi %mul3A_0, %arg0 : i32
    %dma_start3A = arith.constant 0 : i32
    %dma_start3A_1 = arith.constant 0 : i32
    %dma_start3A_2 = tpu.memref_slice %arg2[%add3A, %dma_start3A_1] : memref<32x100000xf32, #tpu.memory_space<hbm>> -> memref<1x100000xf32, #tpu.memory_space<hbm>>
    %dma_start3A_3 = tpu.memref_squeeze %dma_start3A_2 : memref<1x100000xf32, #tpu.memory_space<hbm>> -> memref<100000xf32, #tpu.memory_space<hbm>>
    %dma_start3A_4 = tpu.memref_slice %arg14[%dma_start3A] : memref<5x!tpu.dma_semaphore, #tpu.memory_space<semaphore_mem>> -> memref<1x!tpu.dma_semaphore, #tpu.memory_space<semaphore_mem>>
    %dma_start3A_5 = tpu.memref_squeeze %dma_start3A_4 : memref<1x!tpu.dma_semaphore, #tpu.memory_space<semaphore_mem>> -> memref<!tpu.dma_semaphore, #tpu.memory_space<semaphore_mem>>
    %dma_start3A_6 = arith.constant 0 : i32
    %dma_start3A_7 = tpu.memref_slice %arg2[%add3A, %dma_start3A_6] : memref<32x100000xf32, #tpu.memory_space<hbm>> -> memref<1x100000xf32, #tpu.memory_space<hbm>>
    %dma_start3A_8 = tpu.memref_squeeze %dma_start3A_7 : memref<1x100000xf32, #tpu.memory_space<hbm>> -> memref<100000xf32, #tpu.memory_space<hbm>>
    tpu.enqueue_dma source(%dma_start3A_8 : memref<100000xf32, #tpu.memory_space<hbm>>) target(%arg7 : memref<100000xf32, #tpu.memory_space<vmem>>) target_semaphore(%dma_start3A_5 : memref<!tpu.dma_semaphore, #tpu.memory_space<semaphore_mem>>)
    "tpu.region"() ({
      %run_scoped3A_87 = tpu.sem_alloc : memref<!tpu.dma_semaphore, #tpu.memory_space<semaphore_mem>>
      tpu.enqueue_dma source(%arg3 : memref<32xf32, #tpu.memory_space<hbm>>) target(%arg12 : memref<32xf32, #tpu.memory_space<vmem>>) target_semaphore(%run_scoped3A_87 : memref<!tpu.dma_semaphore, #tpu.memory_space<semaphore_mem>>)
      tpu.wait_dma2 semaphore(%run_scoped3A_87 : memref<!tpu.dma_semaphore, #tpu.memory_space<semaphore_mem>>) src(%arg3 : memref<32xf32, #tpu.memory_space<hbm>>) dst(%arg12 : memref<32xf32, #tpu.memory_space<vmem>>)
      tpu.yield
    }) : () -> ()
    "tpu.region"() ({
      %run_scoped3A_87 = tpu.sem_alloc : memref<!tpu.dma_semaphore, #tpu.memory_space<semaphore_mem>>
      tpu.enqueue_dma source(%arg4 : memref<32xi32, #tpu.memory_space<hbm>>) target(%arg13 : memref<32xi32, #tpu.memory_space<vmem>>) target_semaphore(%run_scoped3A_87 : memref<!tpu.dma_semaphore, #tpu.memory_space<semaphore_mem>>)
      tpu.wait_dma2 semaphore(%run_scoped3A_87 : memref<!tpu.dma_semaphore, #tpu.memory_space<semaphore_mem>>) src(%arg4 : memref<32xi32, #tpu.memory_space<hbm>>) dst(%arg13 : memref<32xi32, #tpu.memory_space<vmem>>)
      tpu.yield
    }) : () -> ()
    %dma_wait3A = arith.constant 0 : i32
    %dma_wait3A_9 = arith.constant 0 : i32
    %dma_wait3A_10 = tpu.memref_slice %arg2[%add3A, %dma_wait3A_9] : memref<32x100000xf32, #tpu.memory_space<hbm>> -> memref<1x100000xf32, #tpu.memory_space<hbm>>
    %dma_wait3A_11 = tpu.memref_squeeze %dma_wait3A_10 : memref<1x100000xf32, #tpu.memory_space<hbm>> -> memref<100000xf32, #tpu.memory_space<hbm>>
    %dma_wait3A_12 = tpu.memref_slice %arg14[%dma_wait3A] : memref<5x!tpu.dma_semaphore, #tpu.memory_space<semaphore_mem>> -> memref<1x!tpu.dma_semaphore, #tpu.memory_space<semaphore_mem>>
    %dma_wait3A_13 = tpu.memref_squeeze %dma_wait3A_12 : memref<1x!tpu.dma_semaphore, #tpu.memory_space<semaphore_mem>> -> memref<!tpu.dma_semaphore, #tpu.memory_space<semaphore_mem>>
    %dma_wait3A_14 = arith.constant 0 : i32
    %dma_wait3A_15 = tpu.memref_slice %arg2[%add3A, %dma_wait3A_14] : memref<32x100000xf32, #tpu.memory_space<hbm>> -> memref<1x100000xf32, #tpu.memory_space<hbm>>
    %dma_wait3A_16 = tpu.memref_squeeze %dma_wait3A_15 : memref<1x100000xf32, #tpu.memory_space<hbm>> -> memref<100000xf32, #tpu.memory_space<hbm>>
    tpu.wait_dma2 semaphore(%dma_wait3A_13 : memref<!tpu.dma_semaphore, #tpu.memory_space<semaphore_mem>>) src(%dma_wait3A_16 : memref<100000xf32, #tpu.memory_space<hbm>>) dst(%arg7 : memref<100000xf32, #tpu.memory_space<vmem>>)
    %scan3A = arith.constant 0 : i32
    %scan3A_17 = arith.constant 0 : i32
    %scan3A_18 = arith.constant 250 : i32
    %scan3A_19 = arith.addi %scan3A_17, %scan3A_18 : i32
    %scan3A_20 = arith.constant 1 : i32
    scf.for %scan3A_87 = %scan3A_17 to %scan3A_19 step %scan3A_20  : i32 {
      %mul3A_88 = arith.constant 400 : i32
      %mul3A_89 = arith.muli %scan3A_87, %mul3A_88 : i32
      %get3A = arith.index_cast %mul3A_89 : i32 to index
      %get3A_90 = tpu.vector_load %arg7[%get3A] {strides = array<i32>} : memref<100000xf32, #tpu.memory_space<vmem>>, vector<16xf32>,
      %add3A_91 = arith.constant 16 : i32
      %add3A_92 = arith.addi %mul3A_89, %add3A_91 : i32
      %get3A_93 = arith.index_cast %add3A_92 : i32 to index
      %get3A_94 = tpu.vector_load %arg7[%get3A_93] {strides = array<i32>} : memref<100000xf32, #tpu.memory_space<vmem>>, vector<16xf32>,
      %max3A = arith.maximumf %get3A_90, %get3A_94 : vector<16xf32>
      %add3A_95 = arith.constant 32 : i32
      %add3A_96 = arith.addi %mul3A_89, %add3A_95 : i32
      %get3A_97 = arith.index_cast %add3A_96 : i32 to index
      %get3A_98 = tpu.vector_load %arg7[%get3A_97] {strides = array<i32>} : memref<100000xf32, #tpu.memory_space<vmem>>, vector<16xf32>,
      %max3A_99 = arith.maximumf %max3A, %get3A_98 : vector<16xf32>
      %add3A_100 = arith.constant 48 : i32
      %add3A_101 = arith.addi %mul3A_89, %add3A_100 : i32
      %get3A_102 = arith.index_cast %add3A_101 : i32 to index
      %get3A_103 = tpu.vector_load %arg7[%get3A_102] {strides = array<i32>} : memref<100000xf32, #tpu.memory_space<vmem>>, vector<16xf32>,
      %max3A_104 = arith.maximumf %max3A_99, %get3A_103 : vector<16xf32>
      %add3A_105 = arith.constant 64 : i32
      %add3A_106 = arith.addi %mul3A_89, %add3A_105 : i32
      %get3A_107 = arith.index_cast %add3A_106 : i32 to index
      %get3A_108 = tpu.vector_load %arg7[%get3A_107] {strides = array<i32>} : memref<100000xf32, #tpu.memory_space<vmem>>, vector<16xf32>,
      %max3A_109 = arith.maximumf %max3A_104, %get3A_108 : vector<16xf32>
      %add3A_110 = arith.constant 80 : i32
      %add3A_111 = arith.addi %mul3A_89, %add3A_110 : i32
      %get3A_112 = arith.index_cast %add3A_111 : i32 to index
      %get3A_113 = tpu.vector_load %arg7[%get3A_112] {strides = array<i32>} : memref<100000xf32, #tpu.memory_space<vmem>>, vector<16xf32>,
      %max3A_114 = arith.maximumf %max3A_109, %get3A_113 : vector<16xf32>
      %add3A_115 = arith.constant 96 : i32
      %add3A_116 = arith.addi %mul3A_89, %add3A_115 : i32
      %get3A_117 = arith.index_cast %add3A_116 : i32 to index
      %get3A_118 = tpu.vector_load %arg7[%get3A_117] {strides = array<i32>} : memref<100000xf32, #tpu.memory_space<vmem>>, vector<16xf32>,
      %max3A_119 = arith.maximumf %max3A_114, %get3A_118 : vector<16xf32>
      %add3A_120 = arith.constant 112 : i32
      %add3A_121 = arith.addi %mul3A_89, %add3A_120 : i32
      %get3A_122 = arith.index_cast %add3A_121 : i32 to index
      %get3A_123 = tpu.vector_load %arg7[%get3A_122] {strides = array<i32>} : memref<100000xf32, #tpu.memory_space<vmem>>, vector<16xf32>,
      %max3A_124 = arith.maximumf %max3A_119, %get3A_123 : vector<16xf32>
      %add3A_125 = arith.constant 128 : i32
      %add3A_126 = arith.addi %mul3A_89, %add3A_125 : i32
      %get3A_127 = arith.index_cast %add3A_126 : i32 to index
      %get3A_128 = tpu.vector_load %arg7[%get3A_127] {strides = array<i32>} : memref<100000xf32, #tpu.memory_space<vmem>>, vector<16xf32>,
      %max3A_129 = arith.maximumf %max3A_124, %get3A_128 : vector<16xf32>
      %add3A_130 = arith.constant 144 : i32
      %add3A_131 = arith.addi %mul3A_89, %add3A_130 : i32
      %get3A_132 = arith.index_cast %add3A_131 : i32 to index
      %get3A_133 = tpu.vector_load %arg7[%get3A_132] {strides = array<i32>} : memref<100000xf32, #tpu.memory_space<vmem>>, vector<16xf32>,
      %max3A_134 = arith.maximumf %max3A_129, %get3A_133 : vector<16xf32>
      %add3A_135 = arith.constant 160 : i32
      %add3A_136 = arith.addi %mul3A_89, %add3A_135 : i32
      %get3A_137 = arith.index_cast %add3A_136 : i32 to index
      %get3A_138 = tpu.vector_load %arg7[%get3A_137] {strides = array<i32>} : memref<100000xf32, #tpu.memory_space<vmem>>, vector<16xf32>,
      %max3A_139 = arith.maximumf %max3A_134, %get3A_138 : vector<16xf32>
      %add3A_140 = arith.constant 176 : i32
      %add3A_141 = arith.addi %mul3A_89, %add3A_140 : i32
      %get3A_142 = arith.index_cast %add3A_141 : i32 to index
      %get3A_143 = tpu.vector_load %arg7[%get3A_142] {strides = array<i32>} : memref<100000xf32, #tpu.memory_space<vmem>>, vector<16xf32>,
      %max3A_144 = arith.maximumf %max3A_139, %get3A_143 : vector<16xf32>
      %add3A_145 = arith.constant 192 : i32
      %add3A_146 = arith.addi %mul3A_89, %add3A_145 : i32
      %get3A_147 = arith.index_cast %add3A_146 : i32 to index
      %get3A_148 = tpu.vector_load %arg7[%get3A_147] {strides = array<i32>} : memref<100000xf32, #tpu.memory_space<vmem>>, vector<16xf32>,
      %max3A_149 = arith.maximumf %max3A_144, %get3A_148 : vector<16xf32>
      %add3A_150 = arith.constant 208 : i32
      %add3A_151 = arith.addi %mul3A_89, %add3A_150 : i32
      %get3A_152 = arith.index_cast %add3A_151 : i32 to index
      %get3A_153 = tpu.vector_load %arg7[%get3A_152] {strides = array<i32>} : memref<100000xf32, #tpu.memory_space<vmem>>, vector<16xf32>,
      %max3A_154 = arith.maximumf %max3A_149, %get3A_153 : vector<16xf32>
      %add3A_155 = arith.constant 224 : i32
      %add3A_156 = arith.addi %mul3A_89, %add3A_155 : i32
      %get3A_157 = arith.index_cast %add3A_156 : i32 to index
      %get3A_158 = tpu.vector_load %arg7[%get3A_157] {strides = array<i32>} : memref<100000xf32, #tpu.memory_space<vmem>>, vector<16xf32>,
      %max3A_159 = arith.maximumf %max3A_154, %get3A_158 : vector<16xf32>
      %add3A_160 = arith.constant 240 : i32
      %add3A_161 = arith.addi %mul3A_89, %add3A_160 : i32
      %get3A_162 = arith.index_cast %add3A_161 : i32 to index
      %get3A_163 = tpu.vector_load %arg7[%get3A_162] {strides = array<i32>} : memref<100000xf32, #tpu.memory_space<vmem>>, vector<16xf32>,
      %max3A_164 = arith.maximumf %max3A_159, %get3A_163 : vector<16xf32>
      %add3A_165 = arith.constant 256 : i32
      %add3A_166 = arith.addi %mul3A_89, %add3A_165 : i32
      %get3A_167 = arith.index_cast %add3A_166 : i32 to index
      %get3A_168 = tpu.vector_load %arg7[%get3A_167] {strides = array<i32>} : memref<100000xf32, #tpu.memory_space<vmem>>, vector<16xf32>,
      %max3A_169 = arith.maximumf %max3A_164, %get3A_168 : vector<16xf32>
      %add3A_170 = arith.constant 272 : i32
      %add3A_171 = arith.addi %mul3A_89, %add3A_170 : i32
      %get3A_172 = arith.index_cast %add3A_171 : i32 to index
      %get3A_173 = tpu.vector_load %arg7[%get3A_172] {strides = array<i32>} : memref<100000xf32, #tpu.memory_space<vmem>>, vector<16xf32>,
      %max3A_174 = arith.maximumf %max3A_169, %get3A_173 : vector<16xf32>
      %add3A_175 = arith.constant 288 : i32
      %add3A_176 = arith.addi %mul3A_89, %add3A_175 : i32
      %get3A_177 = arith.index_cast %add3A_176 : i32 to index
      %get3A_178 = tpu.vector_load %arg7[%get3A_177] {strides = array<i32>} : memref<100000xf32, #tpu.memory_space<vmem>>, vector<16xf32>,
      %max3A_179 = arith.maximumf %max3A_174, %get3A_178 : vector<16xf32>
      %add3A_180 = arith.constant 304 : i32
      %add3A_181 = arith.addi %mul3A_89, %add3A_180 : i32
      %get3A_182 = arith.index_cast %add3A_181 : i32 to index
      %get3A_183 = tpu.vector_load %arg7[%get3A_182] {strides = array<i32>} : memref<100000xf32, #tpu.memory_space<vmem>>, vector<16xf32>,
      %max3A_184 = arith.maximumf %max3A_179, %get3A_183 : vector<16xf32>
      %add3A_185 = arith.constant 320 : i32
      %add3A_186 = arith.addi %mul3A_89, %add3A_185 : i32
      %get3A_187 = arith.index_cast %add3A_186 : i32 to index
      %get3A_188 = tpu.vector_load %arg7[%get3A_187] {strides = array<i32>} : memref<100000xf32, #tpu.memory_space<vmem>>, vector<16xf32>,
      %max3A_189 = arith.maximumf %max3A_184, %get3A_188 : vector<16xf32>
      %add3A_190 = arith.constant 336 : i32
      %add3A_191 = arith.addi %mul3A_89, %add3A_190 : i32
      %get3A_192 = arith.index_cast %add3A_191 : i32 to index
      %get3A_193 = tpu.vector_load %arg7[%get3A_192] {strides = array<i32>} : memref<100000xf32, #tpu.memory_space<vmem>>, vector<16xf32>,
      %max3A_194 = arith.maximumf %max3A_189, %get3A_193 : vector<16xf32>
      %add3A_195 = arith.constant 352 : i32
      %add3A_196 = arith.addi %mul3A_89, %add3A_195 : i32
      %get3A_197 = arith.index_cast %add3A_196 : i32 to index
      %get3A_198 = tpu.vector_load %arg7[%get3A_197] {strides = array<i32>} : memref<100000xf32, #tpu.memory_space<vmem>>, vector<16xf32>,
      %max3A_199 = arith.maximumf %max3A_194, %get3A_198 : vector<16xf32>
      %add3A_200 = arith.constant 368 : i32
      %add3A_201 = arith.addi %mul3A_89, %add3A_200 : i32
      %get3A_202 = arith.index_cast %add3A_201 : i32 to index
      %get3A_203 = tpu.vector_load %arg7[%get3A_202] {strides = array<i32>} : memref<100000xf32, #tpu.memory_space<vmem>>, vector<16xf32>,
      %max3A_204 = arith.maximumf %max3A_199, %get3A_203 : vector<16xf32>
      %add3A_205 = arith.constant 384 : i32
      %add3A_206 = arith.addi %mul3A_89, %add3A_205 : i32
      %get3A_207 = arith.index_cast %add3A_206 : i32 to index
      %get3A_208 = tpu.vector_load %arg7[%get3A_207] {strides = array<i32>} : memref<100000xf32, #tpu.memory_space<vmem>>, vector<16xf32>,
      %max3A_209 = arith.maximumf %max3A_204, %get3A_208 : vector<16xf32>
      %mul3A_210 = arith.constant 16 : i32
      %mul3A_211 = arith.muli %scan3A_87, %mul3A_210 : i32
      %swap3A_212 = arith.index_cast %mul3A_211 : i32 to index
      %swap3A_213 = tpu.vector_load %arg8[%swap3A_212] {strides = array<i32>} : memref<4096xf32, #tpu.memory_space<vmem>>, vector<16xf32>,
      tpu.vector_store %arg8[%swap3A_212], %max3A_209 {strides = array<i32>} : memref<4096xf32, #tpu.memory_space<vmem>>, vector<16xf32>,
    }
    %scan3A_21 = arith.constant 250 : i32
    %broadcast_in_dim3A = arith.constant -3.000000e+38 : f32
    %broadcast_in_dim3A_22 = vector.broadcast %broadcast_in_dim3A : f32 to vector<16xf32>
    %swap3A = arith.constant 4000 : index
    %swap3A_23 = tpu.vector_load %arg8[%swap3A] {strides = array<i32>} : memref<4096xf32, #tpu.memory_space<vmem>>, vector<16xf32>,
    tpu.vector_store %arg8[%swap3A], %broadcast_in_dim3A_22 {strides = array<i32>} : memref<4096xf32, #tpu.memory_space<vmem>>, vector<16xf32>,
    %swap3A_24 = arith.constant 4016 : index
    %swap3A_25 = tpu.vector_load %arg8[%swap3A_24] {strides = array<i32>} : memref<4096xf32, #tpu.memory_space<vmem>>, vector<16xf32>,
    tpu.vector_store %arg8[%swap3A_24], %broadcast_in_dim3A_22 {strides = array<i32>} : memref<4096xf32, #tpu.memory_space<vmem>>, vector<16xf32>,
    %swap3A_26 = arith.constant 4032 : index
    %swap3A_27 = tpu.vector_load %arg8[%swap3A_26] {strides = array<i32>} : memref<4096xf32, #tpu.memory_space<vmem>>, vector<16xf32>,
    tpu.vector_store %arg8[%swap3A_26], %broadcast_in_dim3A_22 {strides = array<i32>} : memref<4096xf32, #tpu.memory_space<vmem>>, vector<16xf32>,
    %swap3A_28 = arith.constant 4048 : index
    %swap3A_29 = tpu.vector_load %arg8[%swap3A_28] {strides = array<i32>} : memref<4096xf32, #tpu.memory_space<vmem>>, vector<16xf32>,
    tpu.vector_store %arg8[%swap3A_28], %broadcast_in_dim3A_22 {strides = array<i32>} : memref<4096xf32, #tpu.memory_space<vmem>>, vector<16xf32>,
    %swap3A_30 = arith.constant 4064 : index
    %swap3A_31 = tpu.vector_load %arg8[%swap3A_30] {strides = array<i32>} : memref<4096xf32, #tpu.memory_space<vmem>>, vector<16xf32>,
    tpu.vector_store %arg8[%swap3A_30], %broadcast_in_dim3A_22 {strides = array<i32>} : memref<4096xf32, #tpu.memory_space<vmem>>, vector<16xf32>,
    %swap3A_32 = arith.constant 4080 : index
    %swap3A_33 = tpu.vector_load %arg8[%swap3A_32] {strides = array<i32>} : memref<4096xf32, #tpu.memory_space<vmem>>, vector<16xf32>,
    tpu.vector_store %arg8[%swap3A_32], %broadcast_in_dim3A_22 {strides = array<i32>} : memref<4096xf32, #tpu.memory_space<vmem>>, vector<16xf32>,
    %scan3A_34 = arith.constant 0 : i32
    %scan3A_35 = arith.constant 0 : i32
    %scan3A_36 = arith.constant 16 : i32
    %scan3A_37 = arith.addi %scan3A_35, %scan3A_36 : i32
    %scan3A_38 = arith.constant 1 : i32
    scf.for %scan3A_87 = %scan3A_35 to %scan3A_37 step %scan3A_38  : i32 {
      %mul3A_88 = arith.constant 16 : i32
      %mul3A_89 = arith.muli %scan3A_87, %mul3A_88 : i32
      %mul3A_90 = arith.constant 16 : i32
      %mul3A_91 = arith.muli %mul3A_89, %mul3A_90 : i32
      %get3A = arith.index_cast %mul3A_91 : i32 to index
      %get3A_92 = tpu.vector_load %arg8[%get3A] {strides = array<i32>} : memref<4096xf32, #tpu.memory_space<vmem>>, vector<16xf32>,
      %add3A_93 = arith.constant 1 : i32
      %add3A_94 = arith.addi %mul3A_89, %add3A_93 : i32
      %mul3A_95 = arith.constant 16 : i32
      %mul3A_96 = arith.muli %add3A_94, %mul3A_95 : i32
      %get3A_97 = arith.index_cast %mul3A_96 : i32 to index
      %get3A_98 = tpu.vector_load %arg8[%get3A_97] {strides = array<i32>} : memref<4096xf32, #tpu.memory_space<vmem>>, vector<16xf32>,
      %max3A = arith.maximumf %get3A_92, %get3A_98 : vector<16xf32>
      %add3A_99 = arith.constant 2 : i32
      %add3A_100 = arith.addi %mul3A_89, %add3A_99 : i32
      %mul3A_101 = arith.constant 16 : i32
      %mul3A_102 = arith.muli %add3A_100, %mul3A_101 : i32
      %get3A_103 = arith.index_cast %mul3A_102 : i32 to index
      %get3A_104 = tpu.vector_load %arg8[%get3A_103] {strides = array<i32>} : memref<4096xf32, #tpu.memory_space<vmem>>, vector<16xf32>,
      %max3A_105 = arith.maximumf %max3A, %get3A_104 : vector<16xf32>
      %add3A_106 = arith.constant 3 : i32
      %add3A_107 = arith.addi %mul3A_89, %add3A_106 : i32
      %mul3A_108 = arith.constant 16 : i32
      %mul3A_109 = arith.muli %add3A_107, %mul3A_108 : i32
      %get3A_110 = arith.index_cast %mul3A_109 : i32 to index
      %get3A_111 = tpu.vector_load %arg8[%get3A_110] {strides = array<i32>} : memref<4096xf32, #tpu.memory_space<vmem>>, vector<16xf32>,
      %max3A_112 = arith.maximumf %max3A_105, %get3A_111 : vector<16xf32>
      %add3A_113 = arith.constant 4 : i32
      %add3A_114 = arith.addi %mul3A_89, %add3A_113 : i32
      %mul3A_115 = arith.constant 16 : i32
      %mul3A_116 = arith.muli %add3A_114, %mul3A_115 : i32
      %get3A_117 = arith.index_cast %mul3A_116 : i32 to index
      %get3A_118 = tpu.vector_load %arg8[%get3A_117] {strides = array<i32>} : memref<4096xf32, #tpu.memory_space<vmem>>, vector<16xf32>,
      %max3A_119 = arith.maximumf %max3A_112, %get3A_118 : vector<16xf32>
      %add3A_120 = arith.constant 5 : i32
      %add3A_121 = arith.addi %mul3A_89, %add3A_120 : i32
      %mul3A_122 = arith.constant 16 : i32
      %mul3A_123 = arith.muli %add3A_121, %mul3A_122 : i32
      %get3A_124 = arith.index_cast %mul3A_123 : i32 to index
      %get3A_125 = tpu.vector_load %arg8[%get3A_124] {strides = array<i32>} : memref<4096xf32, #tpu.memory_space<vmem>>, vector<16xf32>,
      %max3A_126 = arith.maximumf %max3A_119, %get3A_125 : vector<16xf32>
      %add3A_127 = arith.constant 6 : i32
      %add3A_128 = arith.addi %mul3A_89, %add3A_127 : i32
      %mul3A_129 = arith.constant 16 : i32
      %mul3A_130 = arith.muli %add3A_128, %mul3A_129 : i32
      %get3A_131 = arith.index_cast %mul3A_130 : i32 to index
      %get3A_132 = tpu.vector_load %arg8[%get3A_131] {strides = array<i32>} : memref<4096xf32, #tpu.memory_space<vmem>>, vector<16xf32>,
      %max3A_133 = arith.maximumf %max3A_126, %get3A_132 : vector<16xf32>
      %add3A_134 = arith.constant 7 : i32
      %add3A_135 = arith.addi %mul3A_89, %add3A_134 : i32
      %mul3A_136 = arith.constant 16 : i32
      %mul3A_137 = arith.muli %add3A_135, %mul3A_136 : i32
      %get3A_138 = arith.index_cast %mul3A_137 : i32 to index
      %get3A_139 = tpu.vector_load %arg8[%get3A_138] {strides = array<i32>} : memref<4096xf32, #tpu.memory_space<vmem>>, vector<16xf32>,
      %max3A_140 = arith.maximumf %max3A_133, %get3A_139 : vector<16xf32>
      %add3A_141 = arith.constant 8 : i32
      %add3A_142 = arith.addi %mul3A_89, %add3A_141 : i32
      %mul3A_143 = arith.constant 16 : i32
      %mul3A_144 = arith.muli %add3A_142, %mul3A_143 : i32
      %get3A_145 = arith.index_cast %mul3A_144 : i32 to index
      %get3A_146 = tpu.vector_load %arg8[%get3A_145] {strides = array<i32>} : memref<4096xf32, #tpu.memory_space<vmem>>, vector<16xf32>,
      %max3A_147 = arith.maximumf %max3A_140, %get3A_146 : vector<16xf32>
      %add3A_148 = arith.constant 9 : i32
      %add3A_149 = arith.addi %mul3A_89, %add3A_148 : i32
      %mul3A_150 = arith.constant 16 : i32
      %mul3A_151 = arith.muli %add3A_149, %mul3A_150 : i32
      %get3A_152 = arith.index_cast %mul3A_151 : i32 to index
      %get3A_153 = tpu.vector_load %arg8[%get3A_152] {strides = array<i32>} : memref<4096xf32, #tpu.memory_space<vmem>>, vector<16xf32>,
      %max3A_154 = arith.maximumf %max3A_147, %get3A_153 : vector<16xf32>
      %add3A_155 = arith.constant 10 : i32
      %add3A_156 = arith.addi %mul3A_89, %add3A_155 : i32
      %mul3A_157 = arith.constant 16 : i32
      %mul3A_158 = arith.muli %add3A_156, %mul3A_157 : i32
      %get3A_159 = arith.index_cast %mul3A_158 : i32 to index
      %get3A_160 = tpu.vector_load %arg8[%get3A_159] {strides = array<i32>} : memref<4096xf32, #tpu.memory_space<vmem>>, vector<16xf32>,
      %max3A_161 = arith.maximumf %max3A_154, %get3A_160 : vector<16xf32>
      %add3A_162 = arith.constant 11 : i32
      %add3A_163 = arith.addi %mul3A_89, %add3A_162 : i32
      %mul3A_164 = arith.constant 16 : i32
      %mul3A_165 = arith.muli %add3A_163, %mul3A_164 : i32
      %get3A_166 = arith.index_cast %mul3A_165 : i32 to index
      %get3A_167 = tpu.vector_load %arg8[%get3A_166] {strides = array<i32>} : memref<4096xf32, #tpu.memory_space<vmem>>, vector<16xf32>,
      %max3A_168 = arith.maximumf %max3A_161, %get3A_167 : vector<16xf32>
      %add3A_169 = arith.constant 12 : i32
      %add3A_170 = arith.addi %mul3A_89, %add3A_169 : i32
      %mul3A_171 = arith.constant 16 : i32
      %mul3A_172 = arith.muli %add3A_170, %mul3A_171 : i32
      %get3A_173 = arith.index_cast %mul3A_172 : i32 to index
      %get3A_174 = tpu.vector_load %arg8[%get3A_173] {strides = array<i32>} : memref<4096xf32, #tpu.memory_space<vmem>>, vector<16xf32>,
      %max3A_175 = arith.maximumf %max3A_168, %get3A_174 : vector<16xf32>
      %add3A_176 = arith.constant 13 : i32
      %add3A_177 = arith.addi %mul3A_89, %add3A_176 : i32
      %mul3A_178 = arith.constant 16 : i32
      %mul3A_179 = arith.muli %add3A_177, %mul3A_178 : i32
      %get3A_180 = arith.index_cast %mul3A_179 : i32 to index
      %get3A_181 = tpu.vector_load %arg8[%get3A_180] {strides = array<i32>} : memref<4096xf32, #tpu.memory_space<vmem>>, vector<16xf32>,
      %max3A_182 = arith.maximumf %max3A_175, %get3A_181 : vector<16xf32>
      %add3A_183 = arith.constant 14 : i32
      %add3A_184 = arith.addi %mul3A_89, %add3A_183 : i32
      %mul3A_185 = arith.constant 16 : i32
      %mul3A_186 = arith.muli %add3A_184, %mul3A_185 : i32
      %get3A_187 = arith.index_cast %mul3A_186 : i32 to index
      %get3A_188 = tpu.vector_load %arg8[%get3A_187] {strides = array<i32>} : memref<4096xf32, #tpu.memory_space<vmem>>, vector<16xf32>,
      %max3A_189 = arith.maximumf %max3A_182, %get3A_188 : vector<16xf32>
      %add3A_190 = arith.constant 15 : i32
      %add3A_191 = arith.addi %mul3A_89, %add3A_190 : i32
      %mul3A_192 = arith.constant 16 : i32
      %mul3A_193 = arith.muli %add3A_191, %mul3A_192 : i32
      %get3A_194 = arith.index_cast %mul3A_193 : i32 to index
      %get3A_195 = tpu.vector_load %arg8[%get3A_194] {strides = array<i32>} : memref<4096xf32, #tpu.memory_space<vmem>>, vector<16xf32>,
      %max3A_196 = arith.maximumf %max3A_189, %get3A_195 : vector<16xf32>
      %mul3A_197 = arith.constant 16 : i32
      %mul3A_198 = arith.muli %scan3A_87, %mul3A_197 : i32
      %swap3A_199 = arith.index_cast %mul3A_198 : i32 to index
      %swap3A_200 = tpu.vector_load %arg9[%swap3A_199] {strides = array<i32>} : memref<256xf32, #tpu.memory_space<vmem>>, vector<16xf32>,
      tpu.vector_store %arg9[%swap3A_199], %max3A_196 {strides = array<i32>} : memref<256xf32, #tpu.memory_space<vmem>>, vector<16xf32>,
    }
    %scan3A_39 = arith.constant 16 : i32
    %iota3A = tpu.iota {dimensions = array<i32: 0>} : vector<16xi32>
    %eq3A = arith.constant 0 : i32
    %eq3A_40 = vector.broadcast %eq3A : i32 to vector<16xi32>
    %eq3A_41 = arith.cmpi eq, %iota3A, %eq3A_40 : vector<16xi32>
    %broadcast_in_dim3A_42 = arith.constant 0.000000e+00 : f32
    %broadcast_in_dim3A_43 = vector.broadcast %broadcast_in_dim3A_42 : f32 to vector<16xf32>
    %broadcast_in_dim3A_44 = arith.constant 0 : i32
    %broadcast_in_dim3A_45 = vector.broadcast %broadcast_in_dim3A_44 : i32 to vector<16xi32>
    %scan3A_46 = arith.constant 0 : i32
    %scan3A_47 = arith.constant 32 : i32
    %scan3A_48 = arith.addi %scan3A_46, %scan3A_47 : i32
    %scan3A_49 = arith.constant 1 : i32
    %scan3A_50:4 = scf.for %scan3A_87 = %scan3A_46 to %scan3A_48 step %scan3A_49 iter_args(%scan3A_88 = %broadcast_in_dim3A_43, %scan3A_89 = %broadcast_in_dim3A_43, %scan3A_90 = %broadcast_in_dim3A_45, %scan3A_91 = %broadcast_in_dim3A_45) -> (vector<16xf32>, vector<16xf32>, vector<16xi32>, vector<16xi32>)  : i32 {
      %get3A = arith.constant 0 : index
      %get3A_92 = tpu.vector_load %arg9[%get3A] {strides = array<i32>} : memref<256xf32, #tpu.memory_space<vmem>>, vector<16xf32>,
      %get3A_93 = arith.constant 16 : index
      %get3A_94 = tpu.vector_load %arg9[%get3A_93] {strides = array<i32>} : memref<256xf32, #tpu.memory_space<vmem>>, vector<16xf32>,
      %max3A = arith.maximumf %get3A_92, %get3A_94 : vector<16xf32>
      %get3A_95 = arith.constant 32 : index
      %get3A_96 = tpu.vector_load %arg9[%get3A_95] {strides = array<i32>} : memref<256xf32, #tpu.memory_space<vmem>>, vector<16xf32>,
      %max3A_97 = arith.maximumf %max3A, %get3A_96 : vector<16xf32>
      %get3A_98 = arith.constant 48 : index
      %get3A_99 = tpu.vector_load %arg9[%get3A_98] {strides = array<i32>} : memref<256xf32, #tpu.memory_space<vmem>>, vector<16xf32>,
      %max3A_100 = arith.maximumf %max3A_97, %get3A_99 : vector<16xf32>
      %get3A_101 = arith.constant 64 : index
      %get3A_102 = tpu.vector_load %arg9[%get3A_101] {strides = array<i32>} : memref<256xf32, #tpu.memory_space<vmem>>, vector<16xf32>,
      %max3A_103 = arith.maximumf %max3A_100, %get3A_102 : vector<16xf32>
      %get3A_104 = arith.constant 80 : index
      %get3A_105 = tpu.vector_load %arg9[%get3A_104] {strides = array<i32>} : memref<256xf32, #tpu.memory_space<vmem>>, vector<16xf32>,
      %max3A_106 = arith.maximumf %max3A_103, %get3A_105 : vector<16xf32>
      %get3A_107 = arith.constant 96 : index
      %get3A_108 = tpu.vector_load %arg9[%get3A_107] {strides = array<i32>} : memref<256xf32, #tpu.memory_space<vmem>>, vector<16xf32>,
      %max3A_109 = arith.maximumf %max3A_106, %get3A_108 : vector<16xf32>
      %get3A_110 = arith.constant 112 : index
      %get3A_111 = tpu.vector_load %arg9[%get3A_110] {strides = array<i32>} : memref<256xf32, #tpu.memory_space<vmem>>, vector<16xf32>,
      %max3A_112 = arith.maximumf %max3A_109, %get3A_111 : vector<16xf32>
      %get3A_113 = arith.constant 128 : index
      %get3A_114 = tpu.vector_load %arg9[%get3A_113] {strides = array<i32>} : memref<256xf32, #tpu.memory_space<vmem>>, vector<16xf32>,
      %max3A_115 = arith.maximumf %max3A_112, %get3A_114 : vector<16xf32>
      %get3A_116 = arith.constant 144 : index
      %get3A_117 = tpu.vector_load %arg9[%get3A_116] {strides = array<i32>} : memref<256xf32, #tpu.memory_space<vmem>>, vector<16xf32>,
      %max3A_118 = arith.maximumf %max3A_115, %get3A_117 : vector<16xf32>
      %get3A_119 = arith.constant 160 : index
      %get3A_120 = tpu.vector_load %arg9[%get3A_119] {strides = array<i32>} : memref<256xf32, #tpu.memory_space<vmem>>, vector<16xf32>,
      %max3A_121 = arith.maximumf %max3A_118, %get3A_120 : vector<16xf32>
      %get3A_122 = arith.constant 176 : index
      %get3A_123 = tpu.vector_load %arg9[%get3A_122] {strides = array<i32>} : memref<256xf32, #tpu.memory_space<vmem>>, vector<16xf32>,
      %max3A_124 = arith.maximumf %max3A_121, %get3A_123 : vector<16xf32>
      %get3A_125 = arith.constant 192 : index
      %get3A_126 = tpu.vector_load %arg9[%get3A_125] {strides = array<i32>} : memref<256xf32, #tpu.memory_space<vmem>>, vector<16xf32>,
      %max3A_127 = arith.maximumf %max3A_124, %get3A_126 : vector<16xf32>
      %get3A_128 = arith.constant 208 : index
      %get3A_129 = tpu.vector_load %arg9[%get3A_128] {strides = array<i32>} : memref<256xf32, #tpu.memory_space<vmem>>, vector<16xf32>,
      %max3A_130 = arith.maximumf %max3A_127, %get3A_129 : vector<16xf32>
      %get3A_131 = arith.constant 224 : index
      %get3A_132 = tpu.vector_load %arg9[%get3A_131] {strides = array<i32>} : memref<256xf32, #tpu.memory_space<vmem>>, vector<16xf32>,
      %max3A_133 = arith.maximumf %max3A_130, %get3A_132 : vector<16xf32>
      %get3A_134 = arith.constant 240 : index
      %get3A_135 = tpu.vector_load %arg9[%get3A_134] {strides = array<i32>} : memref<256xf32, #tpu.memory_space<vmem>>, vector<16xf32>,
      %max3A_136 = arith.maximumf %max3A_133, %get3A_135 : vector<16xf32>
      %reduce_max3A = arith.constant true
      %reduce_max3A_137 = vector.broadcast %reduce_max3A : i1 to vector<16xi1>
      %reduce_max3A_138 = tpu.scan <max>, %max3A_136 masked %reduce_max3A_137 : vector<16xf32>, vector<16xi1> -> vector<16xf32>
      %reduce_max3A_139 = vector.extract %reduce_max3A_138[15] : f32 from vector<16xf32>
      %broadcast_in_dim3A_140 = arith.constant 1073741824 : i32
      %broadcast_in_dim3A_141 = vector.broadcast %broadcast_in_dim3A_140 : i32 to vector<16xi32>
      %get3A_142 = arith.constant 0 : index
      %get3A_143 = tpu.vector_load %arg9[%get3A_142] {strides = array<i32>} : memref<256xf32, #tpu.memory_space<vmem>>, vector<16xf32>,
      %eq3A_144 = vector.broadcast %reduce_max3A_139 : f32 to vector<16xf32>
      %eq3A_145 = arith.cmpf oeq, %get3A_143, %eq3A_144 : vector<16xf32>
      %jit3A_146 = arith.constant 0 : i32
      %jit3A_147 = arith.constant 1073741824 : i32
      %broadcast_in_dim3A_148 = vector.broadcast %jit3A_146 : i32 to vector<16xi32>
      %broadcast_in_dim3A_149 = vector.broadcast %jit3A_147 : i32 to vector<16xi32>
      %select_n3A_150 = arith.select %eq3A_145, %broadcast_in_dim3A_148, %broadcast_in_dim3A_149 : vector<16xi1>, vector<16xi32>
      %min3A = arith.minsi %broadcast_in_dim3A_141, %select_n3A_150 : vector<16xi32>
      %get3A_151 = arith.constant 16 : index
      %get3A_152 = tpu.vector_load %arg9[%get3A_151] {strides = array<i32>} : memref<256xf32, #tpu.memory_space<vmem>>, vector<16xf32>,
      %eq3A_153 = vector.broadcast %reduce_max3A_139 : f32 to vector<16xf32>
      %eq3A_154 = arith.cmpf oeq, %get3A_152, %eq3A_153 : vector<16xf32>
      %jit3A_155 = arith.constant 1 : i32
      %jit3A_156 = arith.constant 1073741824 : i32
      %broadcast_in_dim3A_157 = vector.broadcast %jit3A_155 : i32 to vector<16xi32>
      %broadcast_in_dim3A_158 = vector.broadcast %jit3A_156 : i32 to vector<16xi32>
      %select_n3A_159 = arith.select %eq3A_154, %broadcast_in_dim3A_157, %broadcast_in_dim3A_158 : vector<16xi1>, vector<16xi32>
      %min3A_160 = arith.minsi %min3A, %select_n3A_159 : vector<16xi32>
      %get3A_161 = arith.constant 32 : index
      %get3A_162 = tpu.vector_load %arg9[%get3A_161] {strides = array<i32>} : memref<256xf32, #tpu.memory_space<vmem>>, vector<16xf32>,
      %eq3A_163 = vector.broadcast %reduce_max3A_139 : f32 to vector<16xf32>
      %eq3A_164 = arith.cmpf oeq, %get3A_162, %eq3A_163 : vector<16xf32>
      %jit3A_165 = arith.constant 2 : i32
      %jit3A_166 = arith.constant 1073741824 : i32
      %broadcast_in_dim3A_167 = vector.broadcast %jit3A_165 : i32 to vector<16xi32>
      %broadcast_in_dim3A_168 = vector.broadcast %jit3A_166 : i32 to vector<16xi32>
      %select_n3A_169 = arith.select %eq3A_164, %broadcast_in_dim3A_167, %broadcast_in_dim3A_168 : vector<16xi1>, vector<16xi32>
      %min3A_170 = arith.minsi %min3A_160, %select_n3A_169 : vector<16xi32>
      %get3A_171 = arith.constant 48 : index
      %get3A_172 = tpu.vector_load %arg9[%get3A_171] {strides = array<i32>} : memref<256xf32, #tpu.memory_space<vmem>>, vector<16xf32>,
      %eq3A_173 = vector.broadcast %reduce_max3A_139 : f32 to vector<16xf32>
      %eq3A_174 = arith.cmpf oeq, %get3A_172, %eq3A_173 : vector<16xf32>
      %jit3A_175 = arith.constant 3 : i32
      %jit3A_176 = arith.constant 1073741824 : i32
      %broadcast_in_dim3A_177 = vector.broadcast %jit3A_175 : i32 to vector<16xi32>
      %broadcast_in_dim3A_178 = vector.broadcast %jit3A_176 : i32 to vector<16xi32>
      %select_n3A_179 = arith.select %eq3A_174, %broadcast_in_dim3A_177, %broadcast_in_dim3A_178 : vector<16xi1>, vector<16xi32>
      %min3A_180 = arith.minsi %min3A_170, %select_n3A_179 : vector<16xi32>
      %get3A_181 = arith.constant 64 : index
      %get3A_182 = tpu.vector_load %arg9[%get3A_181] {strides = array<i32>} : memref<256xf32, #tpu.memory_space<vmem>>, vector<16xf32>,
      %eq3A_183 = vector.broadcast %reduce_max3A_139 : f32 to vector<16xf32>
      %eq3A_184 = arith.cmpf oeq, %get3A_182, %eq3A_183 : vector<16xf32>
      %jit3A_185 = arith.constant 4 : i32
      %jit3A_186 = arith.constant 1073741824 : i32
      %broadcast_in_dim3A_187 = vector.broadcast %jit3A_185 : i32 to vector<16xi32>
      %broadcast_in_dim3A_188 = vector.broadcast %jit3A_186 : i32 to vector<16xi32>
      %select_n3A_189 = arith.select %eq3A_184, %broadcast_in_dim3A_187, %broadcast_in_dim3A_188 : vector<16xi1>, vector<16xi32>
      %min3A_190 = arith.minsi %min3A_180, %select_n3A_189 : vector<16xi32>
      %get3A_191 = arith.constant 80 : index
      %get3A_192 = tpu.vector_load %arg9[%get3A_191] {strides = array<i32>} : memref<256xf32, #tpu.memory_space<vmem>>, vector<16xf32>,
      %eq3A_193 = vector.broadcast %reduce_max3A_139 : f32 to vector<16xf32>
      %eq3A_194 = arith.cmpf oeq, %get3A_192, %eq3A_193 : vector<16xf32>
      %jit3A_195 = arith.constant 5 : i32
      %jit3A_196 = arith.constant 1073741824 : i32
      %broadcast_in_dim3A_197 = vector.broadcast %jit3A_195 : i32 to vector<16xi32>
      %broadcast_in_dim3A_198 = vector.broadcast %jit3A_196 : i32 to vector<16xi32>
      %select_n3A_199 = arith.select %eq3A_194, %broadcast_in_dim3A_197, %broadcast_in_dim3A_198 : vector<16xi1>, vector<16xi32>
      %min3A_200 = arith.minsi %min3A_190, %select_n3A_199 : vector<16xi32>
      %get3A_201 = arith.constant 96 : index
      %get3A_202 = tpu.vector_load %arg9[%get3A_201] {strides = array<i32>} : memref<256xf32, #tpu.memory_space<vmem>>, vector<16xf32>,
      %eq3A_203 = vector.broadcast %reduce_max3A_139 : f32 to vector<16xf32>
      %eq3A_204 = arith.cmpf oeq, %get3A_202, %eq3A_203 : vector<16xf32>
      %jit3A_205 = arith.constant 6 : i32
      %jit3A_206 = arith.constant 1073741824 : i32
      %broadcast_in_dim3A_207 = vector.broadcast %jit3A_205 : i32 to vector<16xi32>
      %broadcast_in_dim3A_208 = vector.broadcast %jit3A_206 : i32 to vector<16xi32>
      %select_n3A_209 = arith.select %eq3A_204, %broadcast_in_dim3A_207, %broadcast_in_dim3A_208 : vector<16xi1>, vector<16xi32>
      %min3A_210 = arith.minsi %min3A_200, %select_n3A_209 : vector<16xi32>
      %get3A_211 = arith.constant 112 : index
      %get3A_212 = tpu.vector_load %arg9[%get3A_211] {strides = array<i32>} : memref<256xf32, #tpu.memory_space<vmem>>, vector<16xf32>,
      %eq3A_213 = vector.broadcast %reduce_max3A_139 : f32 to vector<16xf32>
      %eq3A_214 = arith.cmpf oeq, %get3A_212, %eq3A_213 : vector<16xf32>
      %jit3A_215 = arith.constant 7 : i32
      %jit3A_216 = arith.constant 1073741824 : i32
      %broadcast_in_dim3A_217 = vector.broadcast %jit3A_215 : i32 to vector<16xi32>
      %broadcast_in_dim3A_218 = vector.broadcast %jit3A_216 : i32 to vector<16xi32>
      %select_n3A_219 = arith.select %eq3A_214, %broadcast_in_dim3A_217, %broadcast_in_dim3A_218 : vector<16xi1>, vector<16xi32>
      %min3A_220 = arith.minsi %min3A_210, %select_n3A_219 : vector<16xi32>
      %get3A_221 = arith.constant 128 : index
      %get3A_222 = tpu.vector_load %arg9[%get3A_221] {strides = array<i32>} : memref<256xf32, #tpu.memory_space<vmem>>, vector<16xf32>,
      %eq3A_223 = vector.broadcast %reduce_max3A_139 : f32 to vector<16xf32>
      %eq3A_224 = arith.cmpf oeq, %get3A_222, %eq3A_223 : vector<16xf32>
      %jit3A_225 = arith.constant 8 : i32
      %jit3A_226 = arith.constant 1073741824 : i32
      %broadcast_in_dim3A_227 = vector.broadcast %jit3A_225 : i32 to vector<16xi32>
      %broadcast_in_dim3A_228 = vector.broadcast %jit3A_226 : i32 to vector<16xi32>
      %select_n3A_229 = arith.select %eq3A_224, %broadcast_in_dim3A_227, %broadcast_in_dim3A_228 : vector<16xi1>, vector<16xi32>
      %min3A_230 = arith.minsi %min3A_220, %select_n3A_229 : vector<16xi32>
      %get3A_231 = arith.constant 144 : index
      %get3A_232 = tpu.vector_load %arg9[%get3A_231] {strides = array<i32>} : memref<256xf32, #tpu.memory_space<vmem>>, vector<16xf32>,
      %eq3A_233 = vector.broadcast %reduce_max3A_139 : f32 to vector<16xf32>
      %eq3A_234 = arith.cmpf oeq, %get3A_232, %eq3A_233 : vector<16xf32>
      %jit3A_235 = arith.constant 9 : i32
      %jit3A_236 = arith.constant 1073741824 : i32
      %broadcast_in_dim3A_237 = vector.broadcast %jit3A_235 : i32 to vector<16xi32>
      %broadcast_in_dim3A_238 = vector.broadcast %jit3A_236 : i32 to vector<16xi32>
      %select_n3A_239 = arith.select %eq3A_234, %broadcast_in_dim3A_237, %broadcast_in_dim3A_238 : vector<16xi1>, vector<16xi32>
      %min3A_240 = arith.minsi %min3A_230, %select_n3A_239 : vector<16xi32>
      %get3A_241 = arith.constant 160 : index
      %get3A_242 = tpu.vector_load %arg9[%get3A_241] {strides = array<i32>} : memref<256xf32, #tpu.memory_space<vmem>>, vector<16xf32>,
      %eq3A_243 = vector.broadcast %reduce_max3A_139 : f32 to vector<16xf32>
      %eq3A_244 = arith.cmpf oeq, %get3A_242, %eq3A_243 : vector<16xf32>
      %jit3A_245 = arith.constant 10 : i32
      %jit3A_246 = arith.constant 1073741824 : i32
      %broadcast_in_dim3A_247 = vector.broadcast %jit3A_245 : i32 to vector<16xi32>
      %broadcast_in_dim3A_248 = vector.broadcast %jit3A_246 : i32 to vector<16xi32>
      %select_n3A_249 = arith.select %eq3A_244, %broadcast_in_dim3A_247, %broadcast_in_dim3A_248 : vector<16xi1>, vector<16xi32>
      %min3A_250 = arith.minsi %min3A_240, %select_n3A_249 : vector<16xi32>
      %get3A_251 = arith.constant 176 : index
      %get3A_252 = tpu.vector_load %arg9[%get3A_251] {strides = array<i32>} : memref<256xf32, #tpu.memory_space<vmem>>, vector<16xf32>,
      %eq3A_253 = vector.broadcast %reduce_max3A_139 : f32 to vector<16xf32>
      %eq3A_254 = arith.cmpf oeq, %get3A_252, %eq3A_253 : vector<16xf32>
      %jit3A_255 = arith.constant 11 : i32
      %jit3A_256 = arith.constant 1073741824 : i32
      %broadcast_in_dim3A_257 = vector.broadcast %jit3A_255 : i32 to vector<16xi32>
      %broadcast_in_dim3A_258 = vector.broadcast %jit3A_256 : i32 to vector<16xi32>
      %select_n3A_259 = arith.select %eq3A_254, %broadcast_in_dim3A_257, %broadcast_in_dim3A_258 : vector<16xi1>, vector<16xi32>
      %min3A_260 = arith.minsi %min3A_250, %select_n3A_259 : vector<16xi32>
      %get3A_261 = arith.constant 192 : index
      %get3A_262 = tpu.vector_load %arg9[%get3A_261] {strides = array<i32>} : memref<256xf32, #tpu.memory_space<vmem>>, vector<16xf32>,
      %eq3A_263 = vector.broadcast %reduce_max3A_139 : f32 to vector<16xf32>
      %eq3A_264 = arith.cmpf oeq, %get3A_262, %eq3A_263 : vector<16xf32>
      %jit3A_265 = arith.constant 12 : i32
      %jit3A_266 = arith.constant 1073741824 : i32
      %broadcast_in_dim3A_267 = vector.broadcast %jit3A_265 : i32 to vector<16xi32>
      %broadcast_in_dim3A_268 = vector.broadcast %jit3A_266 : i32 to vector<16xi32>
      %select_n3A_269 = arith.select %eq3A_264, %broadcast_in_dim3A_267, %broadcast_in_dim3A_268 : vector<16xi1>, vector<16xi32>
      %min3A_270 = arith.minsi %min3A_260, %select_n3A_269 : vector<16xi32>
      %get3A_271 = arith.constant 208 : index
      %get3A_272 = tpu.vector_load %arg9[%get3A_271] {strides = array<i32>} : memref<256xf32, #tpu.memory_space<vmem>>, vector<16xf32>,
      %eq3A_273 = vector.broadcast %reduce_max3A_139 : f32 to vector<16xf32>
      %eq3A_274 = arith.cmpf oeq, %get3A_272, %eq3A_273 : vector<16xf32>
      %jit3A_275 = arith.constant 13 : i32
      %jit3A_276 = arith.constant 1073741824 : i32
      %broadcast_in_dim3A_277 = vector.broadcast %jit3A_275 : i32 to vector<16xi32>
      %broadcast_in_dim3A_278 = vector.broadcast %jit3A_276 : i32 to vector<16xi32>
      %select_n3A_279 = arith.select %eq3A_274, %broadcast_in_dim3A_277, %broadcast_in_dim3A_278 : vector<16xi1>, vector<16xi32>
      %min3A_280 = arith.minsi %min3A_270, %select_n3A_279 : vector<16xi32>
      %get3A_281 = arith.constant 224 : index
      %get3A_282 = tpu.vector_load %arg9[%get3A_281] {strides = array<i32>} : memref<256xf32, #tpu.memory_space<vmem>>, vector<16xf32>,
      %eq3A_283 = vector.broadcast %reduce_max3A_139 : f32 to vector<16xf32>
      %eq3A_284 = arith.cmpf oeq, %get3A_282, %eq3A_283 : vector<16xf32>
      %jit3A_285 = arith.constant 14 : i32
      %jit3A_286 = arith.constant 1073741824 : i32
      %broadcast_in_dim3A_287 = vector.broadcast %jit3A_285 : i32 to vector<16xi32>
      %broadcast_in_dim3A_288 = vector.broadcast %jit3A_286 : i32 to vector<16xi32>
      %select_n3A_289 = arith.select %eq3A_284, %broadcast_in_dim3A_287, %broadcast_in_dim3A_288 : vector<16xi1>, vector<16xi32>
      %min3A_290 = arith.minsi %min3A_280, %select_n3A_289 : vector<16xi32>
      %get3A_291 = arith.constant 240 : index
      %get3A_292 = tpu.vector_load %arg9[%get3A_291] {strides = array<i32>} : memref<256xf32, #tpu.memory_space<vmem>>, vector<16xf32>,
      %eq3A_293 = vector.broadcast %reduce_max3A_139 : f32 to vector<16xf32>
      %eq3A_294 = arith.cmpf oeq, %get3A_292, %eq3A_293 : vector<16xf32>
      %jit3A_295 = arith.constant 15 : i32
      %jit3A_296 = arith.constant 1073741824 : i32
      %broadcast_in_dim3A_297 = vector.broadcast %jit3A_295 : i32 to vector<16xi32>
      %broadcast_in_dim3A_298 = vector.broadcast %jit3A_296 : i32 to vector<16xi32>
      %select_n3A_299 = arith.select %eq3A_294, %broadcast_in_dim3A_297, %broadcast_in_dim3A_298 : vector<16xi1>, vector<16xi32>
      %min3A_300 = arith.minsi %min3A_290, %select_n3A_299 : vector<16xi32>
      %reduce_min3A = arith.constant true
      %reduce_min3A_301 = vector.broadcast %reduce_min3A : i1 to vector<16xi1>
      %reduce_min3A_302 = arith.constant -2147483648 : i32
      %reduce_min3A_303 = vector.broadcast %reduce_min3A_302 : i32 to vector<16xi32>
      %reduce_min3A_304 = arith.xori %min3A_300, %reduce_min3A_303 : vector<16xi32>
      %reduce_min3A_305 = tpu.scan <min>, %reduce_min3A_304 masked %reduce_min3A_301 : vector<16xi32>, vector<16xi1> -> vector<16xi32>
      %reduce_min3A_306 = arith.xori %reduce_min3A_305, %reduce_min3A_303 : vector<16xi32>
      %reduce_min3A_307 = vector.extract %reduce_min3A_306[15] : i32 from vector<16xi32>
      %broadcast_in_dim3A_308 = arith.constant 1073741824 : i32
      %broadcast_in_dim3A_309 = vector.broadcast %broadcast_in_dim3A_308 : i32 to vector<16xi32>
      %mul3A_310 = arith.constant 16 : i32
      %mul3A_311 = arith.muli %reduce_min3A_307, %mul3A_310 : i32
      %add3A_312 = arith.constant 0 : i32
      %add3A_313 = arith.addi %mul3A_311, %add3A_312 : i32
      %mul3A_314 = arith.constant 16 : i32
      %mul3A_315 = arith.muli %add3A_313, %mul3A_314 : i32
      %get3A_316 = arith.index_cast %mul3A_315 : i32 to index
      %get3A_317 = tpu.vector_load %arg8[%get3A_316] {strides = array<i32>} : memref<4096xf32, #tpu.memory_space<vmem>>, vector<16xf32>,
      %eq3A_318 = vector.broadcast %reduce_max3A_139 : f32 to vector<16xf32>
      %eq3A_319 = arith.cmpf oeq, %get3A_317, %eq3A_318 : vector<16xf32>
      %add3A_320 = arith.constant 0 : i32
      %add3A_321 = arith.addi %mul3A_311, %add3A_320 : i32
      %jit3A_322 = arith.constant 1073741824 : i32
      %broadcast_in_dim3A_323 = vector.broadcast %add3A_321 : i32 to vector<16xi32>
      %broadcast_in_dim3A_324 = vector.broadcast %jit3A_322 : i32 to vector<16xi32>
      %select_n3A_325 = arith.select %eq3A_319, %broadcast_in_dim3A_323, %broadcast_in_dim3A_324 : vector<16xi1>, vector<16xi32>
      %min3A_326 = arith.minsi %broadcast_in_dim3A_309, %select_n3A_325 : vector<16xi32>
      %add3A_327 = arith.constant 1 : i32
      %add3A_328 = arith.addi %mul3A_311, %add3A_327 : i32
      %mul3A_329 = arith.constant 16 : i32
      %mul3A_330 = arith.muli %add3A_328, %mul3A_329 : i32
      %get3A_331 = arith.index_cast %mul3A_330 : i32 to index
      %get3A_332 = tpu.vector_load %arg8[%get3A_331] {strides = array<i32>} : memref<4096xf32, #tpu.memory_space<vmem>>, vector<16xf32>,
      %eq3A_333 = vector.broadcast %reduce_max3A_139 : f32 to vector<16xf32>
      %eq3A_334 = arith.cmpf oeq, %get3A_332, %eq3A_333 : vector<16xf32>
      %add3A_335 = arith.constant 1 : i32
      %add3A_336 = arith.addi %mul3A_311, %add3A_335 : i32
      %jit3A_337 = arith.constant 1073741824 : i32
      %broadcast_in_dim3A_338 = vector.broadcast %add3A_336 : i32 to vector<16xi32>
      %broadcast_in_dim3A_339 = vector.broadcast %jit3A_337 : i32 to vector<16xi32>
      %select_n3A_340 = arith.select %eq3A_334, %broadcast_in_dim3A_338, %broadcast_in_dim3A_339 : vector<16xi1>, vector<16xi32>
      %min3A_341 = arith.minsi %min3A_326, %select_n3A_340 : vector<16xi32>
      %add3A_342 = arith.constant 2 : i32
      %add3A_343 = arith.addi %mul3A_311, %add3A_342 : i32
      %mul3A_344 = arith.constant 16 : i32
      %mul3A_345 = arith.muli %add3A_343, %mul3A_344 : i32
      %get3A_346 = arith.index_cast %mul3A_345 : i32 to index
      %get3A_347 = tpu.vector_load %arg8[%get3A_346] {strides = array<i32>} : memref<4096xf32, #tpu.memory_space<vmem>>, vector<16xf32>,
      %eq3A_348 = vector.broadcast %reduce_max3A_139 : f32 to vector<16xf32>
      %eq3A_349 = arith.cmpf oeq, %get3A_347, %eq3A_348 : vector<16xf32>
      %add3A_350 = arith.constant 2 : i32
      %add3A_351 = arith.addi %mul3A_311, %add3A_350 : i32
      %jit3A_352 = arith.constant 1073741824 : i32
      %broadcast_in_dim3A_353 = vector.broadcast %add3A_351 : i32 to vector<16xi32>
      %broadcast_in_dim3A_354 = vector.broadcast %jit3A_352 : i32 to vector<16xi32>
      %select_n3A_355 = arith.select %eq3A_349, %broadcast_in_dim3A_353, %broadcast_in_dim3A_354 : vector<16xi1>, vector<16xi32>
      %min3A_356 = arith.minsi %min3A_341, %select_n3A_355 : vector<16xi32>
      %add3A_357 = arith.constant 3 : i32
      %add3A_358 = arith.addi %mul3A_311, %add3A_357 : i32
      %mul3A_359 = arith.constant 16 : i32
      %mul3A_360 = arith.muli %add3A_358, %mul3A_359 : i32
      %get3A_361 = arith.index_cast %mul3A_360 : i32 to index
      %get3A_362 = tpu.vector_load %arg8[%get3A_361] {strides = array<i32>} : memref<4096xf32, #tpu.memory_space<vmem>>, vector<16xf32>,
      %eq3A_363 = vector.broadcast %reduce_max3A_139 : f32 to vector<16xf32>
      %eq3A_364 = arith.cmpf oeq, %get3A_362, %eq3A_363 : vector<16xf32>
      %add3A_365 = arith.constant 3 : i32
      %add3A_366 = arith.addi %mul3A_311, %add3A_365 : i32
      %jit3A_367 = arith.constant 1073741824 : i32
      %broadcast_in_dim3A_368 = vector.broadcast %add3A_366 : i32 to vector<16xi32>
      %broadcast_in_dim3A_369 = vector.broadcast %jit3A_367 : i32 to vector<16xi32>
      %select_n3A_370 = arith.select %eq3A_364, %broadcast_in_dim3A_368, %broadcast_in_dim3A_369 : vector<16xi1>, vector<16xi32>
      %min3A_371 = arith.minsi %min3A_356, %select_n3A_370 : vector<16xi32>
      %add3A_372 = arith.constant 4 : i32
      %add3A_373 = arith.addi %mul3A_311, %add3A_372 : i32
      %mul3A_374 = arith.constant 16 : i32
      %mul3A_375 = arith.muli %add3A_373, %mul3A_374 : i32
      %get3A_376 = arith.index_cast %mul3A_375 : i32 to index
      %get3A_377 = tpu.vector_load %arg8[%get3A_376] {strides = array<i32>} : memref<4096xf32, #tpu.memory_space<vmem>>, vector<16xf32>,
      %eq3A_378 = vector.broadcast %reduce_max3A_139 : f32 to vector<16xf32>
      %eq3A_379 = arith.cmpf oeq, %get3A_377, %eq3A_378 : vector<16xf32>
      %add3A_380 = arith.constant 4 : i32
      %add3A_381 = arith.addi %mul3A_311, %add3A_380 : i32
      %jit3A_382 = arith.constant 1073741824 : i32
      %broadcast_in_dim3A_383 = vector.broadcast %add3A_381 : i32 to vector<16xi32>
      %broadcast_in_dim3A_384 = vector.broadcast %jit3A_382 : i32 to vector<16xi32>
      %select_n3A_385 = arith.select %eq3A_379, %broadcast_in_dim3A_383, %broadcast_in_dim3A_384 : vector<16xi1>, vector<16xi32>
      %min3A_386 = arith.minsi %min3A_371, %select_n3A_385 : vector<16xi32>
      %add3A_387 = arith.constant 5 : i32
      %add3A_388 = arith.addi %mul3A_311, %add3A_387 : i32
      %mul3A_389 = arith.constant 16 : i32
      %mul3A_390 = arith.muli %add3A_388, %mul3A_389 : i32
      %get3A_391 = arith.index_cast %mul3A_390 : i32 to index
      %get3A_392 = tpu.vector_load %arg8[%get3A_391] {strides = array<i32>} : memref<4096xf32, #tpu.memory_space<vmem>>, vector<16xf32>,
      %eq3A_393 = vector.broadcast %reduce_max3A_139 : f32 to vector<16xf32>
      %eq3A_394 = arith.cmpf oeq, %get3A_392, %eq3A_393 : vector<16xf32>
      %add3A_395 = arith.constant 5 : i32
      %add3A_396 = arith.addi %mul3A_311, %add3A_395 : i32
      %jit3A_397 = arith.constant 1073741824 : i32
      %broadcast_in_dim3A_398 = vector.broadcast %add3A_396 : i32 to vector<16xi32>
      %broadcast_in_dim3A_399 = vector.broadcast %jit3A_397 : i32 to vector<16xi32>
      %select_n3A_400 = arith.select %eq3A_394, %broadcast_in_dim3A_398, %broadcast_in_dim3A_399 : vector<16xi1>, vector<16xi32>
      %min3A_401 = arith.minsi %min3A_386, %select_n3A_400 : vector<16xi32>
      %add3A_402 = arith.constant 6 : i32
      %add3A_403 = arith.addi %mul3A_311, %add3A_402 : i32
      %mul3A_404 = arith.constant 16 : i32
      %mul3A_405 = arith.muli %add3A_403, %mul3A_404 : i32
      %get3A_406 = arith.index_cast %mul3A_405 : i32 to index
      %get3A_407 = tpu.vector_load %arg8[%get3A_406] {strides = array<i32>} : memref<4096xf32, #tpu.memory_space<vmem>>, vector<16xf32>,
      %eq3A_408 = vector.broadcast %reduce_max3A_139 : f32 to vector<16xf32>
      %eq3A_409 = arith.cmpf oeq, %get3A_407, %eq3A_408 : vector<16xf32>
      %add3A_410 = arith.constant 6 : i32
      %add3A_411 = arith.addi %mul3A_311, %add3A_410 : i32
      %jit3A_412 = arith.constant 1073741824 : i32
      %broadcast_in_dim3A_413 = vector.broadcast %add3A_411 : i32 to vector<16xi32>
      %broadcast_in_dim3A_414 = vector.broadcast %jit3A_412 : i32 to vector<16xi32>
      %select_n3A_415 = arith.select %eq3A_409, %broadcast_in_dim3A_413, %broadcast_in_dim3A_414 : vector<16xi1>, vector<16xi32>
      %min3A_416 = arith.minsi %min3A_401, %select_n3A_415 : vector<16xi32>
      %add3A_417 = arith.constant 7 : i32
      %add3A_418 = arith.addi %mul3A_311, %add3A_417 : i32
      %mul3A_419 = arith.constant 16 : i32
      %mul3A_420 = arith.muli %add3A_418, %mul3A_419 : i32
      %get3A_421 = arith.index_cast %mul3A_420 : i32 to index
      %get3A_422 = tpu.vector_load %arg8[%get3A_421] {strides = array<i32>} : memref<4096xf32, #tpu.memory_space<vmem>>, vector<16xf32>,
      %eq3A_423 = vector.broadcast %reduce_max3A_139 : f32 to vector<16xf32>
      %eq3A_424 = arith.cmpf oeq, %get3A_422, %eq3A_423 : vector<16xf32>
      %add3A_425 = arith.constant 7 : i32
      %add3A_426 = arith.addi %mul3A_311, %add3A_425 : i32
      %jit3A_427 = arith.constant 1073741824 : i32
      %broadcast_in_dim3A_428 = vector.broadcast %add3A_426 : i32 to vector<16xi32>
      %broadcast_in_dim3A_429 = vector.broadcast %jit3A_427 : i32 to vector<16xi32>
      %select_n3A_430 = arith.select %eq3A_424, %broadcast_in_dim3A_428, %broadcast_in_dim3A_429 : vector<16xi1>, vector<16xi32>
      %min3A_431 = arith.minsi %min3A_416, %select_n3A_430 : vector<16xi32>
      %add3A_432 = arith.constant 8 : i32
      %add3A_433 = arith.addi %mul3A_311, %add3A_432 : i32
      %mul3A_434 = arith.constant 16 : i32
      %mul3A_435 = arith.muli %add3A_433, %mul3A_434 : i32
      %get3A_436 = arith.index_cast %mul3A_435 : i32 to index
      %get3A_437 = tpu.vector_load %arg8[%get3A_436] {strides = array<i32>} : memref<4096xf32, #tpu.memory_space<vmem>>, vector<16xf32>,
      %eq3A_438 = vector.broadcast %reduce_max3A_139 : f32 to vector<16xf32>
      %eq3A_439 = arith.cmpf oeq, %get3A_437, %eq3A_438 : vector<16xf32>
      %add3A_440 = arith.constant 8 : i32
      %add3A_441 = arith.addi %mul3A_311, %add3A_440 : i32
      %jit3A_442 = arith.constant 1073741824 : i32
      %broadcast_in_dim3A_443 = vector.broadcast %add3A_441 : i32 to vector<16xi32>
      %broadcast_in_dim3A_444 = vector.broadcast %jit3A_442 : i32 to vector<16xi32>
      %select_n3A_445 = arith.select %eq3A_439, %broadcast_in_dim3A_443, %broadcast_in_dim3A_444 : vector<16xi1>, vector<16xi32>
      %min3A_446 = arith.minsi %min3A_431, %select_n3A_445 : vector<16xi32>
      %add3A_447 = arith.constant 9 : i32
      %add3A_448 = arith.addi %mul3A_311, %add3A_447 : i32
      %mul3A_449 = arith.constant 16 : i32
      %mul3A_450 = arith.muli %add3A_448, %mul3A_449 : i32
      %get3A_451 = arith.index_cast %mul3A_450 : i32 to index
      %get3A_452 = tpu.vector_load %arg8[%get3A_451] {strides = array<i32>} : memref<4096xf32, #tpu.memory_space<vmem>>, vector<16xf32>,
      %eq3A_453 = vector.broadcast %reduce_max3A_139 : f32 to vector<16xf32>
      %eq3A_454 = arith.cmpf oeq, %get3A_452, %eq3A_453 : vector<16xf32>
      %add3A_455 = arith.constant 9 : i32
      %add3A_456 = arith.addi %mul3A_311, %add3A_455 : i32
      %jit3A_457 = arith.constant 1073741824 : i32
      %broadcast_in_dim3A_458 = vector.broadcast %add3A_456 : i32 to vector<16xi32>
      %broadcast_in_dim3A_459 = vector.broadcast %jit3A_457 : i32 to vector<16xi32>
      %select_n3A_460 = arith.select %eq3A_454, %broadcast_in_dim3A_458, %broadcast_in_dim3A_459 : vector<16xi1>, vector<16xi32>
      %min3A_461 = arith.minsi %min3A_446, %select_n3A_460 : vector<16xi32>
      %add3A_462 = arith.constant 10 : i32
      %add3A_463 = arith.addi %mul3A_311, %add3A_462 : i32
      %mul3A_464 = arith.constant 16 : i32
      %mul3A_465 = arith.muli %add3A_463, %mul3A_464 : i32
      %get3A_466 = arith.index_cast %mul3A_465 : i32 to index
      %get3A_467 = tpu.vector_load %arg8[%get3A_466] {strides = array<i32>} : memref<4096xf32, #tpu.memory_space<vmem>>, vector<16xf32>,
      %eq3A_468 = vector.broadcast %reduce_max3A_139 : f32 to vector<16xf32>
      %eq3A_469 = arith.cmpf oeq, %get3A_467, %eq3A_468 : vector<16xf32>
      %add3A_470 = arith.constant 10 : i32
      %add3A_471 = arith.addi %mul3A_311, %add3A_470 : i32
      %jit3A_472 = arith.constant 1073741824 : i32
      %broadcast_in_dim3A_473 = vector.broadcast %add3A_471 : i32 to vector<16xi32>
      %broadcast_in_dim3A_474 = vector.broadcast %jit3A_472 : i32 to vector<16xi32>
      %select_n3A_475 = arith.select %eq3A_469, %broadcast_in_dim3A_473, %broadcast_in_dim3A_474 : vector<16xi1>, vector<16xi32>
      %min3A_476 = arith.minsi %min3A_461, %select_n3A_475 : vector<16xi32>
      %add3A_477 = arith.constant 11 : i32
      %add3A_478 = arith.addi %mul3A_311, %add3A_477 : i32
      %mul3A_479 = arith.constant 16 : i32
      %mul3A_480 = arith.muli %add3A_478, %mul3A_479 : i32
      %get3A_481 = arith.index_cast %mul3A_480 : i32 to index
      %get3A_482 = tpu.vector_load %arg8[%get3A_481] {strides = array<i32>} : memref<4096xf32, #tpu.memory_space<vmem>>, vector<16xf32>,
      %eq3A_483 = vector.broadcast %reduce_max3A_139 : f32 to vector<16xf32>
      %eq3A_484 = arith.cmpf oeq, %get3A_482, %eq3A_483 : vector<16xf32>
      %add3A_485 = arith.constant 11 : i32
      %add3A_486 = arith.addi %mul3A_311, %add3A_485 : i32
      %jit3A_487 = arith.constant 1073741824 : i32
      %broadcast_in_dim3A_488 = vector.broadcast %add3A_486 : i32 to vector<16xi32>
      %broadcast_in_dim3A_489 = vector.broadcast %jit3A_487 : i32 to vector<16xi32>
      %select_n3A_490 = arith.select %eq3A_484, %broadcast_in_dim3A_488, %broadcast_in_dim3A_489 : vector<16xi1>, vector<16xi32>
      %min3A_491 = arith.minsi %min3A_476, %select_n3A_490 : vector<16xi32>
      %add3A_492 = arith.constant 12 : i32
      %add3A_493 = arith.addi %mul3A_311, %add3A_492 : i32
      %mul3A_494 = arith.constant 16 : i32
      %mul3A_495 = arith.muli %add3A_493, %mul3A_494 : i32
      %get3A_496 = arith.index_cast %mul3A_495 : i32 to index
      %get3A_497 = tpu.vector_load %arg8[%get3A_496] {strides = array<i32>} : memref<4096xf32, #tpu.memory_space<vmem>>, vector<16xf32>,
      %eq3A_498 = vector.broadcast %reduce_max3A_139 : f32 to vector<16xf32>
      %eq3A_499 = arith.cmpf oeq, %get3A_497, %eq3A_498 : vector<16xf32>
      %add3A_500 = arith.constant 12 : i32
      %add3A_501 = arith.addi %mul3A_311, %add3A_500 : i32
      %jit3A_502 = arith.constant 1073741824 : i32
      %broadcast_in_dim3A_503 = vector.broadcast %add3A_501 : i32 to vector<16xi32>
      %broadcast_in_dim3A_504 = vector.broadcast %jit3A_502 : i32 to vector<16xi32>
      %select_n3A_505 = arith.select %eq3A_499, %broadcast_in_dim3A_503, %broadcast_in_dim3A_504 : vector<16xi1>, vector<16xi32>
      %min3A_506 = arith.minsi %min3A_491, %select_n3A_505 : vector<16xi32>
      %add3A_507 = arith.constant 13 : i32
      %add3A_508 = arith.addi %mul3A_311, %add3A_507 : i32
      %mul3A_509 = arith.constant 16 : i32
      %mul3A_510 = arith.muli %add3A_508, %mul3A_509 : i32
      %get3A_511 = arith.index_cast %mul3A_510 : i32 to index
      %get3A_512 = tpu.vector_load %arg8[%get3A_511] {strides = array<i32>} : memref<4096xf32, #tpu.memory_space<vmem>>, vector<16xf32>,
      %eq3A_513 = vector.broadcast %reduce_max3A_139 : f32 to vector<16xf32>
      %eq3A_514 = arith.cmpf oeq, %get3A_512, %eq3A_513 : vector<16xf32>
      %add3A_515 = arith.constant 13 : i32
      %add3A_516 = arith.addi %mul3A_311, %add3A_515 : i32
      %jit3A_517 = arith.constant 1073741824 : i32
      %broadcast_in_dim3A_518 = vector.broadcast %add3A_516 : i32 to vector<16xi32>
      %broadcast_in_dim3A_519 = vector.broadcast %jit3A_517 : i32 to vector<16xi32>
      %select_n3A_520 = arith.select %eq3A_514, %broadcast_in_dim3A_518, %broadcast_in_dim3A_519 : vector<16xi1>, vector<16xi32>
      %min3A_521 = arith.minsi %min3A_506, %select_n3A_520 : vector<16xi32>
      %add3A_522 = arith.constant 14 : i32
      %add3A_523 = arith.addi %mul3A_311, %add3A_522 : i32
      %mul3A_524 = arith.constant 16 : i32
      %mul3A_525 = arith.muli %add3A_523, %mul3A_524 : i32
      %get3A_526 = arith.index_cast %mul3A_525 : i32 to index
      %get3A_527 = tpu.vector_load %arg8[%get3A_526] {strides = array<i32>} : memref<4096xf32, #tpu.memory_space<vmem>>, vector<16xf32>,
      %eq3A_528 = vector.broadcast %reduce_max3A_139 : f32 to vector<16xf32>
      %eq3A_529 = arith.cmpf oeq, %get3A_527, %eq3A_528 : vector<16xf32>
      %add3A_530 = arith.constant 14 : i32
      %add3A_531 = arith.addi %mul3A_311, %add3A_530 : i32
      %jit3A_532 = arith.constant 1073741824 : i32
      %broadcast_in_dim3A_533 = vector.broadcast %add3A_531 : i32 to vector<16xi32>
      %broadcast_in_dim3A_534 = vector.broadcast %jit3A_532 : i32 to vector<16xi32>
      %select_n3A_535 = arith.select %eq3A_529, %broadcast_in_dim3A_533, %broadcast_in_dim3A_534 : vector<16xi1>, vector<16xi32>
      %min3A_536 = arith.minsi %min3A_521, %select_n3A_535 : vector<16xi32>
      %add3A_537 = arith.constant 15 : i32
      %add3A_538 = arith.addi %mul3A_311, %add3A_537 : i32
      %mul3A_539 = arith.constant 16 : i32
      %mul3A_540 = arith.muli %add3A_538, %mul3A_539 : i32
      %get3A_541 = arith.index_cast %mul3A_540 : i32 to index
      %get3A_542 = tpu.vector_load %arg8[%get3A_541] {strides = array<i32>} : memref<4096xf32, #tpu.memory_space<vmem>>, vector<16xf32>,
      %eq3A_543 = vector.broadcast %reduce_max3A_139 : f32 to vector<16xf32>
      %eq3A_544 = arith.cmpf oeq, %get3A_542, %eq3A_543 : vector<16xf32>
      %add3A_545 = arith.constant 15 : i32
      %add3A_546 = arith.addi %mul3A_311, %add3A_545 : i32
      %jit3A_547 = arith.constant 1073741824 : i32
      %broadcast_in_dim3A_548 = vector.broadcast %add3A_546 : i32 to vector<16xi32>
      %broadcast_in_dim3A_549 = vector.broadcast %jit3A_547 : i32 to vector<16xi32>
      %select_n3A_550 = arith.select %eq3A_544, %broadcast_in_dim3A_548, %broadcast_in_dim3A_549 : vector<16xi1>, vector<16xi32>
      %min3A_551 = arith.minsi %min3A_536, %select_n3A_550 : vector<16xi32>
      %reduce_min3A_552 = arith.constant true
      %reduce_min3A_553 = vector.broadcast %reduce_min3A_552 : i1 to vector<16xi1>
      %reduce_min3A_554 = arith.constant -2147483648 : i32
      %reduce_min3A_555 = vector.broadcast %reduce_min3A_554 : i32 to vector<16xi32>
      %reduce_min3A_556 = arith.xori %min3A_551, %reduce_min3A_555 : vector<16xi32>
      %reduce_min3A_557 = tpu.scan <min>, %reduce_min3A_556 masked %reduce_min3A_553 : vector<16xi32>, vector<16xi1> -> vector<16xi32>
      %reduce_min3A_558 = arith.xori %reduce_min3A_557, %reduce_min3A_555 : vector<16xi32>
      %reduce_min3A_559 = vector.extract %reduce_min3A_558[15] : i32 from vector<16xi32>
      %mul3A_560 = arith.constant 400 : i32
      %mul3A_561 = arith.muli %reduce_min3A_559, %mul3A_560 : i32
      %broadcast_in_dim3A_562 = arith.constant 1073741824 : i32
      %broadcast_in_dim3A_563 = vector.broadcast %broadcast_in_dim3A_562 : i32 to vector<16xi32>
      %add3A_564 = arith.constant 0 : i32
      %add3A_565 = arith.addi %mul3A_561, %add3A_564 : i32
      %get3A_566 = arith.index_cast %add3A_565 : i32 to index
      %get3A_567 = tpu.vector_load %arg7[%get3A_566] {strides = array<i32>} : memref<100000xf32, #tpu.memory_space<vmem>>, vector<16xf32>,
      %eq3A_568 = vector.broadcast %reduce_max3A_139 : f32 to vector<16xf32>
      %eq3A_569 = arith.cmpf oeq, %get3A_567, %eq3A_568 : vector<16xf32>
      %add3A_570 = vector.broadcast %add3A_565 : i32 to vector<16xi32>
      %add3A_571 = arith.addi %add3A_570, %iota3A : vector<16xi32>
      %jit3A_572 = arith.constant 1073741824 : i32
      %broadcast_in_dim3A_573 = vector.broadcast %jit3A_572 : i32 to vector<16xi32>
      %select_n3A_574 = arith.select %eq3A_569, %add3A_571, %broadcast_in_dim3A_573 : vector<16xi1>, vector<16xi32>
      %min3A_575 = arith.minsi %broadcast_in_dim3A_563, %select_n3A_574 : vector<16xi32>
      %add3A_576 = arith.constant 16 : i32
      %add3A_577 = arith.addi %mul3A_561, %add3A_576 : i32
      %get3A_578 = arith.index_cast %add3A_577 : i32 to index
      %get3A_579 = tpu.vector_load %arg7[%get3A_578] {strides = array<i32>} : memref<100000xf32, #tpu.memory_space<vmem>>, vector<16xf32>,
      %eq3A_580 = vector.broadcast %reduce_max3A_139 : f32 to vector<16xf32>
      %eq3A_581 = arith.cmpf oeq, %get3A_579, %eq3A_580 : vector<16xf32>
      %add3A_582 = vector.broadcast %add3A_577 : i32 to vector<16xi32>
      %add3A_583 = arith.addi %add3A_582, %iota3A : vector<16xi32>
      %jit3A_584 = arith.constant 1073741824 : i32
      %broadcast_in_dim3A_585 = vector.broadcast %jit3A_584 : i32 to vector<16xi32>
      %select_n3A_586 = arith.select %eq3A_581, %add3A_583, %broadcast_in_dim3A_585 : vector<16xi1>, vector<16xi32>
      %min3A_587 = arith.minsi %min3A_575, %select_n3A_586 : vector<16xi32>
      %add3A_588 = arith.constant 32 : i32
      %add3A_589 = arith.addi %mul3A_561, %add3A_588 : i32
      %get3A_590 = arith.index_cast %add3A_589 : i32 to index
      %get3A_591 = tpu.vector_load %arg7[%get3A_590] {strides = array<i32>} : memref<100000xf32, #tpu.memory_space<vmem>>, vector<16xf32>,
      %eq3A_592 = vector.broadcast %reduce_max3A_139 : f32 to vector<16xf32>
      %eq3A_593 = arith.cmpf oeq, %get3A_591, %eq3A_592 : vector<16xf32>
      %add3A_594 = vector.broadcast %add3A_589 : i32 to vector<16xi32>
      %add3A_595 = arith.addi %add3A_594, %iota3A : vector<16xi32>
      %jit3A_596 = arith.constant 1073741824 : i32
      %broadcast_in_dim3A_597 = vector.broadcast %jit3A_596 : i32 to vector<16xi32>
      %select_n3A_598 = arith.select %eq3A_593, %add3A_595, %broadcast_in_dim3A_597 : vector<16xi1>, vector<16xi32>
      %min3A_599 = arith.minsi %min3A_587, %select_n3A_598 : vector<16xi32>
      %add3A_600 = arith.constant 48 : i32
      %add3A_601 = arith.addi %mul3A_561, %add3A_600 : i32
      %get3A_602 = arith.index_cast %add3A_601 : i32 to index
      %get3A_603 = tpu.vector_load %arg7[%get3A_602] {strides = array<i32>} : memref<100000xf32, #tpu.memory_space<vmem>>, vector<16xf32>,
      %eq3A_604 = vector.broadcast %reduce_max3A_139 : f32 to vector<16xf32>
      %eq3A_605 = arith.cmpf oeq, %get3A_603, %eq3A_604 : vector<16xf32>
      %add3A_606 = vector.broadcast %add3A_601 : i32 to vector<16xi32>
      %add3A_607 = arith.addi %add3A_606, %iota3A : vector<16xi32>
      %jit3A_608 = arith.constant 1073741824 : i32
      %broadcast_in_dim3A_609 = vector.broadcast %jit3A_608 : i32 to vector<16xi32>
      %select_n3A_610 = arith.select %eq3A_605, %add3A_607, %broadcast_in_dim3A_609 : vector<16xi1>, vector<16xi32>
      %min3A_611 = arith.minsi %min3A_599, %select_n3A_610 : vector<16xi32>
      %add3A_612 = arith.constant 64 : i32
      %add3A_613 = arith.addi %mul3A_561, %add3A_612 : i32
      %get3A_614 = arith.index_cast %add3A_613 : i32 to index
      %get3A_615 = tpu.vector_load %arg7[%get3A_614] {strides = array<i32>} : memref<100000xf32, #tpu.memory_space<vmem>>, vector<16xf32>,
      %eq3A_616 = vector.broadcast %reduce_max3A_139 : f32 to vector<16xf32>
      %eq3A_617 = arith.cmpf oeq, %get3A_615, %eq3A_616 : vector<16xf32>
      %add3A_618 = vector.broadcast %add3A_613 : i32 to vector<16xi32>
      %add3A_619 = arith.addi %add3A_618, %iota3A : vector<16xi32>
      %jit3A_620 = arith.constant 1073741824 : i32
      %broadcast_in_dim3A_621 = vector.broadcast %jit3A_620 : i32 to vector<16xi32>
      %select_n3A_622 = arith.select %eq3A_617, %add3A_619, %broadcast_in_dim3A_621 : vector<16xi1>, vector<16xi32>
      %min3A_623 = arith.minsi %min3A_611, %select_n3A_622 : vector<16xi32>
      %add3A_624 = arith.constant 80 : i32
      %add3A_625 = arith.addi %mul3A_561, %add3A_624 : i32
      %get3A_626 = arith.index_cast %add3A_625 : i32 to index
      %get3A_627 = tpu.vector_load %arg7[%get3A_626] {strides = array<i32>} : memref<100000xf32, #tpu.memory_space<vmem>>, vector<16xf32>,
      %eq3A_628 = vector.broadcast %reduce_max3A_139 : f32 to vector<16xf32>
      %eq3A_629 = arith.cmpf oeq, %get3A_627, %eq3A_628 : vector<16xf32>
      %add3A_630 = vector.broadcast %add3A_625 : i32 to vector<16xi32>
      %add3A_631 = arith.addi %add3A_630, %iota3A : vector<16xi32>
      %jit3A_632 = arith.constant 1073741824 : i32
      %broadcast_in_dim3A_633 = vector.broadcast %jit3A_632 : i32 to vector<16xi32>
      %select_n3A_634 = arith.select %eq3A_629, %add3A_631, %broadcast_in_dim3A_633 : vector<16xi1>, vector<16xi32>
      %min3A_635 = arith.minsi %min3A_623, %select_n3A_634 : vector<16xi32>
      %add3A_636 = arith.constant 96 : i32
      %add3A_637 = arith.addi %mul3A_561, %add3A_636 : i32
      %get3A_638 = arith.index_cast %add3A_637 : i32 to index
      %get3A_639 = tpu.vector_load %arg7[%get3A_638] {strides = array<i32>} : memref<100000xf32, #tpu.memory_space<vmem>>, vector<16xf32>,
      %eq3A_640 = vector.broadcast %reduce_max3A_139 : f32 to vector<16xf32>
      %eq3A_641 = arith.cmpf oeq, %get3A_639, %eq3A_640 : vector<16xf32>
      %add3A_642 = vector.broadcast %add3A_637 : i32 to vector<16xi32>
      %add3A_643 = arith.addi %add3A_642, %iota3A : vector<16xi32>
      %jit3A_644 = arith.constant 1073741824 : i32
      %broadcast_in_dim3A_645 = vector.broadcast %jit3A_644 : i32 to vector<16xi32>
      %select_n3A_646 = arith.select %eq3A_641, %add3A_643, %broadcast_in_dim3A_645 : vector<16xi1>, vector<16xi32>
      %min3A_647 = arith.minsi %min3A_635, %select_n3A_646 : vector<16xi32>
      %add3A_648 = arith.constant 112 : i32
      %add3A_649 = arith.addi %mul3A_561, %add3A_648 : i32
      %get3A_650 = arith.index_cast %add3A_649 : i32 to index
      %get3A_651 = tpu.vector_load %arg7[%get3A_650] {strides = array<i32>} : memref<100000xf32, #tpu.memory_space<vmem>>, vector<16xf32>,
      %eq3A_652 = vector.broadcast %reduce_max3A_139 : f32 to vector<16xf32>
      %eq3A_653 = arith.cmpf oeq, %get3A_651, %eq3A_652 : vector<16xf32>
      %add3A_654 = vector.broadcast %add3A_649 : i32 to vector<16xi32>
      %add3A_655 = arith.addi %add3A_654, %iota3A : vector<16xi32>
      %jit3A_656 = arith.constant 1073741824 : i32
      %broadcast_in_dim3A_657 = vector.broadcast %jit3A_656 : i32 to vector<16xi32>
      %select_n3A_658 = arith.select %eq3A_653, %add3A_655, %broadcast_in_dim3A_657 : vector<16xi1>, vector<16xi32>
      %min3A_659 = arith.minsi %min3A_647, %select_n3A_658 : vector<16xi32>
      %add3A_660 = arith.constant 128 : i32
      %add3A_661 = arith.addi %mul3A_561, %add3A_660 : i32
      %get3A_662 = arith.index_cast %add3A_661 : i32 to index
      %get3A_663 = tpu.vector_load %arg7[%get3A_662] {strides = array<i32>} : memref<100000xf32, #tpu.memory_space<vmem>>, vector<16xf32>,
      %eq3A_664 = vector.broadcast %reduce_max3A_139 : f32 to vector<16xf32>
      %eq3A_665 = arith.cmpf oeq, %get3A_663, %eq3A_664 : vector<16xf32>
      %add3A_666 = vector.broadcast %add3A_661 : i32 to vector<16xi32>
      %add3A_667 = arith.addi %add3A_666, %iota3A : vector<16xi32>
      %jit3A_668 = arith.constant 1073741824 : i32
      %broadcast_in_dim3A_669 = vector.broadcast %jit3A_668 : i32 to vector<16xi32>
      %select_n3A_670 = arith.select %eq3A_665, %add3A_667, %broadcast_in_dim3A_669 : vector<16xi1>, vector<16xi32>
      %min3A_671 = arith.minsi %min3A_659, %select_n3A_670 : vector<16xi32>
      %add3A_672 = arith.constant 144 : i32
      %add3A_673 = arith.addi %mul3A_561, %add3A_672 : i32
      %get3A_674 = arith.index_cast %add3A_673 : i32 to index
      %get3A_675 = tpu.vector_load %arg7[%get3A_674] {strides = array<i32>} : memref<100000xf32, #tpu.memory_space<vmem>>, vector<16xf32>,
      %eq3A_676 = vector.broadcast %reduce_max3A_139 : f32 to vector<16xf32>
      %eq3A_677 = arith.cmpf oeq, %get3A_675, %eq3A_676 : vector<16xf32>
      %add3A_678 = vector.broadcast %add3A_673 : i32 to vector<16xi32>
      %add3A_679 = arith.addi %add3A_678, %iota3A : vector<16xi32>
      %jit3A_680 = arith.constant 1073741824 : i32
      %broadcast_in_dim3A_681 = vector.broadcast %jit3A_680 : i32 to vector<16xi32>
      %select_n3A_682 = arith.select %eq3A_677, %add3A_679, %broadcast_in_dim3A_681 : vector<16xi1>, vector<16xi32>
      %min3A_683 = arith.minsi %min3A_671, %select_n3A_682 : vector<16xi32>
      %add3A_684 = arith.constant 160 : i32
      %add3A_685 = arith.addi %mul3A_561, %add3A_684 : i32
      %get3A_686 = arith.index_cast %add3A_685 : i32 to index
      %get3A_687 = tpu.vector_load %arg7[%get3A_686] {strides = array<i32>} : memref<100000xf32, #tpu.memory_space<vmem>>, vector<16xf32>,
      %eq3A_688 = vector.broadcast %reduce_max3A_139 : f32 to vector<16xf32>
      %eq3A_689 = arith.cmpf oeq, %get3A_687, %eq3A_688 : vector<16xf32>
      %add3A_690 = vector.broadcast %add3A_685 : i32 to vector<16xi32>
      %add3A_691 = arith.addi %add3A_690, %iota3A : vector<16xi32>
      %jit3A_692 = arith.constant 1073741824 : i32
      %broadcast_in_dim3A_693 = vector.broadcast %jit3A_692 : i32 to vector<16xi32>
      %select_n3A_694 = arith.select %eq3A_689, %add3A_691, %broadcast_in_dim3A_693 : vector<16xi1>, vector<16xi32>
      %min3A_695 = arith.minsi %min3A_683, %select_n3A_694 : vector<16xi32>
      %add3A_696 = arith.constant 176 : i32
      %add3A_697 = arith.addi %mul3A_561, %add3A_696 : i32
      %get3A_698 = arith.index_cast %add3A_697 : i32 to index
      %get3A_699 = tpu.vector_load %arg7[%get3A_698] {strides = array<i32>} : memref<100000xf32, #tpu.memory_space<vmem>>, vector<16xf32>,
      %eq3A_700 = vector.broadcast %reduce_max3A_139 : f32 to vector<16xf32>
      %eq3A_701 = arith.cmpf oeq, %get3A_699, %eq3A_700 : vector<16xf32>
      %add3A_702 = vector.broadcast %add3A_697 : i32 to vector<16xi32>
      %add3A_703 = arith.addi %add3A_702, %iota3A : vector<16xi32>
      %jit3A_704 = arith.constant 1073741824 : i32
      %broadcast_in_dim3A_705 = vector.broadcast %jit3A_704 : i32 to vector<16xi32>
      %select_n3A_706 = arith.select %eq3A_701, %add3A_703, %broadcast_in_dim3A_705 : vector<16xi1>, vector<16xi32>
      %min3A_707 = arith.minsi %min3A_695, %select_n3A_706 : vector<16xi32>
      %add3A_708 = arith.constant 192 : i32
      %add3A_709 = arith.addi %mul3A_561, %add3A_708 : i32
      %get3A_710 = arith.index_cast %add3A_709 : i32 to index
      %get3A_711 = tpu.vector_load %arg7[%get3A_710] {strides = array<i32>} : memref<100000xf32, #tpu.memory_space<vmem>>, vector<16xf32>,
      %eq3A_712 = vector.broadcast %reduce_max3A_139 : f32 to vector<16xf32>
      %eq3A_713 = arith.cmpf oeq, %get3A_711, %eq3A_712 : vector<16xf32>
      %add3A_714 = vector.broadcast %add3A_709 : i32 to vector<16xi32>
      %add3A_715 = arith.addi %add3A_714, %iota3A : vector<16xi32>
      %jit3A_716 = arith.constant 1073741824 : i32
      %broadcast_in_dim3A_717 = vector.broadcast %jit3A_716 : i32 to vector<16xi32>
      %select_n3A_718 = arith.select %eq3A_713, %add3A_715, %broadcast_in_dim3A_717 : vector<16xi1>, vector<16xi32>
      %min3A_719 = arith.minsi %min3A_707, %select_n3A_718 : vector<16xi32>
      %add3A_720 = arith.constant 208 : i32
      %add3A_721 = arith.addi %mul3A_561, %add3A_720 : i32
      %get3A_722 = arith.index_cast %add3A_721 : i32 to index
      %get3A_723 = tpu.vector_load %arg7[%get3A_722] {strides = array<i32>} : memref<100000xf32, #tpu.memory_space<vmem>>, vector<16xf32>,
      %eq3A_724 = vector.broadcast %reduce_max3A_139 : f32 to vector<16xf32>
      %eq3A_725 = arith.cmpf oeq, %get3A_723, %eq3A_724 : vector<16xf32>
      %add3A_726 = vector.broadcast %add3A_721 : i32 to vector<16xi32>
      %add3A_727 = arith.addi %add3A_726, %iota3A : vector<16xi32>
      %jit3A_728 = arith.constant 1073741824 : i32
      %broadcast_in_dim3A_729 = vector.broadcast %jit3A_728 : i32 to vector<16xi32>
      %select_n3A_730 = arith.select %eq3A_725, %add3A_727, %broadcast_in_dim3A_729 : vector<16xi1>, vector<16xi32>
      %min3A_731 = arith.minsi %min3A_719, %select_n3A_730 : vector<16xi32>
      %add3A_732 = arith.constant 224 : i32
      %add3A_733 = arith.addi %mul3A_561, %add3A_732 : i32
      %get3A_734 = arith.index_cast %add3A_733 : i32 to index
      %get3A_735 = tpu.vector_load %arg7[%get3A_734] {strides = array<i32>} : memref<100000xf32, #tpu.memory_space<vmem>>, vector<16xf32>,
      %eq3A_736 = vector.broadcast %reduce_max3A_139 : f32 to vector<16xf32>
      %eq3A_737 = arith.cmpf oeq, %get3A_735, %eq3A_736 : vector<16xf32>
      %add3A_738 = vector.broadcast %add3A_733 : i32 to vector<16xi32>
      %add3A_739 = arith.addi %add3A_738, %iota3A : vector<16xi32>
      %jit3A_740 = arith.constant 1073741824 : i32
      %broadcast_in_dim3A_741 = vector.broadcast %jit3A_740 : i32 to vector<16xi32>
      %select_n3A_742 = arith.select %eq3A_737, %add3A_739, %broadcast_in_dim3A_741 : vector<16xi1>, vector<16xi32>
      %min3A_743 = arith.minsi %min3A_731, %select_n3A_742 : vector<16xi32>
      %add3A_744 = arith.constant 240 : i32
      %add3A_745 = arith.addi %mul3A_561, %add3A_744 : i32
      %get3A_746 = arith.index_cast %add3A_745 : i32 to index
      %get3A_747 = tpu.vector_load %arg7[%get3A_746] {strides = array<i32>} : memref<100000xf32, #tpu.memory_space<vmem>>, vector<16xf32>,
      %eq3A_748 = vector.broadcast %reduce_max3A_139 : f32 to vector<16xf32>
      %eq3A_749 = arith.cmpf oeq, %get3A_747, %eq3A_748 : vector<16xf32>
      %add3A_750 = vector.broadcast %add3A_745 : i32 to vector<16xi32>
      %add3A_751 = arith.addi %add3A_750, %iota3A : vector<16xi32>
      %jit3A_752 = arith.constant 1073741824 : i32
      %broadcast_in_dim3A_753 = vector.broadcast %jit3A_752 : i32 to vector<16xi32>
      %select_n3A_754 = arith.select %eq3A_749, %add3A_751, %broadcast_in_dim3A_753 : vector<16xi1>, vector<16xi32>
      %min3A_755 = arith.minsi %min3A_743, %select_n3A_754 : vector<16xi32>
      %add3A_756 = arith.constant 256 : i32
      %add3A_757 = arith.addi %mul3A_561, %add3A_756 : i32
      %get3A_758 = arith.index_cast %add3A_757 : i32 to index
      %get3A_759 = tpu.vector_load %arg7[%get3A_758] {strides = array<i32>} : memref<100000xf32, #tpu.memory_space<vmem>>, vector<16xf32>,
      %eq3A_760 = vector.broadcast %reduce_max3A_139 : f32 to vector<16xf32>
      %eq3A_761 = arith.cmpf oeq, %get3A_759, %eq3A_760 : vector<16xf32>
      %add3A_762 = vector.broadcast %add3A_757 : i32 to vector<16xi32>
      %add3A_763 = arith.addi %add3A_762, %iota3A : vector<16xi32>
      %jit3A_764 = arith.constant 1073741824 : i32
      %broadcast_in_dim3A_765 = vector.broadcast %jit3A_764 : i32 to vector<16xi32>
      %select_n3A_766 = arith.select %eq3A_761, %add3A_763, %broadcast_in_dim3A_765 : vector<16xi1>, vector<16xi32>
      %min3A_767 = arith.minsi %min3A_755, %select_n3A_766 : vector<16xi32>
      %add3A_768 = arith.constant 272 : i32
      %add3A_769 = arith.addi %mul3A_561, %add3A_768 : i32
      %get3A_770 = arith.index_cast %add3A_769 : i32 to index
      %get3A_771 = tpu.vector_load %arg7[%get3A_770] {strides = array<i32>} : memref<100000xf32, #tpu.memory_space<vmem>>, vector<16xf32>,
      %eq3A_772 = vector.broadcast %reduce_max3A_139 : f32 to vector<16xf32>
      %eq3A_773 = arith.cmpf oeq, %get3A_771, %eq3A_772 : vector<16xf32>
      %add3A_774 = vector.broadcast %add3A_769 : i32 to vector<16xi32>
      %add3A_775 = arith.addi %add3A_774, %iota3A : vector<16xi32>
      %jit3A_776 = arith.constant 1073741824 : i32
      %broadcast_in_dim3A_777 = vector.broadcast %jit3A_776 : i32 to vector<16xi32>
      %select_n3A_778 = arith.select %eq3A_773, %add3A_775, %broadcast_in_dim3A_777 : vector<16xi1>, vector<16xi32>
      %min3A_779 = arith.minsi %min3A_767, %select_n3A_778 : vector<16xi32>
      %add3A_780 = arith.constant 288 : i32
      %add3A_781 = arith.addi %mul3A_561, %add3A_780 : i32
      %get3A_782 = arith.index_cast %add3A_781 : i32 to index
      %get3A_783 = tpu.vector_load %arg7[%get3A_782] {strides = array<i32>} : memref<100000xf32, #tpu.memory_space<vmem>>, vector<16xf32>,
      %eq3A_784 = vector.broadcast %reduce_max3A_139 : f32 to vector<16xf32>
      %eq3A_785 = arith.cmpf oeq, %get3A_783, %eq3A_784 : vector<16xf32>
      %add3A_786 = vector.broadcast %add3A_781 : i32 to vector<16xi32>
      %add3A_787 = arith.addi %add3A_786, %iota3A : vector<16xi32>
      %jit3A_788 = arith.constant 1073741824 : i32
      %broadcast_in_dim3A_789 = vector.broadcast %jit3A_788 : i32 to vector<16xi32>
      %select_n3A_790 = arith.select %eq3A_785, %add3A_787, %broadcast_in_dim3A_789 : vector<16xi1>, vector<16xi32>
      %min3A_791 = arith.minsi %min3A_779, %select_n3A_790 : vector<16xi32>
      %add3A_792 = arith.constant 304 : i32
      %add3A_793 = arith.addi %mul3A_561, %add3A_792 : i32
      %get3A_794 = arith.index_cast %add3A_793 : i32 to index
      %get3A_795 = tpu.vector_load %arg7[%get3A_794] {strides = array<i32>} : memref<100000xf32, #tpu.memory_space<vmem>>, vector<16xf32>,
      %eq3A_796 = vector.broadcast %reduce_max3A_139 : f32 to vector<16xf32>
      %eq3A_797 = arith.cmpf oeq, %get3A_795, %eq3A_796 : vector<16xf32>
      %add3A_798 = vector.broadcast %add3A_793 : i32 to vector<16xi32>
      %add3A_799 = arith.addi %add3A_798, %iota3A : vector<16xi32>
      %jit3A_800 = arith.constant 1073741824 : i32
      %broadcast_in_dim3A_801 = vector.broadcast %jit3A_800 : i32 to vector<16xi32>
      %select_n3A_802 = arith.select %eq3A_797, %add3A_799, %broadcast_in_dim3A_801 : vector<16xi1>, vector<16xi32>
      %min3A_803 = arith.minsi %min3A_791, %select_n3A_802 : vector<16xi32>
      %add3A_804 = arith.constant 320 : i32
      %add3A_805 = arith.addi %mul3A_561, %add3A_804 : i32
      %get3A_806 = arith.index_cast %add3A_805 : i32 to index
      %get3A_807 = tpu.vector_load %arg7[%get3A_806] {strides = array<i32>} : memref<100000xf32, #tpu.memory_space<vmem>>, vector<16xf32>,
      %eq3A_808 = vector.broadcast %reduce_max3A_139 : f32 to vector<16xf32>
      %eq3A_809 = arith.cmpf oeq, %get3A_807, %eq3A_808 : vector<16xf32>
      %add3A_810 = vector.broadcast %add3A_805 : i32 to vector<16xi32>
      %add3A_811 = arith.addi %add3A_810, %iota3A : vector<16xi32>
      %jit3A_812 = arith.constant 1073741824 : i32
      %broadcast_in_dim3A_813 = vector.broadcast %jit3A_812 : i32 to vector<16xi32>
      %select_n3A_814 = arith.select %eq3A_809, %add3A_811, %broadcast_in_dim3A_813 : vector<16xi1>, vector<16xi32>
      %min3A_815 = arith.minsi %min3A_803, %select_n3A_814 : vector<16xi32>
      %add3A_816 = arith.constant 336 : i32
      %add3A_817 = arith.addi %mul3A_561, %add3A_816 : i32
      %get3A_818 = arith.index_cast %add3A_817 : i32 to index
      %get3A_819 = tpu.vector_load %arg7[%get3A_818] {strides = array<i32>} : memref<100000xf32, #tpu.memory_space<vmem>>, vector<16xf32>,
      %eq3A_820 = vector.broadcast %reduce_max3A_139 : f32 to vector<16xf32>
      %eq3A_821 = arith.cmpf oeq, %get3A_819, %eq3A_820 : vector<16xf32>
      %add3A_822 = vector.broadcast %add3A_817 : i32 to vector<16xi32>
      %add3A_823 = arith.addi %add3A_822, %iota3A : vector<16xi32>
      %jit3A_824 = arith.constant 1073741824 : i32
      %broadcast_in_dim3A_825 = vector.broadcast %jit3A_824 : i32 to vector<16xi32>
      %select_n3A_826 = arith.select %eq3A_821, %add3A_823, %broadcast_in_dim3A_825 : vector<16xi1>, vector<16xi32>
      %min3A_827 = arith.minsi %min3A_815, %select_n3A_826 : vector<16xi32>
      %add3A_828 = arith.constant 352 : i32
      %add3A_829 = arith.addi %mul3A_561, %add3A_828 : i32
      %get3A_830 = arith.index_cast %add3A_829 : i32 to index
      %get3A_831 = tpu.vector_load %arg7[%get3A_830] {strides = array<i32>} : memref<100000xf32, #tpu.memory_space<vmem>>, vector<16xf32>,
      %eq3A_832 = vector.broadcast %reduce_max3A_139 : f32 to vector<16xf32>
      %eq3A_833 = arith.cmpf oeq, %get3A_831, %eq3A_832 : vector<16xf32>
      %add3A_834 = vector.broadcast %add3A_829 : i32 to vector<16xi32>
      %add3A_835 = arith.addi %add3A_834, %iota3A : vector<16xi32>
      %jit3A_836 = arith.constant 1073741824 : i32
      %broadcast_in_dim3A_837 = vector.broadcast %jit3A_836 : i32 to vector<16xi32>
      %select_n3A_838 = arith.select %eq3A_833, %add3A_835, %broadcast_in_dim3A_837 : vector<16xi1>, vector<16xi32>
      %min3A_839 = arith.minsi %min3A_827, %select_n3A_838 : vector<16xi32>
      %add3A_840 = arith.constant 368 : i32
      %add3A_841 = arith.addi %mul3A_561, %add3A_840 : i32
      %get3A_842 = arith.index_cast %add3A_841 : i32 to index
      %get3A_843 = tpu.vector_load %arg7[%get3A_842] {strides = array<i32>} : memref<100000xf32, #tpu.memory_space<vmem>>, vector<16xf32>,
      %eq3A_844 = vector.broadcast %reduce_max3A_139 : f32 to vector<16xf32>
      %eq3A_845 = arith.cmpf oeq, %get3A_843, %eq3A_844 : vector<16xf32>
      %add3A_846 = vector.broadcast %add3A_841 : i32 to vector<16xi32>
      %add3A_847 = arith.addi %add3A_846, %iota3A : vector<16xi32>
      %jit3A_848 = arith.constant 1073741824 : i32
      %broadcast_in_dim3A_849 = vector.broadcast %jit3A_848 : i32 to vector<16xi32>
      %select_n3A_850 = arith.select %eq3A_845, %add3A_847, %broadcast_in_dim3A_849 : vector<16xi1>, vector<16xi32>
      %min3A_851 = arith.minsi %min3A_839, %select_n3A_850 : vector<16xi32>
      %add3A_852 = arith.constant 384 : i32
      %add3A_853 = arith.addi %mul3A_561, %add3A_852 : i32
      %get3A_854 = arith.index_cast %add3A_853 : i32 to index
      %get3A_855 = tpu.vector_load %arg7[%get3A_854] {strides = array<i32>} : memref<100000xf32, #tpu.memory_space<vmem>>, vector<16xf32>,
      %eq3A_856 = vector.broadcast %reduce_max3A_139 : f32 to vector<16xf32>
      %eq3A_857 = arith.cmpf oeq, %get3A_855, %eq3A_856 : vector<16xf32>
      %add3A_858 = vector.broadcast %add3A_853 : i32 to vector<16xi32>
      %add3A_859 = arith.addi %add3A_858, %iota3A : vector<16xi32>
      %jit3A_860 = arith.constant 1073741824 : i32
      %broadcast_in_dim3A_861 = vector.broadcast %jit3A_860 : i32 to vector<16xi32>
      %select_n3A_862 = arith.select %eq3A_857, %add3A_859, %broadcast_in_dim3A_861 : vector<16xi1>, vector<16xi32>
      %min3A_863 = arith.minsi %min3A_851, %select_n3A_862 : vector<16xi32>
      %reduce_min3A_864 = arith.constant true
      %reduce_min3A_865 = vector.broadcast %reduce_min3A_864 : i1 to vector<16xi1>
      %reduce_min3A_866 = arith.constant -2147483648 : i32
      %reduce_min3A_867 = vector.broadcast %reduce_min3A_866 : i32 to vector<16xi32>
      %reduce_min3A_868 = arith.xori %min3A_863, %reduce_min3A_867 : vector<16xi32>
      %reduce_min3A_869 = tpu.scan <min>, %reduce_min3A_868 masked %reduce_min3A_865 : vector<16xi32>, vector<16xi1> -> vector<16xi32>
      %reduce_min3A_870 = arith.xori %reduce_min3A_869, %reduce_min3A_867 : vector<16xi32>
      %reduce_min3A_871 = vector.extract %reduce_min3A_870[15] : i32 from vector<16xi32>
      %eq3A_872 = vector.broadcast %scan3A_87 : i32 to vector<16xi32>
      %eq3A_873 = arith.cmpi eq, %iota3A, %eq3A_872 : vector<16xi32>
      %sub3A = arith.constant 16 : i32
      %sub3A_874 = arith.subi %scan3A_87, %sub3A : i32
      %eq3A_875 = vector.broadcast %sub3A_874 : i32 to vector<16xi32>
      %eq3A_876 = arith.cmpi eq, %iota3A, %eq3A_875 : vector<16xi32>
      %broadcast_in_dim3A_877 = vector.broadcast %reduce_max3A_139 : f32 to vector<16xf32>
      %select_n3A_878 = arith.select %eq3A_873, %broadcast_in_dim3A_877, %scan3A_88 : vector<16xi1>, vector<16xf32>
      %broadcast_in_dim3A_879 = vector.broadcast %reduce_max3A_139 : f32 to vector<16xf32>
      %select_n3A_880 = arith.select %eq3A_876, %broadcast_in_dim3A_879, %scan3A_89 : vector<16xi1>, vector<16xf32>
      %broadcast_in_dim3A_881 = vector.broadcast %reduce_min3A_871 : i32 to vector<16xi32>
      %select_n3A_882 = arith.select %eq3A_873, %broadcast_in_dim3A_881, %scan3A_90 : vector<16xi1>, vector<16xi32>
      %broadcast_in_dim3A_883 = vector.broadcast %reduce_min3A_871 : i32 to vector<16xi32>
      %select_n3A_884 = arith.select %eq3A_876, %broadcast_in_dim3A_883, %scan3A_91 : vector<16xi1>, vector<16xi32>
      %broadcast_in_dim3A_885 = arith.constant 0 : i32
      %broadcast_in_dim3A_886 = vector.broadcast %broadcast_in_dim3A_885 : i32 to vector<16xi32>
      %add3A_887 = vector.broadcast %reduce_min3A_871 : i32 to vector<16xi32>
      %add3A_888 = arith.addi %broadcast_in_dim3A_886, %add3A_887 : vector<16xi32>
      %broadcast_in_dim3A_889 = arith.constant -3.000000e+38 : f32
      %broadcast_in_dim3A_890 = vector.broadcast %broadcast_in_dim3A_889 : f32 to vector<16xf32>
      tpu.vector_store_idx %arg7[%add3A_888], %broadcast_in_dim3A_890 masked %eq3A_41 : memref<100000xf32, #tpu.memory_space<vmem>>[vector<16xi32>], vector<16xf32>, vector<16xi1>
      %get3A_891 = arith.index_cast %mul3A_561 : i32 to index
      %get3A_892 = tpu.vector_load %arg7[%get3A_891] {strides = array<i32>} : memref<100000xf32, #tpu.memory_space<vmem>>, vector<16xf32>,
      %add3A_893 = arith.constant 16 : i32
      %add3A_894 = arith.addi %mul3A_561, %add3A_893 : i32
      %get3A_895 = arith.index_cast %add3A_894 : i32 to index
      %get3A_896 = tpu.vector_load %arg7[%get3A_895] {strides = array<i32>} : memref<100000xf32, #tpu.memory_space<vmem>>, vector<16xf32>,
      %max3A_897 = arith.maximumf %get3A_892, %get3A_896 : vector<16xf32>
      %add3A_898 = arith.constant 32 : i32
      %add3A_899 = arith.addi %mul3A_561, %add3A_898 : i32
      %get3A_900 = arith.index_cast %add3A_899 : i32 to index
      %get3A_901 = tpu.vector_load %arg7[%get3A_900] {strides = array<i32>} : memref<100000xf32, #tpu.memory_space<vmem>>, vector<16xf32>,
      %max3A_902 = arith.maximumf %max3A_897, %get3A_901 : vector<16xf32>
      %add3A_903 = arith.constant 48 : i32
      %add3A_904 = arith.addi %mul3A_561, %add3A_903 : i32
      %get3A_905 = arith.index_cast %add3A_904 : i32 to index
      %get3A_906 = tpu.vector_load %arg7[%get3A_905] {strides = array<i32>} : memref<100000xf32, #tpu.memory_space<vmem>>, vector<16xf32>,
      %max3A_907 = arith.maximumf %max3A_902, %get3A_906 : vector<16xf32>
      %add3A_908 = arith.constant 64 : i32
      %add3A_909 = arith.addi %mul3A_561, %add3A_908 : i32
      %get3A_910 = arith.index_cast %add3A_909 : i32 to index
      %get3A_911 = tpu.vector_load %arg7[%get3A_910] {strides = array<i32>} : memref<100000xf32, #tpu.memory_space<vmem>>, vector<16xf32>,
      %max3A_912 = arith.maximumf %max3A_907, %get3A_911 : vector<16xf32>
      %add3A_913 = arith.constant 80 : i32
      %add3A_914 = arith.addi %mul3A_561, %add3A_913 : i32
      %get3A_915 = arith.index_cast %add3A_914 : i32 to index
      %get3A_916 = tpu.vector_load %arg7[%get3A_915] {strides = array<i32>} : memref<100000xf32, #tpu.memory_space<vmem>>, vector<16xf32>,
      %max3A_917 = arith.maximumf %max3A_912, %get3A_916 : vector<16xf32>
      %add3A_918 = arith.constant 96 : i32
      %add3A_919 = arith.addi %mul3A_561, %add3A_918 : i32
      %get3A_920 = arith.index_cast %add3A_919 : i32 to index
      %get3A_921 = tpu.vector_load %arg7[%get3A_920] {strides = array<i32>} : memref<100000xf32, #tpu.memory_space<vmem>>, vector<16xf32>,
      %max3A_922 = arith.maximumf %max3A_917, %get3A_921 : vector<16xf32>
      %add3A_923 = arith.constant 112 : i32
      %add3A_924 = arith.addi %mul3A_561, %add3A_923 : i32
      %get3A_925 = arith.index_cast %add3A_924 : i32 to index
      %get3A_926 = tpu.vector_load %arg7[%get3A_925] {strides = array<i32>} : memref<100000xf32, #tpu.memory_space<vmem>>, vector<16xf32>,
      %max3A_927 = arith.maximumf %max3A_922, %get3A_926 : vector<16xf32>
      %add3A_928 = arith.constant 128 : i32
      %add3A_929 = arith.addi %mul3A_561, %add3A_928 : i32
      %get3A_930 = arith.index_cast %add3A_929 : i32 to index
      %get3A_931 = tpu.vector_load %arg7[%get3A_930] {strides = array<i32>} : memref<100000xf32, #tpu.memory_space<vmem>>, vector<16xf32>,
      %max3A_932 = arith.maximumf %max3A_927, %get3A_931 : vector<16xf32>
      %add3A_933 = arith.constant 144 : i32
      %add3A_934 = arith.addi %mul3A_561, %add3A_933 : i32
      %get3A_935 = arith.index_cast %add3A_934 : i32 to index
      %get3A_936 = tpu.vector_load %arg7[%get3A_935] {strides = array<i32>} : memref<100000xf32, #tpu.memory_space<vmem>>, vector<16xf32>,
      %max3A_937 = arith.maximumf %max3A_932, %get3A_936 : vector<16xf32>
      %add3A_938 = arith.constant 160 : i32
      %add3A_939 = arith.addi %mul3A_561, %add3A_938 : i32
      %get3A_940 = arith.index_cast %add3A_939 : i32 to index
      %get3A_941 = tpu.vector_load %arg7[%get3A_940] {strides = array<i32>} : memref<100000xf32, #tpu.memory_space<vmem>>, vector<16xf32>,
      %max3A_942 = arith.maximumf %max3A_937, %get3A_941 : vector<16xf32>
      %add3A_943 = arith.constant 176 : i32
      %add3A_944 = arith.addi %mul3A_561, %add3A_943 : i32
      %get3A_945 = arith.index_cast %add3A_944 : i32 to index
      %get3A_946 = tpu.vector_load %arg7[%get3A_945] {strides = array<i32>} : memref<100000xf32, #tpu.memory_space<vmem>>, vector<16xf32>,
      %max3A_947 = arith.maximumf %max3A_942, %get3A_946 : vector<16xf32>
      %add3A_948 = arith.constant 192 : i32
      %add3A_949 = arith.addi %mul3A_561, %add3A_948 : i32
      %get3A_950 = arith.index_cast %add3A_949 : i32 to index
      %get3A_951 = tpu.vector_load %arg7[%get3A_950] {strides = array<i32>} : memref<100000xf32, #tpu.memory_space<vmem>>, vector<16xf32>,
      %max3A_952 = arith.maximumf %max3A_947, %get3A_951 : vector<16xf32>
      %add3A_953 = arith.constant 208 : i32
      %add3A_954 = arith.addi %mul3A_561, %add3A_953 : i32
      %get3A_955 = arith.index_cast %add3A_954 : i32 to index
      %get3A_956 = tpu.vector_load %arg7[%get3A_955] {strides = array<i32>} : memref<100000xf32, #tpu.memory_space<vmem>>, vector<16xf32>,
      %max3A_957 = arith.maximumf %max3A_952, %get3A_956 : vector<16xf32>
      %add3A_958 = arith.constant 224 : i32
      %add3A_959 = arith.addi %mul3A_561, %add3A_958 : i32
      %get3A_960 = arith.index_cast %add3A_959 : i32 to index
      %get3A_961 = tpu.vector_load %arg7[%get3A_960] {strides = array<i32>} : memref<100000xf32, #tpu.memory_space<vmem>>, vector<16xf32>,
      %max3A_962 = arith.maximumf %max3A_957, %get3A_961 : vector<16xf32>
      %add3A_963 = arith.constant 240 : i32
      %add3A_964 = arith.addi %mul3A_561, %add3A_963 : i32
      %get3A_965 = arith.index_cast %add3A_964 : i32 to index
      %get3A_966 = tpu.vector_load %arg7[%get3A_965] {strides = array<i32>} : memref<100000xf32, #tpu.memory_space<vmem>>, vector<16xf32>,
      %max3A_967 = arith.maximumf %max3A_962, %get3A_966 : vector<16xf32>
      %add3A_968 = arith.constant 256 : i32
      %add3A_969 = arith.addi %mul3A_561, %add3A_968 : i32
      %get3A_970 = arith.index_cast %add3A_969 : i32 to index
      %get3A_971 = tpu.vector_load %arg7[%get3A_970] {strides = array<i32>} : memref<100000xf32, #tpu.memory_space<vmem>>, vector<16xf32>,
      %max3A_972 = arith.maximumf %max3A_967, %get3A_971 : vector<16xf32>
      %add3A_973 = arith.constant 272 : i32
      %add3A_974 = arith.addi %mul3A_561, %add3A_973 : i32
      %get3A_975 = arith.index_cast %add3A_974 : i32 to index
      %get3A_976 = tpu.vector_load %arg7[%get3A_975] {strides = array<i32>} : memref<100000xf32, #tpu.memory_space<vmem>>, vector<16xf32>,
      %max3A_977 = arith.maximumf %max3A_972, %get3A_976 : vector<16xf32>
      %add3A_978 = arith.constant 288 : i32
      %add3A_979 = arith.addi %mul3A_561, %add3A_978 : i32
      %get3A_980 = arith.index_cast %add3A_979 : i32 to index
      %get3A_981 = tpu.vector_load %arg7[%get3A_980] {strides = array<i32>} : memref<100000xf32, #tpu.memory_space<vmem>>, vector<16xf32>,
      %max3A_982 = arith.maximumf %max3A_977, %get3A_981 : vector<16xf32>
      %add3A_983 = arith.constant 304 : i32
      %add3A_984 = arith.addi %mul3A_561, %add3A_983 : i32
      %get3A_985 = arith.index_cast %add3A_984 : i32 to index
      %get3A_986 = tpu.vector_load %arg7[%get3A_985] {strides = array<i32>} : memref<100000xf32, #tpu.memory_space<vmem>>, vector<16xf32>,
      %max3A_987 = arith.maximumf %max3A_982, %get3A_986 : vector<16xf32>
      %add3A_988 = arith.constant 320 : i32
      %add3A_989 = arith.addi %mul3A_561, %add3A_988 : i32
      %get3A_990 = arith.index_cast %add3A_989 : i32 to index
      %get3A_991 = tpu.vector_load %arg7[%get3A_990] {strides = array<i32>} : memref<100000xf32, #tpu.memory_space<vmem>>, vector<16xf32>,
      %max3A_992 = arith.maximumf %max3A_987, %get3A_991 : vector<16xf32>
      %add3A_993 = arith.constant 336 : i32
      %add3A_994 = arith.addi %mul3A_561, %add3A_993 : i32
      %get3A_995 = arith.index_cast %add3A_994 : i32 to index
      %get3A_996 = tpu.vector_load %arg7[%get3A_995] {strides = array<i32>} : memref<100000xf32, #tpu.memory_space<vmem>>, vector<16xf32>,
      %max3A_997 = arith.maximumf %max3A_992, %get3A_996 : vector<16xf32>
      %add3A_998 = arith.constant 352 : i32
      %add3A_999 = arith.addi %mul3A_561, %add3A_998 : i32
      %get3A_1000 = arith.index_cast %add3A_999 : i32 to index
      %get3A_1001 = tpu.vector_load %arg7[%get3A_1000] {strides = array<i32>} : memref<100000xf32, #tpu.memory_space<vmem>>, vector<16xf32>,
      %max3A_1002 = arith.maximumf %max3A_997, %get3A_1001 : vector<16xf32>
      %add3A_1003 = arith.constant 368 : i32
      %add3A_1004 = arith.addi %mul3A_561, %add3A_1003 : i32
      %get3A_1005 = arith.index_cast %add3A_1004 : i32 to index
      %get3A_1006 = tpu.vector_load %arg7[%get3A_1005] {strides = array<i32>} : memref<100000xf32, #tpu.memory_space<vmem>>, vector<16xf32>,
      %max3A_1007 = arith.maximumf %max3A_1002, %get3A_1006 : vector<16xf32>
      %add3A_1008 = arith.constant 384 : i32
      %add3A_1009 = arith.addi %mul3A_561, %add3A_1008 : i32
      %get3A_1010 = arith.index_cast %add3A_1009 : i32 to index
      %get3A_1011 = tpu.vector_load %arg7[%get3A_1010] {strides = array<i32>} : memref<100000xf32, #tpu.memory_space<vmem>>, vector<16xf32>,
      %max3A_1012 = arith.maximumf %max3A_1007, %get3A_1011 : vector<16xf32>
      %mul3A_1013 = arith.constant 16 : i32
      %mul3A_1014 = arith.muli %reduce_min3A_559, %mul3A_1013 : i32
      %swap3A_1015 = arith.index_cast %mul3A_1014 : i32 to index
      %swap3A_1016 = tpu.vector_load %arg8[%swap3A_1015] {strides = array<i32>} : memref<4096xf32, #tpu.memory_space<vmem>>, vector<16xf32>,
      tpu.vector_store %arg8[%swap3A_1015], %max3A_1012 {strides = array<i32>} : memref<4096xf32, #tpu.memory_space<vmem>>, vector<16xf32>,
      %mul3A_1017 = arith.constant 16 : i32
      %mul3A_1018 = arith.muli %mul3A_311, %mul3A_1017 : i32
      %get3A_1019 = arith.index_cast %mul3A_1018 : i32 to index
      %get3A_1020 = tpu.vector_load %arg8[%get3A_1019] {strides = array<i32>} : memref<4096xf32, #tpu.memory_space<vmem>>, vector<16xf32>,
      %add3A_1021 = arith.constant 1 : i32
      %add3A_1022 = arith.addi %mul3A_311, %add3A_1021 : i32
      %mul3A_1023 = arith.constant 16 : i32
      %mul3A_1024 = arith.muli %add3A_1022, %mul3A_1023 : i32
      %get3A_1025 = arith.index_cast %mul3A_1024 : i32 to index
      %get3A_1026 = tpu.vector_load %arg8[%get3A_1025] {strides = array<i32>} : memref<4096xf32, #tpu.memory_space<vmem>>, vector<16xf32>,
      %max3A_1027 = arith.maximumf %get3A_1020, %get3A_1026 : vector<16xf32>
      %add3A_1028 = arith.constant 2 : i32
      %add3A_1029 = arith.addi %mul3A_311, %add3A_1028 : i32
      %mul3A_1030 = arith.constant 16 : i32
      %mul3A_1031 = arith.muli %add3A_1029, %mul3A_1030 : i32
      %get3A_1032 = arith.index_cast %mul3A_1031 : i32 to index
      %get3A_1033 = tpu.vector_load %arg8[%get3A_1032] {strides = array<i32>} : memref<4096xf32, #tpu.memory_space<vmem>>, vector<16xf32>,
      %max3A_1034 = arith.maximumf %max3A_1027, %get3A_1033 : vector<16xf32>
      %add3A_1035 = arith.constant 3 : i32
      %add3A_1036 = arith.addi %mul3A_311, %add3A_1035 : i32
      %mul3A_1037 = arith.constant 16 : i32
      %mul3A_1038 = arith.muli %add3A_1036, %mul3A_1037 : i32
      %get3A_1039 = arith.index_cast %mul3A_1038 : i32 to index
      %get3A_1040 = tpu.vector_load %arg8[%get3A_1039] {strides = array<i32>} : memref<4096xf32, #tpu.memory_space<vmem>>, vector<16xf32>,
      %max3A_1041 = arith.maximumf %max3A_1034, %get3A_1040 : vector<16xf32>
      %add3A_1042 = arith.constant 4 : i32
      %add3A_1043 = arith.addi %mul3A_311, %add3A_1042 : i32
      %mul3A_1044 = arith.constant 16 : i32
      %mul3A_1045 = arith.muli %add3A_1043, %mul3A_1044 : i32
      %get3A_1046 = arith.index_cast %mul3A_1045 : i32 to index
      %get3A_1047 = tpu.vector_load %arg8[%get3A_1046] {strides = array<i32>} : memref<4096xf32, #tpu.memory_space<vmem>>, vector<16xf32>,
      %max3A_1048 = arith.maximumf %max3A_1041, %get3A_1047 : vector<16xf32>
      %add3A_1049 = arith.constant 5 : i32
      %add3A_1050 = arith.addi %mul3A_311, %add3A_1049 : i32
      %mul3A_1051 = arith.constant 16 : i32
      %mul3A_1052 = arith.muli %add3A_1050, %mul3A_1051 : i32
      %get3A_1053 = arith.index_cast %mul3A_1052 : i32 to index
      %get3A_1054 = tpu.vector_load %arg8[%get3A_1053] {strides = array<i32>} : memref<4096xf32, #tpu.memory_space<vmem>>, vector<16xf32>,
      %max3A_1055 = arith.maximumf %max3A_1048, %get3A_1054 : vector<16xf32>
      %add3A_1056 = arith.constant 6 : i32
      %add3A_1057 = arith.addi %mul3A_311, %add3A_1056 : i32
      %mul3A_1058 = arith.constant 16 : i32
      %mul3A_1059 = arith.muli %add3A_1057, %mul3A_1058 : i32
      %get3A_1060 = arith.index_cast %mul3A_1059 : i32 to index
      %get3A_1061 = tpu.vector_load %arg8[%get3A_1060] {strides = array<i32>} : memref<4096xf32, #tpu.memory_space<vmem>>, vector<16xf32>,
      %max3A_1062 = arith.maximumf %max3A_1055, %get3A_1061 : vector<16xf32>
      %add3A_1063 = arith.constant 7 : i32
      %add3A_1064 = arith.addi %mul3A_311, %add3A_1063 : i32
      %mul3A_1065 = arith.constant 16 : i32
      %mul3A_1066 = arith.muli %add3A_1064, %mul3A_1065 : i32
      %get3A_1067 = arith.index_cast %mul3A_1066 : i32 to index
      %get3A_1068 = tpu.vector_load %arg8[%get3A_1067] {strides = array<i32>} : memref<4096xf32, #tpu.memory_space<vmem>>, vector<16xf32>,
      %max3A_1069 = arith.maximumf %max3A_1062, %get3A_1068 : vector<16xf32>
      %add3A_1070 = arith.constant 8 : i32
      %add3A_1071 = arith.addi %mul3A_311, %add3A_1070 : i32
      %mul3A_1072 = arith.constant 16 : i32
      %mul3A_1073 = arith.muli %add3A_1071, %mul3A_1072 : i32
      %get3A_1074 = arith.index_cast %mul3A_1073 : i32 to index
      %get3A_1075 = tpu.vector_load %arg8[%get3A_1074] {strides = array<i32>} : memref<4096xf32, #tpu.memory_space<vmem>>, vector<16xf32>,
      %max3A_1076 = arith.maximumf %max3A_1069, %get3A_1075 : vector<16xf32>
      %add3A_1077 = arith.constant 9 : i32
      %add3A_1078 = arith.addi %mul3A_311, %add3A_1077 : i32
      %mul3A_1079 = arith.constant 16 : i32
      %mul3A_1080 = arith.muli %add3A_1078, %mul3A_1079 : i32
      %get3A_1081 = arith.index_cast %mul3A_1080 : i32 to index
      %get3A_1082 = tpu.vector_load %arg8[%get3A_1081] {strides = array<i32>} : memref<4096xf32, #tpu.memory_space<vmem>>, vector<16xf32>,
      %max3A_1083 = arith.maximumf %max3A_1076, %get3A_1082 : vector<16xf32>
      %add3A_1084 = arith.constant 10 : i32
      %add3A_1085 = arith.addi %mul3A_311, %add3A_1084 : i32
      %mul3A_1086 = arith.constant 16 : i32
      %mul3A_1087 = arith.muli %add3A_1085, %mul3A_1086 : i32
      %get3A_1088 = arith.index_cast %mul3A_1087 : i32 to index
      %get3A_1089 = tpu.vector_load %arg8[%get3A_1088] {strides = array<i32>} : memref<4096xf32, #tpu.memory_space<vmem>>, vector<16xf32>,
      %max3A_1090 = arith.maximumf %max3A_1083, %get3A_1089 : vector<16xf32>
      %add3A_1091 = arith.constant 11 : i32
      %add3A_1092 = arith.addi %mul3A_311, %add3A_1091 : i32
      %mul3A_1093 = arith.constant 16 : i32
      %mul3A_1094 = arith.muli %add3A_1092, %mul3A_1093 : i32
      %get3A_1095 = arith.index_cast %mul3A_1094 : i32 to index
      %get3A_1096 = tpu.vector_load %arg8[%get3A_1095] {strides = array<i32>} : memref<4096xf32, #tpu.memory_space<vmem>>, vector<16xf32>,
      %max3A_1097 = arith.maximumf %max3A_1090, %get3A_1096 : vector<16xf32>
      %add3A_1098 = arith.constant 12 : i32
      %add3A_1099 = arith.addi %mul3A_311, %add3A_1098 : i32
      %mul3A_1100 = arith.constant 16 : i32
      %mul3A_1101 = arith.muli %add3A_1099, %mul3A_1100 : i32
      %get3A_1102 = arith.index_cast %mul3A_1101 : i32 to index
      %get3A_1103 = tpu.vector_load %arg8[%get3A_1102] {strides = array<i32>} : memref<4096xf32, #tpu.memory_space<vmem>>, vector<16xf32>,
      %max3A_1104 = arith.maximumf %max3A_1097, %get3A_1103 : vector<16xf32>
      %add3A_1105 = arith.constant 13 : i32
      %add3A_1106 = arith.addi %mul3A_311, %add3A_1105 : i32
      %mul3A_1107 = arith.constant 16 : i32
      %mul3A_1108 = arith.muli %add3A_1106, %mul3A_1107 : i32
      %get3A_1109 = arith.index_cast %mul3A_1108 : i32 to index
      %get3A_1110 = tpu.vector_load %arg8[%get3A_1109] {strides = array<i32>} : memref<4096xf32, #tpu.memory_space<vmem>>, vector<16xf32>,
      %max3A_1111 = arith.maximumf %max3A_1104, %get3A_1110 : vector<16xf32>
      %add3A_1112 = arith.constant 14 : i32
      %add3A_1113 = arith.addi %mul3A_311, %add3A_1112 : i32
      %mul3A_1114 = arith.constant 16 : i32
      %mul3A_1115 = arith.muli %add3A_1113, %mul3A_1114 : i32
      %get3A_1116 = arith.index_cast %mul3A_1115 : i32 to index
      %get3A_1117 = tpu.vector_load %arg8[%get3A_1116] {strides = array<i32>} : memref<4096xf32, #tpu.memory_space<vmem>>, vector<16xf32>,
      %max3A_1118 = arith.maximumf %max3A_1111, %get3A_1117 : vector<16xf32>
      %add3A_1119 = arith.constant 15 : i32
      %add3A_1120 = arith.addi %mul3A_311, %add3A_1119 : i32
      %mul3A_1121 = arith.constant 16 : i32
      %mul3A_1122 = arith.muli %add3A_1120, %mul3A_1121 : i32
      %get3A_1123 = arith.index_cast %mul3A_1122 : i32 to index
      %get3A_1124 = tpu.vector_load %arg8[%get3A_1123] {strides = array<i32>} : memref<4096xf32, #tpu.memory_space<vmem>>, vector<16xf32>,
      %max3A_1125 = arith.maximumf %max3A_1118, %get3A_1124 : vector<16xf32>
      %mul3A_1126 = arith.constant 16 : i32
      %mul3A_1127 = arith.muli %reduce_min3A_307, %mul3A_1126 : i32
      %swap3A_1128 = arith.index_cast %mul3A_1127 : i32 to index
      %swap3A_1129 = tpu.vector_load %arg9[%swap3A_1128] {strides = array<i32>} : memref<256xf32, #tpu.memory_space<vmem>>, vector<16xf32>,
      tpu.vector_store %arg9[%swap3A_1128], %max3A_1125 {strides = array<i32>} : memref<256xf32, #tpu.memory_space<vmem>>, vector<16xf32>,
      scf.yield %select_n3A_878, %select_n3A_880, %select_n3A_882, %select_n3A_884 : vector<16xf32>, vector<16xf32>, vector<16xi32>, vector<16xi32>
    }
    %scan3A_51 = arith.constant 32 : i32
    %broadcast_in_dim3A_52 = arith.constant 0 : i32
    %broadcast_in_dim3A_53 = vector.broadcast %broadcast_in_dim3A_52 : i32 to vector<16xi32>
    %add3A_54 = vector.broadcast %add3A : i32 to vector<16xi32>
    %add3A_55 = arith.addi %broadcast_in_dim3A_53, %add3A_54 : vector<16xi32>
    %gather3A = tpu.vector_load_idx %arg12[%add3A_55] : memref<32xf32, #tpu.memory_space<vmem>>[vector<16xi32>], vector<16xf32>,
    %gather3A_56 = tpu.vector_load_idx %arg13[%add3A_55] : memref<32xi32, #tpu.memory_space<vmem>>[vector<16xi32>], vector<16xi32>,
    %eq3A_57 = arith.constant 2 : i32
    %eq3A_58 = vector.broadcast %eq3A_57 : i32 to vector<16xi32>
    %eq3A_59 = arith.cmpi eq, %gather3A_56, %eq3A_58 : vector<16xi32>
    %add3A_60 = arith.constant 0 : i32
    %add3A_61 = vector.broadcast %add3A_60 : i32 to vector<16xi32>
    %add3A_62 = arith.addi %iota3A, %add3A_61 : vector<16xi32>
    %add3A_63 = arith.addf %scan3A_50#0, %gather3A : vector<16xf32>
    %jit3A = arith.constant -1.000000e+20 : f32
    %broadcast_in_dim3A_64 = vector.broadcast %jit3A : f32 to vector<16xf32>
    %select_n3A = arith.select %eq3A_59, %broadcast_in_dim3A_64, %add3A_63 : vector<16xi1>, vector<16xf32>
    %swap3A_65 = arith.constant 0 : index
    %swap3A_66 = tpu.vector_load %arg10[%swap3A_65] {strides = array<i32>} : memref<32xf32, #tpu.memory_space<vmem>>, vector<16xf32>,
    tpu.vector_store %arg10[%swap3A_65], %select_n3A {strides = array<i32>} : memref<32xf32, #tpu.memory_space<vmem>>, vector<16xf32>,
    %select_n3A_67 = arith.select %eq3A_59, %add3A_62, %scan3A_50#2 : vector<16xi1>, vector<16xi32>
    %swap3A_68 = arith.constant 0 : index
    %swap3A_69 = tpu.vector_load %arg11[%swap3A_68] {strides = array<i32>} : memref<32xi32, #tpu.memory_space<vmem>>, vector<16xi32>,
    tpu.vector_store %arg11[%swap3A_68], %select_n3A_67 {strides = array<i32>} : memref<32xi32, #tpu.memory_space<vmem>>, vector<16xi32>,
    %add3A_70 = arith.constant 16 : i32
    %add3A_71 = vector.broadcast %add3A_70 : i32 to vector<16xi32>
    %add3A_72 = arith.addi %iota3A, %add3A_71 : vector<16xi32>
    %add3A_73 = arith.addf %scan3A_50#1, %gather3A : vector<16xf32>
    %jit3A_74 = arith.constant -1.000000e+20 : f32
    %broadcast_in_dim3A_75 = vector.broadcast %jit3A_74 : f32 to vector<16xf32>
    %select_n3A_76 = arith.select %eq3A_59, %broadcast_in_dim3A_75, %add3A_73 : vector<16xi1>, vector<16xf32>
    %swap3A_77 = arith.constant 16 : index
    %swap3A_78 = tpu.vector_load %arg10[%swap3A_77] {strides = array<i32>} : memref<32xf32, #tpu.memory_space<vmem>>, vector<16xf32>,
    tpu.vector_store %arg10[%swap3A_77], %select_n3A_76 {strides = array<i32>} : memref<32xf32, #tpu.memory_space<vmem>>, vector<16xf32>,
    %select_n3A_79 = arith.select %eq3A_59, %add3A_72, %scan3A_50#3 : vector<16xi1>, vector<16xi32>
    %swap3A_80 = arith.constant 16 : index
    %swap3A_81 = tpu.vector_load %arg11[%swap3A_80] {strides = array<i32>} : memref<32xi32, #tpu.memory_space<vmem>>, vector<16xi32>,
    tpu.vector_store %arg11[%swap3A_80], %select_n3A_79 {strides = array<i32>} : memref<32xi32, #tpu.memory_space<vmem>>, vector<16xi32>,
    %mul3A_82 = arith.constant 32 : i32
    %mul3A_83 = arith.muli %add3A, %mul3A_82 : i32
    %run_scoped3A = arith.constant 0 : i32
    "tpu.region"() ({
      %run_scoped3A_87 = tpu.sem_alloc : memref<!tpu.dma_semaphore, #tpu.memory_space<semaphore_mem>>
      %dma_start3A_88 = tpu.memref_slice %arg5[%run_scoped3A, %mul3A_83] : memref<1x1024xf32, #tpu.memory_space<hbm>> -> memref<1x32xf32, #tpu.memory_space<hbm>>
      %dma_start3A_89 = tpu.memref_squeeze %dma_start3A_88 : memref<1x32xf32, #tpu.memory_space<hbm>> -> memref<32xf32, #tpu.memory_space<hbm>>
      %dma_start3A_90 = tpu.memref_slice %arg5[%run_scoped3A, %mul3A_83] : memref<1x1024xf32, #tpu.memory_space<hbm>> -> memref<1x32xf32, #tpu.memory_space<hbm>>
      %dma_start3A_91 = tpu.memref_squeeze %dma_start3A_90 : memref<1x32xf32, #tpu.memory_space<hbm>> -> memref<32xf32, #tpu.memory_space<hbm>>
      tpu.enqueue_dma source(%arg10 : memref<32xf32, #tpu.memory_space<vmem>>) target(%dma_start3A_91 : memref<32xf32, #tpu.memory_space<hbm>>) target_semaphore(%run_scoped3A_87 : memref<!tpu.dma_semaphore, #tpu.memory_space<semaphore_mem>>)
      %dma_wait3A_92 = tpu.memref_slice %arg5[%run_scoped3A, %mul3A_83] : memref<1x1024xf32, #tpu.memory_space<hbm>> -> memref<1x32xf32, #tpu.memory_space<hbm>>
      %dma_wait3A_93 = tpu.memref_squeeze %dma_wait3A_92 : memref<1x32xf32, #tpu.memory_space<hbm>> -> memref<32xf32, #tpu.memory_space<hbm>>
      %dma_wait3A_94 = tpu.memref_slice %arg5[%run_scoped3A, %mul3A_83] : memref<1x1024xf32, #tpu.memory_space<hbm>> -> memref<1x32xf32, #tpu.memory_space<hbm>>
      %dma_wait3A_95 = tpu.memref_squeeze %dma_wait3A_94 : memref<1x32xf32, #tpu.memory_space<hbm>> -> memref<32xf32, #tpu.memory_space<hbm>>
      tpu.wait_dma2 semaphore(%run_scoped3A_87 : memref<!tpu.dma_semaphore, #tpu.memory_space<semaphore_mem>>) src(%arg10 : memref<32xf32, #tpu.memory_space<vmem>>) dst(%dma_wait3A_95 : memref<32xf32, #tpu.memory_space<hbm>>)
      tpu.yield
    }) : () -> ()
    %mul3A_84 = arith.constant 32 : i32
    %mul3A_85 = arith.muli %add3A, %mul3A_84 : i32
    %run_scoped3A_86 = arith.constant 0 : i32
    "tpu.region"() ({
      %run_scoped3A_87 = tpu.sem_alloc : memref<!tpu.dma_semaphore, #tpu.memory_space<semaphore_mem>>
      %dma_start3A_88 = tpu.memref_slice %arg6[%run_scoped3A_86, %mul3A_85] : memref<1x1024xi32, #tpu.memory_space<hbm>> -> memref<1x32xi32, #tpu.memory_space<hbm>>
      %dma_start3A_89 = tpu.memref_squeeze %dma_start3A_88 : memref<1x32xi32, #tpu.memory_space<hbm>> -> memref<32xi32, #tpu.memory_space<hbm>>
      %dma_start3A_90 = tpu.memref_slice %arg6[%run_scoped3A_86, %mul3A_85] : memref<1x1024xi32, #tpu.memory_space<hbm>> -> memref<1x32xi32, #tpu.memory_space<hbm>>
      %dma_start3A_91 = tpu.memref_squeeze %dma_start3A_90 : memref<1x32xi32, #tpu.memory_space<hbm>> -> memref<32xi32, #tpu.memory_space<hbm>>
      tpu.enqueue_dma source(%arg11 : memref<32xi32, #tpu.memory_space<vmem>>) target(%dma_start3A_91 : memref<32xi32, #tpu.memory_space<hbm>>) target_semaphore(%run_scoped3A_87 : memref<!tpu.dma_semaphore, #tpu.memory_space<semaphore_mem>>)
      %dma_wait3A_92 = tpu.memref_slice %arg6[%run_scoped3A_86, %mul3A_85] : memref<1x1024xi32, #tpu.memory_space<hbm>> -> memref<1x32xi32, #tpu.memory_space<hbm>>
      %dma_wait3A_93 = tpu.memref_squeeze %dma_wait3A_92 : memref<1x32xi32, #tpu.memory_space<hbm>> -> memref<32xi32, #tpu.memory_space<hbm>>
      %dma_wait3A_94 = tpu.memref_slice %arg6[%run_scoped3A_86, %mul3A_85] : memref<1x1024xi32, #tpu.memory_space<hbm>> -> memref<1x32xi32, #tpu.memory_space<hbm>>
      %dma_wait3A_95 = tpu.memref_squeeze %dma_wait3A_94 : memref<1x32xi32, #tpu.memory_space<hbm>> -> memref<32xi32, #tpu.memory_space<hbm>>
      tpu.wait_dma2 semaphore(%run_scoped3A_87 : memref<!tpu.dma_semaphore, #tpu.memory_space<semaphore_mem>>) src(%arg11 : memref<32xi32, #tpu.memory_space<vmem>>) dst(%dma_wait3A_95 : memref<32xi32, #tpu.memory_space<hbm>>)
      tpu.yield
    }) : () -> ()
    return
  }
}

module attributes {stable_mosaic.version = 14 : i64} {
  func.func @_merge_body(%arg0: memref<1x1024xf32, #tpu.memory_space<vmem>>, %arg1: memref<1x1024xi32, #tpu.memory_space<vmem>>, %arg2: memref<1x32xf32, #tpu.memory_space<vmem>>, %arg3: memref<1x32xi32, #tpu.memory_space<vmem>>, %arg4: memref<1x32xi32, #tpu.memory_space<vmem>>) attributes {dimension_semantics = [], scalar_prefetch = 0 : i64, scratch_operands = 0 : i64, tpu.core_type = #tpu.core_type<tc>} {
    %get3A = arith.constant 0 : index
    %get3A_0 = arith.constant 0 : index
    %get3A_1 = vector.load %arg0[%get3A, %get3A_0] : memref<1x1024xf32, #tpu.memory_space<vmem>>, vector<1x1024xf32>
    %iota3A = tpu.iota {dimensions = array<i32: 1>} : vector<1x1024xi32>
    %jit3A = arith.constant 32 : i32
    %div3A = vector.broadcast %jit3A : i32 to vector<1x1024xi32>
    %div3A_2 = arith.divsi %iota3A, %div3A : vector<1x1024xi32>
    %sign3A = arith.constant 0 : i32
    %sign3A_3 = vector.broadcast %sign3A : i32 to vector<1x1024xi32>
    %sign3A_4 = arith.cmpi sgt, %iota3A, %sign3A_3 : vector<1x1024xi32>
    %sign3A_5 = arith.extui %sign3A_4 : vector<1x1024xi1> to vector<1x1024xi32>
    %sign3A_6 = arith.constant 0 : i32
    %sign3A_7 = vector.broadcast %sign3A_6 : i32 to vector<1x1024xi32>
    %sign3A_8 = arith.cmpi slt, %iota3A, %sign3A_7 : vector<1x1024xi32>
    %sign3A_9 = arith.extui %sign3A_8 : vector<1x1024xi1> to vector<1x1024xi32>
    %sign3A_10 = arith.subi %sign3A_5, %sign3A_9 : vector<1x1024xi32>
    %sign3A_11 = arith.constant 0 : i32
    %sign3A_12 = arith.cmpi sgt, %jit3A, %sign3A_11 : i32
    %sign3A_13 = arith.extui %sign3A_12 : i1 to i32
    %sign3A_14 = arith.constant 0 : i32
    %sign3A_15 = arith.cmpi slt, %jit3A, %sign3A_14 : i32
    %sign3A_16 = arith.extui %sign3A_15 : i1 to i32
    %sign3A_17 = arith.subi %sign3A_13, %sign3A_16 : i32
    %ne3A = vector.broadcast %sign3A_17 : i32 to vector<1x1024xi32>
    %ne3A_18 = arith.cmpi ne, %sign3A_10, %ne3A : vector<1x1024xi32>
    %rem3A = vector.broadcast %jit3A : i32 to vector<1x1024xi32>
    %rem3A_19 = arith.remsi %iota3A, %rem3A : vector<1x1024xi32>
    %ne3A_20 = arith.constant 0 : i32
    %ne3A_21 = vector.broadcast %ne3A_20 : i32 to vector<1x1024xi32>
    %ne3A_22 = arith.cmpi ne, %rem3A_19, %ne3A_21 : vector<1x1024xi32>
    %and3A = arith.andi %ne3A_18, %ne3A_22 : vector<1x1024xi1>
    %sub3A = arith.constant 1 : i32
    %sub3A_23 = vector.broadcast %sub3A : i32 to vector<1x1024xi32>
    %sub3A_24 = arith.subi %div3A_2, %sub3A_23 : vector<1x1024xi32>
    %select_n3A = arith.select %and3A, %sub3A_24, %div3A_2 : vector<1x1024xi1>, vector<1x1024xi32>
    %mul3A = arith.constant 100000 : i32
    %mul3A_25 = vector.broadcast %mul3A : i32 to vector<1x1024xi32>
    %mul3A_26 = arith.muli %select_n3A, %mul3A_25 : vector<1x1024xi32>
    %get3A_27 = arith.constant 0 : index
    %get3A_28 = arith.constant 0 : index
    %get3A_29 = vector.load %arg1[%get3A_27, %get3A_28] : memref<1x1024xi32, #tpu.memory_space<vmem>>, vector<1x1024xi32>
    %add3A = arith.addi %mul3A_26, %get3A_29 : vector<1x1024xi32>
    %slice3A = vector.extract_strided_slice %get3A_1 {offsets = [0, 0], sizes = [1, 128], strides = [1, 1]} : vector<1x1024xf32> to vector<1x128xf32>
    %slice3A_30 = vector.extract_strided_slice %get3A_1 {offsets = [0, 128], sizes = [1, 128], strides = [1, 1]} : vector<1x1024xf32> to vector<1x128xf32>
    %slice3A_31 = vector.extract_strided_slice %get3A_1 {offsets = [0, 256], sizes = [1, 128], strides = [1, 1]} : vector<1x1024xf32> to vector<1x128xf32>
    %slice3A_32 = vector.extract_strided_slice %get3A_1 {offsets = [0, 384], sizes = [1, 128], strides = [1, 1]} : vector<1x1024xf32> to vector<1x128xf32>
    %slice3A_33 = vector.extract_strided_slice %get3A_1 {offsets = [0, 512], sizes = [1, 128], strides = [1, 1]} : vector<1x1024xf32> to vector<1x128xf32>
    %slice3A_34 = vector.extract_strided_slice %get3A_1 {offsets = [0, 640], sizes = [1, 128], strides = [1, 1]} : vector<1x1024xf32> to vector<1x128xf32>
    %slice3A_35 = vector.extract_strided_slice %get3A_1 {offsets = [0, 768], sizes = [1, 128], strides = [1, 1]} : vector<1x1024xf32> to vector<1x128xf32>
    %slice3A_36 = vector.extract_strided_slice %get3A_1 {offsets = [0, 896], sizes = [1, 128], strides = [1, 1]} : vector<1x1024xf32> to vector<1x128xf32>
    %concatenate3A = tpu.concatenate %slice3A, %slice3A_30, %slice3A_31, %slice3A_32, %slice3A_33, %slice3A_34, %slice3A_35, %slice3A_36 in 0 : vector<1x128xf32>, vector<1x128xf32>, vector<1x128xf32>, vector<1x128xf32>, vector<1x128xf32>, vector<1x128xf32>, vector<1x128xf32>, vector<1x128xf32> -> vector<8x128xf32>
    %slice3A_37 = vector.extract_strided_slice %add3A {offsets = [0, 0], sizes = [1, 128], strides = [1, 1]} : vector<1x1024xi32> to vector<1x128xi32>
    %slice3A_38 = vector.extract_strided_slice %add3A {offsets = [0, 128], sizes = [1, 128], strides = [1, 1]} : vector<1x1024xi32> to vector<1x128xi32>
    %slice3A_39 = vector.extract_strided_slice %add3A {offsets = [0, 256], sizes = [1, 128], strides = [1, 1]} : vector<1x1024xi32> to vector<1x128xi32>
    %slice3A_40 = vector.extract_strided_slice %add3A {offsets = [0, 384], sizes = [1, 128], strides = [1, 1]} : vector<1x1024xi32> to vector<1x128xi32>
    %slice3A_41 = vector.extract_strided_slice %add3A {offsets = [0, 512], sizes = [1, 128], strides = [1, 1]} : vector<1x1024xi32> to vector<1x128xi32>
    %slice3A_42 = vector.extract_strided_slice %add3A {offsets = [0, 640], sizes = [1, 128], strides = [1, 1]} : vector<1x1024xi32> to vector<1x128xi32>
    %slice3A_43 = vector.extract_strided_slice %add3A {offsets = [0, 768], sizes = [1, 128], strides = [1, 1]} : vector<1x1024xi32> to vector<1x128xi32>
    %slice3A_44 = vector.extract_strided_slice %add3A {offsets = [0, 896], sizes = [1, 128], strides = [1, 1]} : vector<1x1024xi32> to vector<1x128xi32>
    %concatenate3A_45 = tpu.concatenate %slice3A_37, %slice3A_38, %slice3A_39, %slice3A_40, %slice3A_41, %slice3A_42, %slice3A_43, %slice3A_44 in 0 : vector<1x128xi32>, vector<1x128xi32>, vector<1x128xi32>, vector<1x128xi32>, vector<1x128xi32>, vector<1x128xi32>, vector<1x128xi32>, vector<1x128xi32> -> vector<8x128xi32>
    %iota3A_46 = tpu.iota {dimensions = array<i32: 1>} : vector<1x32xi32>
    %broadcast_in_dim3A = arith.constant 0.000000e+00 : f32
    %broadcast_in_dim3A_47 = vector.broadcast %broadcast_in_dim3A : f32 to vector<1x32xf32>
    %broadcast_in_dim3A_48 = arith.constant 0 : i32
    %broadcast_in_dim3A_49 = vector.broadcast %broadcast_in_dim3A_48 : i32 to vector<1x32xi32>
    %broadcast_in_dim3A_50 = arith.constant 0 : i32
    %broadcast_in_dim3A_51 = vector.broadcast %broadcast_in_dim3A_50 : i32 to vector<1x32xi32>
    %reduce_max3A = vector.shape_cast %concatenate3A : vector<8x128xf32> to vector<1x8x128xf32>
    %reduce_max3A_52 = arith.constant dense<0xFF800000> : vector<1xf32>
    %reduce_max3A_53 = vector.multi_reduction <maximumf>, %reduce_max3A, %reduce_max3A_52 [1, 2] : vector<1x8x128xf32> to vector<1xf32>
    %reduce_max3A_54 = vector.shape_cast %reduce_max3A_53 : vector<1xf32> to vector<1x1x1xf32>
    %reduce_max3A_55 = vector.extract %reduce_max3A_54[0, 0, 0] : f32 from vector<1x1x1xf32>
    %eq3A = vector.broadcast %reduce_max3A_55 : f32 to vector<8x128xf32>
    %eq3A_56 = arith.cmpf oeq, %concatenate3A, %eq3A : vector<8x128xf32>
    %jit3A_57 = arith.constant 2147483647 : i32
    %broadcast_in_dim3A_58 = vector.broadcast %jit3A_57 : i32 to vector<8x128xi32>
    %select_n3A_59 = arith.select %eq3A_56, %concatenate3A_45, %broadcast_in_dim3A_58 : vector<8x128xi1>, vector<8x128xi32>
    %reduce_min3A = vector.shape_cast %select_n3A_59 : vector<8x128xi32> to vector<1x8x128xi32>
    %reduce_min3A_60 = arith.constant dense<2147483647> : vector<1xi32>
    %reduce_min3A_61 = vector.multi_reduction <minsi>, %reduce_min3A, %reduce_min3A_60 [1, 2] : vector<1x8x128xi32> to vector<1xi32>
    %reduce_min3A_62 = vector.shape_cast %reduce_min3A_61 : vector<1xi32> to vector<1x1x1xi32>
    %reduce_min3A_63 = vector.extract %reduce_min3A_62[0, 0, 0] : i32 from vector<1x1x1xi32>
    %eq3A_64 = arith.constant 0 : i32
    %eq3A_65 = vector.broadcast %eq3A_64 : i32 to vector<1x32xi32>
    %eq3A_66 = arith.cmpi eq, %iota3A_46, %eq3A_65 : vector<1x32xi32>
    %broadcast_in_dim3A_67 = vector.broadcast %reduce_max3A_55 : f32 to vector<1x32xf32>
    %select_n3A_68 = arith.select %eq3A_66, %broadcast_in_dim3A_67, %broadcast_in_dim3A_47 : vector<1x32xi1>, vector<1x32xf32>
    %jit3A_69 = arith.constant 100000 : i32
    %div3A_70 = arith.divsi %reduce_min3A_63, %jit3A_69 : i32
    %sign3A_71 = arith.constant 0 : i32
    %sign3A_72 = arith.cmpi sgt, %reduce_min3A_63, %sign3A_71 : i32
    %sign3A_73 = arith.extui %sign3A_72 : i1 to i32
    %sign3A_74 = arith.constant 0 : i32
    %sign3A_75 = arith.cmpi slt, %reduce_min3A_63, %sign3A_74 : i32
    %sign3A_76 = arith.extui %sign3A_75 : i1 to i32
    %sign3A_77 = arith.subi %sign3A_73, %sign3A_76 : i32
    %sign3A_78 = arith.constant 0 : i32
    %sign3A_79 = arith.cmpi sgt, %jit3A_69, %sign3A_78 : i32
    %sign3A_80 = arith.extui %sign3A_79 : i1 to i32
    %sign3A_81 = arith.constant 0 : i32
    %sign3A_82 = arith.cmpi slt, %jit3A_69, %sign3A_81 : i32
    %sign3A_83 = arith.extui %sign3A_82 : i1 to i32
    %sign3A_84 = arith.subi %sign3A_80, %sign3A_83 : i32
    %ne3A_85 = arith.cmpi ne, %sign3A_77, %sign3A_84 : i32
    %rem3A_86 = arith.remsi %reduce_min3A_63, %jit3A_69 : i32
    %ne3A_87 = arith.constant 0 : i32
    %ne3A_88 = arith.cmpi ne, %rem3A_86, %ne3A_87 : i32
    %and3A_89 = arith.andi %ne3A_85, %ne3A_88 : i1
    %sub3A_90 = arith.constant 1 : i32
    %sub3A_91 = arith.subi %div3A_70, %sub3A_90 : i32
    %select_n3A_92 = arith.select %and3A_89, %sub3A_91, %div3A_70 : i32
    %broadcast_in_dim3A_93 = vector.broadcast %select_n3A_92 : i32 to vector<1x32xi32>
    %select_n3A_94 = arith.select %eq3A_66, %broadcast_in_dim3A_93, %broadcast_in_dim3A_49 : vector<1x32xi1>, vector<1x32xi32>
    %jit3A_95 = arith.constant 100000 : i32
    %eq3A_96 = arith.constant 0 : i32
    %eq3A_97 = arith.cmpi eq, %jit3A_95, %eq3A_96 : i32
    %jit3A_98 = arith.constant 1 : i32
    %select_n3A_99 = arith.select %eq3A_97, %jit3A_98, %jit3A_95 : i32
    %rem3A_100 = arith.remsi %reduce_min3A_63, %select_n3A_99 : i32
    %ne3A_101 = arith.constant 0 : i32
    %ne3A_102 = arith.cmpi ne, %rem3A_100, %ne3A_101 : i32
    %lt3A = arith.constant 0 : i32
    %lt3A_103 = arith.cmpi slt, %rem3A_100, %lt3A : i32
    %lt3A_104 = arith.constant 0 : i32
    %lt3A_105 = arith.cmpi slt, %select_n3A_99, %lt3A_104 : i32
    %ne3A_106 = arith.xori %lt3A_103, %lt3A_105 : i1
    %and3A_107 = arith.andi %ne3A_106, %ne3A_102 : i1
    %add3A_108 = arith.addi %rem3A_100, %select_n3A_99 : i32
    %select_n3A_109 = arith.select %and3A_107, %add3A_108, %rem3A_100 : i32
    %broadcast_in_dim3A_110 = vector.broadcast %select_n3A_109 : i32 to vector<1x32xi32>
    %select_n3A_111 = arith.select %eq3A_66, %broadcast_in_dim3A_110, %broadcast_in_dim3A_51 : vector<1x32xi1>, vector<1x32xi32>
    %eq3A_112 = vector.broadcast %reduce_min3A_63 : i32 to vector<8x128xi32>
    %eq3A_113 = arith.cmpi eq, %concatenate3A_45, %eq3A_112 : vector<8x128xi32>
    %jit3A_114 = arith.constant -3.000000e+38 : f32
    %broadcast_in_dim3A_115 = vector.broadcast %jit3A_114 : f32 to vector<8x128xf32>
    %select_n3A_116 = arith.select %eq3A_113, %broadcast_in_dim3A_115, %concatenate3A : vector<8x128xi1>, vector<8x128xf32>
    %reduce_max3A_117 = vector.shape_cast %select_n3A_116 : vector<8x128xf32> to vector<1x8x128xf32>
    %reduce_max3A_118 = arith.constant dense<0xFF800000> : vector<1xf32>
    %reduce_max3A_119 = vector.multi_reduction <maximumf>, %reduce_max3A_117, %reduce_max3A_118 [1, 2] : vector<1x8x128xf32> to vector<1xf32>
    %reduce_max3A_120 = vector.shape_cast %reduce_max3A_119 : vector<1xf32> to vector<1x1x1xf32>
    %reduce_max3A_121 = vector.extract %reduce_max3A_120[0, 0, 0] : f32 from vector<1x1x1xf32>
    %eq3A_122 = vector.broadcast %reduce_max3A_121 : f32 to vector<8x128xf32>
    %eq3A_123 = arith.cmpf oeq, %select_n3A_116, %eq3A_122 : vector<8x128xf32>
    %jit3A_124 = arith.constant 2147483647 : i32
    %broadcast_in_dim3A_125 = vector.broadcast %jit3A_124 : i32 to vector<8x128xi32>
    %select_n3A_126 = arith.select %eq3A_123, %concatenate3A_45, %broadcast_in_dim3A_125 : vector<8x128xi1>, vector<8x128xi32>
    %reduce_min3A_127 = vector.shape_cast %select_n3A_126 : vector<8x128xi32> to vector<1x8x128xi32>
    %reduce_min3A_128 = arith.constant dense<2147483647> : vector<1xi32>
    %reduce_min3A_129 = vector.multi_reduction <minsi>, %reduce_min3A_127, %reduce_min3A_128 [1, 2] : vector<1x8x128xi32> to vector<1xi32>
    %reduce_min3A_130 = vector.shape_cast %reduce_min3A_129 : vector<1xi32> to vector<1x1x1xi32>
    %reduce_min3A_131 = vector.extract %reduce_min3A_130[0, 0, 0] : i32 from vector<1x1x1xi32>
    %eq3A_132 = arith.constant 1 : i32
    %eq3A_133 = vector.broadcast %eq3A_132 : i32 to vector<1x32xi32>
    %eq3A_134 = arith.cmpi eq, %iota3A_46, %eq3A_133 : vector<1x32xi32>
    %broadcast_in_dim3A_135 = vector.broadcast %reduce_max3A_121 : f32 to vector<1x32xf32>
    %select_n3A_136 = arith.select %eq3A_134, %broadcast_in_dim3A_135, %select_n3A_68 : vector<1x32xi1>, vector<1x32xf32>
    %jit3A_137 = arith.constant 100000 : i32
    %div3A_138 = arith.divsi %reduce_min3A_131, %jit3A_137 : i32
    %sign3A_139 = arith.constant 0 : i32
    %sign3A_140 = arith.cmpi sgt, %reduce_min3A_131, %sign3A_139 : i32
    %sign3A_141 = arith.extui %sign3A_140 : i1 to i32
    %sign3A_142 = arith.constant 0 : i32
    %sign3A_143 = arith.cmpi slt, %reduce_min3A_131, %sign3A_142 : i32
    %sign3A_144 = arith.extui %sign3A_143 : i1 to i32
    %sign3A_145 = arith.subi %sign3A_141, %sign3A_144 : i32
    %sign3A_146 = arith.constant 0 : i32
    %sign3A_147 = arith.cmpi sgt, %jit3A_137, %sign3A_146 : i32
    %sign3A_148 = arith.extui %sign3A_147 : i1 to i32
    %sign3A_149 = arith.constant 0 : i32
    %sign3A_150 = arith.cmpi slt, %jit3A_137, %sign3A_149 : i32
    %sign3A_151 = arith.extui %sign3A_150 : i1 to i32
    %sign3A_152 = arith.subi %sign3A_148, %sign3A_151 : i32
    %ne3A_153 = arith.cmpi ne, %sign3A_145, %sign3A_152 : i32
    %rem3A_154 = arith.remsi %reduce_min3A_131, %jit3A_137 : i32
    %ne3A_155 = arith.constant 0 : i32
    %ne3A_156 = arith.cmpi ne, %rem3A_154, %ne3A_155 : i32
    %and3A_157 = arith.andi %ne3A_153, %ne3A_156 : i1
    %sub3A_158 = arith.constant 1 : i32
    %sub3A_159 = arith.subi %div3A_138, %sub3A_158 : i32
    %select_n3A_160 = arith.select %and3A_157, %sub3A_159, %div3A_138 : i32
    %broadcast_in_dim3A_161 = vector.broadcast %select_n3A_160 : i32 to vector<1x32xi32>
    %select_n3A_162 = arith.select %eq3A_134, %broadcast_in_dim3A_161, %select_n3A_94 : vector<1x32xi1>, vector<1x32xi32>
    %jit3A_163 = arith.constant 100000 : i32
    %eq3A_164 = arith.constant 0 : i32
    %eq3A_165 = arith.cmpi eq, %jit3A_163, %eq3A_164 : i32
    %jit3A_166 = arith.constant 1 : i32
    %select_n3A_167 = arith.select %eq3A_165, %jit3A_166, %jit3A_163 : i32
    %rem3A_168 = arith.remsi %reduce_min3A_131, %select_n3A_167 : i32
    %ne3A_169 = arith.constant 0 : i32
    %ne3A_170 = arith.cmpi ne, %rem3A_168, %ne3A_169 : i32
    %lt3A_171 = arith.constant 0 : i32
    %lt3A_172 = arith.cmpi slt, %rem3A_168, %lt3A_171 : i32
    %lt3A_173 = arith.constant 0 : i32
    %lt3A_174 = arith.cmpi slt, %select_n3A_167, %lt3A_173 : i32
    %ne3A_175 = arith.xori %lt3A_172, %lt3A_174 : i1
    %and3A_176 = arith.andi %ne3A_175, %ne3A_170 : i1
    %add3A_177 = arith.addi %rem3A_168, %select_n3A_167 : i32
    %select_n3A_178 = arith.select %and3A_176, %add3A_177, %rem3A_168 : i32
    %broadcast_in_dim3A_179 = vector.broadcast %select_n3A_178 : i32 to vector<1x32xi32>
    %select_n3A_180 = arith.select %eq3A_134, %broadcast_in_dim3A_179, %select_n3A_111 : vector<1x32xi1>, vector<1x32xi32>
    %eq3A_181 = vector.broadcast %reduce_min3A_131 : i32 to vector<8x128xi32>
    %eq3A_182 = arith.cmpi eq, %concatenate3A_45, %eq3A_181 : vector<8x128xi32>
    %jit3A_183 = arith.constant -3.000000e+38 : f32
    %broadcast_in_dim3A_184 = vector.broadcast %jit3A_183 : f32 to vector<8x128xf32>
    %select_n3A_185 = arith.select %eq3A_182, %broadcast_in_dim3A_184, %select_n3A_116 : vector<8x128xi1>, vector<8x128xf32>
    %reduce_max3A_186 = vector.shape_cast %select_n3A_185 : vector<8x128xf32> to vector<1x8x128xf32>
    %reduce_max3A_187 = arith.constant dense<0xFF800000> : vector<1xf32>
    %reduce_max3A_188 = vector.multi_reduction <maximumf>, %reduce_max3A_186, %reduce_max3A_187 [1, 2] : vector<1x8x128xf32> to vector<1xf32>
    %reduce_max3A_189 = vector.shape_cast %reduce_max3A_188 : vector<1xf32> to vector<1x1x1xf32>
    %reduce_max3A_190 = vector.extract %reduce_max3A_189[0, 0, 0] : f32 from vector<1x1x1xf32>
    %eq3A_191 = vector.broadcast %reduce_max3A_190 : f32 to vector<8x128xf32>
    %eq3A_192 = arith.cmpf oeq, %select_n3A_185, %eq3A_191 : vector<8x128xf32>
    %jit3A_193 = arith.constant 2147483647 : i32
    %broadcast_in_dim3A_194 = vector.broadcast %jit3A_193 : i32 to vector<8x128xi32>
    %select_n3A_195 = arith.select %eq3A_192, %concatenate3A_45, %broadcast_in_dim3A_194 : vector<8x128xi1>, vector<8x128xi32>
    %reduce_min3A_196 = vector.shape_cast %select_n3A_195 : vector<8x128xi32> to vector<1x8x128xi32>
    %reduce_min3A_197 = arith.constant dense<2147483647> : vector<1xi32>
    %reduce_min3A_198 = vector.multi_reduction <minsi>, %reduce_min3A_196, %reduce_min3A_197 [1, 2] : vector<1x8x128xi32> to vector<1xi32>
    %reduce_min3A_199 = vector.shape_cast %reduce_min3A_198 : vector<1xi32> to vector<1x1x1xi32>
    %reduce_min3A_200 = vector.extract %reduce_min3A_199[0, 0, 0] : i32 from vector<1x1x1xi32>
    %eq3A_201 = arith.constant 2 : i32
    %eq3A_202 = vector.broadcast %eq3A_201 : i32 to vector<1x32xi32>
    %eq3A_203 = arith.cmpi eq, %iota3A_46, %eq3A_202 : vector<1x32xi32>
    %broadcast_in_dim3A_204 = vector.broadcast %reduce_max3A_190 : f32 to vector<1x32xf32>
    %select_n3A_205 = arith.select %eq3A_203, %broadcast_in_dim3A_204, %select_n3A_136 : vector<1x32xi1>, vector<1x32xf32>
    %jit3A_206 = arith.constant 100000 : i32
    %div3A_207 = arith.divsi %reduce_min3A_200, %jit3A_206 : i32
    %sign3A_208 = arith.constant 0 : i32
    %sign3A_209 = arith.cmpi sgt, %reduce_min3A_200, %sign3A_208 : i32
    %sign3A_210 = arith.extui %sign3A_209 : i1 to i32
    %sign3A_211 = arith.constant 0 : i32
    %sign3A_212 = arith.cmpi slt, %reduce_min3A_200, %sign3A_211 : i32
    %sign3A_213 = arith.extui %sign3A_212 : i1 to i32
    %sign3A_214 = arith.subi %sign3A_210, %sign3A_213 : i32
    %sign3A_215 = arith.constant 0 : i32
    %sign3A_216 = arith.cmpi sgt, %jit3A_206, %sign3A_215 : i32
    %sign3A_217 = arith.extui %sign3A_216 : i1 to i32
    %sign3A_218 = arith.constant 0 : i32
    %sign3A_219 = arith.cmpi slt, %jit3A_206, %sign3A_218 : i32
    %sign3A_220 = arith.extui %sign3A_219 : i1 to i32
    %sign3A_221 = arith.subi %sign3A_217, %sign3A_220 : i32
    %ne3A_222 = arith.cmpi ne, %sign3A_214, %sign3A_221 : i32
    %rem3A_223 = arith.remsi %reduce_min3A_200, %jit3A_206 : i32
    %ne3A_224 = arith.constant 0 : i32
    %ne3A_225 = arith.cmpi ne, %rem3A_223, %ne3A_224 : i32
    %and3A_226 = arith.andi %ne3A_222, %ne3A_225 : i1
    %sub3A_227 = arith.constant 1 : i32
    %sub3A_228 = arith.subi %div3A_207, %sub3A_227 : i32
    %select_n3A_229 = arith.select %and3A_226, %sub3A_228, %div3A_207 : i32
    %broadcast_in_dim3A_230 = vector.broadcast %select_n3A_229 : i32 to vector<1x32xi32>
    %select_n3A_231 = arith.select %eq3A_203, %broadcast_in_dim3A_230, %select_n3A_162 : vector<1x32xi1>, vector<1x32xi32>
    %jit3A_232 = arith.constant 100000 : i32
    %eq3A_233 = arith.constant 0 : i32
    %eq3A_234 = arith.cmpi eq, %jit3A_232, %eq3A_233 : i32
    %jit3A_235 = arith.constant 1 : i32
    %select_n3A_236 = arith.select %eq3A_234, %jit3A_235, %jit3A_232 : i32
    %rem3A_237 = arith.remsi %reduce_min3A_200, %select_n3A_236 : i32
    %ne3A_238 = arith.constant 0 : i32
    %ne3A_239 = arith.cmpi ne, %rem3A_237, %ne3A_238 : i32
    %lt3A_240 = arith.constant 0 : i32
    %lt3A_241 = arith.cmpi slt, %rem3A_237, %lt3A_240 : i32
    %lt3A_242 = arith.constant 0 : i32
    %lt3A_243 = arith.cmpi slt, %select_n3A_236, %lt3A_242 : i32
    %ne3A_244 = arith.xori %lt3A_241, %lt3A_243 : i1
    %and3A_245 = arith.andi %ne3A_244, %ne3A_239 : i1
    %add3A_246 = arith.addi %rem3A_237, %select_n3A_236 : i32
    %select_n3A_247 = arith.select %and3A_245, %add3A_246, %rem3A_237 : i32
    %broadcast_in_dim3A_248 = vector.broadcast %select_n3A_247 : i32 to vector<1x32xi32>
    %select_n3A_249 = arith.select %eq3A_203, %broadcast_in_dim3A_248, %select_n3A_180 : vector<1x32xi1>, vector<1x32xi32>
    %eq3A_250 = vector.broadcast %reduce_min3A_200 : i32 to vector<8x128xi32>
    %eq3A_251 = arith.cmpi eq, %concatenate3A_45, %eq3A_250 : vector<8x128xi32>
    %jit3A_252 = arith.constant -3.000000e+38 : f32
    %broadcast_in_dim3A_253 = vector.broadcast %jit3A_252 : f32 to vector<8x128xf32>
    %select_n3A_254 = arith.select %eq3A_251, %broadcast_in_dim3A_253, %select_n3A_185 : vector<8x128xi1>, vector<8x128xf32>
    %reduce_max3A_255 = vector.shape_cast %select_n3A_254 : vector<8x128xf32> to vector<1x8x128xf32>
    %reduce_max3A_256 = arith.constant dense<0xFF800000> : vector<1xf32>
    %reduce_max3A_257 = vector.multi_reduction <maximumf>, %reduce_max3A_255, %reduce_max3A_256 [1, 2] : vector<1x8x128xf32> to vector<1xf32>
    %reduce_max3A_258 = vector.shape_cast %reduce_max3A_257 : vector<1xf32> to vector<1x1x1xf32>
    %reduce_max3A_259 = vector.extract %reduce_max3A_258[0, 0, 0] : f32 from vector<1x1x1xf32>
    %eq3A_260 = vector.broadcast %reduce_max3A_259 : f32 to vector<8x128xf32>
    %eq3A_261 = arith.cmpf oeq, %select_n3A_254, %eq3A_260 : vector<8x128xf32>
    %jit3A_262 = arith.constant 2147483647 : i32
    %broadcast_in_dim3A_263 = vector.broadcast %jit3A_262 : i32 to vector<8x128xi32>
    %select_n3A_264 = arith.select %eq3A_261, %concatenate3A_45, %broadcast_in_dim3A_263 : vector<8x128xi1>, vector<8x128xi32>
    %reduce_min3A_265 = vector.shape_cast %select_n3A_264 : vector<8x128xi32> to vector<1x8x128xi32>
    %reduce_min3A_266 = arith.constant dense<2147483647> : vector<1xi32>
    %reduce_min3A_267 = vector.multi_reduction <minsi>, %reduce_min3A_265, %reduce_min3A_266 [1, 2] : vector<1x8x128xi32> to vector<1xi32>
    %reduce_min3A_268 = vector.shape_cast %reduce_min3A_267 : vector<1xi32> to vector<1x1x1xi32>
    %reduce_min3A_269 = vector.extract %reduce_min3A_268[0, 0, 0] : i32 from vector<1x1x1xi32>
    %eq3A_270 = arith.constant 3 : i32
    %eq3A_271 = vector.broadcast %eq3A_270 : i32 to vector<1x32xi32>
    %eq3A_272 = arith.cmpi eq, %iota3A_46, %eq3A_271 : vector<1x32xi32>
    %broadcast_in_dim3A_273 = vector.broadcast %reduce_max3A_259 : f32 to vector<1x32xf32>
    %select_n3A_274 = arith.select %eq3A_272, %broadcast_in_dim3A_273, %select_n3A_205 : vector<1x32xi1>, vector<1x32xf32>
    %jit3A_275 = arith.constant 100000 : i32
    %div3A_276 = arith.divsi %reduce_min3A_269, %jit3A_275 : i32
    %sign3A_277 = arith.constant 0 : i32
    %sign3A_278 = arith.cmpi sgt, %reduce_min3A_269, %sign3A_277 : i32
    %sign3A_279 = arith.extui %sign3A_278 : i1 to i32
    %sign3A_280 = arith.constant 0 : i32
    %sign3A_281 = arith.cmpi slt, %reduce_min3A_269, %sign3A_280 : i32
    %sign3A_282 = arith.extui %sign3A_281 : i1 to i32
    %sign3A_283 = arith.subi %sign3A_279, %sign3A_282 : i32
    %sign3A_284 = arith.constant 0 : i32
    %sign3A_285 = arith.cmpi sgt, %jit3A_275, %sign3A_284 : i32
    %sign3A_286 = arith.extui %sign3A_285 : i1 to i32
    %sign3A_287 = arith.constant 0 : i32
    %sign3A_288 = arith.cmpi slt, %jit3A_275, %sign3A_287 : i32
    %sign3A_289 = arith.extui %sign3A_288 : i1 to i32
    %sign3A_290 = arith.subi %sign3A_286, %sign3A_289 : i32
    %ne3A_291 = arith.cmpi ne, %sign3A_283, %sign3A_290 : i32
    %rem3A_292 = arith.remsi %reduce_min3A_269, %jit3A_275 : i32
    %ne3A_293 = arith.constant 0 : i32
    %ne3A_294 = arith.cmpi ne, %rem3A_292, %ne3A_293 : i32
    %and3A_295 = arith.andi %ne3A_291, %ne3A_294 : i1
    %sub3A_296 = arith.constant 1 : i32
    %sub3A_297 = arith.subi %div3A_276, %sub3A_296 : i32
    %select_n3A_298 = arith.select %and3A_295, %sub3A_297, %div3A_276 : i32
    %broadcast_in_dim3A_299 = vector.broadcast %select_n3A_298 : i32 to vector<1x32xi32>
    %select_n3A_300 = arith.select %eq3A_272, %broadcast_in_dim3A_299, %select_n3A_231 : vector<1x32xi1>, vector<1x32xi32>
    %jit3A_301 = arith.constant 100000 : i32
    %eq3A_302 = arith.constant 0 : i32
    %eq3A_303 = arith.cmpi eq, %jit3A_301, %eq3A_302 : i32
    %jit3A_304 = arith.constant 1 : i32
    %select_n3A_305 = arith.select %eq3A_303, %jit3A_304, %jit3A_301 : i32
    %rem3A_306 = arith.remsi %reduce_min3A_269, %select_n3A_305 : i32
    %ne3A_307 = arith.constant 0 : i32
    %ne3A_308 = arith.cmpi ne, %rem3A_306, %ne3A_307 : i32
    %lt3A_309 = arith.constant 0 : i32
    %lt3A_310 = arith.cmpi slt, %rem3A_306, %lt3A_309 : i32
    %lt3A_311 = arith.constant 0 : i32
    %lt3A_312 = arith.cmpi slt, %select_n3A_305, %lt3A_311 : i32
    %ne3A_313 = arith.xori %lt3A_310, %lt3A_312 : i1
    %and3A_314 = arith.andi %ne3A_313, %ne3A_308 : i1
    %add3A_315 = arith.addi %rem3A_306, %select_n3A_305 : i32
    %select_n3A_316 = arith.select %and3A_314, %add3A_315, %rem3A_306 : i32
    %broadcast_in_dim3A_317 = vector.broadcast %select_n3A_316 : i32 to vector<1x32xi32>
    %select_n3A_318 = arith.select %eq3A_272, %broadcast_in_dim3A_317, %select_n3A_249 : vector<1x32xi1>, vector<1x32xi32>
    %eq3A_319 = vector.broadcast %reduce_min3A_269 : i32 to vector<8x128xi32>
    %eq3A_320 = arith.cmpi eq, %concatenate3A_45, %eq3A_319 : vector<8x128xi32>
    %jit3A_321 = arith.constant -3.000000e+38 : f32
    %broadcast_in_dim3A_322 = vector.broadcast %jit3A_321 : f32 to vector<8x128xf32>
    %select_n3A_323 = arith.select %eq3A_320, %broadcast_in_dim3A_322, %select_n3A_254 : vector<8x128xi1>, vector<8x128xf32>
    %reduce_max3A_324 = vector.shape_cast %select_n3A_323 : vector<8x128xf32> to vector<1x8x128xf32>
    %reduce_max3A_325 = arith.constant dense<0xFF800000> : vector<1xf32>
    %reduce_max3A_326 = vector.multi_reduction <maximumf>, %reduce_max3A_324, %reduce_max3A_325 [1, 2] : vector<1x8x128xf32> to vector<1xf32>
    %reduce_max3A_327 = vector.shape_cast %reduce_max3A_326 : vector<1xf32> to vector<1x1x1xf32>
    %reduce_max3A_328 = vector.extract %reduce_max3A_327[0, 0, 0] : f32 from vector<1x1x1xf32>
    %eq3A_329 = vector.broadcast %reduce_max3A_328 : f32 to vector<8x128xf32>
    %eq3A_330 = arith.cmpf oeq, %select_n3A_323, %eq3A_329 : vector<8x128xf32>
    %jit3A_331 = arith.constant 2147483647 : i32
    %broadcast_in_dim3A_332 = vector.broadcast %jit3A_331 : i32 to vector<8x128xi32>
    %select_n3A_333 = arith.select %eq3A_330, %concatenate3A_45, %broadcast_in_dim3A_332 : vector<8x128xi1>, vector<8x128xi32>
    %reduce_min3A_334 = vector.shape_cast %select_n3A_333 : vector<8x128xi32> to vector<1x8x128xi32>
    %reduce_min3A_335 = arith.constant dense<2147483647> : vector<1xi32>
    %reduce_min3A_336 = vector.multi_reduction <minsi>, %reduce_min3A_334, %reduce_min3A_335 [1, 2] : vector<1x8x128xi32> to vector<1xi32>
    %reduce_min3A_337 = vector.shape_cast %reduce_min3A_336 : vector<1xi32> to vector<1x1x1xi32>
    %reduce_min3A_338 = vector.extract %reduce_min3A_337[0, 0, 0] : i32 from vector<1x1x1xi32>
    %eq3A_339 = arith.constant 4 : i32
    %eq3A_340 = vector.broadcast %eq3A_339 : i32 to vector<1x32xi32>
    %eq3A_341 = arith.cmpi eq, %iota3A_46, %eq3A_340 : vector<1x32xi32>
    %broadcast_in_dim3A_342 = vector.broadcast %reduce_max3A_328 : f32 to vector<1x32xf32>
    %select_n3A_343 = arith.select %eq3A_341, %broadcast_in_dim3A_342, %select_n3A_274 : vector<1x32xi1>, vector<1x32xf32>
    %jit3A_344 = arith.constant 100000 : i32
    %div3A_345 = arith.divsi %reduce_min3A_338, %jit3A_344 : i32
    %sign3A_346 = arith.constant 0 : i32
    %sign3A_347 = arith.cmpi sgt, %reduce_min3A_338, %sign3A_346 : i32
    %sign3A_348 = arith.extui %sign3A_347 : i1 to i32
    %sign3A_349 = arith.constant 0 : i32
    %sign3A_350 = arith.cmpi slt, %reduce_min3A_338, %sign3A_349 : i32
    %sign3A_351 = arith.extui %sign3A_350 : i1 to i32
    %sign3A_352 = arith.subi %sign3A_348, %sign3A_351 : i32
    %sign3A_353 = arith.constant 0 : i32
    %sign3A_354 = arith.cmpi sgt, %jit3A_344, %sign3A_353 : i32
    %sign3A_355 = arith.extui %sign3A_354 : i1 to i32
    %sign3A_356 = arith.constant 0 : i32
    %sign3A_357 = arith.cmpi slt, %jit3A_344, %sign3A_356 : i32
    %sign3A_358 = arith.extui %sign3A_357 : i1 to i32
    %sign3A_359 = arith.subi %sign3A_355, %sign3A_358 : i32
    %ne3A_360 = arith.cmpi ne, %sign3A_352, %sign3A_359 : i32
    %rem3A_361 = arith.remsi %reduce_min3A_338, %jit3A_344 : i32
    %ne3A_362 = arith.constant 0 : i32
    %ne3A_363 = arith.cmpi ne, %rem3A_361, %ne3A_362 : i32
    %and3A_364 = arith.andi %ne3A_360, %ne3A_363 : i1
    %sub3A_365 = arith.constant 1 : i32
    %sub3A_366 = arith.subi %div3A_345, %sub3A_365 : i32
    %select_n3A_367 = arith.select %and3A_364, %sub3A_366, %div3A_345 : i32
    %broadcast_in_dim3A_368 = vector.broadcast %select_n3A_367 : i32 to vector<1x32xi32>
    %select_n3A_369 = arith.select %eq3A_341, %broadcast_in_dim3A_368, %select_n3A_300 : vector<1x32xi1>, vector<1x32xi32>
    %jit3A_370 = arith.constant 100000 : i32
    %eq3A_371 = arith.constant 0 : i32
    %eq3A_372 = arith.cmpi eq, %jit3A_370, %eq3A_371 : i32
    %jit3A_373 = arith.constant 1 : i32
    %select_n3A_374 = arith.select %eq3A_372, %jit3A_373, %jit3A_370 : i32
    %rem3A_375 = arith.remsi %reduce_min3A_338, %select_n3A_374 : i32
    %ne3A_376 = arith.constant 0 : i32
    %ne3A_377 = arith.cmpi ne, %rem3A_375, %ne3A_376 : i32
    %lt3A_378 = arith.constant 0 : i32
    %lt3A_379 = arith.cmpi slt, %rem3A_375, %lt3A_378 : i32
    %lt3A_380 = arith.constant 0 : i32
    %lt3A_381 = arith.cmpi slt, %select_n3A_374, %lt3A_380 : i32
    %ne3A_382 = arith.xori %lt3A_379, %lt3A_381 : i1
    %and3A_383 = arith.andi %ne3A_382, %ne3A_377 : i1
    %add3A_384 = arith.addi %rem3A_375, %select_n3A_374 : i32
    %select_n3A_385 = arith.select %and3A_383, %add3A_384, %rem3A_375 : i32
    %broadcast_in_dim3A_386 = vector.broadcast %select_n3A_385 : i32 to vector<1x32xi32>
    %select_n3A_387 = arith.select %eq3A_341, %broadcast_in_dim3A_386, %select_n3A_318 : vector<1x32xi1>, vector<1x32xi32>
    %eq3A_388 = vector.broadcast %reduce_min3A_338 : i32 to vector<8x128xi32>
    %eq3A_389 = arith.cmpi eq, %concatenate3A_45, %eq3A_388 : vector<8x128xi32>
    %jit3A_390 = arith.constant -3.000000e+38 : f32
    %broadcast_in_dim3A_391 = vector.broadcast %jit3A_390 : f32 to vector<8x128xf32>
    %select_n3A_392 = arith.select %eq3A_389, %broadcast_in_dim3A_391, %select_n3A_323 : vector<8x128xi1>, vector<8x128xf32>
    %reduce_max3A_393 = vector.shape_cast %select_n3A_392 : vector<8x128xf32> to vector<1x8x128xf32>
    %reduce_max3A_394 = arith.constant dense<0xFF800000> : vector<1xf32>
    %reduce_max3A_395 = vector.multi_reduction <maximumf>, %reduce_max3A_393, %reduce_max3A_394 [1, 2] : vector<1x8x128xf32> to vector<1xf32>
    %reduce_max3A_396 = vector.shape_cast %reduce_max3A_395 : vector<1xf32> to vector<1x1x1xf32>
    %reduce_max3A_397 = vector.extract %reduce_max3A_396[0, 0, 0] : f32 from vector<1x1x1xf32>
    %eq3A_398 = vector.broadcast %reduce_max3A_397 : f32 to vector<8x128xf32>
    %eq3A_399 = arith.cmpf oeq, %select_n3A_392, %eq3A_398 : vector<8x128xf32>
    %jit3A_400 = arith.constant 2147483647 : i32
    %broadcast_in_dim3A_401 = vector.broadcast %jit3A_400 : i32 to vector<8x128xi32>
    %select_n3A_402 = arith.select %eq3A_399, %concatenate3A_45, %broadcast_in_dim3A_401 : vector<8x128xi1>, vector<8x128xi32>
    %reduce_min3A_403 = vector.shape_cast %select_n3A_402 : vector<8x128xi32> to vector<1x8x128xi32>
    %reduce_min3A_404 = arith.constant dense<2147483647> : vector<1xi32>
    %reduce_min3A_405 = vector.multi_reduction <minsi>, %reduce_min3A_403, %reduce_min3A_404 [1, 2] : vector<1x8x128xi32> to vector<1xi32>
    %reduce_min3A_406 = vector.shape_cast %reduce_min3A_405 : vector<1xi32> to vector<1x1x1xi32>
    %reduce_min3A_407 = vector.extract %reduce_min3A_406[0, 0, 0] : i32 from vector<1x1x1xi32>
    %eq3A_408 = arith.constant 5 : i32
    %eq3A_409 = vector.broadcast %eq3A_408 : i32 to vector<1x32xi32>
    %eq3A_410 = arith.cmpi eq, %iota3A_46, %eq3A_409 : vector<1x32xi32>
    %broadcast_in_dim3A_411 = vector.broadcast %reduce_max3A_397 : f32 to vector<1x32xf32>
    %select_n3A_412 = arith.select %eq3A_410, %broadcast_in_dim3A_411, %select_n3A_343 : vector<1x32xi1>, vector<1x32xf32>
    %jit3A_413 = arith.constant 100000 : i32
    %div3A_414 = arith.divsi %reduce_min3A_407, %jit3A_413 : i32
    %sign3A_415 = arith.constant 0 : i32
    %sign3A_416 = arith.cmpi sgt, %reduce_min3A_407, %sign3A_415 : i32
    %sign3A_417 = arith.extui %sign3A_416 : i1 to i32
    %sign3A_418 = arith.constant 0 : i32
    %sign3A_419 = arith.cmpi slt, %reduce_min3A_407, %sign3A_418 : i32
    %sign3A_420 = arith.extui %sign3A_419 : i1 to i32
    %sign3A_421 = arith.subi %sign3A_417, %sign3A_420 : i32
    %sign3A_422 = arith.constant 0 : i32
    %sign3A_423 = arith.cmpi sgt, %jit3A_413, %sign3A_422 : i32
    %sign3A_424 = arith.extui %sign3A_423 : i1 to i32
    %sign3A_425 = arith.constant 0 : i32
    %sign3A_426 = arith.cmpi slt, %jit3A_413, %sign3A_425 : i32
    %sign3A_427 = arith.extui %sign3A_426 : i1 to i32
    %sign3A_428 = arith.subi %sign3A_424, %sign3A_427 : i32
    %ne3A_429 = arith.cmpi ne, %sign3A_421, %sign3A_428 : i32
    %rem3A_430 = arith.remsi %reduce_min3A_407, %jit3A_413 : i32
    %ne3A_431 = arith.constant 0 : i32
    %ne3A_432 = arith.cmpi ne, %rem3A_430, %ne3A_431 : i32
    %and3A_433 = arith.andi %ne3A_429, %ne3A_432 : i1
    %sub3A_434 = arith.constant 1 : i32
    %sub3A_435 = arith.subi %div3A_414, %sub3A_434 : i32
    %select_n3A_436 = arith.select %and3A_433, %sub3A_435, %div3A_414 : i32
    %broadcast_in_dim3A_437 = vector.broadcast %select_n3A_436 : i32 to vector<1x32xi32>
    %select_n3A_438 = arith.select %eq3A_410, %broadcast_in_dim3A_437, %select_n3A_369 : vector<1x32xi1>, vector<1x32xi32>
    %jit3A_439 = arith.constant 100000 : i32
    %eq3A_440 = arith.constant 0 : i32
    %eq3A_441 = arith.cmpi eq, %jit3A_439, %eq3A_440 : i32
    %jit3A_442 = arith.constant 1 : i32
    %select_n3A_443 = arith.select %eq3A_441, %jit3A_442, %jit3A_439 : i32
    %rem3A_444 = arith.remsi %reduce_min3A_407, %select_n3A_443 : i32
    %ne3A_445 = arith.constant 0 : i32
    %ne3A_446 = arith.cmpi ne, %rem3A_444, %ne3A_445 : i32
    %lt3A_447 = arith.constant 0 : i32
    %lt3A_448 = arith.cmpi slt, %rem3A_444, %lt3A_447 : i32
    %lt3A_449 = arith.constant 0 : i32
    %lt3A_450 = arith.cmpi slt, %select_n3A_443, %lt3A_449 : i32
    %ne3A_451 = arith.xori %lt3A_448, %lt3A_450 : i1
    %and3A_452 = arith.andi %ne3A_451, %ne3A_446 : i1
    %add3A_453 = arith.addi %rem3A_444, %select_n3A_443 : i32
    %select_n3A_454 = arith.select %and3A_452, %add3A_453, %rem3A_444 : i32
    %broadcast_in_dim3A_455 = vector.broadcast %select_n3A_454 : i32 to vector<1x32xi32>
    %select_n3A_456 = arith.select %eq3A_410, %broadcast_in_dim3A_455, %select_n3A_387 : vector<1x32xi1>, vector<1x32xi32>
    %eq3A_457 = vector.broadcast %reduce_min3A_407 : i32 to vector<8x128xi32>
    %eq3A_458 = arith.cmpi eq, %concatenate3A_45, %eq3A_457 : vector<8x128xi32>
    %jit3A_459 = arith.constant -3.000000e+38 : f32
    %broadcast_in_dim3A_460 = vector.broadcast %jit3A_459 : f32 to vector<8x128xf32>
    %select_n3A_461 = arith.select %eq3A_458, %broadcast_in_dim3A_460, %select_n3A_392 : vector<8x128xi1>, vector<8x128xf32>
    %reduce_max3A_462 = vector.shape_cast %select_n3A_461 : vector<8x128xf32> to vector<1x8x128xf32>
    %reduce_max3A_463 = arith.constant dense<0xFF800000> : vector<1xf32>
    %reduce_max3A_464 = vector.multi_reduction <maximumf>, %reduce_max3A_462, %reduce_max3A_463 [1, 2] : vector<1x8x128xf32> to vector<1xf32>
    %reduce_max3A_465 = vector.shape_cast %reduce_max3A_464 : vector<1xf32> to vector<1x1x1xf32>
    %reduce_max3A_466 = vector.extract %reduce_max3A_465[0, 0, 0] : f32 from vector<1x1x1xf32>
    %eq3A_467 = vector.broadcast %reduce_max3A_466 : f32 to vector<8x128xf32>
    %eq3A_468 = arith.cmpf oeq, %select_n3A_461, %eq3A_467 : vector<8x128xf32>
    %jit3A_469 = arith.constant 2147483647 : i32
    %broadcast_in_dim3A_470 = vector.broadcast %jit3A_469 : i32 to vector<8x128xi32>
    %select_n3A_471 = arith.select %eq3A_468, %concatenate3A_45, %broadcast_in_dim3A_470 : vector<8x128xi1>, vector<8x128xi32>
    %reduce_min3A_472 = vector.shape_cast %select_n3A_471 : vector<8x128xi32> to vector<1x8x128xi32>
    %reduce_min3A_473 = arith.constant dense<2147483647> : vector<1xi32>
    %reduce_min3A_474 = vector.multi_reduction <minsi>, %reduce_min3A_472, %reduce_min3A_473 [1, 2] : vector<1x8x128xi32> to vector<1xi32>
    %reduce_min3A_475 = vector.shape_cast %reduce_min3A_474 : vector<1xi32> to vector<1x1x1xi32>
    %reduce_min3A_476 = vector.extract %reduce_min3A_475[0, 0, 0] : i32 from vector<1x1x1xi32>
    %eq3A_477 = arith.constant 6 : i32
    %eq3A_478 = vector.broadcast %eq3A_477 : i32 to vector<1x32xi32>
    %eq3A_479 = arith.cmpi eq, %iota3A_46, %eq3A_478 : vector<1x32xi32>
    %broadcast_in_dim3A_480 = vector.broadcast %reduce_max3A_466 : f32 to vector<1x32xf32>
    %select_n3A_481 = arith.select %eq3A_479, %broadcast_in_dim3A_480, %select_n3A_412 : vector<1x32xi1>, vector<1x32xf32>
    %jit3A_482 = arith.constant 100000 : i32
    %div3A_483 = arith.divsi %reduce_min3A_476, %jit3A_482 : i32
    %sign3A_484 = arith.constant 0 : i32
    %sign3A_485 = arith.cmpi sgt, %reduce_min3A_476, %sign3A_484 : i32
    %sign3A_486 = arith.extui %sign3A_485 : i1 to i32
    %sign3A_487 = arith.constant 0 : i32
    %sign3A_488 = arith.cmpi slt, %reduce_min3A_476, %sign3A_487 : i32
    %sign3A_489 = arith.extui %sign3A_488 : i1 to i32
    %sign3A_490 = arith.subi %sign3A_486, %sign3A_489 : i32
    %sign3A_491 = arith.constant 0 : i32
    %sign3A_492 = arith.cmpi sgt, %jit3A_482, %sign3A_491 : i32
    %sign3A_493 = arith.extui %sign3A_492 : i1 to i32
    %sign3A_494 = arith.constant 0 : i32
    %sign3A_495 = arith.cmpi slt, %jit3A_482, %sign3A_494 : i32
    %sign3A_496 = arith.extui %sign3A_495 : i1 to i32
    %sign3A_497 = arith.subi %sign3A_493, %sign3A_496 : i32
    %ne3A_498 = arith.cmpi ne, %sign3A_490, %sign3A_497 : i32
    %rem3A_499 = arith.remsi %reduce_min3A_476, %jit3A_482 : i32
    %ne3A_500 = arith.constant 0 : i32
    %ne3A_501 = arith.cmpi ne, %rem3A_499, %ne3A_500 : i32
    %and3A_502 = arith.andi %ne3A_498, %ne3A_501 : i1
    %sub3A_503 = arith.constant 1 : i32
    %sub3A_504 = arith.subi %div3A_483, %sub3A_503 : i32
    %select_n3A_505 = arith.select %and3A_502, %sub3A_504, %div3A_483 : i32
    %broadcast_in_dim3A_506 = vector.broadcast %select_n3A_505 : i32 to vector<1x32xi32>
    %select_n3A_507 = arith.select %eq3A_479, %broadcast_in_dim3A_506, %select_n3A_438 : vector<1x32xi1>, vector<1x32xi32>
    %jit3A_508 = arith.constant 100000 : i32
    %eq3A_509 = arith.constant 0 : i32
    %eq3A_510 = arith.cmpi eq, %jit3A_508, %eq3A_509 : i32
    %jit3A_511 = arith.constant 1 : i32
    %select_n3A_512 = arith.select %eq3A_510, %jit3A_511, %jit3A_508 : i32
    %rem3A_513 = arith.remsi %reduce_min3A_476, %select_n3A_512 : i32
    %ne3A_514 = arith.constant 0 : i32
    %ne3A_515 = arith.cmpi ne, %rem3A_513, %ne3A_514 : i32
    %lt3A_516 = arith.constant 0 : i32
    %lt3A_517 = arith.cmpi slt, %rem3A_513, %lt3A_516 : i32
    %lt3A_518 = arith.constant 0 : i32
    %lt3A_519 = arith.cmpi slt, %select_n3A_512, %lt3A_518 : i32
    %ne3A_520 = arith.xori %lt3A_517, %lt3A_519 : i1
    %and3A_521 = arith.andi %ne3A_520, %ne3A_515 : i1
    %add3A_522 = arith.addi %rem3A_513, %select_n3A_512 : i32
    %select_n3A_523 = arith.select %and3A_521, %add3A_522, %rem3A_513 : i32
    %broadcast_in_dim3A_524 = vector.broadcast %select_n3A_523 : i32 to vector<1x32xi32>
    %select_n3A_525 = arith.select %eq3A_479, %broadcast_in_dim3A_524, %select_n3A_456 : vector<1x32xi1>, vector<1x32xi32>
    %eq3A_526 = vector.broadcast %reduce_min3A_476 : i32 to vector<8x128xi32>
    %eq3A_527 = arith.cmpi eq, %concatenate3A_45, %eq3A_526 : vector<8x128xi32>
    %jit3A_528 = arith.constant -3.000000e+38 : f32
    %broadcast_in_dim3A_529 = vector.broadcast %jit3A_528 : f32 to vector<8x128xf32>
    %select_n3A_530 = arith.select %eq3A_527, %broadcast_in_dim3A_529, %select_n3A_461 : vector<8x128xi1>, vector<8x128xf32>
    %reduce_max3A_531 = vector.shape_cast %select_n3A_530 : vector<8x128xf32> to vector<1x8x128xf32>
    %reduce_max3A_532 = arith.constant dense<0xFF800000> : vector<1xf32>
    %reduce_max3A_533 = vector.multi_reduction <maximumf>, %reduce_max3A_531, %reduce_max3A_532 [1, 2] : vector<1x8x128xf32> to vector<1xf32>
    %reduce_max3A_534 = vector.shape_cast %reduce_max3A_533 : vector<1xf32> to vector<1x1x1xf32>
    %reduce_max3A_535 = vector.extract %reduce_max3A_534[0, 0, 0] : f32 from vector<1x1x1xf32>
    %eq3A_536 = vector.broadcast %reduce_max3A_535 : f32 to vector<8x128xf32>
    %eq3A_537 = arith.cmpf oeq, %select_n3A_530, %eq3A_536 : vector<8x128xf32>
    %jit3A_538 = arith.constant 2147483647 : i32
    %broadcast_in_dim3A_539 = vector.broadcast %jit3A_538 : i32 to vector<8x128xi32>
    %select_n3A_540 = arith.select %eq3A_537, %concatenate3A_45, %broadcast_in_dim3A_539 : vector<8x128xi1>, vector<8x128xi32>
    %reduce_min3A_541 = vector.shape_cast %select_n3A_540 : vector<8x128xi32> to vector<1x8x128xi32>
    %reduce_min3A_542 = arith.constant dense<2147483647> : vector<1xi32>
    %reduce_min3A_543 = vector.multi_reduction <minsi>, %reduce_min3A_541, %reduce_min3A_542 [1, 2] : vector<1x8x128xi32> to vector<1xi32>
    %reduce_min3A_544 = vector.shape_cast %reduce_min3A_543 : vector<1xi32> to vector<1x1x1xi32>
    %reduce_min3A_545 = vector.extract %reduce_min3A_544[0, 0, 0] : i32 from vector<1x1x1xi32>
    %eq3A_546 = arith.constant 7 : i32
    %eq3A_547 = vector.broadcast %eq3A_546 : i32 to vector<1x32xi32>
    %eq3A_548 = arith.cmpi eq, %iota3A_46, %eq3A_547 : vector<1x32xi32>
    %broadcast_in_dim3A_549 = vector.broadcast %reduce_max3A_535 : f32 to vector<1x32xf32>
    %select_n3A_550 = arith.select %eq3A_548, %broadcast_in_dim3A_549, %select_n3A_481 : vector<1x32xi1>, vector<1x32xf32>
    %jit3A_551 = arith.constant 100000 : i32
    %div3A_552 = arith.divsi %reduce_min3A_545, %jit3A_551 : i32
    %sign3A_553 = arith.constant 0 : i32
    %sign3A_554 = arith.cmpi sgt, %reduce_min3A_545, %sign3A_553 : i32
    %sign3A_555 = arith.extui %sign3A_554 : i1 to i32
    %sign3A_556 = arith.constant 0 : i32
    %sign3A_557 = arith.cmpi slt, %reduce_min3A_545, %sign3A_556 : i32
    %sign3A_558 = arith.extui %sign3A_557 : i1 to i32
    %sign3A_559 = arith.subi %sign3A_555, %sign3A_558 : i32
    %sign3A_560 = arith.constant 0 : i32
    %sign3A_561 = arith.cmpi sgt, %jit3A_551, %sign3A_560 : i32
    %sign3A_562 = arith.extui %sign3A_561 : i1 to i32
    %sign3A_563 = arith.constant 0 : i32
    %sign3A_564 = arith.cmpi slt, %jit3A_551, %sign3A_563 : i32
    %sign3A_565 = arith.extui %sign3A_564 : i1 to i32
    %sign3A_566 = arith.subi %sign3A_562, %sign3A_565 : i32
    %ne3A_567 = arith.cmpi ne, %sign3A_559, %sign3A_566 : i32
    %rem3A_568 = arith.remsi %reduce_min3A_545, %jit3A_551 : i32
    %ne3A_569 = arith.constant 0 : i32
    %ne3A_570 = arith.cmpi ne, %rem3A_568, %ne3A_569 : i32
    %and3A_571 = arith.andi %ne3A_567, %ne3A_570 : i1
    %sub3A_572 = arith.constant 1 : i32
    %sub3A_573 = arith.subi %div3A_552, %sub3A_572 : i32
    %select_n3A_574 = arith.select %and3A_571, %sub3A_573, %div3A_552 : i32
    %broadcast_in_dim3A_575 = vector.broadcast %select_n3A_574 : i32 to vector<1x32xi32>
    %select_n3A_576 = arith.select %eq3A_548, %broadcast_in_dim3A_575, %select_n3A_507 : vector<1x32xi1>, vector<1x32xi32>
    %jit3A_577 = arith.constant 100000 : i32
    %eq3A_578 = arith.constant 0 : i32
    %eq3A_579 = arith.cmpi eq, %jit3A_577, %eq3A_578 : i32
    %jit3A_580 = arith.constant 1 : i32
    %select_n3A_581 = arith.select %eq3A_579, %jit3A_580, %jit3A_577 : i32
    %rem3A_582 = arith.remsi %reduce_min3A_545, %select_n3A_581 : i32
    %ne3A_583 = arith.constant 0 : i32
    %ne3A_584 = arith.cmpi ne, %rem3A_582, %ne3A_583 : i32
    %lt3A_585 = arith.constant 0 : i32
    %lt3A_586 = arith.cmpi slt, %rem3A_582, %lt3A_585 : i32
    %lt3A_587 = arith.constant 0 : i32
    %lt3A_588 = arith.cmpi slt, %select_n3A_581, %lt3A_587 : i32
    %ne3A_589 = arith.xori %lt3A_586, %lt3A_588 : i1
    %and3A_590 = arith.andi %ne3A_589, %ne3A_584 : i1
    %add3A_591 = arith.addi %rem3A_582, %select_n3A_581 : i32
    %select_n3A_592 = arith.select %and3A_590, %add3A_591, %rem3A_582 : i32
    %broadcast_in_dim3A_593 = vector.broadcast %select_n3A_592 : i32 to vector<1x32xi32>
    %select_n3A_594 = arith.select %eq3A_548, %broadcast_in_dim3A_593, %select_n3A_525 : vector<1x32xi1>, vector<1x32xi32>
    %eq3A_595 = vector.broadcast %reduce_min3A_545 : i32 to vector<8x128xi32>
    %eq3A_596 = arith.cmpi eq, %concatenate3A_45, %eq3A_595 : vector<8x128xi32>
    %jit3A_597 = arith.constant -3.000000e+38 : f32
    %broadcast_in_dim3A_598 = vector.broadcast %jit3A_597 : f32 to vector<8x128xf32>
    %select_n3A_599 = arith.select %eq3A_596, %broadcast_in_dim3A_598, %select_n3A_530 : vector<8x128xi1>, vector<8x128xf32>
    %reduce_max3A_600 = vector.shape_cast %select_n3A_599 : vector<8x128xf32> to vector<1x8x128xf32>
    %reduce_max3A_601 = arith.constant dense<0xFF800000> : vector<1xf32>
    %reduce_max3A_602 = vector.multi_reduction <maximumf>, %reduce_max3A_600, %reduce_max3A_601 [1, 2] : vector<1x8x128xf32> to vector<1xf32>
    %reduce_max3A_603 = vector.shape_cast %reduce_max3A_602 : vector<1xf32> to vector<1x1x1xf32>
    %reduce_max3A_604 = vector.extract %reduce_max3A_603[0, 0, 0] : f32 from vector<1x1x1xf32>
    %eq3A_605 = vector.broadcast %reduce_max3A_604 : f32 to vector<8x128xf32>
    %eq3A_606 = arith.cmpf oeq, %select_n3A_599, %eq3A_605 : vector<8x128xf32>
    %jit3A_607 = arith.constant 2147483647 : i32
    %broadcast_in_dim3A_608 = vector.broadcast %jit3A_607 : i32 to vector<8x128xi32>
    %select_n3A_609 = arith.select %eq3A_606, %concatenate3A_45, %broadcast_in_dim3A_608 : vector<8x128xi1>, vector<8x128xi32>
    %reduce_min3A_610 = vector.shape_cast %select_n3A_609 : vector<8x128xi32> to vector<1x8x128xi32>
    %reduce_min3A_611 = arith.constant dense<2147483647> : vector<1xi32>
    %reduce_min3A_612 = vector.multi_reduction <minsi>, %reduce_min3A_610, %reduce_min3A_611 [1, 2] : vector<1x8x128xi32> to vector<1xi32>
    %reduce_min3A_613 = vector.shape_cast %reduce_min3A_612 : vector<1xi32> to vector<1x1x1xi32>
    %reduce_min3A_614 = vector.extract %reduce_min3A_613[0, 0, 0] : i32 from vector<1x1x1xi32>
    %eq3A_615 = arith.constant 8 : i32
    %eq3A_616 = vector.broadcast %eq3A_615 : i32 to vector<1x32xi32>
    %eq3A_617 = arith.cmpi eq, %iota3A_46, %eq3A_616 : vector<1x32xi32>
    %broadcast_in_dim3A_618 = vector.broadcast %reduce_max3A_604 : f32 to vector<1x32xf32>
    %select_n3A_619 = arith.select %eq3A_617, %broadcast_in_dim3A_618, %select_n3A_550 : vector<1x32xi1>, vector<1x32xf32>
    %jit3A_620 = arith.constant 100000 : i32
    %div3A_621 = arith.divsi %reduce_min3A_614, %jit3A_620 : i32
    %sign3A_622 = arith.constant 0 : i32
    %sign3A_623 = arith.cmpi sgt, %reduce_min3A_614, %sign3A_622 : i32
    %sign3A_624 = arith.extui %sign3A_623 : i1 to i32
    %sign3A_625 = arith.constant 0 : i32
    %sign3A_626 = arith.cmpi slt, %reduce_min3A_614, %sign3A_625 : i32
    %sign3A_627 = arith.extui %sign3A_626 : i1 to i32
    %sign3A_628 = arith.subi %sign3A_624, %sign3A_627 : i32
    %sign3A_629 = arith.constant 0 : i32
    %sign3A_630 = arith.cmpi sgt, %jit3A_620, %sign3A_629 : i32
    %sign3A_631 = arith.extui %sign3A_630 : i1 to i32
    %sign3A_632 = arith.constant 0 : i32
    %sign3A_633 = arith.cmpi slt, %jit3A_620, %sign3A_632 : i32
    %sign3A_634 = arith.extui %sign3A_633 : i1 to i32
    %sign3A_635 = arith.subi %sign3A_631, %sign3A_634 : i32
    %ne3A_636 = arith.cmpi ne, %sign3A_628, %sign3A_635 : i32
    %rem3A_637 = arith.remsi %reduce_min3A_614, %jit3A_620 : i32
    %ne3A_638 = arith.constant 0 : i32
    %ne3A_639 = arith.cmpi ne, %rem3A_637, %ne3A_638 : i32
    %and3A_640 = arith.andi %ne3A_636, %ne3A_639 : i1
    %sub3A_641 = arith.constant 1 : i32
    %sub3A_642 = arith.subi %div3A_621, %sub3A_641 : i32
    %select_n3A_643 = arith.select %and3A_640, %sub3A_642, %div3A_621 : i32
    %broadcast_in_dim3A_644 = vector.broadcast %select_n3A_643 : i32 to vector<1x32xi32>
    %select_n3A_645 = arith.select %eq3A_617, %broadcast_in_dim3A_644, %select_n3A_576 : vector<1x32xi1>, vector<1x32xi32>
    %jit3A_646 = arith.constant 100000 : i32
    %eq3A_647 = arith.constant 0 : i32
    %eq3A_648 = arith.cmpi eq, %jit3A_646, %eq3A_647 : i32
    %jit3A_649 = arith.constant 1 : i32
    %select_n3A_650 = arith.select %eq3A_648, %jit3A_649, %jit3A_646 : i32
    %rem3A_651 = arith.remsi %reduce_min3A_614, %select_n3A_650 : i32
    %ne3A_652 = arith.constant 0 : i32
    %ne3A_653 = arith.cmpi ne, %rem3A_651, %ne3A_652 : i32
    %lt3A_654 = arith.constant 0 : i32
    %lt3A_655 = arith.cmpi slt, %rem3A_651, %lt3A_654 : i32
    %lt3A_656 = arith.constant 0 : i32
    %lt3A_657 = arith.cmpi slt, %select_n3A_650, %lt3A_656 : i32
    %ne3A_658 = arith.xori %lt3A_655, %lt3A_657 : i1
    %and3A_659 = arith.andi %ne3A_658, %ne3A_653 : i1
    %add3A_660 = arith.addi %rem3A_651, %select_n3A_650 : i32
    %select_n3A_661 = arith.select %and3A_659, %add3A_660, %rem3A_651 : i32
    %broadcast_in_dim3A_662 = vector.broadcast %select_n3A_661 : i32 to vector<1x32xi32>
    %select_n3A_663 = arith.select %eq3A_617, %broadcast_in_dim3A_662, %select_n3A_594 : vector<1x32xi1>, vector<1x32xi32>
    %eq3A_664 = vector.broadcast %reduce_min3A_614 : i32 to vector<8x128xi32>
    %eq3A_665 = arith.cmpi eq, %concatenate3A_45, %eq3A_664 : vector<8x128xi32>
    %jit3A_666 = arith.constant -3.000000e+38 : f32
    %broadcast_in_dim3A_667 = vector.broadcast %jit3A_666 : f32 to vector<8x128xf32>
    %select_n3A_668 = arith.select %eq3A_665, %broadcast_in_dim3A_667, %select_n3A_599 : vector<8x128xi1>, vector<8x128xf32>
    %reduce_max3A_669 = vector.shape_cast %select_n3A_668 : vector<8x128xf32> to vector<1x8x128xf32>
    %reduce_max3A_670 = arith.constant dense<0xFF800000> : vector<1xf32>
    %reduce_max3A_671 = vector.multi_reduction <maximumf>, %reduce_max3A_669, %reduce_max3A_670 [1, 2] : vector<1x8x128xf32> to vector<1xf32>
    %reduce_max3A_672 = vector.shape_cast %reduce_max3A_671 : vector<1xf32> to vector<1x1x1xf32>
    %reduce_max3A_673 = vector.extract %reduce_max3A_672[0, 0, 0] : f32 from vector<1x1x1xf32>
    %eq3A_674 = vector.broadcast %reduce_max3A_673 : f32 to vector<8x128xf32>
    %eq3A_675 = arith.cmpf oeq, %select_n3A_668, %eq3A_674 : vector<8x128xf32>
    %jit3A_676 = arith.constant 2147483647 : i32
    %broadcast_in_dim3A_677 = vector.broadcast %jit3A_676 : i32 to vector<8x128xi32>
    %select_n3A_678 = arith.select %eq3A_675, %concatenate3A_45, %broadcast_in_dim3A_677 : vector<8x128xi1>, vector<8x128xi32>
    %reduce_min3A_679 = vector.shape_cast %select_n3A_678 : vector<8x128xi32> to vector<1x8x128xi32>
    %reduce_min3A_680 = arith.constant dense<2147483647> : vector<1xi32>
    %reduce_min3A_681 = vector.multi_reduction <minsi>, %reduce_min3A_679, %reduce_min3A_680 [1, 2] : vector<1x8x128xi32> to vector<1xi32>
    %reduce_min3A_682 = vector.shape_cast %reduce_min3A_681 : vector<1xi32> to vector<1x1x1xi32>
    %reduce_min3A_683 = vector.extract %reduce_min3A_682[0, 0, 0] : i32 from vector<1x1x1xi32>
    %eq3A_684 = arith.constant 9 : i32
    %eq3A_685 = vector.broadcast %eq3A_684 : i32 to vector<1x32xi32>
    %eq3A_686 = arith.cmpi eq, %iota3A_46, %eq3A_685 : vector<1x32xi32>
    %broadcast_in_dim3A_687 = vector.broadcast %reduce_max3A_673 : f32 to vector<1x32xf32>
    %select_n3A_688 = arith.select %eq3A_686, %broadcast_in_dim3A_687, %select_n3A_619 : vector<1x32xi1>, vector<1x32xf32>
    %jit3A_689 = arith.constant 100000 : i32
    %div3A_690 = arith.divsi %reduce_min3A_683, %jit3A_689 : i32
    %sign3A_691 = arith.constant 0 : i32
    %sign3A_692 = arith.cmpi sgt, %reduce_min3A_683, %sign3A_691 : i32
    %sign3A_693 = arith.extui %sign3A_692 : i1 to i32
    %sign3A_694 = arith.constant 0 : i32
    %sign3A_695 = arith.cmpi slt, %reduce_min3A_683, %sign3A_694 : i32
    %sign3A_696 = arith.extui %sign3A_695 : i1 to i32
    %sign3A_697 = arith.subi %sign3A_693, %sign3A_696 : i32
    %sign3A_698 = arith.constant 0 : i32
    %sign3A_699 = arith.cmpi sgt, %jit3A_689, %sign3A_698 : i32
    %sign3A_700 = arith.extui %sign3A_699 : i1 to i32
    %sign3A_701 = arith.constant 0 : i32
    %sign3A_702 = arith.cmpi slt, %jit3A_689, %sign3A_701 : i32
    %sign3A_703 = arith.extui %sign3A_702 : i1 to i32
    %sign3A_704 = arith.subi %sign3A_700, %sign3A_703 : i32
    %ne3A_705 = arith.cmpi ne, %sign3A_697, %sign3A_704 : i32
    %rem3A_706 = arith.remsi %reduce_min3A_683, %jit3A_689 : i32
    %ne3A_707 = arith.constant 0 : i32
    %ne3A_708 = arith.cmpi ne, %rem3A_706, %ne3A_707 : i32
    %and3A_709 = arith.andi %ne3A_705, %ne3A_708 : i1
    %sub3A_710 = arith.constant 1 : i32
    %sub3A_711 = arith.subi %div3A_690, %sub3A_710 : i32
    %select_n3A_712 = arith.select %and3A_709, %sub3A_711, %div3A_690 : i32
    %broadcast_in_dim3A_713 = vector.broadcast %select_n3A_712 : i32 to vector<1x32xi32>
    %select_n3A_714 = arith.select %eq3A_686, %broadcast_in_dim3A_713, %select_n3A_645 : vector<1x32xi1>, vector<1x32xi32>
    %jit3A_715 = arith.constant 100000 : i32
    %eq3A_716 = arith.constant 0 : i32
    %eq3A_717 = arith.cmpi eq, %jit3A_715, %eq3A_716 : i32
    %jit3A_718 = arith.constant 1 : i32
    %select_n3A_719 = arith.select %eq3A_717, %jit3A_718, %jit3A_715 : i32
    %rem3A_720 = arith.remsi %reduce_min3A_683, %select_n3A_719 : i32
    %ne3A_721 = arith.constant 0 : i32
    %ne3A_722 = arith.cmpi ne, %rem3A_720, %ne3A_721 : i32
    %lt3A_723 = arith.constant 0 : i32
    %lt3A_724 = arith.cmpi slt, %rem3A_720, %lt3A_723 : i32
    %lt3A_725 = arith.constant 0 : i32
    %lt3A_726 = arith.cmpi slt, %select_n3A_719, %lt3A_725 : i32
    %ne3A_727 = arith.xori %lt3A_724, %lt3A_726 : i1
    %and3A_728 = arith.andi %ne3A_727, %ne3A_722 : i1
    %add3A_729 = arith.addi %rem3A_720, %select_n3A_719 : i32
    %select_n3A_730 = arith.select %and3A_728, %add3A_729, %rem3A_720 : i32
    %broadcast_in_dim3A_731 = vector.broadcast %select_n3A_730 : i32 to vector<1x32xi32>
    %select_n3A_732 = arith.select %eq3A_686, %broadcast_in_dim3A_731, %select_n3A_663 : vector<1x32xi1>, vector<1x32xi32>
    %eq3A_733 = vector.broadcast %reduce_min3A_683 : i32 to vector<8x128xi32>
    %eq3A_734 = arith.cmpi eq, %concatenate3A_45, %eq3A_733 : vector<8x128xi32>
    %jit3A_735 = arith.constant -3.000000e+38 : f32
    %broadcast_in_dim3A_736 = vector.broadcast %jit3A_735 : f32 to vector<8x128xf32>
    %select_n3A_737 = arith.select %eq3A_734, %broadcast_in_dim3A_736, %select_n3A_668 : vector<8x128xi1>, vector<8x128xf32>
    %reduce_max3A_738 = vector.shape_cast %select_n3A_737 : vector<8x128xf32> to vector<1x8x128xf32>
    %reduce_max3A_739 = arith.constant dense<0xFF800000> : vector<1xf32>
    %reduce_max3A_740 = vector.multi_reduction <maximumf>, %reduce_max3A_738, %reduce_max3A_739 [1, 2] : vector<1x8x128xf32> to vector<1xf32>
    %reduce_max3A_741 = vector.shape_cast %reduce_max3A_740 : vector<1xf32> to vector<1x1x1xf32>
    %reduce_max3A_742 = vector.extract %reduce_max3A_741[0, 0, 0] : f32 from vector<1x1x1xf32>
    %eq3A_743 = vector.broadcast %reduce_max3A_742 : f32 to vector<8x128xf32>
    %eq3A_744 = arith.cmpf oeq, %select_n3A_737, %eq3A_743 : vector<8x128xf32>
    %jit3A_745 = arith.constant 2147483647 : i32
    %broadcast_in_dim3A_746 = vector.broadcast %jit3A_745 : i32 to vector<8x128xi32>
    %select_n3A_747 = arith.select %eq3A_744, %concatenate3A_45, %broadcast_in_dim3A_746 : vector<8x128xi1>, vector<8x128xi32>
    %reduce_min3A_748 = vector.shape_cast %select_n3A_747 : vector<8x128xi32> to vector<1x8x128xi32>
    %reduce_min3A_749 = arith.constant dense<2147483647> : vector<1xi32>
    %reduce_min3A_750 = vector.multi_reduction <minsi>, %reduce_min3A_748, %reduce_min3A_749 [1, 2] : vector<1x8x128xi32> to vector<1xi32>
    %reduce_min3A_751 = vector.shape_cast %reduce_min3A_750 : vector<1xi32> to vector<1x1x1xi32>
    %reduce_min3A_752 = vector.extract %reduce_min3A_751[0, 0, 0] : i32 from vector<1x1x1xi32>
    %eq3A_753 = arith.constant 10 : i32
    %eq3A_754 = vector.broadcast %eq3A_753 : i32 to vector<1x32xi32>
    %eq3A_755 = arith.cmpi eq, %iota3A_46, %eq3A_754 : vector<1x32xi32>
    %broadcast_in_dim3A_756 = vector.broadcast %reduce_max3A_742 : f32 to vector<1x32xf32>
    %select_n3A_757 = arith.select %eq3A_755, %broadcast_in_dim3A_756, %select_n3A_688 : vector<1x32xi1>, vector<1x32xf32>
    %jit3A_758 = arith.constant 100000 : i32
    %div3A_759 = arith.divsi %reduce_min3A_752, %jit3A_758 : i32
    %sign3A_760 = arith.constant 0 : i32
    %sign3A_761 = arith.cmpi sgt, %reduce_min3A_752, %sign3A_760 : i32
    %sign3A_762 = arith.extui %sign3A_761 : i1 to i32
    %sign3A_763 = arith.constant 0 : i32
    %sign3A_764 = arith.cmpi slt, %reduce_min3A_752, %sign3A_763 : i32
    %sign3A_765 = arith.extui %sign3A_764 : i1 to i32
    %sign3A_766 = arith.subi %sign3A_762, %sign3A_765 : i32
    %sign3A_767 = arith.constant 0 : i32
    %sign3A_768 = arith.cmpi sgt, %jit3A_758, %sign3A_767 : i32
    %sign3A_769 = arith.extui %sign3A_768 : i1 to i32
    %sign3A_770 = arith.constant 0 : i32
    %sign3A_771 = arith.cmpi slt, %jit3A_758, %sign3A_770 : i32
    %sign3A_772 = arith.extui %sign3A_771 : i1 to i32
    %sign3A_773 = arith.subi %sign3A_769, %sign3A_772 : i32
    %ne3A_774 = arith.cmpi ne, %sign3A_766, %sign3A_773 : i32
    %rem3A_775 = arith.remsi %reduce_min3A_752, %jit3A_758 : i32
    %ne3A_776 = arith.constant 0 : i32
    %ne3A_777 = arith.cmpi ne, %rem3A_775, %ne3A_776 : i32
    %and3A_778 = arith.andi %ne3A_774, %ne3A_777 : i1
    %sub3A_779 = arith.constant 1 : i32
    %sub3A_780 = arith.subi %div3A_759, %sub3A_779 : i32
    %select_n3A_781 = arith.select %and3A_778, %sub3A_780, %div3A_759 : i32
    %broadcast_in_dim3A_782 = vector.broadcast %select_n3A_781 : i32 to vector<1x32xi32>
    %select_n3A_783 = arith.select %eq3A_755, %broadcast_in_dim3A_782, %select_n3A_714 : vector<1x32xi1>, vector<1x32xi32>
    %jit3A_784 = arith.constant 100000 : i32
    %eq3A_785 = arith.constant 0 : i32
    %eq3A_786 = arith.cmpi eq, %jit3A_784, %eq3A_785 : i32
    %jit3A_787 = arith.constant 1 : i32
    %select_n3A_788 = arith.select %eq3A_786, %jit3A_787, %jit3A_784 : i32
    %rem3A_789 = arith.remsi %reduce_min3A_752, %select_n3A_788 : i32
    %ne3A_790 = arith.constant 0 : i32
    %ne3A_791 = arith.cmpi ne, %rem3A_789, %ne3A_790 : i32
    %lt3A_792 = arith.constant 0 : i32
    %lt3A_793 = arith.cmpi slt, %rem3A_789, %lt3A_792 : i32
    %lt3A_794 = arith.constant 0 : i32
    %lt3A_795 = arith.cmpi slt, %select_n3A_788, %lt3A_794 : i32
    %ne3A_796 = arith.xori %lt3A_793, %lt3A_795 : i1
    %and3A_797 = arith.andi %ne3A_796, %ne3A_791 : i1
    %add3A_798 = arith.addi %rem3A_789, %select_n3A_788 : i32
    %select_n3A_799 = arith.select %and3A_797, %add3A_798, %rem3A_789 : i32
    %broadcast_in_dim3A_800 = vector.broadcast %select_n3A_799 : i32 to vector<1x32xi32>
    %select_n3A_801 = arith.select %eq3A_755, %broadcast_in_dim3A_800, %select_n3A_732 : vector<1x32xi1>, vector<1x32xi32>
    %eq3A_802 = vector.broadcast %reduce_min3A_752 : i32 to vector<8x128xi32>
    %eq3A_803 = arith.cmpi eq, %concatenate3A_45, %eq3A_802 : vector<8x128xi32>
    %jit3A_804 = arith.constant -3.000000e+38 : f32
    %broadcast_in_dim3A_805 = vector.broadcast %jit3A_804 : f32 to vector<8x128xf32>
    %select_n3A_806 = arith.select %eq3A_803, %broadcast_in_dim3A_805, %select_n3A_737 : vector<8x128xi1>, vector<8x128xf32>
    %reduce_max3A_807 = vector.shape_cast %select_n3A_806 : vector<8x128xf32> to vector<1x8x128xf32>
    %reduce_max3A_808 = arith.constant dense<0xFF800000> : vector<1xf32>
    %reduce_max3A_809 = vector.multi_reduction <maximumf>, %reduce_max3A_807, %reduce_max3A_808 [1, 2] : vector<1x8x128xf32> to vector<1xf32>
    %reduce_max3A_810 = vector.shape_cast %reduce_max3A_809 : vector<1xf32> to vector<1x1x1xf32>
    %reduce_max3A_811 = vector.extract %reduce_max3A_810[0, 0, 0] : f32 from vector<1x1x1xf32>
    %eq3A_812 = vector.broadcast %reduce_max3A_811 : f32 to vector<8x128xf32>
    %eq3A_813 = arith.cmpf oeq, %select_n3A_806, %eq3A_812 : vector<8x128xf32>
    %jit3A_814 = arith.constant 2147483647 : i32
    %broadcast_in_dim3A_815 = vector.broadcast %jit3A_814 : i32 to vector<8x128xi32>
    %select_n3A_816 = arith.select %eq3A_813, %concatenate3A_45, %broadcast_in_dim3A_815 : vector<8x128xi1>, vector<8x128xi32>
    %reduce_min3A_817 = vector.shape_cast %select_n3A_816 : vector<8x128xi32> to vector<1x8x128xi32>
    %reduce_min3A_818 = arith.constant dense<2147483647> : vector<1xi32>
    %reduce_min3A_819 = vector.multi_reduction <minsi>, %reduce_min3A_817, %reduce_min3A_818 [1, 2] : vector<1x8x128xi32> to vector<1xi32>
    %reduce_min3A_820 = vector.shape_cast %reduce_min3A_819 : vector<1xi32> to vector<1x1x1xi32>
    %reduce_min3A_821 = vector.extract %reduce_min3A_820[0, 0, 0] : i32 from vector<1x1x1xi32>
    %eq3A_822 = arith.constant 11 : i32
    %eq3A_823 = vector.broadcast %eq3A_822 : i32 to vector<1x32xi32>
    %eq3A_824 = arith.cmpi eq, %iota3A_46, %eq3A_823 : vector<1x32xi32>
    %broadcast_in_dim3A_825 = vector.broadcast %reduce_max3A_811 : f32 to vector<1x32xf32>
    %select_n3A_826 = arith.select %eq3A_824, %broadcast_in_dim3A_825, %select_n3A_757 : vector<1x32xi1>, vector<1x32xf32>
    %jit3A_827 = arith.constant 100000 : i32
    %div3A_828 = arith.divsi %reduce_min3A_821, %jit3A_827 : i32
    %sign3A_829 = arith.constant 0 : i32
    %sign3A_830 = arith.cmpi sgt, %reduce_min3A_821, %sign3A_829 : i32
    %sign3A_831 = arith.extui %sign3A_830 : i1 to i32
    %sign3A_832 = arith.constant 0 : i32
    %sign3A_833 = arith.cmpi slt, %reduce_min3A_821, %sign3A_832 : i32
    %sign3A_834 = arith.extui %sign3A_833 : i1 to i32
    %sign3A_835 = arith.subi %sign3A_831, %sign3A_834 : i32
    %sign3A_836 = arith.constant 0 : i32
    %sign3A_837 = arith.cmpi sgt, %jit3A_827, %sign3A_836 : i32
    %sign3A_838 = arith.extui %sign3A_837 : i1 to i32
    %sign3A_839 = arith.constant 0 : i32
    %sign3A_840 = arith.cmpi slt, %jit3A_827, %sign3A_839 : i32
    %sign3A_841 = arith.extui %sign3A_840 : i1 to i32
    %sign3A_842 = arith.subi %sign3A_838, %sign3A_841 : i32
    %ne3A_843 = arith.cmpi ne, %sign3A_835, %sign3A_842 : i32
    %rem3A_844 = arith.remsi %reduce_min3A_821, %jit3A_827 : i32
    %ne3A_845 = arith.constant 0 : i32
    %ne3A_846 = arith.cmpi ne, %rem3A_844, %ne3A_845 : i32
    %and3A_847 = arith.andi %ne3A_843, %ne3A_846 : i1
    %sub3A_848 = arith.constant 1 : i32
    %sub3A_849 = arith.subi %div3A_828, %sub3A_848 : i32
    %select_n3A_850 = arith.select %and3A_847, %sub3A_849, %div3A_828 : i32
    %broadcast_in_dim3A_851 = vector.broadcast %select_n3A_850 : i32 to vector<1x32xi32>
    %select_n3A_852 = arith.select %eq3A_824, %broadcast_in_dim3A_851, %select_n3A_783 : vector<1x32xi1>, vector<1x32xi32>
    %jit3A_853 = arith.constant 100000 : i32
    %eq3A_854 = arith.constant 0 : i32
    %eq3A_855 = arith.cmpi eq, %jit3A_853, %eq3A_854 : i32
    %jit3A_856 = arith.constant 1 : i32
    %select_n3A_857 = arith.select %eq3A_855, %jit3A_856, %jit3A_853 : i32
    %rem3A_858 = arith.remsi %reduce_min3A_821, %select_n3A_857 : i32
    %ne3A_859 = arith.constant 0 : i32
    %ne3A_860 = arith.cmpi ne, %rem3A_858, %ne3A_859 : i32
    %lt3A_861 = arith.constant 0 : i32
    %lt3A_862 = arith.cmpi slt, %rem3A_858, %lt3A_861 : i32
    %lt3A_863 = arith.constant 0 : i32
    %lt3A_864 = arith.cmpi slt, %select_n3A_857, %lt3A_863 : i32
    %ne3A_865 = arith.xori %lt3A_862, %lt3A_864 : i1
    %and3A_866 = arith.andi %ne3A_865, %ne3A_860 : i1
    %add3A_867 = arith.addi %rem3A_858, %select_n3A_857 : i32
    %select_n3A_868 = arith.select %and3A_866, %add3A_867, %rem3A_858 : i32
    %broadcast_in_dim3A_869 = vector.broadcast %select_n3A_868 : i32 to vector<1x32xi32>
    %select_n3A_870 = arith.select %eq3A_824, %broadcast_in_dim3A_869, %select_n3A_801 : vector<1x32xi1>, vector<1x32xi32>
    %eq3A_871 = vector.broadcast %reduce_min3A_821 : i32 to vector<8x128xi32>
    %eq3A_872 = arith.cmpi eq, %concatenate3A_45, %eq3A_871 : vector<8x128xi32>
    %jit3A_873 = arith.constant -3.000000e+38 : f32
    %broadcast_in_dim3A_874 = vector.broadcast %jit3A_873 : f32 to vector<8x128xf32>
    %select_n3A_875 = arith.select %eq3A_872, %broadcast_in_dim3A_874, %select_n3A_806 : vector<8x128xi1>, vector<8x128xf32>
    %reduce_max3A_876 = vector.shape_cast %select_n3A_875 : vector<8x128xf32> to vector<1x8x128xf32>
    %reduce_max3A_877 = arith.constant dense<0xFF800000> : vector<1xf32>
    %reduce_max3A_878 = vector.multi_reduction <maximumf>, %reduce_max3A_876, %reduce_max3A_877 [1, 2] : vector<1x8x128xf32> to vector<1xf32>
    %reduce_max3A_879 = vector.shape_cast %reduce_max3A_878 : vector<1xf32> to vector<1x1x1xf32>
    %reduce_max3A_880 = vector.extract %reduce_max3A_879[0, 0, 0] : f32 from vector<1x1x1xf32>
    %eq3A_881 = vector.broadcast %reduce_max3A_880 : f32 to vector<8x128xf32>
    %eq3A_882 = arith.cmpf oeq, %select_n3A_875, %eq3A_881 : vector<8x128xf32>
    %jit3A_883 = arith.constant 2147483647 : i32
    %broadcast_in_dim3A_884 = vector.broadcast %jit3A_883 : i32 to vector<8x128xi32>
    %select_n3A_885 = arith.select %eq3A_882, %concatenate3A_45, %broadcast_in_dim3A_884 : vector<8x128xi1>, vector<8x128xi32>
    %reduce_min3A_886 = vector.shape_cast %select_n3A_885 : vector<8x128xi32> to vector<1x8x128xi32>
    %reduce_min3A_887 = arith.constant dense<2147483647> : vector<1xi32>
    %reduce_min3A_888 = vector.multi_reduction <minsi>, %reduce_min3A_886, %reduce_min3A_887 [1, 2] : vector<1x8x128xi32> to vector<1xi32>
    %reduce_min3A_889 = vector.shape_cast %reduce_min3A_888 : vector<1xi32> to vector<1x1x1xi32>
    %reduce_min3A_890 = vector.extract %reduce_min3A_889[0, 0, 0] : i32 from vector<1x1x1xi32>
    %eq3A_891 = arith.constant 12 : i32
    %eq3A_892 = vector.broadcast %eq3A_891 : i32 to vector<1x32xi32>
    %eq3A_893 = arith.cmpi eq, %iota3A_46, %eq3A_892 : vector<1x32xi32>
    %broadcast_in_dim3A_894 = vector.broadcast %reduce_max3A_880 : f32 to vector<1x32xf32>
    %select_n3A_895 = arith.select %eq3A_893, %broadcast_in_dim3A_894, %select_n3A_826 : vector<1x32xi1>, vector<1x32xf32>
    %jit3A_896 = arith.constant 100000 : i32
    %div3A_897 = arith.divsi %reduce_min3A_890, %jit3A_896 : i32
    %sign3A_898 = arith.constant 0 : i32
    %sign3A_899 = arith.cmpi sgt, %reduce_min3A_890, %sign3A_898 : i32
    %sign3A_900 = arith.extui %sign3A_899 : i1 to i32
    %sign3A_901 = arith.constant 0 : i32
    %sign3A_902 = arith.cmpi slt, %reduce_min3A_890, %sign3A_901 : i32
    %sign3A_903 = arith.extui %sign3A_902 : i1 to i32
    %sign3A_904 = arith.subi %sign3A_900, %sign3A_903 : i32
    %sign3A_905 = arith.constant 0 : i32
    %sign3A_906 = arith.cmpi sgt, %jit3A_896, %sign3A_905 : i32
    %sign3A_907 = arith.extui %sign3A_906 : i1 to i32
    %sign3A_908 = arith.constant 0 : i32
    %sign3A_909 = arith.cmpi slt, %jit3A_896, %sign3A_908 : i32
    %sign3A_910 = arith.extui %sign3A_909 : i1 to i32
    %sign3A_911 = arith.subi %sign3A_907, %sign3A_910 : i32
    %ne3A_912 = arith.cmpi ne, %sign3A_904, %sign3A_911 : i32
    %rem3A_913 = arith.remsi %reduce_min3A_890, %jit3A_896 : i32
    %ne3A_914 = arith.constant 0 : i32
    %ne3A_915 = arith.cmpi ne, %rem3A_913, %ne3A_914 : i32
    %and3A_916 = arith.andi %ne3A_912, %ne3A_915 : i1
    %sub3A_917 = arith.constant 1 : i32
    %sub3A_918 = arith.subi %div3A_897, %sub3A_917 : i32
    %select_n3A_919 = arith.select %and3A_916, %sub3A_918, %div3A_897 : i32
    %broadcast_in_dim3A_920 = vector.broadcast %select_n3A_919 : i32 to vector<1x32xi32>
    %select_n3A_921 = arith.select %eq3A_893, %broadcast_in_dim3A_920, %select_n3A_852 : vector<1x32xi1>, vector<1x32xi32>
    %jit3A_922 = arith.constant 100000 : i32
    %eq3A_923 = arith.constant 0 : i32
    %eq3A_924 = arith.cmpi eq, %jit3A_922, %eq3A_923 : i32
    %jit3A_925 = arith.constant 1 : i32
    %select_n3A_926 = arith.select %eq3A_924, %jit3A_925, %jit3A_922 : i32
    %rem3A_927 = arith.remsi %reduce_min3A_890, %select_n3A_926 : i32
    %ne3A_928 = arith.constant 0 : i32
    %ne3A_929 = arith.cmpi ne, %rem3A_927, %ne3A_928 : i32
    %lt3A_930 = arith.constant 0 : i32
    %lt3A_931 = arith.cmpi slt, %rem3A_927, %lt3A_930 : i32
    %lt3A_932 = arith.constant 0 : i32
    %lt3A_933 = arith.cmpi slt, %select_n3A_926, %lt3A_932 : i32
    %ne3A_934 = arith.xori %lt3A_931, %lt3A_933 : i1
    %and3A_935 = arith.andi %ne3A_934, %ne3A_929 : i1
    %add3A_936 = arith.addi %rem3A_927, %select_n3A_926 : i32
    %select_n3A_937 = arith.select %and3A_935, %add3A_936, %rem3A_927 : i32
    %broadcast_in_dim3A_938 = vector.broadcast %select_n3A_937 : i32 to vector<1x32xi32>
    %select_n3A_939 = arith.select %eq3A_893, %broadcast_in_dim3A_938, %select_n3A_870 : vector<1x32xi1>, vector<1x32xi32>
    %eq3A_940 = vector.broadcast %reduce_min3A_890 : i32 to vector<8x128xi32>
    %eq3A_941 = arith.cmpi eq, %concatenate3A_45, %eq3A_940 : vector<8x128xi32>
    %jit3A_942 = arith.constant -3.000000e+38 : f32
    %broadcast_in_dim3A_943 = vector.broadcast %jit3A_942 : f32 to vector<8x128xf32>
    %select_n3A_944 = arith.select %eq3A_941, %broadcast_in_dim3A_943, %select_n3A_875 : vector<8x128xi1>, vector<8x128xf32>
    %reduce_max3A_945 = vector.shape_cast %select_n3A_944 : vector<8x128xf32> to vector<1x8x128xf32>
    %reduce_max3A_946 = arith.constant dense<0xFF800000> : vector<1xf32>
    %reduce_max3A_947 = vector.multi_reduction <maximumf>, %reduce_max3A_945, %reduce_max3A_946 [1, 2] : vector<1x8x128xf32> to vector<1xf32>
    %reduce_max3A_948 = vector.shape_cast %reduce_max3A_947 : vector<1xf32> to vector<1x1x1xf32>
    %reduce_max3A_949 = vector.extract %reduce_max3A_948[0, 0, 0] : f32 from vector<1x1x1xf32>
    %eq3A_950 = vector.broadcast %reduce_max3A_949 : f32 to vector<8x128xf32>
    %eq3A_951 = arith.cmpf oeq, %select_n3A_944, %eq3A_950 : vector<8x128xf32>
    %jit3A_952 = arith.constant 2147483647 : i32
    %broadcast_in_dim3A_953 = vector.broadcast %jit3A_952 : i32 to vector<8x128xi32>
    %select_n3A_954 = arith.select %eq3A_951, %concatenate3A_45, %broadcast_in_dim3A_953 : vector<8x128xi1>, vector<8x128xi32>
    %reduce_min3A_955 = vector.shape_cast %select_n3A_954 : vector<8x128xi32> to vector<1x8x128xi32>
    %reduce_min3A_956 = arith.constant dense<2147483647> : vector<1xi32>
    %reduce_min3A_957 = vector.multi_reduction <minsi>, %reduce_min3A_955, %reduce_min3A_956 [1, 2] : vector<1x8x128xi32> to vector<1xi32>
    %reduce_min3A_958 = vector.shape_cast %reduce_min3A_957 : vector<1xi32> to vector<1x1x1xi32>
    %reduce_min3A_959 = vector.extract %reduce_min3A_958[0, 0, 0] : i32 from vector<1x1x1xi32>
    %eq3A_960 = arith.constant 13 : i32
    %eq3A_961 = vector.broadcast %eq3A_960 : i32 to vector<1x32xi32>
    %eq3A_962 = arith.cmpi eq, %iota3A_46, %eq3A_961 : vector<1x32xi32>
    %broadcast_in_dim3A_963 = vector.broadcast %reduce_max3A_949 : f32 to vector<1x32xf32>
    %select_n3A_964 = arith.select %eq3A_962, %broadcast_in_dim3A_963, %select_n3A_895 : vector<1x32xi1>, vector<1x32xf32>
    %jit3A_965 = arith.constant 100000 : i32
    %div3A_966 = arith.divsi %reduce_min3A_959, %jit3A_965 : i32
    %sign3A_967 = arith.constant 0 : i32
    %sign3A_968 = arith.cmpi sgt, %reduce_min3A_959, %sign3A_967 : i32
    %sign3A_969 = arith.extui %sign3A_968 : i1 to i32
    %sign3A_970 = arith.constant 0 : i32
    %sign3A_971 = arith.cmpi slt, %reduce_min3A_959, %sign3A_970 : i32
    %sign3A_972 = arith.extui %sign3A_971 : i1 to i32
    %sign3A_973 = arith.subi %sign3A_969, %sign3A_972 : i32
    %sign3A_974 = arith.constant 0 : i32
    %sign3A_975 = arith.cmpi sgt, %jit3A_965, %sign3A_974 : i32
    %sign3A_976 = arith.extui %sign3A_975 : i1 to i32
    %sign3A_977 = arith.constant 0 : i32
    %sign3A_978 = arith.cmpi slt, %jit3A_965, %sign3A_977 : i32
    %sign3A_979 = arith.extui %sign3A_978 : i1 to i32
    %sign3A_980 = arith.subi %sign3A_976, %sign3A_979 : i32
    %ne3A_981 = arith.cmpi ne, %sign3A_973, %sign3A_980 : i32
    %rem3A_982 = arith.remsi %reduce_min3A_959, %jit3A_965 : i32
    %ne3A_983 = arith.constant 0 : i32
    %ne3A_984 = arith.cmpi ne, %rem3A_982, %ne3A_983 : i32
    %and3A_985 = arith.andi %ne3A_981, %ne3A_984 : i1
    %sub3A_986 = arith.constant 1 : i32
    %sub3A_987 = arith.subi %div3A_966, %sub3A_986 : i32
    %select_n3A_988 = arith.select %and3A_985, %sub3A_987, %div3A_966 : i32
    %broadcast_in_dim3A_989 = vector.broadcast %select_n3A_988 : i32 to vector<1x32xi32>
    %select_n3A_990 = arith.select %eq3A_962, %broadcast_in_dim3A_989, %select_n3A_921 : vector<1x32xi1>, vector<1x32xi32>
    %jit3A_991 = arith.constant 100000 : i32
    %eq3A_992 = arith.constant 0 : i32
    %eq3A_993 = arith.cmpi eq, %jit3A_991, %eq3A_992 : i32
    %jit3A_994 = arith.constant 1 : i32
    %select_n3A_995 = arith.select %eq3A_993, %jit3A_994, %jit3A_991 : i32
    %rem3A_996 = arith.remsi %reduce_min3A_959, %select_n3A_995 : i32
    %ne3A_997 = arith.constant 0 : i32
    %ne3A_998 = arith.cmpi ne, %rem3A_996, %ne3A_997 : i32
    %lt3A_999 = arith.constant 0 : i32
    %lt3A_1000 = arith.cmpi slt, %rem3A_996, %lt3A_999 : i32
    %lt3A_1001 = arith.constant 0 : i32
    %lt3A_1002 = arith.cmpi slt, %select_n3A_995, %lt3A_1001 : i32
    %ne3A_1003 = arith.xori %lt3A_1000, %lt3A_1002 : i1
    %and3A_1004 = arith.andi %ne3A_1003, %ne3A_998 : i1
    %add3A_1005 = arith.addi %rem3A_996, %select_n3A_995 : i32
    %select_n3A_1006 = arith.select %and3A_1004, %add3A_1005, %rem3A_996 : i32
    %broadcast_in_dim3A_1007 = vector.broadcast %select_n3A_1006 : i32 to vector<1x32xi32>
    %select_n3A_1008 = arith.select %eq3A_962, %broadcast_in_dim3A_1007, %select_n3A_939 : vector<1x32xi1>, vector<1x32xi32>
    %eq3A_1009 = vector.broadcast %reduce_min3A_959 : i32 to vector<8x128xi32>
    %eq3A_1010 = arith.cmpi eq, %concatenate3A_45, %eq3A_1009 : vector<8x128xi32>
    %jit3A_1011 = arith.constant -3.000000e+38 : f32
    %broadcast_in_dim3A_1012 = vector.broadcast %jit3A_1011 : f32 to vector<8x128xf32>
    %select_n3A_1013 = arith.select %eq3A_1010, %broadcast_in_dim3A_1012, %select_n3A_944 : vector<8x128xi1>, vector<8x128xf32>
    %reduce_max3A_1014 = vector.shape_cast %select_n3A_1013 : vector<8x128xf32> to vector<1x8x128xf32>
    %reduce_max3A_1015 = arith.constant dense<0xFF800000> : vector<1xf32>
    %reduce_max3A_1016 = vector.multi_reduction <maximumf>, %reduce_max3A_1014, %reduce_max3A_1015 [1, 2] : vector<1x8x128xf32> to vector<1xf32>
    %reduce_max3A_1017 = vector.shape_cast %reduce_max3A_1016 : vector<1xf32> to vector<1x1x1xf32>
    %reduce_max3A_1018 = vector.extract %reduce_max3A_1017[0, 0, 0] : f32 from vector<1x1x1xf32>
    %eq3A_1019 = vector.broadcast %reduce_max3A_1018 : f32 to vector<8x128xf32>
    %eq3A_1020 = arith.cmpf oeq, %select_n3A_1013, %eq3A_1019 : vector<8x128xf32>
    %jit3A_1021 = arith.constant 2147483647 : i32
    %broadcast_in_dim3A_1022 = vector.broadcast %jit3A_1021 : i32 to vector<8x128xi32>
    %select_n3A_1023 = arith.select %eq3A_1020, %concatenate3A_45, %broadcast_in_dim3A_1022 : vector<8x128xi1>, vector<8x128xi32>
    %reduce_min3A_1024 = vector.shape_cast %select_n3A_1023 : vector<8x128xi32> to vector<1x8x128xi32>
    %reduce_min3A_1025 = arith.constant dense<2147483647> : vector<1xi32>
    %reduce_min3A_1026 = vector.multi_reduction <minsi>, %reduce_min3A_1024, %reduce_min3A_1025 [1, 2] : vector<1x8x128xi32> to vector<1xi32>
    %reduce_min3A_1027 = vector.shape_cast %reduce_min3A_1026 : vector<1xi32> to vector<1x1x1xi32>
    %reduce_min3A_1028 = vector.extract %reduce_min3A_1027[0, 0, 0] : i32 from vector<1x1x1xi32>
    %eq3A_1029 = arith.constant 14 : i32
    %eq3A_1030 = vector.broadcast %eq3A_1029 : i32 to vector<1x32xi32>
    %eq3A_1031 = arith.cmpi eq, %iota3A_46, %eq3A_1030 : vector<1x32xi32>
    %broadcast_in_dim3A_1032 = vector.broadcast %reduce_max3A_1018 : f32 to vector<1x32xf32>
    %select_n3A_1033 = arith.select %eq3A_1031, %broadcast_in_dim3A_1032, %select_n3A_964 : vector<1x32xi1>, vector<1x32xf32>
    %jit3A_1034 = arith.constant 100000 : i32
    %div3A_1035 = arith.divsi %reduce_min3A_1028, %jit3A_1034 : i32
    %sign3A_1036 = arith.constant 0 : i32
    %sign3A_1037 = arith.cmpi sgt, %reduce_min3A_1028, %sign3A_1036 : i32
    %sign3A_1038 = arith.extui %sign3A_1037 : i1 to i32
    %sign3A_1039 = arith.constant 0 : i32
    %sign3A_1040 = arith.cmpi slt, %reduce_min3A_1028, %sign3A_1039 : i32
    %sign3A_1041 = arith.extui %sign3A_1040 : i1 to i32
    %sign3A_1042 = arith.subi %sign3A_1038, %sign3A_1041 : i32
    %sign3A_1043 = arith.constant 0 : i32
    %sign3A_1044 = arith.cmpi sgt, %jit3A_1034, %sign3A_1043 : i32
    %sign3A_1045 = arith.extui %sign3A_1044 : i1 to i32
    %sign3A_1046 = arith.constant 0 : i32
    %sign3A_1047 = arith.cmpi slt, %jit3A_1034, %sign3A_1046 : i32
    %sign3A_1048 = arith.extui %sign3A_1047 : i1 to i32
    %sign3A_1049 = arith.subi %sign3A_1045, %sign3A_1048 : i32
    %ne3A_1050 = arith.cmpi ne, %sign3A_1042, %sign3A_1049 : i32
    %rem3A_1051 = arith.remsi %reduce_min3A_1028, %jit3A_1034 : i32
    %ne3A_1052 = arith.constant 0 : i32
    %ne3A_1053 = arith.cmpi ne, %rem3A_1051, %ne3A_1052 : i32
    %and3A_1054 = arith.andi %ne3A_1050, %ne3A_1053 : i1
    %sub3A_1055 = arith.constant 1 : i32
    %sub3A_1056 = arith.subi %div3A_1035, %sub3A_1055 : i32
    %select_n3A_1057 = arith.select %and3A_1054, %sub3A_1056, %div3A_1035 : i32
    %broadcast_in_dim3A_1058 = vector.broadcast %select_n3A_1057 : i32 to vector<1x32xi32>
    %select_n3A_1059 = arith.select %eq3A_1031, %broadcast_in_dim3A_1058, %select_n3A_990 : vector<1x32xi1>, vector<1x32xi32>
    %jit3A_1060 = arith.constant 100000 : i32
    %eq3A_1061 = arith.constant 0 : i32
    %eq3A_1062 = arith.cmpi eq, %jit3A_1060, %eq3A_1061 : i32
    %jit3A_1063 = arith.constant 1 : i32
    %select_n3A_1064 = arith.select %eq3A_1062, %jit3A_1063, %jit3A_1060 : i32
    %rem3A_1065 = arith.remsi %reduce_min3A_1028, %select_n3A_1064 : i32
    %ne3A_1066 = arith.constant 0 : i32
    %ne3A_1067 = arith.cmpi ne, %rem3A_1065, %ne3A_1066 : i32
    %lt3A_1068 = arith.constant 0 : i32
    %lt3A_1069 = arith.cmpi slt, %rem3A_1065, %lt3A_1068 : i32
    %lt3A_1070 = arith.constant 0 : i32
    %lt3A_1071 = arith.cmpi slt, %select_n3A_1064, %lt3A_1070 : i32
    %ne3A_1072 = arith.xori %lt3A_1069, %lt3A_1071 : i1
    %and3A_1073 = arith.andi %ne3A_1072, %ne3A_1067 : i1
    %add3A_1074 = arith.addi %rem3A_1065, %select_n3A_1064 : i32
    %select_n3A_1075 = arith.select %and3A_1073, %add3A_1074, %rem3A_1065 : i32
    %broadcast_in_dim3A_1076 = vector.broadcast %select_n3A_1075 : i32 to vector<1x32xi32>
    %select_n3A_1077 = arith.select %eq3A_1031, %broadcast_in_dim3A_1076, %select_n3A_1008 : vector<1x32xi1>, vector<1x32xi32>
    %eq3A_1078 = vector.broadcast %reduce_min3A_1028 : i32 to vector<8x128xi32>
    %eq3A_1079 = arith.cmpi eq, %concatenate3A_45, %eq3A_1078 : vector<8x128xi32>
    %jit3A_1080 = arith.constant -3.000000e+38 : f32
    %broadcast_in_dim3A_1081 = vector.broadcast %jit3A_1080 : f32 to vector<8x128xf32>
    %select_n3A_1082 = arith.select %eq3A_1079, %broadcast_in_dim3A_1081, %select_n3A_1013 : vector<8x128xi1>, vector<8x128xf32>
    %reduce_max3A_1083 = vector.shape_cast %select_n3A_1082 : vector<8x128xf32> to vector<1x8x128xf32>
    %reduce_max3A_1084 = arith.constant dense<0xFF800000> : vector<1xf32>
    %reduce_max3A_1085 = vector.multi_reduction <maximumf>, %reduce_max3A_1083, %reduce_max3A_1084 [1, 2] : vector<1x8x128xf32> to vector<1xf32>
    %reduce_max3A_1086 = vector.shape_cast %reduce_max3A_1085 : vector<1xf32> to vector<1x1x1xf32>
    %reduce_max3A_1087 = vector.extract %reduce_max3A_1086[0, 0, 0] : f32 from vector<1x1x1xf32>
    %eq3A_1088 = vector.broadcast %reduce_max3A_1087 : f32 to vector<8x128xf32>
    %eq3A_1089 = arith.cmpf oeq, %select_n3A_1082, %eq3A_1088 : vector<8x128xf32>
    %jit3A_1090 = arith.constant 2147483647 : i32
    %broadcast_in_dim3A_1091 = vector.broadcast %jit3A_1090 : i32 to vector<8x128xi32>
    %select_n3A_1092 = arith.select %eq3A_1089, %concatenate3A_45, %broadcast_in_dim3A_1091 : vector<8x128xi1>, vector<8x128xi32>
    %reduce_min3A_1093 = vector.shape_cast %select_n3A_1092 : vector<8x128xi32> to vector<1x8x128xi32>
    %reduce_min3A_1094 = arith.constant dense<2147483647> : vector<1xi32>
    %reduce_min3A_1095 = vector.multi_reduction <minsi>, %reduce_min3A_1093, %reduce_min3A_1094 [1, 2] : vector<1x8x128xi32> to vector<1xi32>
    %reduce_min3A_1096 = vector.shape_cast %reduce_min3A_1095 : vector<1xi32> to vector<1x1x1xi32>
    %reduce_min3A_1097 = vector.extract %reduce_min3A_1096[0, 0, 0] : i32 from vector<1x1x1xi32>
    %eq3A_1098 = arith.constant 15 : i32
    %eq3A_1099 = vector.broadcast %eq3A_1098 : i32 to vector<1x32xi32>
    %eq3A_1100 = arith.cmpi eq, %iota3A_46, %eq3A_1099 : vector<1x32xi32>
    %broadcast_in_dim3A_1101 = vector.broadcast %reduce_max3A_1087 : f32 to vector<1x32xf32>
    %select_n3A_1102 = arith.select %eq3A_1100, %broadcast_in_dim3A_1101, %select_n3A_1033 : vector<1x32xi1>, vector<1x32xf32>
    %jit3A_1103 = arith.constant 100000 : i32
    %div3A_1104 = arith.divsi %reduce_min3A_1097, %jit3A_1103 : i32
    %sign3A_1105 = arith.constant 0 : i32
    %sign3A_1106 = arith.cmpi sgt, %reduce_min3A_1097, %sign3A_1105 : i32
    %sign3A_1107 = arith.extui %sign3A_1106 : i1 to i32
    %sign3A_1108 = arith.constant 0 : i32
    %sign3A_1109 = arith.cmpi slt, %reduce_min3A_1097, %sign3A_1108 : i32
    %sign3A_1110 = arith.extui %sign3A_1109 : i1 to i32
    %sign3A_1111 = arith.subi %sign3A_1107, %sign3A_1110 : i32
    %sign3A_1112 = arith.constant 0 : i32
    %sign3A_1113 = arith.cmpi sgt, %jit3A_1103, %sign3A_1112 : i32
    %sign3A_1114 = arith.extui %sign3A_1113 : i1 to i32
    %sign3A_1115 = arith.constant 0 : i32
    %sign3A_1116 = arith.cmpi slt, %jit3A_1103, %sign3A_1115 : i32
    %sign3A_1117 = arith.extui %sign3A_1116 : i1 to i32
    %sign3A_1118 = arith.subi %sign3A_1114, %sign3A_1117 : i32
    %ne3A_1119 = arith.cmpi ne, %sign3A_1111, %sign3A_1118 : i32
    %rem3A_1120 = arith.remsi %reduce_min3A_1097, %jit3A_1103 : i32
    %ne3A_1121 = arith.constant 0 : i32
    %ne3A_1122 = arith.cmpi ne, %rem3A_1120, %ne3A_1121 : i32
    %and3A_1123 = arith.andi %ne3A_1119, %ne3A_1122 : i1
    %sub3A_1124 = arith.constant 1 : i32
    %sub3A_1125 = arith.subi %div3A_1104, %sub3A_1124 : i32
    %select_n3A_1126 = arith.select %and3A_1123, %sub3A_1125, %div3A_1104 : i32
    %broadcast_in_dim3A_1127 = vector.broadcast %select_n3A_1126 : i32 to vector<1x32xi32>
    %select_n3A_1128 = arith.select %eq3A_1100, %broadcast_in_dim3A_1127, %select_n3A_1059 : vector<1x32xi1>, vector<1x32xi32>
    %jit3A_1129 = arith.constant 100000 : i32
    %eq3A_1130 = arith.constant 0 : i32
    %eq3A_1131 = arith.cmpi eq, %jit3A_1129, %eq3A_1130 : i32
    %jit3A_1132 = arith.constant 1 : i32
    %select_n3A_1133 = arith.select %eq3A_1131, %jit3A_1132, %jit3A_1129 : i32
    %rem3A_1134 = arith.remsi %reduce_min3A_1097, %select_n3A_1133 : i32
    %ne3A_1135 = arith.constant 0 : i32
    %ne3A_1136 = arith.cmpi ne, %rem3A_1134, %ne3A_1135 : i32
    %lt3A_1137 = arith.constant 0 : i32
    %lt3A_1138 = arith.cmpi slt, %rem3A_1134, %lt3A_1137 : i32
    %lt3A_1139 = arith.constant 0 : i32
    %lt3A_1140 = arith.cmpi slt, %select_n3A_1133, %lt3A_1139 : i32
    %ne3A_1141 = arith.xori %lt3A_1138, %lt3A_1140 : i1
    %and3A_1142 = arith.andi %ne3A_1141, %ne3A_1136 : i1
    %add3A_1143 = arith.addi %rem3A_1134, %select_n3A_1133 : i32
    %select_n3A_1144 = arith.select %and3A_1142, %add3A_1143, %rem3A_1134 : i32
    %broadcast_in_dim3A_1145 = vector.broadcast %select_n3A_1144 : i32 to vector<1x32xi32>
    %select_n3A_1146 = arith.select %eq3A_1100, %broadcast_in_dim3A_1145, %select_n3A_1077 : vector<1x32xi1>, vector<1x32xi32>
    %eq3A_1147 = vector.broadcast %reduce_min3A_1097 : i32 to vector<8x128xi32>
    %eq3A_1148 = arith.cmpi eq, %concatenate3A_45, %eq3A_1147 : vector<8x128xi32>
    %jit3A_1149 = arith.constant -3.000000e+38 : f32
    %broadcast_in_dim3A_1150 = vector.broadcast %jit3A_1149 : f32 to vector<8x128xf32>
    %select_n3A_1151 = arith.select %eq3A_1148, %broadcast_in_dim3A_1150, %select_n3A_1082 : vector<8x128xi1>, vector<8x128xf32>
    %reduce_max3A_1152 = vector.shape_cast %select_n3A_1151 : vector<8x128xf32> to vector<1x8x128xf32>
    %reduce_max3A_1153 = arith.constant dense<0xFF800000> : vector<1xf32>
    %reduce_max3A_1154 = vector.multi_reduction <maximumf>, %reduce_max3A_1152, %reduce_max3A_1153 [1, 2] : vector<1x8x128xf32> to vector<1xf32>
    %reduce_max3A_1155 = vector.shape_cast %reduce_max3A_1154 : vector<1xf32> to vector<1x1x1xf32>
    %reduce_max3A_1156 = vector.extract %reduce_max3A_1155[0, 0, 0] : f32 from vector<1x1x1xf32>
    %eq3A_1157 = vector.broadcast %reduce_max3A_1156 : f32 to vector<8x128xf32>
    %eq3A_1158 = arith.cmpf oeq, %select_n3A_1151, %eq3A_1157 : vector<8x128xf32>
    %jit3A_1159 = arith.constant 2147483647 : i32
    %broadcast_in_dim3A_1160 = vector.broadcast %jit3A_1159 : i32 to vector<8x128xi32>
    %select_n3A_1161 = arith.select %eq3A_1158, %concatenate3A_45, %broadcast_in_dim3A_1160 : vector<8x128xi1>, vector<8x128xi32>
    %reduce_min3A_1162 = vector.shape_cast %select_n3A_1161 : vector<8x128xi32> to vector<1x8x128xi32>
    %reduce_min3A_1163 = arith.constant dense<2147483647> : vector<1xi32>
    %reduce_min3A_1164 = vector.multi_reduction <minsi>, %reduce_min3A_1162, %reduce_min3A_1163 [1, 2] : vector<1x8x128xi32> to vector<1xi32>
    %reduce_min3A_1165 = vector.shape_cast %reduce_min3A_1164 : vector<1xi32> to vector<1x1x1xi32>
    %reduce_min3A_1166 = vector.extract %reduce_min3A_1165[0, 0, 0] : i32 from vector<1x1x1xi32>
    %eq3A_1167 = arith.constant 16 : i32
    %eq3A_1168 = vector.broadcast %eq3A_1167 : i32 to vector<1x32xi32>
    %eq3A_1169 = arith.cmpi eq, %iota3A_46, %eq3A_1168 : vector<1x32xi32>
    %broadcast_in_dim3A_1170 = vector.broadcast %reduce_max3A_1156 : f32 to vector<1x32xf32>
    %select_n3A_1171 = arith.select %eq3A_1169, %broadcast_in_dim3A_1170, %select_n3A_1102 : vector<1x32xi1>, vector<1x32xf32>
    %jit3A_1172 = arith.constant 100000 : i32
    %div3A_1173 = arith.divsi %reduce_min3A_1166, %jit3A_1172 : i32
    %sign3A_1174 = arith.constant 0 : i32
    %sign3A_1175 = arith.cmpi sgt, %reduce_min3A_1166, %sign3A_1174 : i32
    %sign3A_1176 = arith.extui %sign3A_1175 : i1 to i32
    %sign3A_1177 = arith.constant 0 : i32
    %sign3A_1178 = arith.cmpi slt, %reduce_min3A_1166, %sign3A_1177 : i32
    %sign3A_1179 = arith.extui %sign3A_1178 : i1 to i32
    %sign3A_1180 = arith.subi %sign3A_1176, %sign3A_1179 : i32
    %sign3A_1181 = arith.constant 0 : i32
    %sign3A_1182 = arith.cmpi sgt, %jit3A_1172, %sign3A_1181 : i32
    %sign3A_1183 = arith.extui %sign3A_1182 : i1 to i32
    %sign3A_1184 = arith.constant 0 : i32
    %sign3A_1185 = arith.cmpi slt, %jit3A_1172, %sign3A_1184 : i32
    %sign3A_1186 = arith.extui %sign3A_1185 : i1 to i32
    %sign3A_1187 = arith.subi %sign3A_1183, %sign3A_1186 : i32
    %ne3A_1188 = arith.cmpi ne, %sign3A_1180, %sign3A_1187 : i32
    %rem3A_1189 = arith.remsi %reduce_min3A_1166, %jit3A_1172 : i32
    %ne3A_1190 = arith.constant 0 : i32
    %ne3A_1191 = arith.cmpi ne, %rem3A_1189, %ne3A_1190 : i32
    %and3A_1192 = arith.andi %ne3A_1188, %ne3A_1191 : i1
    %sub3A_1193 = arith.constant 1 : i32
    %sub3A_1194 = arith.subi %div3A_1173, %sub3A_1193 : i32
    %select_n3A_1195 = arith.select %and3A_1192, %sub3A_1194, %div3A_1173 : i32
    %broadcast_in_dim3A_1196 = vector.broadcast %select_n3A_1195 : i32 to vector<1x32xi32>
    %select_n3A_1197 = arith.select %eq3A_1169, %broadcast_in_dim3A_1196, %select_n3A_1128 : vector<1x32xi1>, vector<1x32xi32>
    %jit3A_1198 = arith.constant 100000 : i32
    %eq3A_1199 = arith.constant 0 : i32
    %eq3A_1200 = arith.cmpi eq, %jit3A_1198, %eq3A_1199 : i32
    %jit3A_1201 = arith.constant 1 : i32
    %select_n3A_1202 = arith.select %eq3A_1200, %jit3A_1201, %jit3A_1198 : i32
    %rem3A_1203 = arith.remsi %reduce_min3A_1166, %select_n3A_1202 : i32
    %ne3A_1204 = arith.constant 0 : i32
    %ne3A_1205 = arith.cmpi ne, %rem3A_1203, %ne3A_1204 : i32
    %lt3A_1206 = arith.constant 0 : i32
    %lt3A_1207 = arith.cmpi slt, %rem3A_1203, %lt3A_1206 : i32
    %lt3A_1208 = arith.constant 0 : i32
    %lt3A_1209 = arith.cmpi slt, %select_n3A_1202, %lt3A_1208 : i32
    %ne3A_1210 = arith.xori %lt3A_1207, %lt3A_1209 : i1
    %and3A_1211 = arith.andi %ne3A_1210, %ne3A_1205 : i1
    %add3A_1212 = arith.addi %rem3A_1203, %select_n3A_1202 : i32
    %select_n3A_1213 = arith.select %and3A_1211, %add3A_1212, %rem3A_1203 : i32
    %broadcast_in_dim3A_1214 = vector.broadcast %select_n3A_1213 : i32 to vector<1x32xi32>
    %select_n3A_1215 = arith.select %eq3A_1169, %broadcast_in_dim3A_1214, %select_n3A_1146 : vector<1x32xi1>, vector<1x32xi32>
    %eq3A_1216 = vector.broadcast %reduce_min3A_1166 : i32 to vector<8x128xi32>
    %eq3A_1217 = arith.cmpi eq, %concatenate3A_45, %eq3A_1216 : vector<8x128xi32>
    %jit3A_1218 = arith.constant -3.000000e+38 : f32
    %broadcast_in_dim3A_1219 = vector.broadcast %jit3A_1218 : f32 to vector<8x128xf32>
    %select_n3A_1220 = arith.select %eq3A_1217, %broadcast_in_dim3A_1219, %select_n3A_1151 : vector<8x128xi1>, vector<8x128xf32>
    %reduce_max3A_1221 = vector.shape_cast %select_n3A_1220 : vector<8x128xf32> to vector<1x8x128xf32>
    %reduce_max3A_1222 = arith.constant dense<0xFF800000> : vector<1xf32>
    %reduce_max3A_1223 = vector.multi_reduction <maximumf>, %reduce_max3A_1221, %reduce_max3A_1222 [1, 2] : vector<1x8x128xf32> to vector<1xf32>
    %reduce_max3A_1224 = vector.shape_cast %reduce_max3A_1223 : vector<1xf32> to vector<1x1x1xf32>
    %reduce_max3A_1225 = vector.extract %reduce_max3A_1224[0, 0, 0] : f32 from vector<1x1x1xf32>
    %eq3A_1226 = vector.broadcast %reduce_max3A_1225 : f32 to vector<8x128xf32>
    %eq3A_1227 = arith.cmpf oeq, %select_n3A_1220, %eq3A_1226 : vector<8x128xf32>
    %jit3A_1228 = arith.constant 2147483647 : i32
    %broadcast_in_dim3A_1229 = vector.broadcast %jit3A_1228 : i32 to vector<8x128xi32>
    %select_n3A_1230 = arith.select %eq3A_1227, %concatenate3A_45, %broadcast_in_dim3A_1229 : vector<8x128xi1>, vector<8x128xi32>
    %reduce_min3A_1231 = vector.shape_cast %select_n3A_1230 : vector<8x128xi32> to vector<1x8x128xi32>
    %reduce_min3A_1232 = arith.constant dense<2147483647> : vector<1xi32>
    %reduce_min3A_1233 = vector.multi_reduction <minsi>, %reduce_min3A_1231, %reduce_min3A_1232 [1, 2] : vector<1x8x128xi32> to vector<1xi32>
    %reduce_min3A_1234 = vector.shape_cast %reduce_min3A_1233 : vector<1xi32> to vector<1x1x1xi32>
    %reduce_min3A_1235 = vector.extract %reduce_min3A_1234[0, 0, 0] : i32 from vector<1x1x1xi32>
    %eq3A_1236 = arith.constant 17 : i32
    %eq3A_1237 = vector.broadcast %eq3A_1236 : i32 to vector<1x32xi32>
    %eq3A_1238 = arith.cmpi eq, %iota3A_46, %eq3A_1237 : vector<1x32xi32>
    %broadcast_in_dim3A_1239 = vector.broadcast %reduce_max3A_1225 : f32 to vector<1x32xf32>
    %select_n3A_1240 = arith.select %eq3A_1238, %broadcast_in_dim3A_1239, %select_n3A_1171 : vector<1x32xi1>, vector<1x32xf32>
    %jit3A_1241 = arith.constant 100000 : i32
    %div3A_1242 = arith.divsi %reduce_min3A_1235, %jit3A_1241 : i32
    %sign3A_1243 = arith.constant 0 : i32
    %sign3A_1244 = arith.cmpi sgt, %reduce_min3A_1235, %sign3A_1243 : i32
    %sign3A_1245 = arith.extui %sign3A_1244 : i1 to i32
    %sign3A_1246 = arith.constant 0 : i32
    %sign3A_1247 = arith.cmpi slt, %reduce_min3A_1235, %sign3A_1246 : i32
    %sign3A_1248 = arith.extui %sign3A_1247 : i1 to i32
    %sign3A_1249 = arith.subi %sign3A_1245, %sign3A_1248 : i32
    %sign3A_1250 = arith.constant 0 : i32
    %sign3A_1251 = arith.cmpi sgt, %jit3A_1241, %sign3A_1250 : i32
    %sign3A_1252 = arith.extui %sign3A_1251 : i1 to i32
    %sign3A_1253 = arith.constant 0 : i32
    %sign3A_1254 = arith.cmpi slt, %jit3A_1241, %sign3A_1253 : i32
    %sign3A_1255 = arith.extui %sign3A_1254 : i1 to i32
    %sign3A_1256 = arith.subi %sign3A_1252, %sign3A_1255 : i32
    %ne3A_1257 = arith.cmpi ne, %sign3A_1249, %sign3A_1256 : i32
    %rem3A_1258 = arith.remsi %reduce_min3A_1235, %jit3A_1241 : i32
    %ne3A_1259 = arith.constant 0 : i32
    %ne3A_1260 = arith.cmpi ne, %rem3A_1258, %ne3A_1259 : i32
    %and3A_1261 = arith.andi %ne3A_1257, %ne3A_1260 : i1
    %sub3A_1262 = arith.constant 1 : i32
    %sub3A_1263 = arith.subi %div3A_1242, %sub3A_1262 : i32
    %select_n3A_1264 = arith.select %and3A_1261, %sub3A_1263, %div3A_1242 : i32
    %broadcast_in_dim3A_1265 = vector.broadcast %select_n3A_1264 : i32 to vector<1x32xi32>
    %select_n3A_1266 = arith.select %eq3A_1238, %broadcast_in_dim3A_1265, %select_n3A_1197 : vector<1x32xi1>, vector<1x32xi32>
    %jit3A_1267 = arith.constant 100000 : i32
    %eq3A_1268 = arith.constant 0 : i32
    %eq3A_1269 = arith.cmpi eq, %jit3A_1267, %eq3A_1268 : i32
    %jit3A_1270 = arith.constant 1 : i32
    %select_n3A_1271 = arith.select %eq3A_1269, %jit3A_1270, %jit3A_1267 : i32
    %rem3A_1272 = arith.remsi %reduce_min3A_1235, %select_n3A_1271 : i32
    %ne3A_1273 = arith.constant 0 : i32
    %ne3A_1274 = arith.cmpi ne, %rem3A_1272, %ne3A_1273 : i32
    %lt3A_1275 = arith.constant 0 : i32
    %lt3A_1276 = arith.cmpi slt, %rem3A_1272, %lt3A_1275 : i32
    %lt3A_1277 = arith.constant 0 : i32
    %lt3A_1278 = arith.cmpi slt, %select_n3A_1271, %lt3A_1277 : i32
    %ne3A_1279 = arith.xori %lt3A_1276, %lt3A_1278 : i1
    %and3A_1280 = arith.andi %ne3A_1279, %ne3A_1274 : i1
    %add3A_1281 = arith.addi %rem3A_1272, %select_n3A_1271 : i32
    %select_n3A_1282 = arith.select %and3A_1280, %add3A_1281, %rem3A_1272 : i32
    %broadcast_in_dim3A_1283 = vector.broadcast %select_n3A_1282 : i32 to vector<1x32xi32>
    %select_n3A_1284 = arith.select %eq3A_1238, %broadcast_in_dim3A_1283, %select_n3A_1215 : vector<1x32xi1>, vector<1x32xi32>
    %eq3A_1285 = vector.broadcast %reduce_min3A_1235 : i32 to vector<8x128xi32>
    %eq3A_1286 = arith.cmpi eq, %concatenate3A_45, %eq3A_1285 : vector<8x128xi32>
    %jit3A_1287 = arith.constant -3.000000e+38 : f32
    %broadcast_in_dim3A_1288 = vector.broadcast %jit3A_1287 : f32 to vector<8x128xf32>
    %select_n3A_1289 = arith.select %eq3A_1286, %broadcast_in_dim3A_1288, %select_n3A_1220 : vector<8x128xi1>, vector<8x128xf32>
    %reduce_max3A_1290 = vector.shape_cast %select_n3A_1289 : vector<8x128xf32> to vector<1x8x128xf32>
    %reduce_max3A_1291 = arith.constant dense<0xFF800000> : vector<1xf32>
    %reduce_max3A_1292 = vector.multi_reduction <maximumf>, %reduce_max3A_1290, %reduce_max3A_1291 [1, 2] : vector<1x8x128xf32> to vector<1xf32>
    %reduce_max3A_1293 = vector.shape_cast %reduce_max3A_1292 : vector<1xf32> to vector<1x1x1xf32>
    %reduce_max3A_1294 = vector.extract %reduce_max3A_1293[0, 0, 0] : f32 from vector<1x1x1xf32>
    %eq3A_1295 = vector.broadcast %reduce_max3A_1294 : f32 to vector<8x128xf32>
    %eq3A_1296 = arith.cmpf oeq, %select_n3A_1289, %eq3A_1295 : vector<8x128xf32>
    %jit3A_1297 = arith.constant 2147483647 : i32
    %broadcast_in_dim3A_1298 = vector.broadcast %jit3A_1297 : i32 to vector<8x128xi32>
    %select_n3A_1299 = arith.select %eq3A_1296, %concatenate3A_45, %broadcast_in_dim3A_1298 : vector<8x128xi1>, vector<8x128xi32>
    %reduce_min3A_1300 = vector.shape_cast %select_n3A_1299 : vector<8x128xi32> to vector<1x8x128xi32>
    %reduce_min3A_1301 = arith.constant dense<2147483647> : vector<1xi32>
    %reduce_min3A_1302 = vector.multi_reduction <minsi>, %reduce_min3A_1300, %reduce_min3A_1301 [1, 2] : vector<1x8x128xi32> to vector<1xi32>
    %reduce_min3A_1303 = vector.shape_cast %reduce_min3A_1302 : vector<1xi32> to vector<1x1x1xi32>
    %reduce_min3A_1304 = vector.extract %reduce_min3A_1303[0, 0, 0] : i32 from vector<1x1x1xi32>
    %eq3A_1305 = arith.constant 18 : i32
    %eq3A_1306 = vector.broadcast %eq3A_1305 : i32 to vector<1x32xi32>
    %eq3A_1307 = arith.cmpi eq, %iota3A_46, %eq3A_1306 : vector<1x32xi32>
    %broadcast_in_dim3A_1308 = vector.broadcast %reduce_max3A_1294 : f32 to vector<1x32xf32>
    %select_n3A_1309 = arith.select %eq3A_1307, %broadcast_in_dim3A_1308, %select_n3A_1240 : vector<1x32xi1>, vector<1x32xf32>
    %jit3A_1310 = arith.constant 100000 : i32
    %div3A_1311 = arith.divsi %reduce_min3A_1304, %jit3A_1310 : i32
    %sign3A_1312 = arith.constant 0 : i32
    %sign3A_1313 = arith.cmpi sgt, %reduce_min3A_1304, %sign3A_1312 : i32
    %sign3A_1314 = arith.extui %sign3A_1313 : i1 to i32
    %sign3A_1315 = arith.constant 0 : i32
    %sign3A_1316 = arith.cmpi slt, %reduce_min3A_1304, %sign3A_1315 : i32
    %sign3A_1317 = arith.extui %sign3A_1316 : i1 to i32
    %sign3A_1318 = arith.subi %sign3A_1314, %sign3A_1317 : i32
    %sign3A_1319 = arith.constant 0 : i32
    %sign3A_1320 = arith.cmpi sgt, %jit3A_1310, %sign3A_1319 : i32
    %sign3A_1321 = arith.extui %sign3A_1320 : i1 to i32
    %sign3A_1322 = arith.constant 0 : i32
    %sign3A_1323 = arith.cmpi slt, %jit3A_1310, %sign3A_1322 : i32
    %sign3A_1324 = arith.extui %sign3A_1323 : i1 to i32
    %sign3A_1325 = arith.subi %sign3A_1321, %sign3A_1324 : i32
    %ne3A_1326 = arith.cmpi ne, %sign3A_1318, %sign3A_1325 : i32
    %rem3A_1327 = arith.remsi %reduce_min3A_1304, %jit3A_1310 : i32
    %ne3A_1328 = arith.constant 0 : i32
    %ne3A_1329 = arith.cmpi ne, %rem3A_1327, %ne3A_1328 : i32
    %and3A_1330 = arith.andi %ne3A_1326, %ne3A_1329 : i1
    %sub3A_1331 = arith.constant 1 : i32
    %sub3A_1332 = arith.subi %div3A_1311, %sub3A_1331 : i32
    %select_n3A_1333 = arith.select %and3A_1330, %sub3A_1332, %div3A_1311 : i32
    %broadcast_in_dim3A_1334 = vector.broadcast %select_n3A_1333 : i32 to vector<1x32xi32>
    %select_n3A_1335 = arith.select %eq3A_1307, %broadcast_in_dim3A_1334, %select_n3A_1266 : vector<1x32xi1>, vector<1x32xi32>
    %jit3A_1336 = arith.constant 100000 : i32
    %eq3A_1337 = arith.constant 0 : i32
    %eq3A_1338 = arith.cmpi eq, %jit3A_1336, %eq3A_1337 : i32
    %jit3A_1339 = arith.constant 1 : i32
    %select_n3A_1340 = arith.select %eq3A_1338, %jit3A_1339, %jit3A_1336 : i32
    %rem3A_1341 = arith.remsi %reduce_min3A_1304, %select_n3A_1340 : i32
    %ne3A_1342 = arith.constant 0 : i32
    %ne3A_1343 = arith.cmpi ne, %rem3A_1341, %ne3A_1342 : i32
    %lt3A_1344 = arith.constant 0 : i32
    %lt3A_1345 = arith.cmpi slt, %rem3A_1341, %lt3A_1344 : i32
    %lt3A_1346 = arith.constant 0 : i32
    %lt3A_1347 = arith.cmpi slt, %select_n3A_1340, %lt3A_1346 : i32
    %ne3A_1348 = arith.xori %lt3A_1345, %lt3A_1347 : i1
    %and3A_1349 = arith.andi %ne3A_1348, %ne3A_1343 : i1
    %add3A_1350 = arith.addi %rem3A_1341, %select_n3A_1340 : i32
    %select_n3A_1351 = arith.select %and3A_1349, %add3A_1350, %rem3A_1341 : i32
    %broadcast_in_dim3A_1352 = vector.broadcast %select_n3A_1351 : i32 to vector<1x32xi32>
    %select_n3A_1353 = arith.select %eq3A_1307, %broadcast_in_dim3A_1352, %select_n3A_1284 : vector<1x32xi1>, vector<1x32xi32>
    %eq3A_1354 = vector.broadcast %reduce_min3A_1304 : i32 to vector<8x128xi32>
    %eq3A_1355 = arith.cmpi eq, %concatenate3A_45, %eq3A_1354 : vector<8x128xi32>
    %jit3A_1356 = arith.constant -3.000000e+38 : f32
    %broadcast_in_dim3A_1357 = vector.broadcast %jit3A_1356 : f32 to vector<8x128xf32>
    %select_n3A_1358 = arith.select %eq3A_1355, %broadcast_in_dim3A_1357, %select_n3A_1289 : vector<8x128xi1>, vector<8x128xf32>
    %reduce_max3A_1359 = vector.shape_cast %select_n3A_1358 : vector<8x128xf32> to vector<1x8x128xf32>
    %reduce_max3A_1360 = arith.constant dense<0xFF800000> : vector<1xf32>
    %reduce_max3A_1361 = vector.multi_reduction <maximumf>, %reduce_max3A_1359, %reduce_max3A_1360 [1, 2] : vector<1x8x128xf32> to vector<1xf32>
    %reduce_max3A_1362 = vector.shape_cast %reduce_max3A_1361 : vector<1xf32> to vector<1x1x1xf32>
    %reduce_max3A_1363 = vector.extract %reduce_max3A_1362[0, 0, 0] : f32 from vector<1x1x1xf32>
    %eq3A_1364 = vector.broadcast %reduce_max3A_1363 : f32 to vector<8x128xf32>
    %eq3A_1365 = arith.cmpf oeq, %select_n3A_1358, %eq3A_1364 : vector<8x128xf32>
    %jit3A_1366 = arith.constant 2147483647 : i32
    %broadcast_in_dim3A_1367 = vector.broadcast %jit3A_1366 : i32 to vector<8x128xi32>
    %select_n3A_1368 = arith.select %eq3A_1365, %concatenate3A_45, %broadcast_in_dim3A_1367 : vector<8x128xi1>, vector<8x128xi32>
    %reduce_min3A_1369 = vector.shape_cast %select_n3A_1368 : vector<8x128xi32> to vector<1x8x128xi32>
    %reduce_min3A_1370 = arith.constant dense<2147483647> : vector<1xi32>
    %reduce_min3A_1371 = vector.multi_reduction <minsi>, %reduce_min3A_1369, %reduce_min3A_1370 [1, 2] : vector<1x8x128xi32> to vector<1xi32>
    %reduce_min3A_1372 = vector.shape_cast %reduce_min3A_1371 : vector<1xi32> to vector<1x1x1xi32>
    %reduce_min3A_1373 = vector.extract %reduce_min3A_1372[0, 0, 0] : i32 from vector<1x1x1xi32>
    %eq3A_1374 = arith.constant 19 : i32
    %eq3A_1375 = vector.broadcast %eq3A_1374 : i32 to vector<1x32xi32>
    %eq3A_1376 = arith.cmpi eq, %iota3A_46, %eq3A_1375 : vector<1x32xi32>
    %broadcast_in_dim3A_1377 = vector.broadcast %reduce_max3A_1363 : f32 to vector<1x32xf32>
    %select_n3A_1378 = arith.select %eq3A_1376, %broadcast_in_dim3A_1377, %select_n3A_1309 : vector<1x32xi1>, vector<1x32xf32>
    %jit3A_1379 = arith.constant 100000 : i32
    %div3A_1380 = arith.divsi %reduce_min3A_1373, %jit3A_1379 : i32
    %sign3A_1381 = arith.constant 0 : i32
    %sign3A_1382 = arith.cmpi sgt, %reduce_min3A_1373, %sign3A_1381 : i32
    %sign3A_1383 = arith.extui %sign3A_1382 : i1 to i32
    %sign3A_1384 = arith.constant 0 : i32
    %sign3A_1385 = arith.cmpi slt, %reduce_min3A_1373, %sign3A_1384 : i32
    %sign3A_1386 = arith.extui %sign3A_1385 : i1 to i32
    %sign3A_1387 = arith.subi %sign3A_1383, %sign3A_1386 : i32
    %sign3A_1388 = arith.constant 0 : i32
    %sign3A_1389 = arith.cmpi sgt, %jit3A_1379, %sign3A_1388 : i32
    %sign3A_1390 = arith.extui %sign3A_1389 : i1 to i32
    %sign3A_1391 = arith.constant 0 : i32
    %sign3A_1392 = arith.cmpi slt, %jit3A_1379, %sign3A_1391 : i32
    %sign3A_1393 = arith.extui %sign3A_1392 : i1 to i32
    %sign3A_1394 = arith.subi %sign3A_1390, %sign3A_1393 : i32
    %ne3A_1395 = arith.cmpi ne, %sign3A_1387, %sign3A_1394 : i32
    %rem3A_1396 = arith.remsi %reduce_min3A_1373, %jit3A_1379 : i32
    %ne3A_1397 = arith.constant 0 : i32
    %ne3A_1398 = arith.cmpi ne, %rem3A_1396, %ne3A_1397 : i32
    %and3A_1399 = arith.andi %ne3A_1395, %ne3A_1398 : i1
    %sub3A_1400 = arith.constant 1 : i32
    %sub3A_1401 = arith.subi %div3A_1380, %sub3A_1400 : i32
    %select_n3A_1402 = arith.select %and3A_1399, %sub3A_1401, %div3A_1380 : i32
    %broadcast_in_dim3A_1403 = vector.broadcast %select_n3A_1402 : i32 to vector<1x32xi32>
    %select_n3A_1404 = arith.select %eq3A_1376, %broadcast_in_dim3A_1403, %select_n3A_1335 : vector<1x32xi1>, vector<1x32xi32>
    %jit3A_1405 = arith.constant 100000 : i32
    %eq3A_1406 = arith.constant 0 : i32
    %eq3A_1407 = arith.cmpi eq, %jit3A_1405, %eq3A_1406 : i32
    %jit3A_1408 = arith.constant 1 : i32
    %select_n3A_1409 = arith.select %eq3A_1407, %jit3A_1408, %jit3A_1405 : i32
    %rem3A_1410 = arith.remsi %reduce_min3A_1373, %select_n3A_1409 : i32
    %ne3A_1411 = arith.constant 0 : i32
    %ne3A_1412 = arith.cmpi ne, %rem3A_1410, %ne3A_1411 : i32
    %lt3A_1413 = arith.constant 0 : i32
    %lt3A_1414 = arith.cmpi slt, %rem3A_1410, %lt3A_1413 : i32
    %lt3A_1415 = arith.constant 0 : i32
    %lt3A_1416 = arith.cmpi slt, %select_n3A_1409, %lt3A_1415 : i32
    %ne3A_1417 = arith.xori %lt3A_1414, %lt3A_1416 : i1
    %and3A_1418 = arith.andi %ne3A_1417, %ne3A_1412 : i1
    %add3A_1419 = arith.addi %rem3A_1410, %select_n3A_1409 : i32
    %select_n3A_1420 = arith.select %and3A_1418, %add3A_1419, %rem3A_1410 : i32
    %broadcast_in_dim3A_1421 = vector.broadcast %select_n3A_1420 : i32 to vector<1x32xi32>
    %select_n3A_1422 = arith.select %eq3A_1376, %broadcast_in_dim3A_1421, %select_n3A_1353 : vector<1x32xi1>, vector<1x32xi32>
    %eq3A_1423 = vector.broadcast %reduce_min3A_1373 : i32 to vector<8x128xi32>
    %eq3A_1424 = arith.cmpi eq, %concatenate3A_45, %eq3A_1423 : vector<8x128xi32>
    %jit3A_1425 = arith.constant -3.000000e+38 : f32
    %broadcast_in_dim3A_1426 = vector.broadcast %jit3A_1425 : f32 to vector<8x128xf32>
    %select_n3A_1427 = arith.select %eq3A_1424, %broadcast_in_dim3A_1426, %select_n3A_1358 : vector<8x128xi1>, vector<8x128xf32>
    %reduce_max3A_1428 = vector.shape_cast %select_n3A_1427 : vector<8x128xf32> to vector<1x8x128xf32>
    %reduce_max3A_1429 = arith.constant dense<0xFF800000> : vector<1xf32>
    %reduce_max3A_1430 = vector.multi_reduction <maximumf>, %reduce_max3A_1428, %reduce_max3A_1429 [1, 2] : vector<1x8x128xf32> to vector<1xf32>
    %reduce_max3A_1431 = vector.shape_cast %reduce_max3A_1430 : vector<1xf32> to vector<1x1x1xf32>
    %reduce_max3A_1432 = vector.extract %reduce_max3A_1431[0, 0, 0] : f32 from vector<1x1x1xf32>
    %eq3A_1433 = vector.broadcast %reduce_max3A_1432 : f32 to vector<8x128xf32>
    %eq3A_1434 = arith.cmpf oeq, %select_n3A_1427, %eq3A_1433 : vector<8x128xf32>
    %jit3A_1435 = arith.constant 2147483647 : i32
    %broadcast_in_dim3A_1436 = vector.broadcast %jit3A_1435 : i32 to vector<8x128xi32>
    %select_n3A_1437 = arith.select %eq3A_1434, %concatenate3A_45, %broadcast_in_dim3A_1436 : vector<8x128xi1>, vector<8x128xi32>
    %reduce_min3A_1438 = vector.shape_cast %select_n3A_1437 : vector<8x128xi32> to vector<1x8x128xi32>
    %reduce_min3A_1439 = arith.constant dense<2147483647> : vector<1xi32>
    %reduce_min3A_1440 = vector.multi_reduction <minsi>, %reduce_min3A_1438, %reduce_min3A_1439 [1, 2] : vector<1x8x128xi32> to vector<1xi32>
    %reduce_min3A_1441 = vector.shape_cast %reduce_min3A_1440 : vector<1xi32> to vector<1x1x1xi32>
    %reduce_min3A_1442 = vector.extract %reduce_min3A_1441[0, 0, 0] : i32 from vector<1x1x1xi32>
    %eq3A_1443 = arith.constant 20 : i32
    %eq3A_1444 = vector.broadcast %eq3A_1443 : i32 to vector<1x32xi32>
    %eq3A_1445 = arith.cmpi eq, %iota3A_46, %eq3A_1444 : vector<1x32xi32>
    %broadcast_in_dim3A_1446 = vector.broadcast %reduce_max3A_1432 : f32 to vector<1x32xf32>
    %select_n3A_1447 = arith.select %eq3A_1445, %broadcast_in_dim3A_1446, %select_n3A_1378 : vector<1x32xi1>, vector<1x32xf32>
    %jit3A_1448 = arith.constant 100000 : i32
    %div3A_1449 = arith.divsi %reduce_min3A_1442, %jit3A_1448 : i32
    %sign3A_1450 = arith.constant 0 : i32
    %sign3A_1451 = arith.cmpi sgt, %reduce_min3A_1442, %sign3A_1450 : i32
    %sign3A_1452 = arith.extui %sign3A_1451 : i1 to i32
    %sign3A_1453 = arith.constant 0 : i32
    %sign3A_1454 = arith.cmpi slt, %reduce_min3A_1442, %sign3A_1453 : i32
    %sign3A_1455 = arith.extui %sign3A_1454 : i1 to i32
    %sign3A_1456 = arith.subi %sign3A_1452, %sign3A_1455 : i32
    %sign3A_1457 = arith.constant 0 : i32
    %sign3A_1458 = arith.cmpi sgt, %jit3A_1448, %sign3A_1457 : i32
    %sign3A_1459 = arith.extui %sign3A_1458 : i1 to i32
    %sign3A_1460 = arith.constant 0 : i32
    %sign3A_1461 = arith.cmpi slt, %jit3A_1448, %sign3A_1460 : i32
    %sign3A_1462 = arith.extui %sign3A_1461 : i1 to i32
    %sign3A_1463 = arith.subi %sign3A_1459, %sign3A_1462 : i32
    %ne3A_1464 = arith.cmpi ne, %sign3A_1456, %sign3A_1463 : i32
    %rem3A_1465 = arith.remsi %reduce_min3A_1442, %jit3A_1448 : i32
    %ne3A_1466 = arith.constant 0 : i32
    %ne3A_1467 = arith.cmpi ne, %rem3A_1465, %ne3A_1466 : i32
    %and3A_1468 = arith.andi %ne3A_1464, %ne3A_1467 : i1
    %sub3A_1469 = arith.constant 1 : i32
    %sub3A_1470 = arith.subi %div3A_1449, %sub3A_1469 : i32
    %select_n3A_1471 = arith.select %and3A_1468, %sub3A_1470, %div3A_1449 : i32
    %broadcast_in_dim3A_1472 = vector.broadcast %select_n3A_1471 : i32 to vector<1x32xi32>
    %select_n3A_1473 = arith.select %eq3A_1445, %broadcast_in_dim3A_1472, %select_n3A_1404 : vector<1x32xi1>, vector<1x32xi32>
    %jit3A_1474 = arith.constant 100000 : i32
    %eq3A_1475 = arith.constant 0 : i32
    %eq3A_1476 = arith.cmpi eq, %jit3A_1474, %eq3A_1475 : i32
    %jit3A_1477 = arith.constant 1 : i32
    %select_n3A_1478 = arith.select %eq3A_1476, %jit3A_1477, %jit3A_1474 : i32
    %rem3A_1479 = arith.remsi %reduce_min3A_1442, %select_n3A_1478 : i32
    %ne3A_1480 = arith.constant 0 : i32
    %ne3A_1481 = arith.cmpi ne, %rem3A_1479, %ne3A_1480 : i32
    %lt3A_1482 = arith.constant 0 : i32
    %lt3A_1483 = arith.cmpi slt, %rem3A_1479, %lt3A_1482 : i32
    %lt3A_1484 = arith.constant 0 : i32
    %lt3A_1485 = arith.cmpi slt, %select_n3A_1478, %lt3A_1484 : i32
    %ne3A_1486 = arith.xori %lt3A_1483, %lt3A_1485 : i1
    %and3A_1487 = arith.andi %ne3A_1486, %ne3A_1481 : i1
    %add3A_1488 = arith.addi %rem3A_1479, %select_n3A_1478 : i32
    %select_n3A_1489 = arith.select %and3A_1487, %add3A_1488, %rem3A_1479 : i32
    %broadcast_in_dim3A_1490 = vector.broadcast %select_n3A_1489 : i32 to vector<1x32xi32>
    %select_n3A_1491 = arith.select %eq3A_1445, %broadcast_in_dim3A_1490, %select_n3A_1422 : vector<1x32xi1>, vector<1x32xi32>
    %eq3A_1492 = vector.broadcast %reduce_min3A_1442 : i32 to vector<8x128xi32>
    %eq3A_1493 = arith.cmpi eq, %concatenate3A_45, %eq3A_1492 : vector<8x128xi32>
    %jit3A_1494 = arith.constant -3.000000e+38 : f32
    %broadcast_in_dim3A_1495 = vector.broadcast %jit3A_1494 : f32 to vector<8x128xf32>
    %select_n3A_1496 = arith.select %eq3A_1493, %broadcast_in_dim3A_1495, %select_n3A_1427 : vector<8x128xi1>, vector<8x128xf32>
    %reduce_max3A_1497 = vector.shape_cast %select_n3A_1496 : vector<8x128xf32> to vector<1x8x128xf32>
    %reduce_max3A_1498 = arith.constant dense<0xFF800000> : vector<1xf32>
    %reduce_max3A_1499 = vector.multi_reduction <maximumf>, %reduce_max3A_1497, %reduce_max3A_1498 [1, 2] : vector<1x8x128xf32> to vector<1xf32>
    %reduce_max3A_1500 = vector.shape_cast %reduce_max3A_1499 : vector<1xf32> to vector<1x1x1xf32>
    %reduce_max3A_1501 = vector.extract %reduce_max3A_1500[0, 0, 0] : f32 from vector<1x1x1xf32>
    %eq3A_1502 = vector.broadcast %reduce_max3A_1501 : f32 to vector<8x128xf32>
    %eq3A_1503 = arith.cmpf oeq, %select_n3A_1496, %eq3A_1502 : vector<8x128xf32>
    %jit3A_1504 = arith.constant 2147483647 : i32
    %broadcast_in_dim3A_1505 = vector.broadcast %jit3A_1504 : i32 to vector<8x128xi32>
    %select_n3A_1506 = arith.select %eq3A_1503, %concatenate3A_45, %broadcast_in_dim3A_1505 : vector<8x128xi1>, vector<8x128xi32>
    %reduce_min3A_1507 = vector.shape_cast %select_n3A_1506 : vector<8x128xi32> to vector<1x8x128xi32>
    %reduce_min3A_1508 = arith.constant dense<2147483647> : vector<1xi32>
    %reduce_min3A_1509 = vector.multi_reduction <minsi>, %reduce_min3A_1507, %reduce_min3A_1508 [1, 2] : vector<1x8x128xi32> to vector<1xi32>
    %reduce_min3A_1510 = vector.shape_cast %reduce_min3A_1509 : vector<1xi32> to vector<1x1x1xi32>
    %reduce_min3A_1511 = vector.extract %reduce_min3A_1510[0, 0, 0] : i32 from vector<1x1x1xi32>
    %eq3A_1512 = arith.constant 21 : i32
    %eq3A_1513 = vector.broadcast %eq3A_1512 : i32 to vector<1x32xi32>
    %eq3A_1514 = arith.cmpi eq, %iota3A_46, %eq3A_1513 : vector<1x32xi32>
    %broadcast_in_dim3A_1515 = vector.broadcast %reduce_max3A_1501 : f32 to vector<1x32xf32>
    %select_n3A_1516 = arith.select %eq3A_1514, %broadcast_in_dim3A_1515, %select_n3A_1447 : vector<1x32xi1>, vector<1x32xf32>
    %jit3A_1517 = arith.constant 100000 : i32
    %div3A_1518 = arith.divsi %reduce_min3A_1511, %jit3A_1517 : i32
    %sign3A_1519 = arith.constant 0 : i32
    %sign3A_1520 = arith.cmpi sgt, %reduce_min3A_1511, %sign3A_1519 : i32
    %sign3A_1521 = arith.extui %sign3A_1520 : i1 to i32
    %sign3A_1522 = arith.constant 0 : i32
    %sign3A_1523 = arith.cmpi slt, %reduce_min3A_1511, %sign3A_1522 : i32
    %sign3A_1524 = arith.extui %sign3A_1523 : i1 to i32
    %sign3A_1525 = arith.subi %sign3A_1521, %sign3A_1524 : i32
    %sign3A_1526 = arith.constant 0 : i32
    %sign3A_1527 = arith.cmpi sgt, %jit3A_1517, %sign3A_1526 : i32
    %sign3A_1528 = arith.extui %sign3A_1527 : i1 to i32
    %sign3A_1529 = arith.constant 0 : i32
    %sign3A_1530 = arith.cmpi slt, %jit3A_1517, %sign3A_1529 : i32
    %sign3A_1531 = arith.extui %sign3A_1530 : i1 to i32
    %sign3A_1532 = arith.subi %sign3A_1528, %sign3A_1531 : i32
    %ne3A_1533 = arith.cmpi ne, %sign3A_1525, %sign3A_1532 : i32
    %rem3A_1534 = arith.remsi %reduce_min3A_1511, %jit3A_1517 : i32
    %ne3A_1535 = arith.constant 0 : i32
    %ne3A_1536 = arith.cmpi ne, %rem3A_1534, %ne3A_1535 : i32
    %and3A_1537 = arith.andi %ne3A_1533, %ne3A_1536 : i1
    %sub3A_1538 = arith.constant 1 : i32
    %sub3A_1539 = arith.subi %div3A_1518, %sub3A_1538 : i32
    %select_n3A_1540 = arith.select %and3A_1537, %sub3A_1539, %div3A_1518 : i32
    %broadcast_in_dim3A_1541 = vector.broadcast %select_n3A_1540 : i32 to vector<1x32xi32>
    %select_n3A_1542 = arith.select %eq3A_1514, %broadcast_in_dim3A_1541, %select_n3A_1473 : vector<1x32xi1>, vector<1x32xi32>
    %jit3A_1543 = arith.constant 100000 : i32
    %eq3A_1544 = arith.constant 0 : i32
    %eq3A_1545 = arith.cmpi eq, %jit3A_1543, %eq3A_1544 : i32
    %jit3A_1546 = arith.constant 1 : i32
    %select_n3A_1547 = arith.select %eq3A_1545, %jit3A_1546, %jit3A_1543 : i32
    %rem3A_1548 = arith.remsi %reduce_min3A_1511, %select_n3A_1547 : i32
    %ne3A_1549 = arith.constant 0 : i32
    %ne3A_1550 = arith.cmpi ne, %rem3A_1548, %ne3A_1549 : i32
    %lt3A_1551 = arith.constant 0 : i32
    %lt3A_1552 = arith.cmpi slt, %rem3A_1548, %lt3A_1551 : i32
    %lt3A_1553 = arith.constant 0 : i32
    %lt3A_1554 = arith.cmpi slt, %select_n3A_1547, %lt3A_1553 : i32
    %ne3A_1555 = arith.xori %lt3A_1552, %lt3A_1554 : i1
    %and3A_1556 = arith.andi %ne3A_1555, %ne3A_1550 : i1
    %add3A_1557 = arith.addi %rem3A_1548, %select_n3A_1547 : i32
    %select_n3A_1558 = arith.select %and3A_1556, %add3A_1557, %rem3A_1548 : i32
    %broadcast_in_dim3A_1559 = vector.broadcast %select_n3A_1558 : i32 to vector<1x32xi32>
    %select_n3A_1560 = arith.select %eq3A_1514, %broadcast_in_dim3A_1559, %select_n3A_1491 : vector<1x32xi1>, vector<1x32xi32>
    %eq3A_1561 = vector.broadcast %reduce_min3A_1511 : i32 to vector<8x128xi32>
    %eq3A_1562 = arith.cmpi eq, %concatenate3A_45, %eq3A_1561 : vector<8x128xi32>
    %jit3A_1563 = arith.constant -3.000000e+38 : f32
    %broadcast_in_dim3A_1564 = vector.broadcast %jit3A_1563 : f32 to vector<8x128xf32>
    %select_n3A_1565 = arith.select %eq3A_1562, %broadcast_in_dim3A_1564, %select_n3A_1496 : vector<8x128xi1>, vector<8x128xf32>
    %reduce_max3A_1566 = vector.shape_cast %select_n3A_1565 : vector<8x128xf32> to vector<1x8x128xf32>
    %reduce_max3A_1567 = arith.constant dense<0xFF800000> : vector<1xf32>
    %reduce_max3A_1568 = vector.multi_reduction <maximumf>, %reduce_max3A_1566, %reduce_max3A_1567 [1, 2] : vector<1x8x128xf32> to vector<1xf32>
    %reduce_max3A_1569 = vector.shape_cast %reduce_max3A_1568 : vector<1xf32> to vector<1x1x1xf32>
    %reduce_max3A_1570 = vector.extract %reduce_max3A_1569[0, 0, 0] : f32 from vector<1x1x1xf32>
    %eq3A_1571 = vector.broadcast %reduce_max3A_1570 : f32 to vector<8x128xf32>
    %eq3A_1572 = arith.cmpf oeq, %select_n3A_1565, %eq3A_1571 : vector<8x128xf32>
    %jit3A_1573 = arith.constant 2147483647 : i32
    %broadcast_in_dim3A_1574 = vector.broadcast %jit3A_1573 : i32 to vector<8x128xi32>
    %select_n3A_1575 = arith.select %eq3A_1572, %concatenate3A_45, %broadcast_in_dim3A_1574 : vector<8x128xi1>, vector<8x128xi32>
    %reduce_min3A_1576 = vector.shape_cast %select_n3A_1575 : vector<8x128xi32> to vector<1x8x128xi32>
    %reduce_min3A_1577 = arith.constant dense<2147483647> : vector<1xi32>
    %reduce_min3A_1578 = vector.multi_reduction <minsi>, %reduce_min3A_1576, %reduce_min3A_1577 [1, 2] : vector<1x8x128xi32> to vector<1xi32>
    %reduce_min3A_1579 = vector.shape_cast %reduce_min3A_1578 : vector<1xi32> to vector<1x1x1xi32>
    %reduce_min3A_1580 = vector.extract %reduce_min3A_1579[0, 0, 0] : i32 from vector<1x1x1xi32>
    %eq3A_1581 = arith.constant 22 : i32
    %eq3A_1582 = vector.broadcast %eq3A_1581 : i32 to vector<1x32xi32>
    %eq3A_1583 = arith.cmpi eq, %iota3A_46, %eq3A_1582 : vector<1x32xi32>
    %broadcast_in_dim3A_1584 = vector.broadcast %reduce_max3A_1570 : f32 to vector<1x32xf32>
    %select_n3A_1585 = arith.select %eq3A_1583, %broadcast_in_dim3A_1584, %select_n3A_1516 : vector<1x32xi1>, vector<1x32xf32>
    %jit3A_1586 = arith.constant 100000 : i32
    %div3A_1587 = arith.divsi %reduce_min3A_1580, %jit3A_1586 : i32
    %sign3A_1588 = arith.constant 0 : i32
    %sign3A_1589 = arith.cmpi sgt, %reduce_min3A_1580, %sign3A_1588 : i32
    %sign3A_1590 = arith.extui %sign3A_1589 : i1 to i32
    %sign3A_1591 = arith.constant 0 : i32
    %sign3A_1592 = arith.cmpi slt, %reduce_min3A_1580, %sign3A_1591 : i32
    %sign3A_1593 = arith.extui %sign3A_1592 : i1 to i32
    %sign3A_1594 = arith.subi %sign3A_1590, %sign3A_1593 : i32
    %sign3A_1595 = arith.constant 0 : i32
    %sign3A_1596 = arith.cmpi sgt, %jit3A_1586, %sign3A_1595 : i32
    %sign3A_1597 = arith.extui %sign3A_1596 : i1 to i32
    %sign3A_1598 = arith.constant 0 : i32
    %sign3A_1599 = arith.cmpi slt, %jit3A_1586, %sign3A_1598 : i32
    %sign3A_1600 = arith.extui %sign3A_1599 : i1 to i32
    %sign3A_1601 = arith.subi %sign3A_1597, %sign3A_1600 : i32
    %ne3A_1602 = arith.cmpi ne, %sign3A_1594, %sign3A_1601 : i32
    %rem3A_1603 = arith.remsi %reduce_min3A_1580, %jit3A_1586 : i32
    %ne3A_1604 = arith.constant 0 : i32
    %ne3A_1605 = arith.cmpi ne, %rem3A_1603, %ne3A_1604 : i32
    %and3A_1606 = arith.andi %ne3A_1602, %ne3A_1605 : i1
    %sub3A_1607 = arith.constant 1 : i32
    %sub3A_1608 = arith.subi %div3A_1587, %sub3A_1607 : i32
    %select_n3A_1609 = arith.select %and3A_1606, %sub3A_1608, %div3A_1587 : i32
    %broadcast_in_dim3A_1610 = vector.broadcast %select_n3A_1609 : i32 to vector<1x32xi32>
    %select_n3A_1611 = arith.select %eq3A_1583, %broadcast_in_dim3A_1610, %select_n3A_1542 : vector<1x32xi1>, vector<1x32xi32>
    %jit3A_1612 = arith.constant 100000 : i32
    %eq3A_1613 = arith.constant 0 : i32
    %eq3A_1614 = arith.cmpi eq, %jit3A_1612, %eq3A_1613 : i32
    %jit3A_1615 = arith.constant 1 : i32
    %select_n3A_1616 = arith.select %eq3A_1614, %jit3A_1615, %jit3A_1612 : i32
    %rem3A_1617 = arith.remsi %reduce_min3A_1580, %select_n3A_1616 : i32
    %ne3A_1618 = arith.constant 0 : i32
    %ne3A_1619 = arith.cmpi ne, %rem3A_1617, %ne3A_1618 : i32
    %lt3A_1620 = arith.constant 0 : i32
    %lt3A_1621 = arith.cmpi slt, %rem3A_1617, %lt3A_1620 : i32
    %lt3A_1622 = arith.constant 0 : i32
    %lt3A_1623 = arith.cmpi slt, %select_n3A_1616, %lt3A_1622 : i32
    %ne3A_1624 = arith.xori %lt3A_1621, %lt3A_1623 : i1
    %and3A_1625 = arith.andi %ne3A_1624, %ne3A_1619 : i1
    %add3A_1626 = arith.addi %rem3A_1617, %select_n3A_1616 : i32
    %select_n3A_1627 = arith.select %and3A_1625, %add3A_1626, %rem3A_1617 : i32
    %broadcast_in_dim3A_1628 = vector.broadcast %select_n3A_1627 : i32 to vector<1x32xi32>
    %select_n3A_1629 = arith.select %eq3A_1583, %broadcast_in_dim3A_1628, %select_n3A_1560 : vector<1x32xi1>, vector<1x32xi32>
    %eq3A_1630 = vector.broadcast %reduce_min3A_1580 : i32 to vector<8x128xi32>
    %eq3A_1631 = arith.cmpi eq, %concatenate3A_45, %eq3A_1630 : vector<8x128xi32>
    %jit3A_1632 = arith.constant -3.000000e+38 : f32
    %broadcast_in_dim3A_1633 = vector.broadcast %jit3A_1632 : f32 to vector<8x128xf32>
    %select_n3A_1634 = arith.select %eq3A_1631, %broadcast_in_dim3A_1633, %select_n3A_1565 : vector<8x128xi1>, vector<8x128xf32>
    %reduce_max3A_1635 = vector.shape_cast %select_n3A_1634 : vector<8x128xf32> to vector<1x8x128xf32>
    %reduce_max3A_1636 = arith.constant dense<0xFF800000> : vector<1xf32>
    %reduce_max3A_1637 = vector.multi_reduction <maximumf>, %reduce_max3A_1635, %reduce_max3A_1636 [1, 2] : vector<1x8x128xf32> to vector<1xf32>
    %reduce_max3A_1638 = vector.shape_cast %reduce_max3A_1637 : vector<1xf32> to vector<1x1x1xf32>
    %reduce_max3A_1639 = vector.extract %reduce_max3A_1638[0, 0, 0] : f32 from vector<1x1x1xf32>
    %eq3A_1640 = vector.broadcast %reduce_max3A_1639 : f32 to vector<8x128xf32>
    %eq3A_1641 = arith.cmpf oeq, %select_n3A_1634, %eq3A_1640 : vector<8x128xf32>
    %jit3A_1642 = arith.constant 2147483647 : i32
    %broadcast_in_dim3A_1643 = vector.broadcast %jit3A_1642 : i32 to vector<8x128xi32>
    %select_n3A_1644 = arith.select %eq3A_1641, %concatenate3A_45, %broadcast_in_dim3A_1643 : vector<8x128xi1>, vector<8x128xi32>
    %reduce_min3A_1645 = vector.shape_cast %select_n3A_1644 : vector<8x128xi32> to vector<1x8x128xi32>
    %reduce_min3A_1646 = arith.constant dense<2147483647> : vector<1xi32>
    %reduce_min3A_1647 = vector.multi_reduction <minsi>, %reduce_min3A_1645, %reduce_min3A_1646 [1, 2] : vector<1x8x128xi32> to vector<1xi32>
    %reduce_min3A_1648 = vector.shape_cast %reduce_min3A_1647 : vector<1xi32> to vector<1x1x1xi32>
    %reduce_min3A_1649 = vector.extract %reduce_min3A_1648[0, 0, 0] : i32 from vector<1x1x1xi32>
    %eq3A_1650 = arith.constant 23 : i32
    %eq3A_1651 = vector.broadcast %eq3A_1650 : i32 to vector<1x32xi32>
    %eq3A_1652 = arith.cmpi eq, %iota3A_46, %eq3A_1651 : vector<1x32xi32>
    %broadcast_in_dim3A_1653 = vector.broadcast %reduce_max3A_1639 : f32 to vector<1x32xf32>
    %select_n3A_1654 = arith.select %eq3A_1652, %broadcast_in_dim3A_1653, %select_n3A_1585 : vector<1x32xi1>, vector<1x32xf32>
    %jit3A_1655 = arith.constant 100000 : i32
    %div3A_1656 = arith.divsi %reduce_min3A_1649, %jit3A_1655 : i32
    %sign3A_1657 = arith.constant 0 : i32
    %sign3A_1658 = arith.cmpi sgt, %reduce_min3A_1649, %sign3A_1657 : i32
    %sign3A_1659 = arith.extui %sign3A_1658 : i1 to i32
    %sign3A_1660 = arith.constant 0 : i32
    %sign3A_1661 = arith.cmpi slt, %reduce_min3A_1649, %sign3A_1660 : i32
    %sign3A_1662 = arith.extui %sign3A_1661 : i1 to i32
    %sign3A_1663 = arith.subi %sign3A_1659, %sign3A_1662 : i32
    %sign3A_1664 = arith.constant 0 : i32
    %sign3A_1665 = arith.cmpi sgt, %jit3A_1655, %sign3A_1664 : i32
    %sign3A_1666 = arith.extui %sign3A_1665 : i1 to i32
    %sign3A_1667 = arith.constant 0 : i32
    %sign3A_1668 = arith.cmpi slt, %jit3A_1655, %sign3A_1667 : i32
    %sign3A_1669 = arith.extui %sign3A_1668 : i1 to i32
    %sign3A_1670 = arith.subi %sign3A_1666, %sign3A_1669 : i32
    %ne3A_1671 = arith.cmpi ne, %sign3A_1663, %sign3A_1670 : i32
    %rem3A_1672 = arith.remsi %reduce_min3A_1649, %jit3A_1655 : i32
    %ne3A_1673 = arith.constant 0 : i32
    %ne3A_1674 = arith.cmpi ne, %rem3A_1672, %ne3A_1673 : i32
    %and3A_1675 = arith.andi %ne3A_1671, %ne3A_1674 : i1
    %sub3A_1676 = arith.constant 1 : i32
    %sub3A_1677 = arith.subi %div3A_1656, %sub3A_1676 : i32
    %select_n3A_1678 = arith.select %and3A_1675, %sub3A_1677, %div3A_1656 : i32
    %broadcast_in_dim3A_1679 = vector.broadcast %select_n3A_1678 : i32 to vector<1x32xi32>
    %select_n3A_1680 = arith.select %eq3A_1652, %broadcast_in_dim3A_1679, %select_n3A_1611 : vector<1x32xi1>, vector<1x32xi32>
    %jit3A_1681 = arith.constant 100000 : i32
    %eq3A_1682 = arith.constant 0 : i32
    %eq3A_1683 = arith.cmpi eq, %jit3A_1681, %eq3A_1682 : i32
    %jit3A_1684 = arith.constant 1 : i32
    %select_n3A_1685 = arith.select %eq3A_1683, %jit3A_1684, %jit3A_1681 : i32
    %rem3A_1686 = arith.remsi %reduce_min3A_1649, %select_n3A_1685 : i32
    %ne3A_1687 = arith.constant 0 : i32
    %ne3A_1688 = arith.cmpi ne, %rem3A_1686, %ne3A_1687 : i32
    %lt3A_1689 = arith.constant 0 : i32
    %lt3A_1690 = arith.cmpi slt, %rem3A_1686, %lt3A_1689 : i32
    %lt3A_1691 = arith.constant 0 : i32
    %lt3A_1692 = arith.cmpi slt, %select_n3A_1685, %lt3A_1691 : i32
    %ne3A_1693 = arith.xori %lt3A_1690, %lt3A_1692 : i1
    %and3A_1694 = arith.andi %ne3A_1693, %ne3A_1688 : i1
    %add3A_1695 = arith.addi %rem3A_1686, %select_n3A_1685 : i32
    %select_n3A_1696 = arith.select %and3A_1694, %add3A_1695, %rem3A_1686 : i32
    %broadcast_in_dim3A_1697 = vector.broadcast %select_n3A_1696 : i32 to vector<1x32xi32>
    %select_n3A_1698 = arith.select %eq3A_1652, %broadcast_in_dim3A_1697, %select_n3A_1629 : vector<1x32xi1>, vector<1x32xi32>
    %eq3A_1699 = vector.broadcast %reduce_min3A_1649 : i32 to vector<8x128xi32>
    %eq3A_1700 = arith.cmpi eq, %concatenate3A_45, %eq3A_1699 : vector<8x128xi32>
    %jit3A_1701 = arith.constant -3.000000e+38 : f32
    %broadcast_in_dim3A_1702 = vector.broadcast %jit3A_1701 : f32 to vector<8x128xf32>
    %select_n3A_1703 = arith.select %eq3A_1700, %broadcast_in_dim3A_1702, %select_n3A_1634 : vector<8x128xi1>, vector<8x128xf32>
    %reduce_max3A_1704 = vector.shape_cast %select_n3A_1703 : vector<8x128xf32> to vector<1x8x128xf32>
    %reduce_max3A_1705 = arith.constant dense<0xFF800000> : vector<1xf32>
    %reduce_max3A_1706 = vector.multi_reduction <maximumf>, %reduce_max3A_1704, %reduce_max3A_1705 [1, 2] : vector<1x8x128xf32> to vector<1xf32>
    %reduce_max3A_1707 = vector.shape_cast %reduce_max3A_1706 : vector<1xf32> to vector<1x1x1xf32>
    %reduce_max3A_1708 = vector.extract %reduce_max3A_1707[0, 0, 0] : f32 from vector<1x1x1xf32>
    %eq3A_1709 = vector.broadcast %reduce_max3A_1708 : f32 to vector<8x128xf32>
    %eq3A_1710 = arith.cmpf oeq, %select_n3A_1703, %eq3A_1709 : vector<8x128xf32>
    %jit3A_1711 = arith.constant 2147483647 : i32
    %broadcast_in_dim3A_1712 = vector.broadcast %jit3A_1711 : i32 to vector<8x128xi32>
    %select_n3A_1713 = arith.select %eq3A_1710, %concatenate3A_45, %broadcast_in_dim3A_1712 : vector<8x128xi1>, vector<8x128xi32>
    %reduce_min3A_1714 = vector.shape_cast %select_n3A_1713 : vector<8x128xi32> to vector<1x8x128xi32>
    %reduce_min3A_1715 = arith.constant dense<2147483647> : vector<1xi32>
    %reduce_min3A_1716 = vector.multi_reduction <minsi>, %reduce_min3A_1714, %reduce_min3A_1715 [1, 2] : vector<1x8x128xi32> to vector<1xi32>
    %reduce_min3A_1717 = vector.shape_cast %reduce_min3A_1716 : vector<1xi32> to vector<1x1x1xi32>
    %reduce_min3A_1718 = vector.extract %reduce_min3A_1717[0, 0, 0] : i32 from vector<1x1x1xi32>
    %eq3A_1719 = arith.constant 24 : i32
    %eq3A_1720 = vector.broadcast %eq3A_1719 : i32 to vector<1x32xi32>
    %eq3A_1721 = arith.cmpi eq, %iota3A_46, %eq3A_1720 : vector<1x32xi32>
    %broadcast_in_dim3A_1722 = vector.broadcast %reduce_max3A_1708 : f32 to vector<1x32xf32>
    %select_n3A_1723 = arith.select %eq3A_1721, %broadcast_in_dim3A_1722, %select_n3A_1654 : vector<1x32xi1>, vector<1x32xf32>
    %jit3A_1724 = arith.constant 100000 : i32
    %div3A_1725 = arith.divsi %reduce_min3A_1718, %jit3A_1724 : i32
    %sign3A_1726 = arith.constant 0 : i32
    %sign3A_1727 = arith.cmpi sgt, %reduce_min3A_1718, %sign3A_1726 : i32
    %sign3A_1728 = arith.extui %sign3A_1727 : i1 to i32
    %sign3A_1729 = arith.constant 0 : i32
    %sign3A_1730 = arith.cmpi slt, %reduce_min3A_1718, %sign3A_1729 : i32
    %sign3A_1731 = arith.extui %sign3A_1730 : i1 to i32
    %sign3A_1732 = arith.subi %sign3A_1728, %sign3A_1731 : i32
    %sign3A_1733 = arith.constant 0 : i32
    %sign3A_1734 = arith.cmpi sgt, %jit3A_1724, %sign3A_1733 : i32
    %sign3A_1735 = arith.extui %sign3A_1734 : i1 to i32
    %sign3A_1736 = arith.constant 0 : i32
    %sign3A_1737 = arith.cmpi slt, %jit3A_1724, %sign3A_1736 : i32
    %sign3A_1738 = arith.extui %sign3A_1737 : i1 to i32
    %sign3A_1739 = arith.subi %sign3A_1735, %sign3A_1738 : i32
    %ne3A_1740 = arith.cmpi ne, %sign3A_1732, %sign3A_1739 : i32
    %rem3A_1741 = arith.remsi %reduce_min3A_1718, %jit3A_1724 : i32
    %ne3A_1742 = arith.constant 0 : i32
    %ne3A_1743 = arith.cmpi ne, %rem3A_1741, %ne3A_1742 : i32
    %and3A_1744 = arith.andi %ne3A_1740, %ne3A_1743 : i1
    %sub3A_1745 = arith.constant 1 : i32
    %sub3A_1746 = arith.subi %div3A_1725, %sub3A_1745 : i32
    %select_n3A_1747 = arith.select %and3A_1744, %sub3A_1746, %div3A_1725 : i32
    %broadcast_in_dim3A_1748 = vector.broadcast %select_n3A_1747 : i32 to vector<1x32xi32>
    %select_n3A_1749 = arith.select %eq3A_1721, %broadcast_in_dim3A_1748, %select_n3A_1680 : vector<1x32xi1>, vector<1x32xi32>
    %jit3A_1750 = arith.constant 100000 : i32
    %eq3A_1751 = arith.constant 0 : i32
    %eq3A_1752 = arith.cmpi eq, %jit3A_1750, %eq3A_1751 : i32
    %jit3A_1753 = arith.constant 1 : i32
    %select_n3A_1754 = arith.select %eq3A_1752, %jit3A_1753, %jit3A_1750 : i32
    %rem3A_1755 = arith.remsi %reduce_min3A_1718, %select_n3A_1754 : i32
    %ne3A_1756 = arith.constant 0 : i32
    %ne3A_1757 = arith.cmpi ne, %rem3A_1755, %ne3A_1756 : i32
    %lt3A_1758 = arith.constant 0 : i32
    %lt3A_1759 = arith.cmpi slt, %rem3A_1755, %lt3A_1758 : i32
    %lt3A_1760 = arith.constant 0 : i32
    %lt3A_1761 = arith.cmpi slt, %select_n3A_1754, %lt3A_1760 : i32
    %ne3A_1762 = arith.xori %lt3A_1759, %lt3A_1761 : i1
    %and3A_1763 = arith.andi %ne3A_1762, %ne3A_1757 : i1
    %add3A_1764 = arith.addi %rem3A_1755, %select_n3A_1754 : i32
    %select_n3A_1765 = arith.select %and3A_1763, %add3A_1764, %rem3A_1755 : i32
    %broadcast_in_dim3A_1766 = vector.broadcast %select_n3A_1765 : i32 to vector<1x32xi32>
    %select_n3A_1767 = arith.select %eq3A_1721, %broadcast_in_dim3A_1766, %select_n3A_1698 : vector<1x32xi1>, vector<1x32xi32>
    %eq3A_1768 = vector.broadcast %reduce_min3A_1718 : i32 to vector<8x128xi32>
    %eq3A_1769 = arith.cmpi eq, %concatenate3A_45, %eq3A_1768 : vector<8x128xi32>
    %jit3A_1770 = arith.constant -3.000000e+38 : f32
    %broadcast_in_dim3A_1771 = vector.broadcast %jit3A_1770 : f32 to vector<8x128xf32>
    %select_n3A_1772 = arith.select %eq3A_1769, %broadcast_in_dim3A_1771, %select_n3A_1703 : vector<8x128xi1>, vector<8x128xf32>
    %reduce_max3A_1773 = vector.shape_cast %select_n3A_1772 : vector<8x128xf32> to vector<1x8x128xf32>
    %reduce_max3A_1774 = arith.constant dense<0xFF800000> : vector<1xf32>
    %reduce_max3A_1775 = vector.multi_reduction <maximumf>, %reduce_max3A_1773, %reduce_max3A_1774 [1, 2] : vector<1x8x128xf32> to vector<1xf32>
    %reduce_max3A_1776 = vector.shape_cast %reduce_max3A_1775 : vector<1xf32> to vector<1x1x1xf32>
    %reduce_max3A_1777 = vector.extract %reduce_max3A_1776[0, 0, 0] : f32 from vector<1x1x1xf32>
    %eq3A_1778 = vector.broadcast %reduce_max3A_1777 : f32 to vector<8x128xf32>
    %eq3A_1779 = arith.cmpf oeq, %select_n3A_1772, %eq3A_1778 : vector<8x128xf32>
    %jit3A_1780 = arith.constant 2147483647 : i32
    %broadcast_in_dim3A_1781 = vector.broadcast %jit3A_1780 : i32 to vector<8x128xi32>
    %select_n3A_1782 = arith.select %eq3A_1779, %concatenate3A_45, %broadcast_in_dim3A_1781 : vector<8x128xi1>, vector<8x128xi32>
    %reduce_min3A_1783 = vector.shape_cast %select_n3A_1782 : vector<8x128xi32> to vector<1x8x128xi32>
    %reduce_min3A_1784 = arith.constant dense<2147483647> : vector<1xi32>
    %reduce_min3A_1785 = vector.multi_reduction <minsi>, %reduce_min3A_1783, %reduce_min3A_1784 [1, 2] : vector<1x8x128xi32> to vector<1xi32>
    %reduce_min3A_1786 = vector.shape_cast %reduce_min3A_1785 : vector<1xi32> to vector<1x1x1xi32>
    %reduce_min3A_1787 = vector.extract %reduce_min3A_1786[0, 0, 0] : i32 from vector<1x1x1xi32>
    %eq3A_1788 = arith.constant 25 : i32
    %eq3A_1789 = vector.broadcast %eq3A_1788 : i32 to vector<1x32xi32>
    %eq3A_1790 = arith.cmpi eq, %iota3A_46, %eq3A_1789 : vector<1x32xi32>
    %broadcast_in_dim3A_1791 = vector.broadcast %reduce_max3A_1777 : f32 to vector<1x32xf32>
    %select_n3A_1792 = arith.select %eq3A_1790, %broadcast_in_dim3A_1791, %select_n3A_1723 : vector<1x32xi1>, vector<1x32xf32>
    %jit3A_1793 = arith.constant 100000 : i32
    %div3A_1794 = arith.divsi %reduce_min3A_1787, %jit3A_1793 : i32
    %sign3A_1795 = arith.constant 0 : i32
    %sign3A_1796 = arith.cmpi sgt, %reduce_min3A_1787, %sign3A_1795 : i32
    %sign3A_1797 = arith.extui %sign3A_1796 : i1 to i32
    %sign3A_1798 = arith.constant 0 : i32
    %sign3A_1799 = arith.cmpi slt, %reduce_min3A_1787, %sign3A_1798 : i32
    %sign3A_1800 = arith.extui %sign3A_1799 : i1 to i32
    %sign3A_1801 = arith.subi %sign3A_1797, %sign3A_1800 : i32
    %sign3A_1802 = arith.constant 0 : i32
    %sign3A_1803 = arith.cmpi sgt, %jit3A_1793, %sign3A_1802 : i32
    %sign3A_1804 = arith.extui %sign3A_1803 : i1 to i32
    %sign3A_1805 = arith.constant 0 : i32
    %sign3A_1806 = arith.cmpi slt, %jit3A_1793, %sign3A_1805 : i32
    %sign3A_1807 = arith.extui %sign3A_1806 : i1 to i32
    %sign3A_1808 = arith.subi %sign3A_1804, %sign3A_1807 : i32
    %ne3A_1809 = arith.cmpi ne, %sign3A_1801, %sign3A_1808 : i32
    %rem3A_1810 = arith.remsi %reduce_min3A_1787, %jit3A_1793 : i32
    %ne3A_1811 = arith.constant 0 : i32
    %ne3A_1812 = arith.cmpi ne, %rem3A_1810, %ne3A_1811 : i32
    %and3A_1813 = arith.andi %ne3A_1809, %ne3A_1812 : i1
    %sub3A_1814 = arith.constant 1 : i32
    %sub3A_1815 = arith.subi %div3A_1794, %sub3A_1814 : i32
    %select_n3A_1816 = arith.select %and3A_1813, %sub3A_1815, %div3A_1794 : i32
    %broadcast_in_dim3A_1817 = vector.broadcast %select_n3A_1816 : i32 to vector<1x32xi32>
    %select_n3A_1818 = arith.select %eq3A_1790, %broadcast_in_dim3A_1817, %select_n3A_1749 : vector<1x32xi1>, vector<1x32xi32>
    %jit3A_1819 = arith.constant 100000 : i32
    %eq3A_1820 = arith.constant 0 : i32
    %eq3A_1821 = arith.cmpi eq, %jit3A_1819, %eq3A_1820 : i32
    %jit3A_1822 = arith.constant 1 : i32
    %select_n3A_1823 = arith.select %eq3A_1821, %jit3A_1822, %jit3A_1819 : i32
    %rem3A_1824 = arith.remsi %reduce_min3A_1787, %select_n3A_1823 : i32
    %ne3A_1825 = arith.constant 0 : i32
    %ne3A_1826 = arith.cmpi ne, %rem3A_1824, %ne3A_1825 : i32
    %lt3A_1827 = arith.constant 0 : i32
    %lt3A_1828 = arith.cmpi slt, %rem3A_1824, %lt3A_1827 : i32
    %lt3A_1829 = arith.constant 0 : i32
    %lt3A_1830 = arith.cmpi slt, %select_n3A_1823, %lt3A_1829 : i32
    %ne3A_1831 = arith.xori %lt3A_1828, %lt3A_1830 : i1
    %and3A_1832 = arith.andi %ne3A_1831, %ne3A_1826 : i1
    %add3A_1833 = arith.addi %rem3A_1824, %select_n3A_1823 : i32
    %select_n3A_1834 = arith.select %and3A_1832, %add3A_1833, %rem3A_1824 : i32
    %broadcast_in_dim3A_1835 = vector.broadcast %select_n3A_1834 : i32 to vector<1x32xi32>
    %select_n3A_1836 = arith.select %eq3A_1790, %broadcast_in_dim3A_1835, %select_n3A_1767 : vector<1x32xi1>, vector<1x32xi32>
    %eq3A_1837 = vector.broadcast %reduce_min3A_1787 : i32 to vector<8x128xi32>
    %eq3A_1838 = arith.cmpi eq, %concatenate3A_45, %eq3A_1837 : vector<8x128xi32>
    %jit3A_1839 = arith.constant -3.000000e+38 : f32
    %broadcast_in_dim3A_1840 = vector.broadcast %jit3A_1839 : f32 to vector<8x128xf32>
    %select_n3A_1841 = arith.select %eq3A_1838, %broadcast_in_dim3A_1840, %select_n3A_1772 : vector<8x128xi1>, vector<8x128xf32>
    %reduce_max3A_1842 = vector.shape_cast %select_n3A_1841 : vector<8x128xf32> to vector<1x8x128xf32>
    %reduce_max3A_1843 = arith.constant dense<0xFF800000> : vector<1xf32>
    %reduce_max3A_1844 = vector.multi_reduction <maximumf>, %reduce_max3A_1842, %reduce_max3A_1843 [1, 2] : vector<1x8x128xf32> to vector<1xf32>
    %reduce_max3A_1845 = vector.shape_cast %reduce_max3A_1844 : vector<1xf32> to vector<1x1x1xf32>
    %reduce_max3A_1846 = vector.extract %reduce_max3A_1845[0, 0, 0] : f32 from vector<1x1x1xf32>
    %eq3A_1847 = vector.broadcast %reduce_max3A_1846 : f32 to vector<8x128xf32>
    %eq3A_1848 = arith.cmpf oeq, %select_n3A_1841, %eq3A_1847 : vector<8x128xf32>
    %jit3A_1849 = arith.constant 2147483647 : i32
    %broadcast_in_dim3A_1850 = vector.broadcast %jit3A_1849 : i32 to vector<8x128xi32>
    %select_n3A_1851 = arith.select %eq3A_1848, %concatenate3A_45, %broadcast_in_dim3A_1850 : vector<8x128xi1>, vector<8x128xi32>
    %reduce_min3A_1852 = vector.shape_cast %select_n3A_1851 : vector<8x128xi32> to vector<1x8x128xi32>
    %reduce_min3A_1853 = arith.constant dense<2147483647> : vector<1xi32>
    %reduce_min3A_1854 = vector.multi_reduction <minsi>, %reduce_min3A_1852, %reduce_min3A_1853 [1, 2] : vector<1x8x128xi32> to vector<1xi32>
    %reduce_min3A_1855 = vector.shape_cast %reduce_min3A_1854 : vector<1xi32> to vector<1x1x1xi32>
    %reduce_min3A_1856 = vector.extract %reduce_min3A_1855[0, 0, 0] : i32 from vector<1x1x1xi32>
    %eq3A_1857 = arith.constant 26 : i32
    %eq3A_1858 = vector.broadcast %eq3A_1857 : i32 to vector<1x32xi32>
    %eq3A_1859 = arith.cmpi eq, %iota3A_46, %eq3A_1858 : vector<1x32xi32>
    %broadcast_in_dim3A_1860 = vector.broadcast %reduce_max3A_1846 : f32 to vector<1x32xf32>
    %select_n3A_1861 = arith.select %eq3A_1859, %broadcast_in_dim3A_1860, %select_n3A_1792 : vector<1x32xi1>, vector<1x32xf32>
    %jit3A_1862 = arith.constant 100000 : i32
    %div3A_1863 = arith.divsi %reduce_min3A_1856, %jit3A_1862 : i32
    %sign3A_1864 = arith.constant 0 : i32
    %sign3A_1865 = arith.cmpi sgt, %reduce_min3A_1856, %sign3A_1864 : i32
    %sign3A_1866 = arith.extui %sign3A_1865 : i1 to i32
    %sign3A_1867 = arith.constant 0 : i32
    %sign3A_1868 = arith.cmpi slt, %reduce_min3A_1856, %sign3A_1867 : i32
    %sign3A_1869 = arith.extui %sign3A_1868 : i1 to i32
    %sign3A_1870 = arith.subi %sign3A_1866, %sign3A_1869 : i32
    %sign3A_1871 = arith.constant 0 : i32
    %sign3A_1872 = arith.cmpi sgt, %jit3A_1862, %sign3A_1871 : i32
    %sign3A_1873 = arith.extui %sign3A_1872 : i1 to i32
    %sign3A_1874 = arith.constant 0 : i32
    %sign3A_1875 = arith.cmpi slt, %jit3A_1862, %sign3A_1874 : i32
    %sign3A_1876 = arith.extui %sign3A_1875 : i1 to i32
    %sign3A_1877 = arith.subi %sign3A_1873, %sign3A_1876 : i32
    %ne3A_1878 = arith.cmpi ne, %sign3A_1870, %sign3A_1877 : i32
    %rem3A_1879 = arith.remsi %reduce_min3A_1856, %jit3A_1862 : i32
    %ne3A_1880 = arith.constant 0 : i32
    %ne3A_1881 = arith.cmpi ne, %rem3A_1879, %ne3A_1880 : i32
    %and3A_1882 = arith.andi %ne3A_1878, %ne3A_1881 : i1
    %sub3A_1883 = arith.constant 1 : i32
    %sub3A_1884 = arith.subi %div3A_1863, %sub3A_1883 : i32
    %select_n3A_1885 = arith.select %and3A_1882, %sub3A_1884, %div3A_1863 : i32
    %broadcast_in_dim3A_1886 = vector.broadcast %select_n3A_1885 : i32 to vector<1x32xi32>
    %select_n3A_1887 = arith.select %eq3A_1859, %broadcast_in_dim3A_1886, %select_n3A_1818 : vector<1x32xi1>, vector<1x32xi32>
    %jit3A_1888 = arith.constant 100000 : i32
    %eq3A_1889 = arith.constant 0 : i32
    %eq3A_1890 = arith.cmpi eq, %jit3A_1888, %eq3A_1889 : i32
    %jit3A_1891 = arith.constant 1 : i32
    %select_n3A_1892 = arith.select %eq3A_1890, %jit3A_1891, %jit3A_1888 : i32
    %rem3A_1893 = arith.remsi %reduce_min3A_1856, %select_n3A_1892 : i32
    %ne3A_1894 = arith.constant 0 : i32
    %ne3A_1895 = arith.cmpi ne, %rem3A_1893, %ne3A_1894 : i32
    %lt3A_1896 = arith.constant 0 : i32
    %lt3A_1897 = arith.cmpi slt, %rem3A_1893, %lt3A_1896 : i32
    %lt3A_1898 = arith.constant 0 : i32
    %lt3A_1899 = arith.cmpi slt, %select_n3A_1892, %lt3A_1898 : i32
    %ne3A_1900 = arith.xori %lt3A_1897, %lt3A_1899 : i1
    %and3A_1901 = arith.andi %ne3A_1900, %ne3A_1895 : i1
    %add3A_1902 = arith.addi %rem3A_1893, %select_n3A_1892 : i32
    %select_n3A_1903 = arith.select %and3A_1901, %add3A_1902, %rem3A_1893 : i32
    %broadcast_in_dim3A_1904 = vector.broadcast %select_n3A_1903 : i32 to vector<1x32xi32>
    %select_n3A_1905 = arith.select %eq3A_1859, %broadcast_in_dim3A_1904, %select_n3A_1836 : vector<1x32xi1>, vector<1x32xi32>
    %eq3A_1906 = vector.broadcast %reduce_min3A_1856 : i32 to vector<8x128xi32>
    %eq3A_1907 = arith.cmpi eq, %concatenate3A_45, %eq3A_1906 : vector<8x128xi32>
    %jit3A_1908 = arith.constant -3.000000e+38 : f32
    %broadcast_in_dim3A_1909 = vector.broadcast %jit3A_1908 : f32 to vector<8x128xf32>
    %select_n3A_1910 = arith.select %eq3A_1907, %broadcast_in_dim3A_1909, %select_n3A_1841 : vector<8x128xi1>, vector<8x128xf32>
    %reduce_max3A_1911 = vector.shape_cast %select_n3A_1910 : vector<8x128xf32> to vector<1x8x128xf32>
    %reduce_max3A_1912 = arith.constant dense<0xFF800000> : vector<1xf32>
    %reduce_max3A_1913 = vector.multi_reduction <maximumf>, %reduce_max3A_1911, %reduce_max3A_1912 [1, 2] : vector<1x8x128xf32> to vector<1xf32>
    %reduce_max3A_1914 = vector.shape_cast %reduce_max3A_1913 : vector<1xf32> to vector<1x1x1xf32>
    %reduce_max3A_1915 = vector.extract %reduce_max3A_1914[0, 0, 0] : f32 from vector<1x1x1xf32>
    %eq3A_1916 = vector.broadcast %reduce_max3A_1915 : f32 to vector<8x128xf32>
    %eq3A_1917 = arith.cmpf oeq, %select_n3A_1910, %eq3A_1916 : vector<8x128xf32>
    %jit3A_1918 = arith.constant 2147483647 : i32
    %broadcast_in_dim3A_1919 = vector.broadcast %jit3A_1918 : i32 to vector<8x128xi32>
    %select_n3A_1920 = arith.select %eq3A_1917, %concatenate3A_45, %broadcast_in_dim3A_1919 : vector<8x128xi1>, vector<8x128xi32>
    %reduce_min3A_1921 = vector.shape_cast %select_n3A_1920 : vector<8x128xi32> to vector<1x8x128xi32>
    %reduce_min3A_1922 = arith.constant dense<2147483647> : vector<1xi32>
    %reduce_min3A_1923 = vector.multi_reduction <minsi>, %reduce_min3A_1921, %reduce_min3A_1922 [1, 2] : vector<1x8x128xi32> to vector<1xi32>
    %reduce_min3A_1924 = vector.shape_cast %reduce_min3A_1923 : vector<1xi32> to vector<1x1x1xi32>
    %reduce_min3A_1925 = vector.extract %reduce_min3A_1924[0, 0, 0] : i32 from vector<1x1x1xi32>
    %eq3A_1926 = arith.constant 27 : i32
    %eq3A_1927 = vector.broadcast %eq3A_1926 : i32 to vector<1x32xi32>
    %eq3A_1928 = arith.cmpi eq, %iota3A_46, %eq3A_1927 : vector<1x32xi32>
    %broadcast_in_dim3A_1929 = vector.broadcast %reduce_max3A_1915 : f32 to vector<1x32xf32>
    %select_n3A_1930 = arith.select %eq3A_1928, %broadcast_in_dim3A_1929, %select_n3A_1861 : vector<1x32xi1>, vector<1x32xf32>
    %jit3A_1931 = arith.constant 100000 : i32
    %div3A_1932 = arith.divsi %reduce_min3A_1925, %jit3A_1931 : i32
    %sign3A_1933 = arith.constant 0 : i32
    %sign3A_1934 = arith.cmpi sgt, %reduce_min3A_1925, %sign3A_1933 : i32
    %sign3A_1935 = arith.extui %sign3A_1934 : i1 to i32
    %sign3A_1936 = arith.constant 0 : i32
    %sign3A_1937 = arith.cmpi slt, %reduce_min3A_1925, %sign3A_1936 : i32
    %sign3A_1938 = arith.extui %sign3A_1937 : i1 to i32
    %sign3A_1939 = arith.subi %sign3A_1935, %sign3A_1938 : i32
    %sign3A_1940 = arith.constant 0 : i32
    %sign3A_1941 = arith.cmpi sgt, %jit3A_1931, %sign3A_1940 : i32
    %sign3A_1942 = arith.extui %sign3A_1941 : i1 to i32
    %sign3A_1943 = arith.constant 0 : i32
    %sign3A_1944 = arith.cmpi slt, %jit3A_1931, %sign3A_1943 : i32
    %sign3A_1945 = arith.extui %sign3A_1944 : i1 to i32
    %sign3A_1946 = arith.subi %sign3A_1942, %sign3A_1945 : i32
    %ne3A_1947 = arith.cmpi ne, %sign3A_1939, %sign3A_1946 : i32
    %rem3A_1948 = arith.remsi %reduce_min3A_1925, %jit3A_1931 : i32
    %ne3A_1949 = arith.constant 0 : i32
    %ne3A_1950 = arith.cmpi ne, %rem3A_1948, %ne3A_1949 : i32
    %and3A_1951 = arith.andi %ne3A_1947, %ne3A_1950 : i1
    %sub3A_1952 = arith.constant 1 : i32
    %sub3A_1953 = arith.subi %div3A_1932, %sub3A_1952 : i32
    %select_n3A_1954 = arith.select %and3A_1951, %sub3A_1953, %div3A_1932 : i32
    %broadcast_in_dim3A_1955 = vector.broadcast %select_n3A_1954 : i32 to vector<1x32xi32>
    %select_n3A_1956 = arith.select %eq3A_1928, %broadcast_in_dim3A_1955, %select_n3A_1887 : vector<1x32xi1>, vector<1x32xi32>
    %jit3A_1957 = arith.constant 100000 : i32
    %eq3A_1958 = arith.constant 0 : i32
    %eq3A_1959 = arith.cmpi eq, %jit3A_1957, %eq3A_1958 : i32
    %jit3A_1960 = arith.constant 1 : i32
    %select_n3A_1961 = arith.select %eq3A_1959, %jit3A_1960, %jit3A_1957 : i32
    %rem3A_1962 = arith.remsi %reduce_min3A_1925, %select_n3A_1961 : i32
    %ne3A_1963 = arith.constant 0 : i32
    %ne3A_1964 = arith.cmpi ne, %rem3A_1962, %ne3A_1963 : i32
    %lt3A_1965 = arith.constant 0 : i32
    %lt3A_1966 = arith.cmpi slt, %rem3A_1962, %lt3A_1965 : i32
    %lt3A_1967 = arith.constant 0 : i32
    %lt3A_1968 = arith.cmpi slt, %select_n3A_1961, %lt3A_1967 : i32
    %ne3A_1969 = arith.xori %lt3A_1966, %lt3A_1968 : i1
    %and3A_1970 = arith.andi %ne3A_1969, %ne3A_1964 : i1
    %add3A_1971 = arith.addi %rem3A_1962, %select_n3A_1961 : i32
    %select_n3A_1972 = arith.select %and3A_1970, %add3A_1971, %rem3A_1962 : i32
    %broadcast_in_dim3A_1973 = vector.broadcast %select_n3A_1972 : i32 to vector<1x32xi32>
    %select_n3A_1974 = arith.select %eq3A_1928, %broadcast_in_dim3A_1973, %select_n3A_1905 : vector<1x32xi1>, vector<1x32xi32>
    %eq3A_1975 = vector.broadcast %reduce_min3A_1925 : i32 to vector<8x128xi32>
    %eq3A_1976 = arith.cmpi eq, %concatenate3A_45, %eq3A_1975 : vector<8x128xi32>
    %jit3A_1977 = arith.constant -3.000000e+38 : f32
    %broadcast_in_dim3A_1978 = vector.broadcast %jit3A_1977 : f32 to vector<8x128xf32>
    %select_n3A_1979 = arith.select %eq3A_1976, %broadcast_in_dim3A_1978, %select_n3A_1910 : vector<8x128xi1>, vector<8x128xf32>
    %reduce_max3A_1980 = vector.shape_cast %select_n3A_1979 : vector<8x128xf32> to vector<1x8x128xf32>
    %reduce_max3A_1981 = arith.constant dense<0xFF800000> : vector<1xf32>
    %reduce_max3A_1982 = vector.multi_reduction <maximumf>, %reduce_max3A_1980, %reduce_max3A_1981 [1, 2] : vector<1x8x128xf32> to vector<1xf32>
    %reduce_max3A_1983 = vector.shape_cast %reduce_max3A_1982 : vector<1xf32> to vector<1x1x1xf32>
    %reduce_max3A_1984 = vector.extract %reduce_max3A_1983[0, 0, 0] : f32 from vector<1x1x1xf32>
    %eq3A_1985 = vector.broadcast %reduce_max3A_1984 : f32 to vector<8x128xf32>
    %eq3A_1986 = arith.cmpf oeq, %select_n3A_1979, %eq3A_1985 : vector<8x128xf32>
    %jit3A_1987 = arith.constant 2147483647 : i32
    %broadcast_in_dim3A_1988 = vector.broadcast %jit3A_1987 : i32 to vector<8x128xi32>
    %select_n3A_1989 = arith.select %eq3A_1986, %concatenate3A_45, %broadcast_in_dim3A_1988 : vector<8x128xi1>, vector<8x128xi32>
    %reduce_min3A_1990 = vector.shape_cast %select_n3A_1989 : vector<8x128xi32> to vector<1x8x128xi32>
    %reduce_min3A_1991 = arith.constant dense<2147483647> : vector<1xi32>
    %reduce_min3A_1992 = vector.multi_reduction <minsi>, %reduce_min3A_1990, %reduce_min3A_1991 [1, 2] : vector<1x8x128xi32> to vector<1xi32>
    %reduce_min3A_1993 = vector.shape_cast %reduce_min3A_1992 : vector<1xi32> to vector<1x1x1xi32>
    %reduce_min3A_1994 = vector.extract %reduce_min3A_1993[0, 0, 0] : i32 from vector<1x1x1xi32>
    %eq3A_1995 = arith.constant 28 : i32
    %eq3A_1996 = vector.broadcast %eq3A_1995 : i32 to vector<1x32xi32>
    %eq3A_1997 = arith.cmpi eq, %iota3A_46, %eq3A_1996 : vector<1x32xi32>
    %broadcast_in_dim3A_1998 = vector.broadcast %reduce_max3A_1984 : f32 to vector<1x32xf32>
    %select_n3A_1999 = arith.select %eq3A_1997, %broadcast_in_dim3A_1998, %select_n3A_1930 : vector<1x32xi1>, vector<1x32xf32>
    %jit3A_2000 = arith.constant 100000 : i32
    %div3A_2001 = arith.divsi %reduce_min3A_1994, %jit3A_2000 : i32
    %sign3A_2002 = arith.constant 0 : i32
    %sign3A_2003 = arith.cmpi sgt, %reduce_min3A_1994, %sign3A_2002 : i32
    %sign3A_2004 = arith.extui %sign3A_2003 : i1 to i32
    %sign3A_2005 = arith.constant 0 : i32
    %sign3A_2006 = arith.cmpi slt, %reduce_min3A_1994, %sign3A_2005 : i32
    %sign3A_2007 = arith.extui %sign3A_2006 : i1 to i32
    %sign3A_2008 = arith.subi %sign3A_2004, %sign3A_2007 : i32
    %sign3A_2009 = arith.constant 0 : i32
    %sign3A_2010 = arith.cmpi sgt, %jit3A_2000, %sign3A_2009 : i32
    %sign3A_2011 = arith.extui %sign3A_2010 : i1 to i32
    %sign3A_2012 = arith.constant 0 : i32
    %sign3A_2013 = arith.cmpi slt, %jit3A_2000, %sign3A_2012 : i32
    %sign3A_2014 = arith.extui %sign3A_2013 : i1 to i32
    %sign3A_2015 = arith.subi %sign3A_2011, %sign3A_2014 : i32
    %ne3A_2016 = arith.cmpi ne, %sign3A_2008, %sign3A_2015 : i32
    %rem3A_2017 = arith.remsi %reduce_min3A_1994, %jit3A_2000 : i32
    %ne3A_2018 = arith.constant 0 : i32
    %ne3A_2019 = arith.cmpi ne, %rem3A_2017, %ne3A_2018 : i32
    %and3A_2020 = arith.andi %ne3A_2016, %ne3A_2019 : i1
    %sub3A_2021 = arith.constant 1 : i32
    %sub3A_2022 = arith.subi %div3A_2001, %sub3A_2021 : i32
    %select_n3A_2023 = arith.select %and3A_2020, %sub3A_2022, %div3A_2001 : i32
    %broadcast_in_dim3A_2024 = vector.broadcast %select_n3A_2023 : i32 to vector<1x32xi32>
    %select_n3A_2025 = arith.select %eq3A_1997, %broadcast_in_dim3A_2024, %select_n3A_1956 : vector<1x32xi1>, vector<1x32xi32>
    %jit3A_2026 = arith.constant 100000 : i32
    %eq3A_2027 = arith.constant 0 : i32
    %eq3A_2028 = arith.cmpi eq, %jit3A_2026, %eq3A_2027 : i32
    %jit3A_2029 = arith.constant 1 : i32
    %select_n3A_2030 = arith.select %eq3A_2028, %jit3A_2029, %jit3A_2026 : i32
    %rem3A_2031 = arith.remsi %reduce_min3A_1994, %select_n3A_2030 : i32
    %ne3A_2032 = arith.constant 0 : i32
    %ne3A_2033 = arith.cmpi ne, %rem3A_2031, %ne3A_2032 : i32
    %lt3A_2034 = arith.constant 0 : i32
    %lt3A_2035 = arith.cmpi slt, %rem3A_2031, %lt3A_2034 : i32
    %lt3A_2036 = arith.constant 0 : i32
    %lt3A_2037 = arith.cmpi slt, %select_n3A_2030, %lt3A_2036 : i32
    %ne3A_2038 = arith.xori %lt3A_2035, %lt3A_2037 : i1
    %and3A_2039 = arith.andi %ne3A_2038, %ne3A_2033 : i1
    %add3A_2040 = arith.addi %rem3A_2031, %select_n3A_2030 : i32
    %select_n3A_2041 = arith.select %and3A_2039, %add3A_2040, %rem3A_2031 : i32
    %broadcast_in_dim3A_2042 = vector.broadcast %select_n3A_2041 : i32 to vector<1x32xi32>
    %select_n3A_2043 = arith.select %eq3A_1997, %broadcast_in_dim3A_2042, %select_n3A_1974 : vector<1x32xi1>, vector<1x32xi32>
    %eq3A_2044 = vector.broadcast %reduce_min3A_1994 : i32 to vector<8x128xi32>
    %eq3A_2045 = arith.cmpi eq, %concatenate3A_45, %eq3A_2044 : vector<8x128xi32>
    %jit3A_2046 = arith.constant -3.000000e+38 : f32
    %broadcast_in_dim3A_2047 = vector.broadcast %jit3A_2046 : f32 to vector<8x128xf32>
    %select_n3A_2048 = arith.select %eq3A_2045, %broadcast_in_dim3A_2047, %select_n3A_1979 : vector<8x128xi1>, vector<8x128xf32>
    %reduce_max3A_2049 = vector.shape_cast %select_n3A_2048 : vector<8x128xf32> to vector<1x8x128xf32>
    %reduce_max3A_2050 = arith.constant dense<0xFF800000> : vector<1xf32>
    %reduce_max3A_2051 = vector.multi_reduction <maximumf>, %reduce_max3A_2049, %reduce_max3A_2050 [1, 2] : vector<1x8x128xf32> to vector<1xf32>
    %reduce_max3A_2052 = vector.shape_cast %reduce_max3A_2051 : vector<1xf32> to vector<1x1x1xf32>
    %reduce_max3A_2053 = vector.extract %reduce_max3A_2052[0, 0, 0] : f32 from vector<1x1x1xf32>
    %eq3A_2054 = vector.broadcast %reduce_max3A_2053 : f32 to vector<8x128xf32>
    %eq3A_2055 = arith.cmpf oeq, %select_n3A_2048, %eq3A_2054 : vector<8x128xf32>
    %jit3A_2056 = arith.constant 2147483647 : i32
    %broadcast_in_dim3A_2057 = vector.broadcast %jit3A_2056 : i32 to vector<8x128xi32>
    %select_n3A_2058 = arith.select %eq3A_2055, %concatenate3A_45, %broadcast_in_dim3A_2057 : vector<8x128xi1>, vector<8x128xi32>
    %reduce_min3A_2059 = vector.shape_cast %select_n3A_2058 : vector<8x128xi32> to vector<1x8x128xi32>
    %reduce_min3A_2060 = arith.constant dense<2147483647> : vector<1xi32>
    %reduce_min3A_2061 = vector.multi_reduction <minsi>, %reduce_min3A_2059, %reduce_min3A_2060 [1, 2] : vector<1x8x128xi32> to vector<1xi32>
    %reduce_min3A_2062 = vector.shape_cast %reduce_min3A_2061 : vector<1xi32> to vector<1x1x1xi32>
    %reduce_min3A_2063 = vector.extract %reduce_min3A_2062[0, 0, 0] : i32 from vector<1x1x1xi32>
    %eq3A_2064 = arith.constant 29 : i32
    %eq3A_2065 = vector.broadcast %eq3A_2064 : i32 to vector<1x32xi32>
    %eq3A_2066 = arith.cmpi eq, %iota3A_46, %eq3A_2065 : vector<1x32xi32>
    %broadcast_in_dim3A_2067 = vector.broadcast %reduce_max3A_2053 : f32 to vector<1x32xf32>
    %select_n3A_2068 = arith.select %eq3A_2066, %broadcast_in_dim3A_2067, %select_n3A_1999 : vector<1x32xi1>, vector<1x32xf32>
    %jit3A_2069 = arith.constant 100000 : i32
    %div3A_2070 = arith.divsi %reduce_min3A_2063, %jit3A_2069 : i32
    %sign3A_2071 = arith.constant 0 : i32
    %sign3A_2072 = arith.cmpi sgt, %reduce_min3A_2063, %sign3A_2071 : i32
    %sign3A_2073 = arith.extui %sign3A_2072 : i1 to i32
    %sign3A_2074 = arith.constant 0 : i32
    %sign3A_2075 = arith.cmpi slt, %reduce_min3A_2063, %sign3A_2074 : i32
    %sign3A_2076 = arith.extui %sign3A_2075 : i1 to i32
    %sign3A_2077 = arith.subi %sign3A_2073, %sign3A_2076 : i32
    %sign3A_2078 = arith.constant 0 : i32
    %sign3A_2079 = arith.cmpi sgt, %jit3A_2069, %sign3A_2078 : i32
    %sign3A_2080 = arith.extui %sign3A_2079 : i1 to i32
    %sign3A_2081 = arith.constant 0 : i32
    %sign3A_2082 = arith.cmpi slt, %jit3A_2069, %sign3A_2081 : i32
    %sign3A_2083 = arith.extui %sign3A_2082 : i1 to i32
    %sign3A_2084 = arith.subi %sign3A_2080, %sign3A_2083 : i32
    %ne3A_2085 = arith.cmpi ne, %sign3A_2077, %sign3A_2084 : i32
    %rem3A_2086 = arith.remsi %reduce_min3A_2063, %jit3A_2069 : i32
    %ne3A_2087 = arith.constant 0 : i32
    %ne3A_2088 = arith.cmpi ne, %rem3A_2086, %ne3A_2087 : i32
    %and3A_2089 = arith.andi %ne3A_2085, %ne3A_2088 : i1
    %sub3A_2090 = arith.constant 1 : i32
    %sub3A_2091 = arith.subi %div3A_2070, %sub3A_2090 : i32
    %select_n3A_2092 = arith.select %and3A_2089, %sub3A_2091, %div3A_2070 : i32
    %broadcast_in_dim3A_2093 = vector.broadcast %select_n3A_2092 : i32 to vector<1x32xi32>
    %select_n3A_2094 = arith.select %eq3A_2066, %broadcast_in_dim3A_2093, %select_n3A_2025 : vector<1x32xi1>, vector<1x32xi32>
    %jit3A_2095 = arith.constant 100000 : i32
    %eq3A_2096 = arith.constant 0 : i32
    %eq3A_2097 = arith.cmpi eq, %jit3A_2095, %eq3A_2096 : i32
    %jit3A_2098 = arith.constant 1 : i32
    %select_n3A_2099 = arith.select %eq3A_2097, %jit3A_2098, %jit3A_2095 : i32
    %rem3A_2100 = arith.remsi %reduce_min3A_2063, %select_n3A_2099 : i32
    %ne3A_2101 = arith.constant 0 : i32
    %ne3A_2102 = arith.cmpi ne, %rem3A_2100, %ne3A_2101 : i32
    %lt3A_2103 = arith.constant 0 : i32
    %lt3A_2104 = arith.cmpi slt, %rem3A_2100, %lt3A_2103 : i32
    %lt3A_2105 = arith.constant 0 : i32
    %lt3A_2106 = arith.cmpi slt, %select_n3A_2099, %lt3A_2105 : i32
    %ne3A_2107 = arith.xori %lt3A_2104, %lt3A_2106 : i1
    %and3A_2108 = arith.andi %ne3A_2107, %ne3A_2102 : i1
    %add3A_2109 = arith.addi %rem3A_2100, %select_n3A_2099 : i32
    %select_n3A_2110 = arith.select %and3A_2108, %add3A_2109, %rem3A_2100 : i32
    %broadcast_in_dim3A_2111 = vector.broadcast %select_n3A_2110 : i32 to vector<1x32xi32>
    %select_n3A_2112 = arith.select %eq3A_2066, %broadcast_in_dim3A_2111, %select_n3A_2043 : vector<1x32xi1>, vector<1x32xi32>
    %eq3A_2113 = vector.broadcast %reduce_min3A_2063 : i32 to vector<8x128xi32>
    %eq3A_2114 = arith.cmpi eq, %concatenate3A_45, %eq3A_2113 : vector<8x128xi32>
    %jit3A_2115 = arith.constant -3.000000e+38 : f32
    %broadcast_in_dim3A_2116 = vector.broadcast %jit3A_2115 : f32 to vector<8x128xf32>
    %select_n3A_2117 = arith.select %eq3A_2114, %broadcast_in_dim3A_2116, %select_n3A_2048 : vector<8x128xi1>, vector<8x128xf32>
    %reduce_max3A_2118 = vector.shape_cast %select_n3A_2117 : vector<8x128xf32> to vector<1x8x128xf32>
    %reduce_max3A_2119 = arith.constant dense<0xFF800000> : vector<1xf32>
    %reduce_max3A_2120 = vector.multi_reduction <maximumf>, %reduce_max3A_2118, %reduce_max3A_2119 [1, 2] : vector<1x8x128xf32> to vector<1xf32>
    %reduce_max3A_2121 = vector.shape_cast %reduce_max3A_2120 : vector<1xf32> to vector<1x1x1xf32>
    %reduce_max3A_2122 = vector.extract %reduce_max3A_2121[0, 0, 0] : f32 from vector<1x1x1xf32>
    %eq3A_2123 = vector.broadcast %reduce_max3A_2122 : f32 to vector<8x128xf32>
    %eq3A_2124 = arith.cmpf oeq, %select_n3A_2117, %eq3A_2123 : vector<8x128xf32>
    %jit3A_2125 = arith.constant 2147483647 : i32
    %broadcast_in_dim3A_2126 = vector.broadcast %jit3A_2125 : i32 to vector<8x128xi32>
    %select_n3A_2127 = arith.select %eq3A_2124, %concatenate3A_45, %broadcast_in_dim3A_2126 : vector<8x128xi1>, vector<8x128xi32>
    %reduce_min3A_2128 = vector.shape_cast %select_n3A_2127 : vector<8x128xi32> to vector<1x8x128xi32>
    %reduce_min3A_2129 = arith.constant dense<2147483647> : vector<1xi32>
    %reduce_min3A_2130 = vector.multi_reduction <minsi>, %reduce_min3A_2128, %reduce_min3A_2129 [1, 2] : vector<1x8x128xi32> to vector<1xi32>
    %reduce_min3A_2131 = vector.shape_cast %reduce_min3A_2130 : vector<1xi32> to vector<1x1x1xi32>
    %reduce_min3A_2132 = vector.extract %reduce_min3A_2131[0, 0, 0] : i32 from vector<1x1x1xi32>
    %eq3A_2133 = arith.constant 30 : i32
    %eq3A_2134 = vector.broadcast %eq3A_2133 : i32 to vector<1x32xi32>
    %eq3A_2135 = arith.cmpi eq, %iota3A_46, %eq3A_2134 : vector<1x32xi32>
    %broadcast_in_dim3A_2136 = vector.broadcast %reduce_max3A_2122 : f32 to vector<1x32xf32>
    %select_n3A_2137 = arith.select %eq3A_2135, %broadcast_in_dim3A_2136, %select_n3A_2068 : vector<1x32xi1>, vector<1x32xf32>
    %jit3A_2138 = arith.constant 100000 : i32
    %div3A_2139 = arith.divsi %reduce_min3A_2132, %jit3A_2138 : i32
    %sign3A_2140 = arith.constant 0 : i32
    %sign3A_2141 = arith.cmpi sgt, %reduce_min3A_2132, %sign3A_2140 : i32
    %sign3A_2142 = arith.extui %sign3A_2141 : i1 to i32
    %sign3A_2143 = arith.constant 0 : i32
    %sign3A_2144 = arith.cmpi slt, %reduce_min3A_2132, %sign3A_2143 : i32
    %sign3A_2145 = arith.extui %sign3A_2144 : i1 to i32
    %sign3A_2146 = arith.subi %sign3A_2142, %sign3A_2145 : i32
    %sign3A_2147 = arith.constant 0 : i32
    %sign3A_2148 = arith.cmpi sgt, %jit3A_2138, %sign3A_2147 : i32
    %sign3A_2149 = arith.extui %sign3A_2148 : i1 to i32
    %sign3A_2150 = arith.constant 0 : i32
    %sign3A_2151 = arith.cmpi slt, %jit3A_2138, %sign3A_2150 : i32
    %sign3A_2152 = arith.extui %sign3A_2151 : i1 to i32
    %sign3A_2153 = arith.subi %sign3A_2149, %sign3A_2152 : i32
    %ne3A_2154 = arith.cmpi ne, %sign3A_2146, %sign3A_2153 : i32
    %rem3A_2155 = arith.remsi %reduce_min3A_2132, %jit3A_2138 : i32
    %ne3A_2156 = arith.constant 0 : i32
    %ne3A_2157 = arith.cmpi ne, %rem3A_2155, %ne3A_2156 : i32
    %and3A_2158 = arith.andi %ne3A_2154, %ne3A_2157 : i1
    %sub3A_2159 = arith.constant 1 : i32
    %sub3A_2160 = arith.subi %div3A_2139, %sub3A_2159 : i32
    %select_n3A_2161 = arith.select %and3A_2158, %sub3A_2160, %div3A_2139 : i32
    %broadcast_in_dim3A_2162 = vector.broadcast %select_n3A_2161 : i32 to vector<1x32xi32>
    %select_n3A_2163 = arith.select %eq3A_2135, %broadcast_in_dim3A_2162, %select_n3A_2094 : vector<1x32xi1>, vector<1x32xi32>
    %jit3A_2164 = arith.constant 100000 : i32
    %eq3A_2165 = arith.constant 0 : i32
    %eq3A_2166 = arith.cmpi eq, %jit3A_2164, %eq3A_2165 : i32
    %jit3A_2167 = arith.constant 1 : i32
    %select_n3A_2168 = arith.select %eq3A_2166, %jit3A_2167, %jit3A_2164 : i32
    %rem3A_2169 = arith.remsi %reduce_min3A_2132, %select_n3A_2168 : i32
    %ne3A_2170 = arith.constant 0 : i32
    %ne3A_2171 = arith.cmpi ne, %rem3A_2169, %ne3A_2170 : i32
    %lt3A_2172 = arith.constant 0 : i32
    %lt3A_2173 = arith.cmpi slt, %rem3A_2169, %lt3A_2172 : i32
    %lt3A_2174 = arith.constant 0 : i32
    %lt3A_2175 = arith.cmpi slt, %select_n3A_2168, %lt3A_2174 : i32
    %ne3A_2176 = arith.xori %lt3A_2173, %lt3A_2175 : i1
    %and3A_2177 = arith.andi %ne3A_2176, %ne3A_2171 : i1
    %add3A_2178 = arith.addi %rem3A_2169, %select_n3A_2168 : i32
    %select_n3A_2179 = arith.select %and3A_2177, %add3A_2178, %rem3A_2169 : i32
    %broadcast_in_dim3A_2180 = vector.broadcast %select_n3A_2179 : i32 to vector<1x32xi32>
    %select_n3A_2181 = arith.select %eq3A_2135, %broadcast_in_dim3A_2180, %select_n3A_2112 : vector<1x32xi1>, vector<1x32xi32>
    %eq3A_2182 = vector.broadcast %reduce_min3A_2132 : i32 to vector<8x128xi32>
    %eq3A_2183 = arith.cmpi eq, %concatenate3A_45, %eq3A_2182 : vector<8x128xi32>
    %jit3A_2184 = arith.constant -3.000000e+38 : f32
    %broadcast_in_dim3A_2185 = vector.broadcast %jit3A_2184 : f32 to vector<8x128xf32>
    %select_n3A_2186 = arith.select %eq3A_2183, %broadcast_in_dim3A_2185, %select_n3A_2117 : vector<8x128xi1>, vector<8x128xf32>
    %reduce_max3A_2187 = vector.shape_cast %select_n3A_2186 : vector<8x128xf32> to vector<1x8x128xf32>
    %reduce_max3A_2188 = arith.constant dense<0xFF800000> : vector<1xf32>
    %reduce_max3A_2189 = vector.multi_reduction <maximumf>, %reduce_max3A_2187, %reduce_max3A_2188 [1, 2] : vector<1x8x128xf32> to vector<1xf32>
    %reduce_max3A_2190 = vector.shape_cast %reduce_max3A_2189 : vector<1xf32> to vector<1x1x1xf32>
    %reduce_max3A_2191 = vector.extract %reduce_max3A_2190[0, 0, 0] : f32 from vector<1x1x1xf32>
    %eq3A_2192 = vector.broadcast %reduce_max3A_2191 : f32 to vector<8x128xf32>
    %eq3A_2193 = arith.cmpf oeq, %select_n3A_2186, %eq3A_2192 : vector<8x128xf32>
    %jit3A_2194 = arith.constant 2147483647 : i32
    %broadcast_in_dim3A_2195 = vector.broadcast %jit3A_2194 : i32 to vector<8x128xi32>
    %select_n3A_2196 = arith.select %eq3A_2193, %concatenate3A_45, %broadcast_in_dim3A_2195 : vector<8x128xi1>, vector<8x128xi32>
    %reduce_min3A_2197 = vector.shape_cast %select_n3A_2196 : vector<8x128xi32> to vector<1x8x128xi32>
    %reduce_min3A_2198 = arith.constant dense<2147483647> : vector<1xi32>
    %reduce_min3A_2199 = vector.multi_reduction <minsi>, %reduce_min3A_2197, %reduce_min3A_2198 [1, 2] : vector<1x8x128xi32> to vector<1xi32>
    %reduce_min3A_2200 = vector.shape_cast %reduce_min3A_2199 : vector<1xi32> to vector<1x1x1xi32>
    %reduce_min3A_2201 = vector.extract %reduce_min3A_2200[0, 0, 0] : i32 from vector<1x1x1xi32>
    %eq3A_2202 = arith.constant 31 : i32
    %eq3A_2203 = vector.broadcast %eq3A_2202 : i32 to vector<1x32xi32>
    %eq3A_2204 = arith.cmpi eq, %iota3A_46, %eq3A_2203 : vector<1x32xi32>
    %broadcast_in_dim3A_2205 = vector.broadcast %reduce_max3A_2191 : f32 to vector<1x32xf32>
    %select_n3A_2206 = arith.select %eq3A_2204, %broadcast_in_dim3A_2205, %select_n3A_2137 : vector<1x32xi1>, vector<1x32xf32>
    %jit3A_2207 = arith.constant 100000 : i32
    %div3A_2208 = arith.divsi %reduce_min3A_2201, %jit3A_2207 : i32
    %sign3A_2209 = arith.constant 0 : i32
    %sign3A_2210 = arith.cmpi sgt, %reduce_min3A_2201, %sign3A_2209 : i32
    %sign3A_2211 = arith.extui %sign3A_2210 : i1 to i32
    %sign3A_2212 = arith.constant 0 : i32
    %sign3A_2213 = arith.cmpi slt, %reduce_min3A_2201, %sign3A_2212 : i32
    %sign3A_2214 = arith.extui %sign3A_2213 : i1 to i32
    %sign3A_2215 = arith.subi %sign3A_2211, %sign3A_2214 : i32
    %sign3A_2216 = arith.constant 0 : i32
    %sign3A_2217 = arith.cmpi sgt, %jit3A_2207, %sign3A_2216 : i32
    %sign3A_2218 = arith.extui %sign3A_2217 : i1 to i32
    %sign3A_2219 = arith.constant 0 : i32
    %sign3A_2220 = arith.cmpi slt, %jit3A_2207, %sign3A_2219 : i32
    %sign3A_2221 = arith.extui %sign3A_2220 : i1 to i32
    %sign3A_2222 = arith.subi %sign3A_2218, %sign3A_2221 : i32
    %ne3A_2223 = arith.cmpi ne, %sign3A_2215, %sign3A_2222 : i32
    %rem3A_2224 = arith.remsi %reduce_min3A_2201, %jit3A_2207 : i32
    %ne3A_2225 = arith.constant 0 : i32
    %ne3A_2226 = arith.cmpi ne, %rem3A_2224, %ne3A_2225 : i32
    %and3A_2227 = arith.andi %ne3A_2223, %ne3A_2226 : i1
    %sub3A_2228 = arith.constant 1 : i32
    %sub3A_2229 = arith.subi %div3A_2208, %sub3A_2228 : i32
    %select_n3A_2230 = arith.select %and3A_2227, %sub3A_2229, %div3A_2208 : i32
    %broadcast_in_dim3A_2231 = vector.broadcast %select_n3A_2230 : i32 to vector<1x32xi32>
    %select_n3A_2232 = arith.select %eq3A_2204, %broadcast_in_dim3A_2231, %select_n3A_2163 : vector<1x32xi1>, vector<1x32xi32>
    %jit3A_2233 = arith.constant 100000 : i32
    %eq3A_2234 = arith.constant 0 : i32
    %eq3A_2235 = arith.cmpi eq, %jit3A_2233, %eq3A_2234 : i32
    %jit3A_2236 = arith.constant 1 : i32
    %select_n3A_2237 = arith.select %eq3A_2235, %jit3A_2236, %jit3A_2233 : i32
    %rem3A_2238 = arith.remsi %reduce_min3A_2201, %select_n3A_2237 : i32
    %ne3A_2239 = arith.constant 0 : i32
    %ne3A_2240 = arith.cmpi ne, %rem3A_2238, %ne3A_2239 : i32
    %lt3A_2241 = arith.constant 0 : i32
    %lt3A_2242 = arith.cmpi slt, %rem3A_2238, %lt3A_2241 : i32
    %lt3A_2243 = arith.constant 0 : i32
    %lt3A_2244 = arith.cmpi slt, %select_n3A_2237, %lt3A_2243 : i32
    %ne3A_2245 = arith.xori %lt3A_2242, %lt3A_2244 : i1
    %and3A_2246 = arith.andi %ne3A_2245, %ne3A_2240 : i1
    %add3A_2247 = arith.addi %rem3A_2238, %select_n3A_2237 : i32
    %select_n3A_2248 = arith.select %and3A_2246, %add3A_2247, %rem3A_2238 : i32
    %broadcast_in_dim3A_2249 = vector.broadcast %select_n3A_2248 : i32 to vector<1x32xi32>
    %select_n3A_2250 = arith.select %eq3A_2204, %broadcast_in_dim3A_2249, %select_n3A_2181 : vector<1x32xi1>, vector<1x32xi32>
    %swap3A = arith.constant 0 : index
    %swap3A_2251 = arith.constant 0 : index
    %swap3A_2252 = vector.load %arg2[%swap3A, %swap3A_2251] : memref<1x32xf32, #tpu.memory_space<vmem>>, vector<1x32xf32>
    tpu.vector_store %arg2[%swap3A, %swap3A_2251], %select_n3A_2206 {strides = array<i32>} : memref<1x32xf32, #tpu.memory_space<vmem>>, vector<1x32xf32>,
    %swap3A_2253 = arith.constant 0 : index
    %swap3A_2254 = arith.constant 0 : index
    %swap3A_2255 = vector.load %arg3[%swap3A_2253, %swap3A_2254] : memref<1x32xi32, #tpu.memory_space<vmem>>, vector<1x32xi32>
    tpu.vector_store %arg3[%swap3A_2253, %swap3A_2254], %select_n3A_2232 {strides = array<i32>} : memref<1x32xi32, #tpu.memory_space<vmem>>, vector<1x32xi32>,
    %swap3A_2256 = arith.constant 0 : index
    %swap3A_2257 = arith.constant 0 : index
    %swap3A_2258 = vector.load %arg4[%swap3A_2256, %swap3A_2257] : memref<1x32xi32, #tpu.memory_space<vmem>>, vector<1x32xi32>
    tpu.vector_store %arg4[%swap3A_2256, %swap3A_2257], %select_n3A_2250 {strides = array<i32>} : memref<1x32xi32, #tpu.memory_space<vmem>>, vector<1x32xi32>,
    return
  }
}

</mosaic_0001>

<sc_bundles>
// kernel: kernel.4.cloned.1.call-start
scs
__scs_entry_jumppad:
0x0: {  	(pc) =	sbr.rel $0x88, $3  }
0x1: {  	(tag) =	ssettag $0x0;
	lr =	simm.s32 $0x1  }
0x2: {  	[smem:$0x3F9E] =	sst lr;
	_ =	strace $0xD0000000  }
0x3: {  	_ = 	snop  }
0x4: {  	_ = 	snop  }
0x5: {  	_ = 	snop  }
0x6: {  	_ = 	snop  }
0x7: {  	_ = 	snop  }
__scs_overlays_trampoline_lowered:
0x8: {  	[smem:$0x3FAD] =	sst s0  }
0x9: {  	[smem:$0x3FAE] =	sst s1  }
0xa: {  	[smem:$0x3FAF] =	sst s2  }
0xb: {  	[smem:$0x3FB0] =	sst s3  }
0xc: {  	[smem:$0x3FB1] =	sst s4  }
0xd: {  	[smem:$0x3FB2] =	sst s5  }
0xe: {  	[smem:$0x3FB3] =	sst s6  }
0xf: {  	[smem:$0x3FB4] =	sst s7  }
0x10: {  	[smem:$0x3FB5] =	sst s8  }
0x11: {  	[smem:$0x3FB6] =	sst s9;
	s0 =	simm.s32 @!p0 $0x0  }
0x12: {  	s1 =	sld [smem:$0x3F9C];
	s0 =	simm.s32 @p0 $0x1  }
0x13: {  	[smem:$0x3FB7] =	sst s0;
	s0 =	simm.s32 @!p1 $0x0  }
0x14: {  	s2 =	sld [smem:$0x3F9B];
	s0 =	simm.s32 @p1 $0x1  }
0x15: {  	[smem:$0x3FB8] =	sst s0;
	s0 =	simm.s32 @!p2 $0x0  }
0x16: {  	s3 =	sld [smem:$0x3FDB];
	s0 =	simm.s32 @p2 $0x1  }
0x17: {  	s4 =	simm.s32 $0x1BF5;
	[smem:$0x3FBA] =	sst s0  }
0x18: {  	s0 =	sld [smem:$0x3F9D];
	_ =	swait.ge [sflag:s4], $0x0  }
0x19: {  	s7 =	sld [smem:$0x3F9E]  }
0x1a: {  	s8 =	sadd.s32 $0xFFFFE003, lr  }
0x1b: {  	s9 =	sadd.s32 $0xFFFFFEF7, lr;
	s5 =	simm.s32 $0xFFFFFFFF;
	p2 =	slt.u32 s8, $0xFFFFF086  }
0x1c: {  	p1 =	slt.u32 s9, $0xF7A;
	s5 =	simm.s32 @!p2 $0x0  }
0x1d: {  	s5 =	simm.s32 @p1 $0x1;
	p0 =	seq.s32 s7, s2  }
0x1e: {  	s7 =	smul.u32 @!p0 $0xF7A, s2;
	p2 =	seq.s32 @!p0 s5, $0x0  }
0x1f: {  	s9 =	smul.u32 $0xF7A, s1;
	s8 =	simm.s32 @!p0 $0x1BF5;
	p2 =	por !p2, p0  }
0x20: {  	[sflag:s8] =	ssyncset.s32 @!p0 $0xFFFFF086;
	s6 =	sadd.s32 @!p0 s3, s7;
	s7 =	simm.s32 @!p0 $0x108  }
0x21: {  	s3 =	sadd.s32 s3, s9;
	s6 =	sadd.s32 @!p0 $0x88, s6;
	s7 =	simm.s32 @p2 $0x1082  }
0x22: {  	[simem:s7], [sflag:s8] =	dma.local @!p0 [hbm:s6], $0xF7A  }
0x23: {  	s9 =	sor.u32 $0xD0000000, s2;
	s6 =	simm.s32 $0x108;
	_ =	swait.ge @!p0 [sflag:s8], $0x0  }
0x24: {  	s3 =	sadd.s32 $0x88, s3;
	s6 =	simm.s32 @!p1 $0x1082;
	[sflag:s4] =	ssyncset.s32 $0xFFFFF086  }
0x25: {  	[simem:s6], [sflag:s4] =	dma.local [hbm:s3], $0xF7A  }
0x26: {  	[smem:$0x3F9E] =	sst s1;
	(tag) =	ssettag s2;
	_ =	strace s9  }
0x27: {  	s1 =	sld [smem:$0x3FAE]  }
0x28: {  	s2 =	sld [smem:$0x3FAF]  }
0x29: {  	s4 =	sld [smem:$0x3FB1]  }
0x2a: {  	p0 =	seq.s32 s5, $0x0;
	s5 =	sld [smem:$0x3FB2]  }
0x2b: {  	s6 =	sld [smem:$0x3FB3]  }
0x2c: {  	s7 =	sld [smem:$0x3FB4]  }
0x2d: {  	s3 =	simm.s32 $0x108;
	s8 =	sld [smem:$0x3FB5]  }
0x2e: {  	s3 =	simm.s32 @!p0 $0x1082;
	s9 =	sld [smem:$0x3FB6]  }
0x2f: {  	lr =	sadd.s32 s0, s3;
	s0 =	sld [smem:$0x3FAD]  }
0x30: {  	s3 =	sld [smem:$0x3FB0]  }
0x31: {  	[smem:$0x3FB9] =	sst s10  }
0x32: {  	s10 =	sld [smem:$0x3FB7];
	_ =	sdelay $0x3  }
0x33: {  	p0 =	seq.s32 s10, $0x1;
	s10 =	sld [smem:$0x3FB9];
	_ =	sdelay $0x3  }
0x34: {  	[smem:$0x3FB9] =	sst s10  }
0x35: {  	s10 =	sld [smem:$0x3FB8];
	_ =	sdelay $0x3  }
0x36: {  	p1 =	seq.s32 s10, $0x1;
	s10 =	sld [smem:$0x3FB9];
	_ =	sdelay $0x3  }
0x37: {  	[smem:$0x3FB9] =	sst s10  }
0x38: {  	s10 =	sld [smem:$0x3FBA]  }
0x39: {  	_ = 	snop;
	(pc) =	sbr.ind lr, $3  }
0x3a: {  	_ = 	snop  }
0x3b: {  	_ = 	snop  }
0x3c: {  	p2 =	seq.s32 s10, $0x1;
	s10 =	sld [smem:$0x3FB9]  }
0x3d: {  	_ =	shalt  }
0x3e: {  	_ =	shalt  }
0x3f: {  	_ =	shalt  }
0x40: {  	_ =	shalt  }
0x41: {  	_ =	shalt  }
0x42: {  	_ =	shalt  }
0x43: {  	_ =	shalt  }
0x44: {  	_ =	shalt  }
0x45: {  	_ =	shalt  }
0x46: {  	_ =	shalt  }
0x47: {  	_ =	shalt  }
0x48: {  	_ =	shalt  }
0x49: {  	_ =	shalt  }
0x4a: {  	_ =	shalt  }
0x4b: {  	_ =	shalt  }
0x4c: {  	_ =	shalt  }
0x4d: {  	_ =	shalt  }
0x4e: {  	_ =	shalt  }
0x4f: {  	_ =	shalt  }
0x50: {  	_ =	shalt  }
0x51: {  	_ =	shalt  }
0x52: {  	_ =	shalt  }
0x53: {  	_ =	shalt  }
0x54: {  	_ =	shalt  }
0x55: {  	_ =	shalt  }
0x56: {  	_ =	shalt  }
0x57: {  	_ =	shalt  }
0x58: {  	_ =	shalt  }
0x59: {  	_ =	shalt  }
0x5a: {  	_ =	shalt  }
0x5b: {  	_ =	shalt  }
0x5c: {  	_ =	shalt  }
0x5d: {  	_ =	shalt  }
0x5e: {  	_ =	shalt  }
0x5f: {  	_ =	shalt  }
0x60: {  	_ =	shalt  }
0x61: {  	_ =	shalt  }
0x62: {  	_ =	shalt  }
0x63: {  	_ =	shalt  }
0x64: {  	_ =	shalt  }
0x65: {  	_ =	shalt  }
0x66: {  	_ =	shalt  }
0x67: {  	_ =	shalt  }
0x68: {  	_ =	shalt  }
0x69: {  	_ =	shalt  }
0x6a: {  	_ =	shalt  }
0x6b: {  	_ =	shalt  }
0x6c: {  	_ =	shalt  }
0x6d: {  	_ =	shalt  }
0x6e: {  	_ =	shalt  }
0x6f: {  	_ =	shalt  }
0x70: {  	_ =	shalt  }
0x71: {  	_ =	shalt  }
0x72: {  	_ =	shalt  }
0x73: {  	_ =	shalt  }
0x74: {  	_ =	shalt  }
0x75: {  	_ =	shalt  }
0x76: {  	_ =	shalt  }
0x77: {  	_ =	shalt  }
0x78: {  	_ =	shalt  }
0x79: {  	_ =	shalt  }
0x7a: {  	_ =	shalt  }
0x7b: {  	_ =	shalt  }
0x7c: {  	_ =	shalt  }
0x7d: {  	_ =	shalt  }
0x7e: {  	_ =	shalt  }
0x7f: {  	_ =	shalt  }
0x80: {  	_ =	shalt  }
0x81: {  	_ =	shalt  }
0x82: {  	_ =	shalt  }
0x83: {  	_ =	shalt  }
0x84: {  	_ =	shalt  }
0x85: {  	_ =	shalt  }
0x86: {  	_ =	shalt  }
0x87: {  	_ =	shalt  }
.Lfunc_end0:
.L_simem_size_0:
called_computation_lowered:
.L_overlay_start_0:
0x88: {  	s2 =	sld [smem:$0x3FD9]  }
0x89: {  	s3 =	sld [smem:$0x3FFE];
	_ =	sdelay $0x1  }
0x8a: {  	s1 =	srdreg.scid  }
0x8b: {  	s0 =	sand.u32 $0x1, s1  }
0x8c: {  	s17 =	sshll.u32 s0, $0xA;
	s2 =	sadd.s32 s3, s2  }
0x8d: {  	s2 =	sadd.s32 s2, s17  }
0x8e: {  	[smem:$0x3FC5] =	sst s2  }
0x8f: {  	_ = 	snop  }
0x90: {  	s2 =	sld [smem:$0x3FC9]  }
0x91: {  	s18 =	sld [smem:$0x3FC8]  }
0x92: {  	s4 =	sld [smem:$0x3FC7];
	(tm) =	ssettm $0x1  }
0x93: {  	s5 =	sld [smem:$0x3FFB];
	_ =	sdelay $0x3  }
0x94: {  	_ =	strace s5  }
0x95: {  	s5 =	sld [smem:$0x3FFC];
	_ =	sdelay $0x3  }
0x96: {  	_ =	strace s5  }
0x97: {  	s5 =	sld [smem:$0x3FFD];
	_ =	sdelay $0x3  }
0x98: {  	_ =	strace s5  }
0x99: {  	_ =	strace $0x8FFFFFFF  }
0x9a: {  	s19 =	sld [smem:$0x3FDB];
	_ =	sdelay $0x1  }
0x9b: {  	s6 =	simm.s32 $_scs_section_size  }
0x9c: {  	s7 =	simm.s32 $_size__tile_overlayer_lowered;
	s8 =	simm.s32 $_tile_overlayer_lowered  }
0x9d: {  	s22 =	simm.s32 $0x1BFF;
	s21 =	sshll.u32 s8, $0x1;
	s5 =	sadd.s32 s6, s19  }
0x9e: {  	s9 =	simm.s32 $0x0;
	s20 =	sshll.u32 s7, $0x1;
	s7 =	sadd.s32 s21, s5  }
0x9f: {  	[timem:s9], [sflag:s22] =	dma.local [hbm:s7], s20  }
0xa0: {  	_ =	swait.ge [sflag:s22], s20  }
0xa1: {  	s6 =	ssub.s32 $0x0, s20;
	[sflag:s22] =	ssyncset.done $0x0  }
0xa2: {  	[sflag:s22] =	ssyncadd.s32 s6;
	_ =	sdelay $0x1  }
0xa3: {  	s23 =	simm.s32 $0x1B8B  }
0xa4: {  	_ =	swait.ge [sflag:s23], $0x1  }
0xa5: {  	[sflag:s23] =	ssyncset.done $0x0  }
0xa6: {  	s25 =	simm.s32 $0x1B8E;
	s24 =	sld [smem:$0x3FFE];
	[sflag:s23] =	ssyncadd.s32 $0xFFFFFFFF  }
0xa7: {  	s26 =	simm.s32 $execute0_lowered;
	[smem:$0x3FD2] =	sst s25  }
0xa8: {  	s7 =	sshll.u32 s26, $0x1;
	_ =	strace $0x80000046;
	[dreg:$0x1] =	wrdreg $0xFFFFFFFF  }
0xa9: {  	s28 =	simm.s32 $_size_execute0_lowered;
	s5 =	sadd.s32 s5, s7;
	[dreg:$0x0] =	wrdreg $0x0  }
0xaa: {  	s7 =	sshll.u32 s28, $0x1;
	[dreg:$0x2] =	wrdreg s5  }
0xab: {  	[dreg:$0x3] =	wrdreg s7  }
0xac: {  	[dreg:$0x4] =	wrdreg $0xC0  }
0xad: {  	_ =	task [dreg:s9], $0x5FFFF  }
0xae: {  	[dreg:$0x1] =	wrdreg $0xFFFFFFFF  }
0xaf: {  	[dreg:$0x0] =	wrdreg $0x60  }
0xb0: {  	[dreg:$0x2] =	wrdreg s2  }
0xb1: {  	[dreg:$0x3] =	wrdreg s18  }
0xb2: {  	[dreg:$0x4] =	wrdreg s4  }
0xb3: {  	[dreg:$0x5] =	wrdreg s24  }
0xb4: {  	[dreg:$0x6] =	wrdreg $0x9  }
0xb5: {  	_ =	task.clear_ibuf [dreg:s9], $0x7FFFF;
	_ =	strace $0x90000046  }
0xb6: {  	s29 =	simm.s32 $0x9;
	_ =	strace $0x80000048  }
0xb7: {  	_ =	swait.ge [sflag:s29], $0x1  }
0xb8: {  	[sflag:s29] =	ssyncadd.s32 $0xFFFFFFFF  }
0xb9: {  	_ =	strace $0x90000048  }
0xba: {  	_ =	sfence  }
0xbb: {  	s30 =	sld [smem:$0x0];
	_ =	sdelay $0x2  }
0xbc: {  	s31 =	sshll.u32 s1, $0xD;
	s1 =	sshrl.u32 s1, $0x2  }
0xbd: {  	s3 =	sand.u32 $0x4000, s31;
	s1 =	sadd.s32 s1, s30  }
0xbe: {  	s0 =	sor.u32 s3, s0;
	s1 =	sshll.u32 s1, $0x11  }
0xbf: {  	s0 =	sor.u32 s1, s0  }
0xc0: {  	s0 =	sadd.s32 $0x8F2B, s0  }
0xc1: {  	[sflag:s0] =	ssyncadd.remote.s32 $0x1  }
0xc2: {  	_ =	sfence.sel $0xFFFF  }
0xc3: {  	[dreg:$0x0] =	wrdreg $0xFFFFFFFF;
	(pc) =	sbr.abs _section_cstart, $3  }
0xc4: {  	[dreg:$0x1] =	wrdreg $0xFFFFFFFF  }
0xc5: {  	_ =	task.clear_ibuf [dreg:s9], $0x2FFFF;
	_ =	strace $0x9FFFFFFF  }
0xc6: {  	(tm) =	ssettm $0x7FFFFFFF  }
0xc7: {  	_ =	shalt  }
tec
execute0_lowered:
.L_overlay_start_1:
0x0: {  	(tag) =	ssettag $0x1  }
0x1: {  	s0 =	rddreg [dreg:$0x0]  }
0x2: {  	s1 =	srdreg.scid;
	s4 =	stileid.u32  }
0x3: {  	s2 =	rddreg [dreg:$0x3];
	s8 =	simm.s32 $0x0;
	s1 =	sand.u32 $0x1, s1  }
0x4: {  	s3 =	sshll.u32 s4, $0x1;
	s4 =	sshrl.u32 s4, $0x2;
	[smem:$0x7FF] =	sst s8  }
0x5: {  	s3 =	sor.u32 s1, s3;
	s4 =	smul.u32 $0xC3800, s4;
	_ =	strace $0x80000047  }
0x6: {  	s1 =	ssub.s32 $0x2, s1;
	s5 =	sshll.u32 s3, $0x7;
	s28 =	sshll.u32 s3, $0x2  }
0x7: {  	s6 =	sshrl.u32 s1, $0x1;
	v0 =	vmov s3;
	s3 =	simm.s32 $0x6;
	s2 =	sadd.s32 s28, s2  }
0x8: {  	s5 =	sand.u32 $0x380, s5;
	s1 =	ssub.s32 s1, s6;
	s29 =	sadd.s32 $0xE00, s2  }
0x9: {  	s4 =	sor.u32 s4, s5;
	s30 =	sadd.s32 $0x1000, s2;
	[dreg:$0xd] =	wrdreg s29  }
0xa: {  	s31 =	smax.u32 s1, $0x1;
	s4 =	sshrl.u32 s4, $0x3;
	[dreg:$0xe] =	wrdreg s30  }
0xb: {  	s5 =	simm.s32 $0x19980;
	[dreg:$0xf] =	wrdreg s31;
	s0 =	sadd.s32 s0, s4  }
0xc: {  	v1 =	vimm.f32 $-3.000000010e+38;
	v2 =	vimm.s32 $0xC0000000;
	v3 =	vlaneseq.u32;
	s1 =	simm.s32 $0x0;
	s4 =	simm.s32 $0x19900;
	[dreg:$0xc] =	wrdreg s0  }
.LBB2_1:
0xd: {  	[dreg:$0x10] =	wrdreg s1  }
0xe: {  	s0 =	rddreg [dreg:$0xc];
	s25 =	simm.s32 $0x80;
	s2 =	simm.s32 $0x400  }
0xf: {  	[tilespmem:s8], [sflag:$0x1] =	stream.strided.gather [hbm4b:s0+s25], $0x18700, s2, s25, $0x38;
	[tilespmem:$0x19A00] =	vst v63  }
0x10: {  	s26 =	rddreg [dreg:$0x1]  }
0x11: {  	[tilespmem:s4], [sflag:$0x6] =	stream.linear.gather [hbm4b:s26+s8], $0x80, $0x38;
	[tilespmem:$0x19A00] =	vst v63  }
0x12: {  	_ =	swait.ge [sflag:s3], $0x80  }
0x13: {  	[sflag:s3] =	ssyncset.done $0x0  }
0x14: {  	[sflag:s3] =	ssyncadd.s32 $0xFFFFFF80  }
0x15: {  	s28 =	rddreg [dreg:$0x2]  }
0x16: {  	[tilespmem:s5], [sflag:$0x6] =	stream.linear.gather [hbm4b:s28+s8], $0x80, $0x38;
	[tilespmem:$0x19A00] =	vst v63  }
0x17: {  	_ =	swait.ge [sflag:s3], $0x80  }
0x18: {  	[sflag:s3] =	ssyncset.done $0x0  }
0x19: {  	s29 =	simm.s32 $0x1;
	[sflag:s3] =	ssyncadd.s32 $0xFFFFFF80  }
0x1a: {  	_ =	swait.ge [sflag:s29], $0x18700  }
0x1b: {  	[sflag:s29] =	ssyncset.done $0x0  }
0x1c: {  	s30 =	simm.s32 $0xC0;
	[sflag:s29] =	ssyncadd.s32 $0xFFFE7900  }
0x1d: {  	v4 =	vld [tilespmem:s30+$0xFFFFFF50]  }
0x1e: {  	v5 =	vld [tilespmem:s30+$0xFFFFFF40]  }
0x1f: {  	v6 =	vld [tilespmem:s30+$0xFFFFFF60]  }
0x20: {  	v7 =	vld [tilespmem:s30+$0xFFFFFF70]  }
0x21: {  	v8 =	vld [tilespmem:s30+$0xFFFFFF80]  }
0x22: {  	v9 =	vld [tilespmem:s30+$0xFFFFFF90]  }
0x23: {  	v4 =	vmax.f32 v5, v4;
	v5 =	vld [tilespmem:s30+$0xFFFFFFA0]  }
0x24: {  	s31 =	sand.u32 $0x1FFF0, s8;
	v4 =	vmax.f32 v4, v6;
	v6 =	vld [tilespmem:s30+$0xFFFFFFB0]  }
0x25: {  	v4 =	vmax.f32 v4, v7;
	v7 =	vld [tilespmem:s31+$0x80]  }
0x26: {  	v57 =	vld [tilespmem:s30+$0xFFFFFFD0];
	v4 =	vmax.f32 v4, v8  }
0x27: {  	v58 =	vld [tilespmem:s30+$0xFFFFFFE0];
	v4 =	vmax.f32 v4, v9  }
0x28: {  	v4 =	vmax.f32 v4, v5;
	v5 =	vld [tilespmem:s30+$0xFFFFFFF0]  }
0x29: {  	v4 =	vmax.f32 v4, v6;
	v6 =	vld [tilespmem:s30+$0x0]  }
0x2a: {  	v4 =	vmax.f32 v4, v7;
	v7 =	vld [tilespmem:s30+$0x10]  }
0x2b: {  	v59 =	vld [tilespmem:s30+$0x20];
	v4 =	vmax.f32 v4, v57  }
0x2c: {  	v60 =	vld [tilespmem:s30+$0x30];
	v4 =	vmax.f32 v4, v58  }
0x2d: {  	v4 =	vmax.f32 v4, v5;
	v5 =	vld [tilespmem:s31+$0x100]  }
0x2e: {  	v4 =	vmax.f32 v4, v6;
	v6 =	vld [tilespmem:s30+$0x50]  }
0x2f: {  	v4 =	vmax.f32 v4, v7;
	v7 =	vld [tilespmem:s30+$0x60]  }
0x30: {  	v61 =	vld [tilespmem:s30+$0x70];
	v4 =	vmax.f32 v4, v59  }
0x31: {  	v62 =	vld [tilespmem:s30+$0x80];
	v4 =	vmax.f32 v4, v60  }
0x32: {  	v4 =	vmax.f32 v4, v5;
	v5 =	vld [tilespmem:s30+$0x90]  }
0x33: {  	v4 =	vmax.f32 v4, v6;
	v6 =	vld [tilespmem:s30+$0xA0]  }
0x34: {  	v4 =	vmax.f32 v4, v7;
	v7 =	vld [tilespmem:s30+$0xB0]  }
0x35: {  	v63 =	vld [tilespmem:s31+$0x180];
	v4 =	vmax.f32 v4, v61  }
0x36: {  	v4 =	vmax.f32 v4, v62  }
0x37: {  	v4 =	vmax.f32 v4, v5  }
0x38: {  	v4 =	vmax.f32 v4, v6  }
0x39: {  	v4 =	vmax.f32 v4, v7  }
0x3a: {  	s0 =	simm.s32 $0x18700;
	v4 =	vmax.f32 v4, v63  }
0x3b: {  	s1 =	simm.s32 $0x250;
	[tilespmem:s0+$0x0] =	vst v4  }
0x3c: {  	v4 =	vld [tilespmem:s1+$0xFFFFFF50]  }
0x3d: {  	s2 =	simm.s32 $0x190;
	s3 =	simm.s32 $0x320;
	v5 =	vld [tilespmem:s1+$0xFFFFFF40]  }
.LBB2_2:
0x3e: {  	p0 =	sne.s32 s3, $0x18510;
	v6 =	vld [tilespmem:s1+$0xFFFFFF60]  }
0x3f: {  	v7 =	vld [tilespmem:s1+$0xFFFFFF70]  }
0x40: {  	v8 =	vld [tilespmem:s1+$0xFFFFFF80]  }
0x41: {  	v9 =	vld [tilespmem:s1+$0xFFFFFF90]  }
0x42: {  	v4 =	vmax.f32 v5, v4;
	v5 =	vld [tilespmem:s1+$0xFFFFFFA0]  }
0x43: {  	s4 =	sand.u32 $0x1FFF0, s2;
	s2 =	smov.u32 s3;
	v4 =	vmax.f32 v4, v6;
	v6 =	vld [tilespmem:s1+$0xFFFFFFB0]  }
0x44: {  	v4 =	vmax.f32 v4, v7;
	v7 =	vld [tilespmem:s4+$0x80]  }
0x45: {  	v4 =	vmax.f32 v4, v8;
	v8 =	vld [tilespmem:s1+$0xFFFFFFD0]  }
0x46: {  	v4 =	vmax.f32 v4, v9;
	v9 =	vld [tilespmem:s1+$0xFFFFFFE0]  }
0x47: {  	v4 =	vmax.f32 v4, v5;
	v5 =	vld [tilespmem:s1+$0xFFFFFFF0]  }
0x48: {  	v4 =	vmax.f32 v4, v6;
	v6 =	vld [tilespmem:s1+$0x0]  }
0x49: {  	v4 =	vmax.f32 v4, v7;
	v7 =	vld [tilespmem:s1+$0x10]  }
0x4a: {  	v4 =	vmax.f32 v4, v8;
	v8 =	vld [tilespmem:s1+$0x20]  }
0x4b: {  	v4 =	vmax.f32 v4, v9;
	v9 =	vld [tilespmem:s1+$0x30]  }
0x4c: {  	v4 =	vmax.f32 v4, v5;
	v5 =	vld [tilespmem:s4+$0x100]  }
0x4d: {  	v4 =	vmax.f32 v4, v6;
	v6 =	vld [tilespmem:s1+$0x50]  }
0x4e: {  	v4 =	vmax.f32 v4, v7;
	v7 =	vld [tilespmem:s1+$0x60]  }
0x4f: {  	v4 =	vmax.f32 v4, v8;
	v8 =	vld [tilespmem:s1+$0x70]  }
0x50: {  	v4 =	vmax.f32 v4, v9;
	v9 =	vld [tilespmem:s1+$0x80]  }
0x51: {  	v4 =	vmax.f32 v4, v5;
	v5 =	vld [tilespmem:s1+$0x90]  }
0x52: {  	v4 =	vmax.f32 v4, v6;
	v6 =	vld [tilespmem:s1+$0xA0]  }
0x53: {  	v4 =	vmax.f32 v4, v7;
	v7 =	vld [tilespmem:s1+$0xB0]  }
0x54: {  	v4 =	vmax.f32 v4, v8;
	v8 =	vld [tilespmem:s4+$0x180]  }
0x55: {  	v4 =	vmax.f32 v4, v9  }
0x56: {  	v4 =	vmax.f32 v4, v5  }
0x57: {  	v4 =	vmax.f32 v4, v6  }
.Ltmp0:
0x58: {  	v4 =	vmax.f32 v4, v7;
	(pc) =	sbr.rel @p0 .LBB2_2-.Ltmp0, $4  }
0x59: {  	s0 =	sadd.s32 $0x10, s0;
	v4 =	vmax.f32 v4, v8  }
0x5a: {  	s1 =	sadd.s32 $0x190, s1;
	[tilespmem:s0+$0x0] =	vst v4  }
0x5b: {  	v4 =	vld [tilespmem:s1+$0xFFFFFF50]  }
0x5c: {  	s3 =	sadd.s32 $0x190, s3;
	v5 =	vld [tilespmem:s1+$0xFFFFFF40]  }
0x5d: {  	v6 =	vld [tilespmem:s1+$0xFFFFFF60]  }
0x5e: {  	v7 =	vld [tilespmem:s1+$0xFFFFFF70]  }
0x5f: {  	v8 =	vld [tilespmem:s1+$0xFFFFFF80]  }
0x60: {  	v9 =	vld [tilespmem:s1+$0xFFFFFF90]  }
0x61: {  	v4 =	vmax.f32 v5, v4;
	v5 =	vld [tilespmem:s1+$0xFFFFFFA0]  }
0x62: {  	s2 =	sand.u32 $0x1FFF0, s2;
	v4 =	vmax.f32 v4, v6;
	v6 =	vld [tilespmem:s1+$0xFFFFFFB0]  }
0x63: {  	v4 =	vmax.f32 v4, v7;
	v7 =	vld [tilespmem:s2+$0x80]  }
0x64: {  	v57 =	vld [tilespmem:s1+$0xFFFFFFD0];
	v4 =	vmax.f32 v4, v8  }
0x65: {  	v58 =	vld [tilespmem:s1+$0xFFFFFFE0];
	v4 =	vmax.f32 v4, v9  }
0x66: {  	v4 =	vmax.f32 v4, v5;
	v5 =	vld [tilespmem:s1+$0xFFFFFFF0]  }
0x67: {  	v4 =	vmax.f32 v4, v6;
	v6 =	vld [tilespmem:s1+$0x0]  }
0x68: {  	v4 =	vmax.f32 v4, v7;
	v7 =	vld [tilespmem:s1+$0x10]  }
0x69: {  	v59 =	vld [tilespmem:s1+$0x20];
	v4 =	vmax.f32 v4, v57  }
0x6a: {  	v60 =	vld [tilespmem:s1+$0x30];
	v4 =	vmax.f32 v4, v58  }
0x6b: {  	v4 =	vmax.f32 v4, v5;
	v5 =	vld [tilespmem:s2+$0x100]  }
0x6c: {  	v4 =	vmax.f32 v4, v6;
	v6 =	vld [tilespmem:s1+$0x50]  }
0x6d: {  	v4 =	vmax.f32 v4, v7;
	v7 =	vld [tilespmem:s1+$0x60]  }
0x6e: {  	v61 =	vld [tilespmem:s1+$0x70];
	v4 =	vmax.f32 v4, v59  }
0x6f: {  	v62 =	vld [tilespmem:s1+$0x80];
	v4 =	vmax.f32 v4, v60  }
0x70: {  	v4 =	vmax.f32 v4, v5;
	v5 =	vld [tilespmem:s1+$0x90]  }
0x71: {  	v4 =	vmax.f32 v4, v6;
	v6 =	vld [tilespmem:s1+$0xA0]  }
0x72: {  	v4 =	vmax.f32 v4, v7;
	v7 =	vld [tilespmem:s1+$0xB0]  }
0x73: {  	v63 =	vld [tilespmem:s2+$0x180];
	v4 =	vmax.f32 v4, v61  }
0x74: {  	v4 =	vmax.f32 v4, v62  }
0x75: {  	v4 =	vmax.f32 v4, v5  }
0x76: {  	v4 =	vmax.f32 v4, v6  }
0x77: {  	v4 =	vmax.f32 v4, v7  }
0x78: {  	s0 =	sadd.s32 $0x10, s0;
	v4 =	vmax.f32 v4, v63  }
0x79: {  	[tilespmem:s0+$0x0] =	vst v4  }
0x7a: {  	[tilespmem:$0x196A0] =	vst v1  }
0x7b: {  	[tilespmem:$0x196B0] =	vst v1  }
0x7c: {  	[tilespmem:$0x196C0] =	vst v1  }
0x7d: {  	[tilespmem:$0x196D0] =	vst v1  }
0x7e: {  	[tilespmem:$0x196E0] =	vst v1  }
0x7f: {  	s1 =	simm.s32 $0x18780;
	[tilespmem:$0x196F0] =	vst v1  }
0x80: {  	v4 =	vld [tilespmem:s1+$0xFFFFFF90]  }
0x81: {  	s29 =	simm.s32 $0x0;
	s2 =	simm.s32 $0x40;
	s0 =	simm.s32 $0x0;
	v5 =	vld [tilespmem:s1+$0xFFFFFF80]  }
.LBB2_4:
0x82: {  	p0 =	sne.s32 s2, $0x3C0;
	v6 =	vld [tilespmem:s1+$0xFFFFFFA0]  }
0x83: {  	v7 =	vld [tilespmem:s1+$0xFFFFFFB0]  }
0x84: {  	v8 =	vld [tilespmem:s1+$0xFFFFFFC0]  }
0x85: {  	v9 =	vld [tilespmem:s1+$0xFFFFFFD0]  }
0x86: {  	v4 =	vmax.f32 v5, v4;
	v5 =	vld [tilespmem:s1+$0xFFFFFFE0]  }
0x87: {  	v4 =	vmax.f32 v4, v6;
	v6 =	vld [tilespmem:s1+$0xFFFFFFF0]  }
0x88: {  	v4 =	vmax.f32 v4, v7;
	v7 =	vld [tilespmem:s1+$0x0]  }
0x89: {  	v4 =	vmax.f32 v4, v8;
	v8 =	vld [tilespmem:s1+$0x10]  }
0x8a: {  	v4 =	vmax.f32 v4, v9;
	v9 =	vld [tilespmem:s1+$0x20]  }
0x8b: {  	v4 =	vmax.f32 v4, v5;
	v5 =	vld [tilespmem:s1+$0x30]  }
0x8c: {  	v4 =	vmax.f32 v4, v6;
	v6 =	vld [tilespmem:s1+$0x40]  }
0x8d: {  	v4 =	vmax.f32 v4, v7;
	v7 =	vld [tilespmem:s1+$0x50]  }
0x8e: {  	v4 =	vmax.f32 v4, v8;
	v8 =	vld [tilespmem:s1+$0x60]  }
0x8f: {  	v4 =	vmax.f32 v4, v9;
	v9 =	vld [tilespmem:s1+$0x70]  }
0x90: {  	v4 =	vmax.f32 v4, v5  }
0x91: {  	v4 =	vmax.f32 v4, v6  }
0x92: {  	v4 =	vmax.f32 v4, v7  }
.Ltmp1:
0x93: {  	v4 =	vmax.f32 v4, v8;
	(pc) =	sbr.rel @p0 .LBB2_4-.Ltmp1, $4  }
0x94: {  	s3 =	sshra.s32 s0, $0x2;
	s0 =	smov.u32 s2;
	v4 =	vmax.f32 v4, v9  }
0x95: {  	s1 =	sadd.s32 $0x100, s1;
	[tilespmem:s3+$0x19700] =	vst v4  }
0x96: {  	v4 =	vld [tilespmem:s1+$0xFFFFFF90]  }
0x97: {  	s2 =	sadd.s32 $0x40, s2;
	v5 =	vld [tilespmem:s1+$0xFFFFFF80]  }
0x98: {  	v6 =	vld [tilespmem:s1+$0xFFFFFFA0]  }
0x99: {  	v7 =	vld [tilespmem:s1+$0xFFFFFFB0]  }
0x9a: {  	v8 =	vld [tilespmem:s1+$0xFFFFFFC0]  }
0x9b: {  	v9 =	vld [tilespmem:s1+$0xFFFFFFD0]  }
0x9c: {  	v4 =	vmax.f32 v5, v4;
	v5 =	vld [tilespmem:s1+$0xFFFFFFE0]  }
0x9d: {  	v4 =	vmax.f32 v4, v6;
	v6 =	vld [tilespmem:s1+$0xFFFFFFF0]  }
0x9e: {  	v4 =	vmax.f32 v4, v7;
	v7 =	vld [tilespmem:s1+$0x0]  }
0x9f: {  	v4 =	vmax.f32 v4, v8;
	v8 =	vld [tilespmem:s1+$0x10]  }
0xa0: {  	v4 =	vmax.f32 v4, v9;
	v9 =	vld [tilespmem:s1+$0x20]  }
0xa1: {  	v4 =	vmax.f32 v4, v5;
	v5 =	vld [tilespmem:s1+$0x30]  }
0xa2: {  	v4 =	vmax.f32 v4, v6;
	v6 =	vld [tilespmem:s1+$0x40]  }
0xa3: {  	v4 =	vmax.f32 v4, v7;
	v7 =	vld [tilespmem:s1+$0x50]  }
0xa4: {  	v4 =	vmax.f32 v4, v8;
	v8 =	vld [tilespmem:s1+$0x60]  }
0xa5: {  	v4 =	vmax.f32 v4, v9;
	v9 =	vld [tilespmem:s1+$0x70]  }
0xa6: {  	v4 =	vmax.f32 v4, v5  }
0xa7: {  	v4 =	vmax.f32 v4, v6  }
0xa8: {  	v4 =	vmax.f32 v4, v7  }
0xa9: {  	v4 =	vmax.f32 v4, v8  }
0xaa: {  	s0 =	sshra.s32 s0, $0x2;
	v4 =	vmax.f32 v4, v9  }
0xab: {  	[tilespmem:s0+$0x19700] =	vst v4  }
0xac: {  	v4 =	vld [tilespmem:$0x19710]  }
0xad: {  	v5 =	vld [tilespmem:$0x19700]  }
0xae: {  	v6 =	vld [tilespmem:$0x19720]  }
0xaf: {  	v8 =	vld [tilespmem:$0x19730]  }
0xb0: {  	v9 =	vld [tilespmem:$0x19740]  }
0xb1: {  	v10 =	vld [tilespmem:$0x19750]  }
0xb2: {  	v11 =	vld [tilespmem:$0x19760];
	v7 =	vmax.f32 v5, v4  }
0xb3: {  	v12 =	vld [tilespmem:$0x19770];
	v7 =	vmax.f32 v7, v6  }
0xb4: {  	v13 =	vld [tilespmem:$0x19780];
	v7 =	vmax.f32 v7, v8  }
0xb5: {  	v14 =	vld [tilespmem:$0x19790];
	v7 =	vmax.f32 v7, v9  }
0xb6: {  	v15 =	vld [tilespmem:$0x197A0];
	v7 =	vmax.f32 v7, v10  }
0xb7: {  	v16 =	vld [tilespmem:$0x197B0];
	v7 =	vmax.f32 v7, v11  }
0xb8: {  	v17 =	vld [tilespmem:$0x197C0];
	v7 =	vmax.f32 v7, v12  }
0xb9: {  	v18 =	vld [tilespmem:$0x197D0];
	v7 =	vmax.f32 v7, v13  }
0xba: {  	v19 =	vld [tilespmem:$0x197E0];
	v7 =	vmax.f32 v7, v14  }
0xbb: {  	v20 =	vld [tilespmem:$0x197F0];
	v7 =	vmax.f32 v7, v15  }
0xbc: {  	v7 =	vmax.f32 v7, v16  }
0xbd: {  	v7 =	vmax.f32 v7, v17  }
0xbe: {  	v7 =	vmax.f32 v7, v18  }
0xbf: {  	v7 =	vmax.f32 v7, v19  }
0xc0: {  	v7 =	vmax.f32 v7, v20  }
0xc1: {  	(xrf0) =	vmax.scan.msk.f32 $0xffff, v7;
	_ =	sdelay $0x5  }
0xc2: {  	v7, _, _ =	vpop (xrf0)  }
0xc3: {  	v7 =	vbroadcast v7, $0xF;
	_ =	sdelay $0x1  }
0xc4: {  	vm0 =	veq.f32 v20, v7  }
0xc5: {  	vm1 =	veq.f32 v19, v7;
	v60 =	vsel vm0, $0x8000000F, v2  }
0xc6: {  	vm5 =	veq.f32 v18, v7;
	v61 =	vsel vm1, $0x8000000E, v60  }
0xc7: {  	vm6 =	veq.f32 v17, v7;
	v62 =	vsel vm5, $0x8000000D, v61  }
0xc8: {  	vm7 =	veq.f32 v16, v7;
	v63 =	vsel vm6, $0x8000000C, v62  }
0xc9: {  	vm8 =	veq.f32 v15, v7;
	v15 =	vsel vm7, $0x8000000B, v63  }
0xca: {  	vm9 =	veq.f32 v14, v7;
	v14 =	vsel vm8, $0x8000000A, v15  }
0xcb: {  	vm10 =	veq.f32 v13, v7;
	v13 =	vsel vm9, $0x80000009, v14  }
0xcc: {  	vm11 =	veq.f32 v12, v7;
	v12 =	vsel vm10, $0x80000008, v13  }
0xcd: {  	vm12 =	veq.f32 v11, v7;
	v11 =	vsel vm11, $0x80000007, v12  }
0xce: {  	vm13 =	veq.f32 v10, v7;
	v10 =	vsel vm12, $0x80000006, v11  }
0xcf: {  	vm14 =	veq.f32 v9, v7;
	v9 =	vsel vm13, $0x80000005, v10  }
0xd0: {  	vm15 =	veq.f32 v8, v7;
	v8 =	vsel vm14, $0x80000004, v9  }
0xd1: {  	vm4 =	veq.f32 v6, v7;
	v6 =	vsel vm15, $0x80000003, v8  }
0xd2: {  	vm5 =	veq.f32 v4, v7;
	v4 =	vsel vm4, $0x80000002, v6  }
0xd3: {  	vm6 =	veq.f32 v5, v7;
	v4 =	vsel vm5, $0x80000001, v4  }
0xd4: {  	v4 =	vsel vm6, $0x80000000, v4  }
0xd5: {  	(xrf0) =	vmin.scan.msk.u32 $0xffff, v4;
	_ =	sdelay $0x5  }
0xd6: {  	v4, _, _ =	vpop (xrf0)  }
0xd7: {  	(v2sf) =	vpush v4, $0xF;
	_ =	sdelay $0xe  }
0xd8: {  	s15 =	spop (v2sf)  }
0xd9: {  	s19 =	sshll.u32 s15, $0xA  }
0xda: {  	s19 =	sshra.s32 s19, $0x2  }
0xdb: {  	v4 =	vld [tilespmem:s19+$0x18700]  }
0xdc: {  	s18 =	sshll.u32 s15, $0x4;
	v5 =	vld [tilespmem:s19+$0x18710]  }
0xdd: {  	v6 =	vmov s18  }
0xde: {  	vm7 =	vlt.s32 v6, $0x40000000;
	v8 =	vld [tilespmem:s19+$0x18720]  }
0xdf: {  	v6 =	vnsel vm7, $0x40000000, v6  }
0xe0: {  	s20 =	sor.u32 $0x1, s18;
	v9 =	vld [tilespmem:s19+$0x18730];
	v6 =	vbroadcast v6, $0x0  }
0xe1: {  	vm8 =	veq.f32 v4, v7;
	vm9 =	veq.f32 v5, v7;
	v4 =	vmov s20  }
0xe2: {  	s21 =	sor.u32 $0x2, s18;
	v5 =	vnsel vm8, $0x40000000, v6;
	v4 =	vnsel vm9, $0x40000000, v4;
	v6 =	vld [tilespmem:s19+$0x18740]  }
0xe3: {  	vm10 =	veq.f32 v8, v7;
	v8 =	vmov s21;
	vm1 =	vlt.s32 v5, v4  }
0xe4: {  	s22 =	sor.u32 $0x3, s18;
	v4 =	vsel vm1, v5, v4;
	v5 =	vnsel vm10, $0x40000000, v8;
	v8 =	vld [tilespmem:s19+$0x18750]  }
0xe5: {  	vm11 =	veq.f32 v9, v7;
	v9 =	vmov s22;
	vm0 =	vlt.s32 v4, v5  }
0xe6: {  	s23 =	sor.u32 $0x4, s18;
	v4 =	vsel vm0, v4, v5;
	v5 =	vnsel vm11, $0x40000000, v9;
	v9 =	vld [tilespmem:s19+$0x18760]  }
0xe7: {  	s2 =	sor.u32 $0x8, s18;
	vm0 =	vlt.s32 v4, v5;
	vm12 =	veq.f32 v6, v7;
	v6 =	vmov s23  }
0xe8: {  	s24 =	sor.u32 $0x5, s18;
	s3 =	sshll.u32 s2, $0x6;
	v4 =	vsel vm0, v4, v5;
	v5 =	vnsel vm12, $0x40000000, v6;
	v6 =	vld [tilespmem:s19+$0x18770]  }
0xe9: {  	s4 =	sor.u32 $0x9, s18;
	s9 =	sshra.s32 s3, $0x2;
	vm0 =	vlt.s32 v4, v5;
	vm13 =	veq.f32 v8, v7;
	v8 =	vmov s24  }
0xea: {  	s25 =	sor.u32 $0x6, s18;
	s26 =	sshll.u32 s4, $0x6;
	v4 =	vsel vm0, v4, v5;
	v5 =	vnsel vm13, $0x40000000, v8;
	v8 =	vld [tilespmem:s9+$0x18700]  }
0xeb: {  	s5 =	sor.u32 $0xA, s18;
	s10 =	sshra.s32 s26, $0x2;
	vm0 =	vlt.s32 v4, v5;
	vm14 =	veq.f32 v9, v7;
	v9 =	vmov s25  }
0xec: {  	s30 =	sor.u32 $0x7, s18;
	s31 =	sshll.u32 s5, $0x6;
	v4 =	vsel vm0, v4, v5;
	v5 =	vnsel vm14, $0x40000000, v9;
	v9 =	vld [tilespmem:s10+$0x18700]  }
0xed: {  	s6 =	sor.u32 $0xB, s18;
	s11 =	sshra.s32 s31, $0x2;
	vm0 =	vlt.s32 v4, v5;
	vm15 =	veq.f32 v6, v7;
	v6 =	vmov s30  }
0xee: {  	s3 =	sshll.u32 s6, $0x6;
	v4 =	vsel vm0, v4, v5;
	v5 =	vnsel vm15, $0x40000000, v6;
	v6 =	vld [tilespmem:s11+$0x18700]  }
0xef: {  	s7 =	sor.u32 $0xC, s18;
	s12 =	sshra.s32 s3, $0x2;
	vm0 =	vlt.s32 v4, v5;
	vm4 =	veq.f32 v8, v7;
	v8 =	vmov s2  }
0xf0: {  	s13 =	sshll.u32 s7, $0x6;
	v4 =	vsel vm0, v4, v5;
	v5 =	vnsel vm4, $0x40000000, v8;
	v8 =	vld [tilespmem:s12+$0x18700]  }
0xf1: {  	s14 =	sor.u32 $0xD, s18;
	s25 =	sshra.s32 s13, $0x2;
	vm0 =	vlt.s32 v4, v5;
	vm5 =	veq.f32 v9, v7;
	v9 =	vmov s4  }
0xf2: {  	s16 =	sshll.u32 s14, $0x6;
	v4 =	vsel vm0, v4, v5;
	v5 =	vnsel vm5, $0x40000000, v9;
	v9 =	vld [tilespmem:s25+$0x18700]  }
0xf3: {  	s17 =	sor.u32 $0xE, s18;
	s26 =	sshra.s32 s16, $0x2;
	vm0 =	vlt.s32 v4, v5;
	vm6 =	veq.f32 v6, v7;
	v6 =	vmov s5  }
0xf4: {  	s20 =	sshll.u32 s17, $0x6;
	v4 =	vsel vm0, v4, v5;
	v5 =	vnsel vm6, $0x40000000, v6;
	v6 =	vld [tilespmem:s26+$0x18700]  }
0xf5: {  	s0 =	sshllo.u32 s15, $0x4;
	s15 =	sshra.s32 s20, $0x2;
	vm0 =	vlt.s32 v4, v5;
	vm7 =	veq.f32 v8, v7;
	v8 =	vmov s6  }
0xf6: {  	s21 =	sshll.u32 s0, $0x6;
	v4 =	vsel vm0, v4, v5;
	v5 =	vnsel vm7, $0x40000000, v8;
	v8 =	vld [tilespmem:s15+$0x18700]  }
0xf7: {  	s28 =	sshra.s32 s21, $0x2;
	vm0 =	vlt.s32 v4, v5;
	vm8 =	veq.f32 v9, v7;
	v9 =	vmov s7  }
0xf8: {  	v4 =	vsel vm0, v4, v5;
	v5 =	vnsel vm8, $0x40000000, v9;
	v9 =	vld [tilespmem:s28+$0x18700]  }
0xf9: {  	vm0 =	vlt.s32 v4, v5;
	vm9 =	veq.f32 v6, v7;
	v6 =	vmov s14  }
0xfa: {  	v4 =	vsel vm0, v4, v5;
	v5 =	vnsel vm9, $0x40000000, v6  }
0xfb: {  	v6 =	vmov s17;
	vm0 =	vlt.s32 v4, v5;
	vm10 =	veq.f32 v8, v7  }
0xfc: {  	v4 =	vsel vm0, v4, v5;
	v5 =	vnsel vm10, $0x40000000, v6  }
0xfd: {  	v6 =	vmov s0;
	vm0 =	vlt.s32 v4, v5;
	vm11 =	veq.f32 v9, v7  }
0xfe: {  	v4 =	vsel vm0, v4, v5;
	v5 =	vnsel vm11, $0x40000000, v6  }
0xff: {  	vm0 =	vlt.s32 v4, v5  }
0x100: {  	v4 =	vsel vm0, v4, v5  }
0x101: {  	v4 =	vxor.u32 $0x80000000, v4  }
0x102: {  	(xrf0) =	vmin.scan.msk.u32 $0xffff, v4;
	_ =	sdelay $0x5  }
0x103: {  	v4, _, _ =	vpop (xrf0)  }
0x104: {  	(v2sf) =	vpush v4, $0xF;
	_ =	sdelay $0xe  }
0x105: {  	s2 =	spop (v2sf)  }
0x106: {  	s4 =	smul.u32 $0x190, s2;
	_ =	sdelay $0x1  }
0x107: {  	v4 =	vld [tilespmem:s4+$0x0];
	_ =	sdelay $0x1  }
0x108: {  	v5 =	vld [tilespmem:s4+$0x20]  }
0x109: {  	v6 =	vor.u32 s4, v3;
	v8 =	vld [tilespmem:s4+$0x10]  }
0x10a: {  	vm12 =	vlt.s32 v6, $0x40000000  }
0x10b: {  	s22 =	sadd.s32 $0x10, s4;
	v6 =	vnsel vm12, $0x40000000, v6;
	vm13 =	veq.f32 v4, v7;
	v4 =	vld [tilespmem:s4+$0x30]  }
0x10c: {  	v9 =	vor.u32 s22, v3;
	v6 =	vnsel vm13, $0x40000000, v6  }
0x10d: {  	s23 =	sadd.s32 $0x20, s4;
	vm14 =	veq.f32 v5, v7;
	v5 =	vld [tilespmem:s4+$0x40];
	vm0 =	vlt.s32 v6, v9  }
0x10e: {  	vm2 =	veq.f32 v8, v7;
	v8 =	vsel vm0, v6, v9;
	v9 =	vor.u32 s23, v3  }
0x10f: {  	s24 =	sadd.s32 $0x30, s4;
	v6 =	vsel vm2, v8, v6;
	v8 =	vnsel vm14, $0x40000000, v9;
	v9 =	vld [tilespmem:s4+$0x50]  }
0x110: {  	vm15 =	vlt.s32 v6, v8;
	vm4 =	veq.f32 v4, v7;
	v4 =	vor.u32 s24, v3  }
0x111: {  	s30 =	sadd.s32 $0x40, s4;
	v6 =	vsel vm15, v6, v8;
	v4 =	vnsel vm4, $0x40000000, v4;
	v8 =	vld [tilespmem:s4+$0x60]  }
0x112: {  	s31 =	sadd.s32 $0x80, s4;
	vm5 =	veq.f32 v5, v7;
	v5 =	vor.u32 s30, v3;
	vm0 =	vlt.s32 v6, v4  }
0x113: {  	s6 =	sadd.s32 $0x50, s4;
	s1 =	sand.u32 $0x70, s4;
	s7 =	sand.u32 $0xFFFFFF80, s31;
	v5 =	vnsel vm5, $0x40000000, v5;
	v4 =	vsel vm0, v6, v4;
	v6 =	vld [tilespmem:s4+$0x70]  }
0x114: {  	s0 =	sor.u32 s1, s7;
	vm0 =	vlt.s32 v4, v5;
	vm6 =	veq.f32 v9, v7;
	v9 =	vor.u32 s6, v3  }
0x115: {  	s13 =	sadd.s32 $0x60, s4;
	v4 =	vsel vm0, v4, v5;
	v5 =	vnsel vm6, $0x40000000, v9;
	v9 =	vld [tilespmem:s0+$0x0]  }
0x116: {  	vm0 =	vlt.s32 v4, v5;
	vm7 =	veq.f32 v8, v7;
	v8 =	vor.u32 s13, v3  }
0x117: {  	s14 =	sadd.s32 $0x70, s4;
	v4 =	vsel vm0, v4, v5;
	v5 =	vnsel vm7, $0x40000000, v8;
	v8 =	vld [tilespmem:s4+$0x90]  }
0x118: {  	vm0 =	vlt.s32 v4, v5;
	vm8 =	veq.f32 v6, v7;
	v6 =	vor.u32 s14, v3  }
0x119: {  	v4 =	vsel vm0, v4, v5;
	v5 =	vnsel vm8, $0x40000000, v6;
	v6 =	vld [tilespmem:s4+$0xA0]  }
0x11a: {  	vm0 =	vlt.s32 v4, v5;
	vm9 =	veq.f32 v9, v7;
	v9 =	vor.u32 s31, v3  }
0x11b: {  	s16 =	sadd.s32 $0x90, s4;
	v4 =	vsel vm0, v4, v5;
	v5 =	vnsel vm9, $0x40000000, v9;
	v9 =	vld [tilespmem:s4+$0xB0]  }
0x11c: {  	vm0 =	vlt.s32 v4, v5;
	vm10 =	veq.f32 v8, v7;
	v8 =	vor.u32 s16, v3  }
0x11d: {  	s17 =	sadd.s32 $0xA0, s4;
	v4 =	vsel vm0, v4, v5;
	v5 =	vnsel vm10, $0x40000000, v8;
	v8 =	vld [tilespmem:s4+$0xC0]  }
0x11e: {  	vm0 =	vlt.s32 v4, v5;
	vm11 =	veq.f32 v6, v7;
	v6 =	vor.u32 s17, v3  }
0x11f: {  	s20 =	sadd.s32 $0xB0, s4;
	v4 =	vsel vm0, v4, v5;
	v5 =	vnsel vm11, $0x40000000, v6;
	v6 =	vld [tilespmem:s4+$0xD0]  }
0x120: {  	vm0 =	vlt.s32 v4, v5;
	vm12 =	veq.f32 v9, v7;
	v9 =	vor.u32 s20, v3  }
0x121: {  	s21 =	sadd.s32 $0xC0, s4;
	v4 =	vsel vm0, v4, v5;
	v5 =	vnsel vm12, $0x40000000, v9;
	v9 =	vld [tilespmem:s4+$0xE0]  }
0x122: {  	s22 =	sadd.s32 $0x100, s4;
	vm0 =	vlt.s32 v4, v5;
	vm13 =	veq.f32 v8, v7;
	v8 =	vor.u32 s21, v3  }
0x123: {  	s23 =	sadd.s32 $0xD0, s4;
	s24 =	sand.u32 $0xFFFFFF80, s22;
	v4 =	vsel vm0, v4, v5;
	v5 =	vnsel vm13, $0x40000000, v8;
	v8 =	vld [tilespmem:s4+$0xF0]  }
0x124: {  	s30 =	sor.u32 s1, s24;
	vm0 =	vlt.s32 v4, v5;
	vm14 =	veq.f32 v6, v7;
	v6 =	vor.u32 s23, v3  }
0x125: {  	s31 =	sadd.s32 $0xE0, s4;
	v4 =	vsel vm0, v4, v5;
	v5 =	vnsel vm14, $0x40000000, v6;
	v6 =	vld [tilespmem:s30+$0x0]  }
0x126: {  	vm0 =	vlt.s32 v4, v5;
	vm15 =	veq.f32 v9, v7;
	v9 =	vor.u32 s31, v3  }
0x127: {  	s7 =	sadd.s32 $0xF0, s4;
	v4 =	vsel vm0, v4, v5;
	v5 =	vnsel vm15, $0x40000000, v9;
	v9 =	vld [tilespmem:s4+$0x110]  }
0x128: {  	vm0 =	vlt.s32 v4, v5;
	vm4 =	veq.f32 v8, v7;
	v8 =	vor.u32 s7, v3  }
0x129: {  	v4 =	vsel vm0, v4, v5;
	v5 =	vnsel vm4, $0x40000000, v8;
	v8 =	vld [tilespmem:s4+$0x120]  }
0x12a: {  	vm0 =	vlt.s32 v4, v5;
	vm5 =	veq.f32 v6, v7;
	v6 =	vor.u32 s22, v3  }
0x12b: {  	s13 =	sadd.s32 $0x110, s4;
	v4 =	vsel vm0, v4, v5;
	v5 =	vnsel vm5, $0x40000000, v6;
	v6 =	vld [tilespmem:s4+$0x130]  }
0x12c: {  	vm0 =	vlt.s32 v4, v5;
	vm6 =	veq.f32 v9, v7;
	v9 =	vor.u32 s13, v3  }
0x12d: {  	s14 =	sadd.s32 $0x120, s4;
	v4 =	vsel vm0, v4, v5;
	v5 =	vnsel vm6, $0x40000000, v9;
	v9 =	vld [tilespmem:s4+$0x140]  }
0x12e: {  	vm0 =	vlt.s32 v4, v5;
	vm7 =	veq.f32 v8, v7;
	v8 =	vor.u32 s14, v3  }
0x12f: {  	s16 =	sadd.s32 $0x130, s4;
	v4 =	vsel vm0, v4, v5;
	v5 =	vnsel vm7, $0x40000000, v8;
	v8 =	vld [tilespmem:s4+$0x150]  }
0x130: {  	vm0 =	vlt.s32 v4, v5;
	vm8 =	veq.f32 v6, v7;
	v6 =	vor.u32 s16, v3  }
0x131: {  	s17 =	sadd.s32 $0x140, s4;
	v4 =	vsel vm0, v4, v5;
	v5 =	vnsel vm8, $0x40000000, v6;
	v6 =	vld [tilespmem:s4+$0x160]  }
0x132: {  	s20 =	sadd.s32 $0x180, s4;
	vm0 =	vlt.s32 v4, v5;
	vm9 =	veq.f32 v9, v7;
	v9 =	vor.u32 s17, v3  }
0x133: {  	s21 =	sadd.s32 $0x150, s4;
	s7 =	sand.u32 $0xFFFFFF80, s20;
	v4 =	vsel vm0, v4, v5;
	v5 =	vnsel vm9, $0x40000000, v9;
	v9 =	vld [tilespmem:s4+$0x170]  }
0x134: {  	v10 =	vor.u32 s21, v3;
	s1 =	sor.u32 s1, s7;
	vm0 =	vlt.s32 v4, v5;
	vm10 =	veq.f32 v8, v7  }
0x135: {  	s22 =	sadd.s32 $0x160, s4;
	v8 =	vld [tilespmem:s1+$0x0];
	v4 =	vsel vm0, v4, v5;
	v5 =	vnsel vm10, $0x40000000, v10  }
0x136: {  	vm0 =	vlt.s32 v4, v5;
	vm11 =	veq.f32 v6, v7;
	v6 =	vor.u32 s22, v3  }
0x137: {  	s23 =	sadd.s32 $0x170, s4;
	v4 =	vsel vm0, v4, v5;
	v5 =	vnsel vm11, $0x40000000, v6  }
0x138: {  	v6 =	vor.u32 s23, v3;
	vm0 =	vlt.s32 v4, v5;
	vm12 =	veq.f32 v9, v7  }
0x139: {  	v4 =	vsel vm0, v4, v5;
	v5 =	vnsel vm12, $0x40000000, v6  }
0x13a: {  	vm13 =	veq.f32 v8, v7;
	v6 =	vor.u32 s20, v3;
	vm0 =	vlt.s32 v4, v5  }
0x13b: {  	v4 =	vsel vm0, v4, v5;
	v5 =	vnsel vm13, $0x40000000, v6  }
0x13c: {  	vm0 =	vlt.s32 v4, v5  }
0x13d: {  	v4 =	vsel vm0, v4, v5  }
0x13e: {  	v4 =	vxor.u32 $0x80000000, v4  }
0x13f: {  	(xrf0) =	vmin.scan.msk.u32 $0xffff, v4;
	_ =	sdelay $0x5  }
0x140: {  	v4, _, _ =	vpop (xrf0)  }
0x141: {  	(v2sf) =	vpush v4, $0xF;
	_ =	sdelay $0xe  }
0x142: {  	s24 =	spop (v2sf)  }
0x143: {  	s5 =	sxor.u32 $0x80000000, s24  }
0x144: {  	v4 =	vmov s5;
	_ =	sdelay $0x4  }
0x145: {  	[tilespmem:v4+s8+$0x0] =	vst.idx.msk $0x1, v1  }
0x146: {  	v4 =	vld [tilespmem:s4+$0x0]  }
0x147: {  	v5 =	vld [tilespmem:s4+$0x10]  }
0x148: {  	v6 =	vld [tilespmem:s4+$0x20]  }
0x149: {  	v8 =	vld [tilespmem:s4+$0x30]  }
0x14a: {  	v9 =	vld [tilespmem:s4+$0x40]  }
0x14b: {  	v10 =	vld [tilespmem:s4+$0x50]  }
0x14c: {  	v4 =	vmax.f32 v4, v5;
	v5 =	vld [tilespmem:s4+$0x60]  }
0x14d: {  	v4 =	vmax.f32 v4, v6;
	v6 =	vld [tilespmem:s4+$0x70]  }
0x14e: {  	v11 =	vld [tilespmem:s0+$0x0];
	v4 =	vmax.f32 v4, v8  }
0x14f: {  	v8 =	vld [tilespmem:s4+$0x90];
	v4 =	vmax.f32 v4, v9  }
0x150: {  	v9 =	vld [tilespmem:s4+$0xA0];
	v4 =	vmax.f32 v4, v10  }
0x151: {  	v4 =	vmax.f32 v4, v5;
	v5 =	vld [tilespmem:s4+$0xB0]  }
0x152: {  	v4 =	vmax.f32 v4, v6;
	v6 =	vld [tilespmem:s4+$0xC0]  }
0x153: {  	v10 =	vld [tilespmem:s4+$0xD0];
	v4 =	vmax.f32 v4, v11  }
0x154: {  	v4 =	vmax.f32 v4, v8;
	v8 =	vld [tilespmem:s4+$0xE0]  }
0x155: {  	v4 =	vmax.f32 v4, v9;
	v9 =	vld [tilespmem:s4+$0xF0]  }
0x156: {  	v11 =	vld [tilespmem:s30+$0x0];
	v4 =	vmax.f32 v4, v5  }
0x157: {  	v5 =	vld [tilespmem:s4+$0x110];
	v4 =	vmax.f32 v4, v6  }
0x158: {  	v6 =	vld [tilespmem:s4+$0x120];
	v4 =	vmax.f32 v4, v10  }
0x159: {  	v4 =	vmax.f32 v4, v8;
	v8 =	vld [tilespmem:s4+$0x130]  }
0x15a: {  	v4 =	vmax.f32 v4, v9;
	v9 =	vld [tilespmem:s4+$0x140]  }
0x15b: {  	v10 =	vld [tilespmem:s4+$0x150];
	v4 =	vmax.f32 v4, v11  }
0x15c: {  	v4 =	vmax.f32 v4, v5;
	v5 =	vld [tilespmem:s4+$0x160]  }
0x15d: {  	v11 =	vld [tilespmem:s4+$0x170];
	v4 =	vmax.f32 v4, v6  }
0x15e: {  	v6 =	vld [tilespmem:s1+$0x0];
	v4 =	vmax.f32 v4, v8  }
0x15f: {  	v4 =	vmax.f32 v4, v9  }
0x160: {  	v4 =	vmax.f32 v4, v10  }
0x161: {  	v4 =	vmax.f32 v4, v5  }
0x162: {  	s30 =	sshll.u32 s2, $0x6;
	v4 =	vmax.f32 v4, v11  }
0x163: {  	s0 =	sshra.s32 s30, $0x2;
	v4 =	vmax.f32 v4, v6  }
0x164: {  	[tilespmem:s0+$0x18700] =	vst v4  }
0x165: {  	s31 =	simm.s32 $0xFFFFFFF0;
	v8 =	vld [tilespmem:s19+$0x18700]  }
0x166: {  	v5 =	vmov s31;
	v9 =	vld [tilespmem:s19+$0x18710]  }
0x167: {  	vm15 =	veq.s32 v5, v3;
	v6 =	vimm.s32 $0x0;
	v4 =	vmov s29;
	v10 =	vld [tilespmem:s19+$0x18720]  }
0x168: {  	v12 =	vimm.f32 $0.0e+00;
	vm14 =	veq.s32 v4, v3;
	v11 =	vld [tilespmem:s19+$0x18730];
	v4 =	vsel vm15, s5, v6  }
0x169: {  	s0 =	simm.s32 $0x1;
	v5 =	vsel vm14, s5, v6;
	v6 =	vsel vm15, v7, v12;
	v7 =	vsel vm14, v7, v12;
	v12 =	vld [tilespmem:s19+$0x18740]  }
.LBB2_6:
0x16a: {  	v13 =	vld [tilespmem:s19+$0x18750]  }
0x16b: {  	v8 =	vmax.f32 v8, v9;
	v9 =	vld [tilespmem:s19+$0x18760]  }
0x16c: {  	v8 =	vmax.f32 v8, v10;
	v10 =	vld [tilespmem:s19+$0x18770]  }
0x16d: {  	v8 =	vmax.f32 v8, v11;
	v11 =	vld [tilespmem:s9+$0x18700]  }
0x16e: {  	v8 =	vmax.f32 v8, v12;
	v12 =	vld [tilespmem:s10+$0x18700]  }
0x16f: {  	v8 =	vmax.f32 v8, v13;
	v13 =	vld [tilespmem:s11+$0x18700]  }
0x170: {  	v8 =	vmax.f32 v8, v9;
	v9 =	vld [tilespmem:s12+$0x18700]  }
0x171: {  	v8 =	vmax.f32 v8, v10;
	v10 =	vld [tilespmem:s25+$0x18700]  }
0x172: {  	v8 =	vmax.f32 v8, v11;
	v11 =	vld [tilespmem:s26+$0x18700]  }
0x173: {  	v8 =	vmax.f32 v8, v12;
	v12 =	vld [tilespmem:s15+$0x18700]  }
0x174: {  	v8 =	vmax.f32 v8, v13;
	v13 =	vld [tilespmem:s28+$0x18700]  }
0x175: {  	v8 =	vmax.f32 v8, v9  }
0x176: {  	v8 =	vmax.f32 v8, v10  }
0x177: {  	v8 =	vmax.f32 v8, v11  }
0x178: {  	v8 =	vmax.f32 v8, v12  }
0x179: {  	v8 =	vmax.f32 v8, v13  }
0x17a: {  	[tilespmem:s18+$0x19700] =	vst v8  }
0x17b: {  	v10 =	vld [tilespmem:$0x19710]  }
0x17c: {  	v11 =	vld [tilespmem:$0x19700]  }
0x17d: {  	v9 =	vld [tilespmem:$0x19720]  }
0x17e: {  	v12 =	vld [tilespmem:$0x19730]  }
0x17f: {  	v13 =	vld [tilespmem:$0x19740]  }
0x180: {  	v14 =	vld [tilespmem:$0x19750]  }
0x181: {  	v15 =	vld [tilespmem:$0x19760];
	v8 =	vmax.f32 v11, v10  }
0x182: {  	v16 =	vld [tilespmem:$0x19770];
	v8 =	vmax.f32 v8, v9  }
0x183: {  	v17 =	vld [tilespmem:$0x19780];
	v8 =	vmax.f32 v8, v12  }
0x184: {  	v18 =	vld [tilespmem:$0x19790];
	v8 =	vmax.f32 v8, v13  }
0x185: {  	v19 =	vld [tilespmem:$0x197A0];
	v8 =	vmax.f32 v8, v14  }
0x186: {  	v20 =	vld [tilespmem:$0x197B0];
	v8 =	vmax.f32 v8, v15  }
0x187: {  	v21 =	vld [tilespmem:$0x197C0];
	v8 =	vmax.f32 v8, v16  }
0x188: {  	v22 =	vld [tilespmem:$0x197D0];
	v8 =	vmax.f32 v8, v17  }
0x189: {  	v23 =	vld [tilespmem:$0x197E0];
	v8 =	vmax.f32 v8, v18  }
0x18a: {  	v24 =	vld [tilespmem:$0x197F0];
	v8 =	vmax.f32 v8, v19  }
0x18b: {  	v8 =	vmax.f32 v8, v20  }
0x18c: {  	v8 =	vmax.f32 v8, v21  }
0x18d: {  	v8 =	vmax.f32 v8, v22  }
0x18e: {  	v8 =	vmax.f32 v8, v23  }
0x18f: {  	v8 =	vmax.f32 v8, v24  }
0x190: {  	(xrf0) =	vmax.scan.msk.f32 $0xffff, v8;
	_ =	sdelay $0x5  }
0x191: {  	v8, _, _ =	vpop (xrf0)  }
0x192: {  	v8 =	vbroadcast v8, $0xF;
	_ =	sdelay $0x1  }
0x193: {  	vm2 =	veq.f32 v24, v8  }
0x194: {  	vm4 =	veq.f32 v23, v8;
	v61 =	vsel vm2, $0x8000000F, v2  }
0x195: {  	vm1 =	veq.f32 v22, v8;
	v62 =	vsel vm4, $0x8000000E, v61  }
0x196: {  	vm0 =	veq.f32 v21, v8;
	v63 =	vsel vm1, $0x8000000D, v62  }
0x197: {  	vm3 =	veq.f32 v20, v8;
	vm12 =	veq.f32 v14, v8;
	v14 =	vsel vm0, $0x8000000C, v63  }
0x198: {  	vm5 =	veq.f32 v19, v8;
	vm8 =	veq.f32 v12, v8;
	v12 =	vsel vm3, $0x8000000B, v14  }
0x199: {  	vm15 =	veq.f32 v18, v8;
	vm13 =	veq.f32 v9, v8;
	v9 =	vsel vm5, $0x8000000A, v12  }
0x19a: {  	vm6 =	veq.f32 v17, v8;
	v9 =	vsel vm15, $0x80000009, v9  }
0x19b: {  	vm4 =	veq.f32 v16, v8;
	v9 =	vsel vm6, $0x80000008, v9  }
0x19c: {  	vm7 =	veq.f32 v15, v8;
	v9 =	vsel vm4, $0x80000007, v9  }
0x19d: {  	v9 =	vsel vm7, $0x80000006, v9  }
0x19e: {  	vm9 =	veq.f32 v13, v8;
	v9 =	vsel vm12, $0x80000005, v9  }
0x19f: {  	v9 =	vsel vm9, $0x80000004, v9  }
0x1a0: {  	v9 =	vsel vm8, $0x80000003, v9  }
0x1a1: {  	vm15 =	veq.f32 v10, v8;
	v9 =	vsel vm13, $0x80000002, v9  }
0x1a2: {  	vm14 =	veq.f32 v11, v8;
	v9 =	vsel vm15, $0x80000001, v9  }
0x1a3: {  	v9 =	vsel vm14, $0x80000000, v9  }
0x1a4: {  	(xrf0) =	vmin.scan.msk.u32 $0xffff, v9;
	_ =	sdelay $0x5  }
0x1a5: {  	v9, _, _ =	vpop (xrf0)  }
0x1a6: {  	(v2sf) =	vpush v9, $0xF;
	_ =	sdelay $0xe  }
0x1a7: {  	s8 =	spop (v2sf)  }
0x1a8: {  	s9 =	sshll.u32 s8, $0xA  }
0x1a9: {  	s1 =	smov.u32 s0;
	s19 =	sshra.s32 s9, $0x2  }
0x1aa: {  	s7 =	sadd.s32 $0xFFFFFFF0, s1;
	v10 =	vld [tilespmem:s19+$0x18700]  }
0x1ab: {  	v12 =	vmov s7;
	s18 =	sshll.u32 s8, $0x4;
	v11 =	vld [tilespmem:s19+$0x18710]  }
0x1ac: {  	vm0 =	veq.s32 v12, v3;
	v9 =	vmov s18;
	v12 =	vld [tilespmem:s19+$0x18720]  }
0x1ad: {  	vm6 =	vlt.s32 v9, $0x40000000  }
0x1ae: {  	v9 =	vnsel vm6, $0x40000000, v9  }
0x1af: {  	s7 =	sor.u32 $0x1, s18;
	v9 =	vbroadcast v9, $0x0;
	vm7 =	veq.f32 v10, v8;
	v10 =	vld [tilespmem:s19+$0x18730]  }
0x1b0: {  	vm8 =	veq.f32 v11, v8;
	v11 =	vmov s7  }
0x1b1: {  	s17 =	sor.u32 $0x2, s18;
	vm9 =	veq.f32 v12, v8;
	v12 =	vld [tilespmem:s19+$0x18740];
	v9 =	vnsel vm7, $0x40000000, v9;
	v11 =	vnsel vm8, $0x40000000, v11  }
0x1b2: {  	v13 =	vmov s17;
	vm10 =	vlt.s32 v9, v11  }
0x1b3: {  	s20 =	sor.u32 $0x3, s18;
	v9 =	vsel vm10, v9, v11;
	v11 =	vnsel vm9, $0x40000000, v13;
	v13 =	vld [tilespmem:s19+$0x18750]  }
0x1b4: {  	vm1 =	vlt.s32 v9, v11;
	vm11 =	veq.f32 v10, v8;
	v10 =	vmov s20  }
0x1b5: {  	p0 =	sne.s32 s0, $0x1F;
	s21 =	sor.u32 $0x4, s18;
	v9 =	vsel vm1, v9, v11;
	v11 =	vld [tilespmem:s19+$0x18760];
	v10 =	vnsel vm11, $0x40000000, v10  }
0x1b6: {  	s6 =	sadd.s32 $0x1, s0;
	s0 =	sshllo.u32 s8, $0x4;
	s8 =	sor.u32 $0x8, s18;
	vm12 =	veq.f32 v12, v8;
	v12 =	vmov s21;
	vm1 =	vlt.s32 v9, v10  }
0x1b7: {  	s22 =	sor.u32 $0x5, s18;
	s23 =	sshll.u32 s8, $0x6;
	v9 =	vsel vm1, v9, v10;
	v10 =	vnsel vm12, $0x40000000, v12;
	v12 =	vld [tilespmem:s19+$0x18770]  }
0x1b8: {  	s4 =	sor.u32 $0x9, s18;
	s29 =	sshra.s32 s23, $0x2;
	vm13 =	veq.f32 v13, v8;
	v13 =	vmov s22;
	vm1 =	vlt.s32 v9, v10  }
0x1b9: {  	s10 =	sor.u32 $0x6, s18;
	s16 =	sshll.u32 s4, $0x6;
	v9 =	vsel vm1, v9, v10;
	v10 =	vnsel vm13, $0x40000000, v13;
	v13 =	vld [tilespmem:s29+$0x18700]  }
0x1ba: {  	[dreg:$0x5] =	wrdreg s6;
	s6 =	sor.u32 $0xA, s18;
	s30 =	sshra.s32 s16, $0x2;
	vm14 =	veq.f32 v11, v8;
	v11 =	vmov s10;
	vm1 =	vlt.s32 v9, v10  }
0x1bb: {  	s13 =	sor.u32 $0x7, s18;
	s14 =	sshll.u32 s6, $0x6;
	v9 =	vsel vm1, v9, v10;
	v10 =	vnsel vm14, $0x40000000, v11;
	v11 =	vld [tilespmem:s30+$0x18700]  }
0x1bc: {  	s5 =	sor.u32 $0xB, s18;
	s31 =	sshra.s32 s14, $0x2;
	vm1 =	vlt.s32 v9, v10;
	vm15 =	veq.f32 v12, v8;
	v12 =	vmov s13  }
0x1bd: {  	s11 =	sshll.u32 s5, $0x6;
	v9 =	vsel vm1, v9, v10;
	v10 =	vnsel vm15, $0x40000000, v12;
	v12 =	vld [tilespmem:s31+$0x18700]  }
0x1be: {  	s3 =	sor.u32 $0xC, s18;
	[dreg:$0x8] =	wrdreg s29;
	s29 =	sshra.s32 s11, $0x2;
	vm1 =	vlt.s32 v9, v10;
	vm4 =	veq.f32 v13, v8;
	v13 =	vmov s8  }
0x1bf: {  	s25 =	sshll.u32 s3, $0x6;
	v9 =	vsel vm1, v9, v10;
	v10 =	vnsel vm4, $0x40000000, v13;
	v13 =	vld [tilespmem:s29+$0x18700]  }
0x1c0: {  	s2 =	sor.u32 $0xD, s18;
	s25 =	sshra.s32 s25, $0x2;
	vm1 =	vlt.s32 v9, v10;
	vm5 =	veq.f32 v11, v8;
	v11 =	vmov s4  }
0x1c1: {  	s26 =	sshll.u32 s2, $0x6;
	v9 =	vsel vm1, v9, v10;
	v10 =	vnsel vm5, $0x40000000, v11;
	v11 =	vld [tilespmem:s25+$0x18700]  }
0x1c2: {  	[dreg:$0x6] =	wrdreg s1;
	s1 =	sor.u32 $0xE, s18;
	s26 =	sshra.s32 s26, $0x2;
	vm1 =	vlt.s32 v9, v10;
	vm6 =	veq.f32 v12, v8;
	v12 =	vmov s6  }
0x1c3: {  	s7 =	sshll.u32 s1, $0x6;
	v9 =	vsel vm1, v9, v10;
	v10 =	vnsel vm6, $0x40000000, v12;
	v12 =	vld [tilespmem:s26+$0x18700]  }
0x1c4: {  	vm1 =	vlt.s32 v9, v10;
	vm7 =	veq.f32 v13, v8;
	v13 =	vmov s5;
	s5 =	sshra.s32 s7, $0x2  }
0x1c5: {  	s24 =	sshll.u32 s0, $0x6;
	v9 =	vsel vm1, v9, v10;
	v10 =	vnsel vm7, $0x40000000, v13;
	v13 =	vld [tilespmem:s5+$0x18700]  }
0x1c6: {  	s28 =	sshra.s32 s24, $0x2;
	vm1 =	vlt.s32 v9, v10;
	vm8 =	veq.f32 v11, v8;
	v11 =	vmov s3  }
0x1c7: {  	v9 =	vsel vm1, v9, v10;
	v10 =	vnsel vm8, $0x40000000, v11;
	v11 =	vld [tilespmem:s28+$0x18700]  }
0x1c8: {  	vm1 =	vlt.s32 v9, v10;
	vm9 =	veq.f32 v12, v8;
	v12 =	vmov s2  }
0x1c9: {  	v9 =	vsel vm1, v9, v10;
	v10 =	vnsel vm9, $0x40000000, v12  }
0x1ca: {  	v12 =	vmov s1;
	vm1 =	vlt.s32 v9, v10;
	vm10 =	veq.f32 v13, v8  }
0x1cb: {  	v9 =	vsel vm1, v9, v10;
	v10 =	vnsel vm10, $0x40000000, v12  }
0x1cc: {  	vm1 =	vlt.s32 v9, v10;
	vm11 =	veq.f32 v11, v8;
	v11 =	vmov s0  }
0x1cd: {  	v9 =	vsel vm1, v9, v10;
	v10 =	vnsel vm11, $0x40000000, v11  }
0x1ce: {  	vm1 =	vlt.s32 v9, v10  }
0x1cf: {  	v9 =	vsel vm1, v9, v10  }
0x1d0: {  	v9 =	vxor.u32 $0x80000000, v9  }
0x1d1: {  	(xrf0) =	vmin.scan.msk.u32 $0xffff, v9;
	_ =	sdelay $0x5  }
0x1d2: {  	v9, _, _ =	vpop (xrf0)  }
0x1d3: {  	(v2sf) =	vpush v9, $0xF;
	_ =	sdelay $0xe  }
0x1d4: {  	s6 =	spop (v2sf)  }
0x1d5: {  	s2 =	smul.u32 $0x190, s6;
	_ =	sdelay $0x1  }
0x1d6: {  	v9 =	vld [tilespmem:s2+$0x0];
	_ =	sdelay $0x1  }
0x1d7: {  	v11 =	vld [tilespmem:s2+$0x20]  }
0x1d8: {  	v10 =	vor.u32 s2, v3;
	v12 =	vld [tilespmem:s2+$0x10]  }
0x1d9: {  	vm12 =	vlt.s32 v10, $0x40000000  }
0x1da: {  	s7 =	sadd.s32 $0x10, s2;
	v10 =	vnsel vm12, $0x40000000, v10;
	vm13 =	veq.f32 v9, v8;
	v9 =	vld [tilespmem:s2+$0x30]  }
0x1db: {  	v13 =	vor.u32 s7, v3;
	v10 =	vnsel vm13, $0x40000000, v10  }
0x1dc: {  	s9 =	sadd.s32 $0x20, s2;
	vm14 =	veq.f32 v11, v8;
	v11 =	vld [tilespmem:s2+$0x40];
	vm1 =	vlt.s32 v10, v13  }
0x1dd: {  	vm15 =	veq.f32 v12, v8;
	v12 =	vsel vm1, v10, v13;
	v13 =	vor.u32 s9, v3  }
0x1de: {  	s22 =	sadd.s32 $0x30, s2;
	v10 =	vsel vm15, v12, v10;
	v12 =	vnsel vm14, $0x40000000, v13;
	v13 =	vld [tilespmem:s2+$0x50]  }
0x1df: {  	vm4 =	vlt.s32 v10, v12;
	vm5 =	veq.f32 v9, v8;
	v9 =	vor.u32 s22, v3  }
0x1e0: {  	s0 =	sshll.u32 s6, $0x6;
	s23 =	sadd.s32 $0x40, s2;
	v10 =	vsel vm4, v10, v12;
	v9 =	vnsel vm5, $0x40000000, v9;
	v12 =	vld [tilespmem:s2+$0x60]  }
0x1e1: {  	[dreg:$0x7] =	wrdreg s0;
	s20 =	sadd.s32 $0x80, s2;
	vm6 =	veq.f32 v11, v8;
	v11 =	vor.u32 s23, v3;
	vm1 =	vlt.s32 v10, v9  }
0x1e2: {  	s0 =	sadd.s32 $0x50, s2;
	s24 =	sand.u32 $0xFFFFFF80, s20;
	s7 =	sand.u32 $0x70, s2;
	v9 =	vsel vm1, v10, v9;
	v10 =	vnsel vm6, $0x40000000, v11;
	v11 =	vld [tilespmem:s2+$0x70]  }
0x1e3: {  	vm1 =	vlt.s32 v9, v10;
	vm7 =	veq.f32 v13, v8;
	v13 =	vor.u32 s0, v3;
	s0 =	sor.u32 s7, s24  }
0x1e4: {  	s21 =	sadd.s32 $0x60, s2;
	v9 =	vsel vm1, v9, v10;
	v10 =	vnsel vm7, $0x40000000, v13;
	v13 =	vld [tilespmem:s0+$0x0]  }
0x1e5: {  	vm1 =	vlt.s32 v9, v10;
	vm8 =	veq.f32 v12, v8;
	v12 =	vor.u32 s21, v3  }
0x1e6: {  	[dreg:$0xa] =	wrdreg s31;
	s31 =	sadd.s32 $0x70, s2;
	v9 =	vsel vm1, v9, v10;
	v10 =	vnsel vm8, $0x40000000, v12;
	v12 =	vld [tilespmem:s2+$0x90]  }
0x1e7: {  	vm1 =	vlt.s32 v9, v10;
	vm9 =	veq.f32 v11, v8;
	v11 =	vor.u32 s31, v3  }
0x1e8: {  	v9 =	vsel vm1, v9, v10;
	v10 =	vnsel vm9, $0x40000000, v11;
	v11 =	vld [tilespmem:s2+$0xA0]  }
0x1e9: {  	vm1 =	vlt.s32 v9, v10;
	vm10 =	veq.f32 v13, v8;
	v13 =	vor.u32 s20, v3  }
0x1ea: {  	[dreg:$0x9] =	wrdreg s30;
	s30 =	sadd.s32 $0x90, s2;
	v9 =	vsel vm1, v9, v10;
	v10 =	vnsel vm10, $0x40000000, v13;
	v13 =	vld [tilespmem:s2+$0xB0]  }
0x1eb: {  	vm1 =	vlt.s32 v9, v10;
	vm11 =	veq.f32 v12, v8;
	v12 =	vor.u32 s30, v3  }
0x1ec: {  	s4 =	sadd.s32 $0xA0, s2;
	v9 =	vsel vm1, v9, v10;
	v10 =	vnsel vm11, $0x40000000, v12;
	v12 =	vld [tilespmem:s2+$0xC0]  }
0x1ed: {  	vm1 =	vlt.s32 v9, v10;
	vm12 =	veq.f32 v11, v8;
	v11 =	vor.u32 s4, v3  }
0x1ee: {  	s17 =	sadd.s32 $0xB0, s2;
	v9 =	vsel vm1, v9, v10;
	v10 =	vnsel vm12, $0x40000000, v11;
	v11 =	vld [tilespmem:s2+$0xD0]  }
0x1ef: {  	vm1 =	vlt.s32 v9, v10;
	vm13 =	veq.f32 v13, v8;
	v13 =	vor.u32 s17, v3  }
0x1f0: {  	s12 =	sadd.s32 $0xC0, s2;
	v9 =	vsel vm1, v9, v10;
	v10 =	vnsel vm13, $0x40000000, v13;
	v13 =	vld [tilespmem:s2+$0xE0]  }
0x1f1: {  	s6 =	sadd.s32 $0x100, s2;
	vm1 =	vlt.s32 v9, v10;
	vm14 =	veq.f32 v12, v8;
	v12 =	vor.u32 s12, v3  }
0x1f2: {  	s3 =	sadd.s32 $0xD0, s2;
	s21 =	sand.u32 $0xFFFFFF80, s6;
	v9 =	vsel vm1, v9, v10;
	v10 =	vnsel vm14, $0x40000000, v12;
	v12 =	vld [tilespmem:s2+$0xF0]  }
0x1f3: {  	s22 =	sor.u32 s7, s21;
	vm1 =	vlt.s32 v9, v10;
	vm15 =	veq.f32 v11, v8;
	v11 =	vor.u32 s3, v3  }
0x1f4: {  	s14 =	sadd.s32 $0xE0, s2;
	v9 =	vsel vm1, v9, v10;
	v10 =	vnsel vm15, $0x40000000, v11;
	v11 =	vld [tilespmem:s22+$0x0]  }
0x1f5: {  	vm1 =	vlt.s32 v9, v10;
	vm4 =	veq.f32 v13, v8;
	v13 =	vor.u32 s14, v3  }
0x1f6: {  	s8 =	sadd.s32 $0xF0, s2;
	v9 =	vsel vm1, v9, v10;
	v10 =	vnsel vm4, $0x40000000, v13;
	v13 =	vld [tilespmem:s2+$0x110]  }
0x1f7: {  	vm1 =	vlt.s32 v9, v10;
	vm5 =	veq.f32 v12, v8;
	v12 =	vor.u32 s8, v3  }
0x1f8: {  	v9 =	vsel vm1, v9, v10;
	v10 =	vnsel vm5, $0x40000000, v12;
	v12 =	vld [tilespmem:s2+$0x120]  }
0x1f9: {  	vm1 =	vlt.s32 v9, v10;
	vm6 =	veq.f32 v11, v8;
	v11 =	vor.u32 s6, v3  }
0x1fa: {  	[dreg:$0xb] =	wrdreg s5;
	s5 =	sadd.s32 $0x110, s2;
	v9 =	vsel vm1, v9, v10;
	v10 =	vnsel vm6, $0x40000000, v11;
	v11 =	vld [tilespmem:s2+$0x130]  }
0x1fb: {  	vm1 =	vlt.s32 v9, v10;
	vm7 =	veq.f32 v13, v8;
	v13 =	vor.u32 s5, v3  }
0x1fc: {  	s13 =	sadd.s32 $0x120, s2;
	v9 =	vsel vm1, v9, v10;
	v10 =	vnsel vm7, $0x40000000, v13;
	v13 =	vld [tilespmem:s2+$0x140]  }
0x1fd: {  	vm1 =	vlt.s32 v9, v10;
	vm8 =	veq.f32 v12, v8;
	v12 =	vor.u32 s13, v3  }
0x1fe: {  	s11 =	sadd.s32 $0x130, s2;
	v9 =	vsel vm1, v9, v10;
	v10 =	vnsel vm8, $0x40000000, v12;
	v12 =	vld [tilespmem:s2+$0x150]  }
0x1ff: {  	vm1 =	vlt.s32 v9, v10;
	vm9 =	veq.f32 v11, v8;
	v11 =	vor.u32 s11, v3  }
0x200: {  	s16 =	sadd.s32 $0x140, s2;
	v9 =	vsel vm1, v9, v10;
	v10 =	vnsel vm9, $0x40000000, v11;
	v11 =	vld [tilespmem:s2+$0x160]  }
0x201: {  	s1 =	sadd.s32 $0x180, s2;
	vm1 =	vlt.s32 v9, v10;
	vm10 =	veq.f32 v13, v8;
	v13 =	vor.u32 s16, v3  }
0x202: {  	s15 =	sadd.s32 $0x150, s2;
	s23 =	sand.u32 $0xFFFFFF80, s1;
	v9 =	vsel vm1, v9, v10;
	v10 =	vnsel vm10, $0x40000000, v13;
	v13 =	vld [tilespmem:s2+$0x170]  }
0x203: {  	s24 =	sor.u32 s7, s23;
	vm1 =	vlt.s32 v9, v10;
	vm11 =	veq.f32 v12, v8;
	v12 =	vor.u32 s15, v3  }
0x204: {  	s10 =	sadd.s32 $0x160, s2;
	v9 =	vsel vm1, v9, v10;
	v10 =	vnsel vm11, $0x40000000, v12;
	v12 =	vld [tilespmem:s24+$0x0]  }
0x205: {  	vm1 =	vlt.s32 v9, v10;
	vm12 =	veq.f32 v11, v8;
	v11 =	vor.u32 s10, v3  }
0x206: {  	s9 =	sadd.s32 $0x170, s2;
	v9 =	vsel vm1, v9, v10;
	v10 =	vnsel vm12, $0x40000000, v11  }
0x207: {  	v11 =	vor.u32 s9, v3;
	vm1 =	vlt.s32 v9, v10;
	vm13 =	veq.f32 v13, v8  }
0x208: {  	v9 =	vsel vm1, v9, v10;
	v10 =	vnsel vm13, $0x40000000, v11  }
0x209: {  	v11 =	vor.u32 s1, v3;
	vm1 =	vlt.s32 v9, v10;
	vm14 =	veq.f32 v12, v8  }
0x20a: {  	v9 =	vsel vm1, v9, v10;
	v10 =	vnsel vm14, $0x40000000, v11  }
0x20b: {  	vm1 =	vlt.s32 v9, v10  }
0x20c: {  	v9 =	vsel vm1, v9, v10  }
0x20d: {  	v9 =	vxor.u32 $0x80000000, v9  }
0x20e: {  	(xrf0) =	vmin.scan.msk.u32 $0xffff, v9;
	_ =	sdelay $0x5  }
0x20f: {  	v9, _, _ =	vpop (xrf0)  }
0x210: {  	(v2sf) =	vpush v9, $0xF;
	_ =	sdelay $0xe  }
0x211: {  	s12 =	smov.u32 s29;
	s29 =	rddreg [dreg:$0x6];
	s30 =	spop (v2sf)  }
0x212: {  	v9 =	vmov s29;
	s1 =	sxor.u32 $0x80000000, s30  }
0x213: {  	vm15 =	veq.s32 v9, v3;
	v9 =	vmov s1;
	_ =	sdelay $0x3  }
0x214: {  	s8 =	simm.s32 $0x0  }
0x215: {  	[tilespmem:v9+s8+$0x0] =	vst.idx.msk $0x1, v1  }
0x216: {  	v6 =	vsel vm0, v8, v6;
	v7 =	vsel vm15, v8, v7;
	v8 =	vld [tilespmem:s2+$0x0]  }
0x217: {  	v9 =	vld [tilespmem:s2+$0x10]  }
0x218: {  	v10 =	vld [tilespmem:s2+$0x20]  }
0x219: {  	v11 =	vld [tilespmem:s2+$0x30]  }
0x21a: {  	v12 =	vld [tilespmem:s2+$0x40]  }
0x21b: {  	v13 =	vld [tilespmem:s2+$0x50]  }
0x21c: {  	v8 =	vmax.f32 v8, v9;
	v9 =	vld [tilespmem:s2+$0x60]  }
0x21d: {  	v8 =	vmax.f32 v8, v10;
	v10 =	vld [tilespmem:s2+$0x70]  }
0x21e: {  	v8 =	vmax.f32 v8, v11;
	v11 =	vld [tilespmem:s0+$0x0]  }
0x21f: {  	v8 =	vmax.f32 v8, v12;
	v12 =	vld [tilespmem:s2+$0x90]  }
0x220: {  	v8 =	vmax.f32 v8, v13;
	v13 =	vld [tilespmem:s2+$0xA0]  }
0x221: {  	v8 =	vmax.f32 v8, v9;
	v9 =	vld [tilespmem:s2+$0xB0]  }
0x222: {  	v8 =	vmax.f32 v8, v10;
	v10 =	vld [tilespmem:s2+$0xC0]  }
0x223: {  	v8 =	vmax.f32 v8, v11;
	v11 =	vld [tilespmem:s2+$0xD0]  }
0x224: {  	v8 =	vmax.f32 v8, v12;
	v12 =	vld [tilespmem:s2+$0xE0]  }
0x225: {  	v8 =	vmax.f32 v8, v13;
	v13 =	vld [tilespmem:s2+$0xF0]  }
0x226: {  	v8 =	vmax.f32 v8, v9;
	v9 =	vld [tilespmem:s22+$0x0]  }
0x227: {  	v8 =	vmax.f32 v8, v10;
	v10 =	vld [tilespmem:s2+$0x110]  }
0x228: {  	v8 =	vmax.f32 v8, v11;
	v11 =	vld [tilespmem:s2+$0x120]  }
0x229: {  	v8 =	vmax.f32 v8, v12;
	v12 =	vld [tilespmem:s2+$0x130]  }
0x22a: {  	v8 =	vmax.f32 v8, v13;
	v13 =	vld [tilespmem:s2+$0x140]  }
0x22b: {  	v8 =	vmax.f32 v8, v9;
	v9 =	vld [tilespmem:s2+$0x150]  }
0x22c: {  	v8 =	vmax.f32 v8, v10;
	v10 =	vld [tilespmem:s2+$0x160]  }
0x22d: {  	v8 =	vmax.f32 v8, v11;
	v11 =	vld [tilespmem:s2+$0x170]  }
0x22e: {  	v8 =	vmax.f32 v8, v12;
	v12 =	vld [tilespmem:s24+$0x0]  }
0x22f: {  	v8 =	vmax.f32 v8, v13  }
0x230: {  	v8 =	vmax.f32 v8, v9  }
0x231: {  	v8 =	vmax.f32 v8, v10  }
0x232: {  	s31 =	rddreg [dreg:$0x7];
	v8 =	vmax.f32 v8, v11  }
0x233: {  	s0 =	sshra.s32 s31, $0x2;
	v8 =	vmax.f32 v8, v12  }
0x234: {  	[tilespmem:s0+$0x18700] =	vst v8  }
.Ltmp2:
0x235: {  	s11 =	rddreg [dreg:$0xa];
	v8 =	vld [tilespmem:s19+$0x18700];
	(pc) =	sbr.rel @p0 .LBB2_6-.Ltmp2, $4  }
0x236: {  	s15 =	rddreg [dreg:$0xb];
	v9 =	vld [tilespmem:s19+$0x18710]  }
0x237: {  	s10 =	rddreg [dreg:$0x9];
	v10 =	vld [tilespmem:s19+$0x18720]  }
0x238: {  	s9 =	rddreg [dreg:$0x8];
	v11 =	vld [tilespmem:s19+$0x18730]  }
0x239: {  	v5 =	vsel vm15, s1, v5;
	v4 =	vsel vm0, s1, v4;
	s0 =	rddreg [dreg:$0x5];
	v12 =	vld [tilespmem:s19+$0x18740]  }
0x23a: {  	v13 =	vld [tilespmem:s19+$0x18750]  }
0x23b: {  	v52 =	vld [tilespmem:s19+$0x18760];
	v8 =	vmax.f32 v8, v9  }
0x23c: {  	v53 =	vld [tilespmem:s19+$0x18770];
	v8 =	vmax.f32 v8, v10  }
0x23d: {  	v54 =	vld [tilespmem:s9+$0x18700];
	v8 =	vmax.f32 v8, v11  }
0x23e: {  	v55 =	vld [tilespmem:s10+$0x18700];
	v8 =	vmax.f32 v8, v12  }
0x23f: {  	v56 =	vld [tilespmem:s11+$0x18700];
	v8 =	vmax.f32 v8, v13  }
0x240: {  	v57 =	vld [tilespmem:s12+$0x18700];
	v8 =	vmax.f32 v8, v52  }
0x241: {  	v58 =	vld [tilespmem:s25+$0x18700];
	v8 =	vmax.f32 v8, v53  }
0x242: {  	v59 =	vld [tilespmem:s26+$0x18700];
	v8 =	vmax.f32 v8, v54  }
0x243: {  	v60 =	vld [tilespmem:s15+$0x18700];
	v8 =	vmax.f32 v8, v55  }
0x244: {  	v61 =	vld [tilespmem:s28+$0x18700];
	v8 =	vmax.f32 v8, v56  }
0x245: {  	v8 =	vmax.f32 v8, v57  }
0x246: {  	v8 =	vmax.f32 v8, v58  }
0x247: {  	v8 =	vmax.f32 v8, v59  }
0x248: {  	v8 =	vmax.f32 v8, v60  }
0x249: {  	v8 =	vmax.f32 v8, v61  }
0x24a: {  	s5 =	simm.s32 $0x19980;
	[tilespmem:s18+$0x19700] =	vst v8  }
0x24b: {  	s4 =	simm.s32 $0x19900;
	v62 =	vld.idx.msk [tilespmem:v0+s5+$0x0], $0xffff  }
0x24c: {  	v8 =	vld.idx.msk [tilespmem:v0+s4+$0x0], $0xffff;
	_ =	sdelay $0x3  }
0x24d: {  	vm0 =	veq.s32 v62, $0x2  }
0x24e: {  	v63 =	vor.u32 $0x10, v3;
	v7 =	vadd.f32 v8, v7;
	v5 =	vsel vm0, v3, v5  }
0x24f: {  	v6 =	vadd.f32 v8, v6;
	v4 =	vsel vm0, v63, v4;
	[tilespmem:$0x19880] =	vst v5  }
0x250: {  	v7 =	vsel vm0, $0xE0AD78EC, v7;
	[tilespmem:$0x19890] =	vst v4  }
0x251: {  	v5 =	vsel vm0, $0xE0AD78EC, v6;
	[tilespmem:$0x19800] =	vst v7  }
0x252: {  	s0 =	rddreg [dreg:$0xd];
	s1 =	simm.s32 $0x19800;
	s3 =	simm.s32 $0x6;
	[tilespmem:$0x19810] =	vst v5  }
0x253: {  	[hbm4b:s0+s8] =	stream.linear.scatter [tilespmem:s1], [sflag:$0x6], $0x20, $0x38;
	[tilespmem:$0x19A00] =	vst v63  }
0x254: {  	_ =	swait.ge [sflag:s3], $0x20  }
0x255: {  	[sflag:s3] =	ssyncset.done $0x0  }
0x256: {  	s29 =	simm.s32 $0x19880;
	s28 =	rddreg [dreg:$0xe];
	[sflag:s3] =	ssyncadd.s32 $0xFFFFFFE0  }
0x257: {  	[hbm4b:s28+s8] =	stream.linear.scatter [tilespmem:s29], [sflag:$0x6], $0x20, $0x38;
	[tilespmem:$0x19A00] =	vst v63  }
0x258: {  	_ =	swait.ge [sflag:s3], $0x20  }
0x259: {  	s30 =	rddreg [dreg:$0x10]  }
0x25a: {  	s31 =	rddreg [dreg:$0xf];
	s1 =	sadd.s32 $0x1, s30  }
0x25b: {  	p0 =	sne.s32 s1, s31  }
.Ltmp3:
0x25c: {  	_ = 	snop;
	(pc) =	sbr.rel @p0 .LBB2_1-.Ltmp3, $3  }
0x25d: {  	_ =	sdelay $0x1  }
0x25e: {  	[sflag:s3] =	ssyncset.done $0x0  }
0x25f: {  	[sflag:s3] =	ssyncadd.s32 $0xFFFFFFE0  }
0x260: {  	_ =	sfence.sel $0x180000  }
0x261: {  	[bflag:$0x0] =	sbarrier.arrive $0xFFFF  }
0x262: {  	_ =	strace $0x90000047  }
0x263: {  	s0 =	stileid.u32;
	[bflag:$0x2] =	sbarrier.arrive $0xFFFF  }
0x264: {  	p0 =	sne.s32 s0, $0x0;
	s0 =	rddreg [dreg:$0x4]  }
0x265: {  	s0 =	sadd.s32 @!p0 $0x100000, s0  }
0x266: {  	[sflag:s0] =	ssyncadd.tile.s32 @!p0 $0x1;
	_ =	shalt  }
.Lfunc_end2:
_tile_overlayer_lowered:
.L_overlay_start_2:
0x267: {  	(tag) =	ssettag $0x2  }
0x268: {  	s0 =	rddreg [dreg:$0x0];
	s2 =	stileid.u32  }
0x269: {  	s1 =	rddreg [dreg:$0x1];
	p0 =	sne.s32 s2, $0x0  }
0x26a: {  	s3 =	rddreg [dreg:$0x2];
	[bflag:$0x3] =	sbarrier.arrive $0xFFFF;
	s2 =	simm.s32 @!p0 $0x1C06  }
0x26b: {  	[timem:s3], [sflag:s2] =	dma.local @!p0 [hbm:s0], s1  }
0x26c: {  	s0 =	simm.s32 @!p0 $0x6  }
0x26d: {  	_ =	swait.ge @!p0 [sflag:s0], s1  }
0x26e: {  	s1 =	ssub.s32 @!p0 $0x0, s1;
	[sflag:s0] =	ssyncset.done @!p0 $0x0  }
0x26f: {  	[sflag:s0] =	ssyncadd.s32 @!p0 s1  }
0x270: {  	[bflag:$0x3] =	sbarrier.arrive $0xFFFF  }
0x271: {  	_ =	shalt  }

</sc_bundles>
